<compile_context>
chip_gen: v7x
topology: tpu7x:2x2x1
jax: 0.10.2.dev20260603
libtpu: 0.0.44.dev20260713+nightly
codegen_flags: <defaults>
</compile_context>

<pallas_src>
import dataclasses
import functools

import jax
import jax.numpy as jnp
from jax import lax
from jax.experimental import pallas as pl
from jax.experimental.pallas import tpu as pltpu
from jax.experimental.pallas import tpu_sc as plsc

_N = 10000
_NP = 10240
_E = 320000
_D = 128
_Z = 64
_P = 65536
_BLK = 1024
_BB = 512

_NC = 2
_NS = 16
_NW = _NC * _NS
_EC = 128
_NCH = 80
_EP = _NW * _NCH * _EC
_K0 = 80
_K1 = 80
_RW = _NP // _NS
_PW = 2 * _P // _NW

_sc_mesh = plsc.VectorSubcoreMesh(core_axis_name="c", subcore_axis_name="s")

_sc_params = pltpu.CompilerParams()
if "needs_layout_passes" in pltpu.CompilerParams.__dataclass_fields__:
    _sc_params = dataclasses.replace(_sc_params, needs_layout_passes=False)


def _scale_rows(rows, ebuf):
    @pl.loop(0, _EC)
    def _(r):
        ridx = jnp.full((16,), r, jnp.int32)
        vidx = jnp.full((16,), 2, jnp.int32)
        val = plsc.bitcast(plsc.load_gather(ebuf, [vidx, ridx]), jnp.float32)
        for g in range(_D // 16):
            sl = (r, pl.ds(g * 16, 16))
            rows[sl] = rows[sl] * val


def _spmm_body(x_hbm, ed_hbm, out_hbm,
               eb0_v, eb1_v, rows0_v, rows1_v, acc_sh,
               gsem0, gsem1, esem0, esem1):
    c = lax.axis_index("c")
    s = lax.axis_index("s")
    wid = s * _NC + c
    rows = (rows0_v, rows1_v)
    ebuf = (eb0_v, eb1_v)
    gsem = (gsem0, gsem1)
    esem = (esem0, esem1)

    with jax.named_scope("zero_acc"):
        @pl.loop(0, _EC)
        def _(i):
            for g in range(_D // 16):
                rows0_v[i, pl.ds(g * 16, 16)] = jnp.zeros((16,), jnp.float32)

        @pl.loop(0, _RW // _EC)
        def _(k):
            pltpu.sync_copy(rows0_v, acc_sh.at[pl.ds(s * _RW + k * _EC, _EC)])

    base = lax.select(c == 0, s * _K0, _NS * _K0 + s * _K1)
    cnt = lax.select(c == 0, _K0, _K1)

    pltpu.async_copy(ed_hbm.at[base], eb0_v, esem0)
    pltpu.make_async_copy(ed_hbm.at[base], eb0_v, esem0).wait()
    pltpu.async_copy(x_hbm.at[eb0_v.at[0]], rows0_v, gsem0)
    pltpu.async_copy(ed_hbm.at[base + 1], eb1_v, esem1)
    plsc.subcore_barrier()

    with jax.named_scope("edge_loop"):
        @pl.loop(0, cnt, step=2)
        def _(k0):
          for b in range(2):
            k = k0 + b
            pltpu.make_async_copy(x_hbm.at[ebuf[b].at[0]], rows[b],
                                  gsem[b]).wait()

            @pl.when(k + 1 < cnt)
            def _():
                pltpu.make_async_copy(ed_hbm.at[base + k + 1], ebuf[1 - b],
                                      esem[1 - b]).wait()
                pltpu.async_copy(x_hbm.at[ebuf[1 - b].at[0]], rows[1 - b],
                                 gsem[1 - b])

            _scale_rows(rows[b], ebuf[b])
            pltpu.sync_copy(rows[b], acc_sh.at[ebuf[b].at[1]], add=True)

            @pl.when(k + 2 < cnt)
            def _():
                pltpu.async_copy(ed_hbm.at[base + k + 2], ebuf[b], esem[b])

    with jax.named_scope("tail_barrier"):
        plsc.subcore_barrier()
    with jax.named_scope("copy_out"):
        pltpu.sync_copy(acc_sh.at[pl.ds(s * _RW, _RW)],
                        out_hbm.at[c, pl.ds(s * _RW, _RW)])


def _spmm_partials(x, edata):
    k = pl.kernel(
        _spmm_body,
        out_type=jax.ShapeDtypeStruct((_NC, _NP, _D), jnp.float32),
        mesh=_sc_mesh,
        scratch_types=[
            pltpu.VMEM((3, _EC), jnp.int32),
            pltpu.VMEM((3, _EC), jnp.int32),
            pltpu.VMEM((_EC, _D), jnp.float32),
            pltpu.VMEM((_EC, _D), jnp.float32),
            pltpu.VMEM_SHARED((_NP, _D), jnp.float32),
            pltpu.SemaphoreType.DMA,
            pltpu.SemaphoreType.DMA,
            pltpu.SemaphoreType.DMA,
            pltpu.SemaphoreType.DMA,
        ],
        compiler_params=_sc_params,
    )
    return k(x, edata)


def _pairs_body(lat_hbm, idx_hbm, out_hbm, idx_v, rows_v):
    c = lax.axis_index("c")
    s = lax.axis_index("s")
    wid = s * _NC + c
    base = wid * _PW

    @pl.loop(0, _PW // 128)
    def _(k):
        b = base + k * 128
        pltpu.sync_copy(idx_hbm.at[pl.ds(b, 128)], idx_v)
        pltpu.sync_copy(lat_hbm.at[idx_v], rows_v)
        pltpu.sync_copy(rows_v, out_hbm.at[pl.ds(b, 128)])


def _pair_gather(latent_p, idxflat):
    k = pl.kernel(
        _pairs_body,
        out_type=jax.ShapeDtypeStruct((2 * _P, _D), jnp.float32),
        mesh=_sc_mesh,
        scratch_types=[
            pltpu.VMEM((128,), jnp.int32),
            pltpu.VMEM((128, _D), jnp.float32),
        ],
    )
    return k(latent_p, idxflat)


def _mm_body(x_ref, w_ref, o_ref):
    o_ref[...] = jnp.dot(x_ref[...], w_ref[...],
                         preferred_element_type=jnp.float32)


def _matmul(x, w):
    return pl.pallas_call(
        _mm_body,
        grid=(_NP // _BLK,),
        in_specs=[pl.BlockSpec((_BLK, _D), lambda i: (i, 0)),
                  pl.BlockSpec((_D, _D), lambda i: (0, 0))],
        out_specs=pl.BlockSpec((_BLK, _D), lambda i: (i, 0)),
        out_shape=jax.ShapeDtypeStruct((_NP, _D), jnp.float32),
    )(x, w)


def _fuse_body(p0_ref, p1_ref, b_ref, r_ref, w_ref, x_ref, h_ref):
    x = p0_ref[...] + p1_ref[...] + b_ref[...] + r_ref[...]
    x_ref[...] = x
    h_ref[...] = jnp.dot(x, w_ref[...], preferred_element_type=jnp.float32)


def _fuse_body_nores(p0_ref, p1_ref, b_ref, w_ref, x_ref, h_ref):
    x = p0_ref[...] + p1_ref[...] + b_ref[...]
    x_ref[...] = x
    h_ref[...] = jnp.dot(x, w_ref[...], preferred_element_type=jnp.float32)


def _fused_layer(p, b, res, w):
    blk = pl.BlockSpec((_BLK, _D), lambda i: (i, 0))
    specs = [blk, blk, pl.BlockSpec((1, _D), lambda i: (0, 0))]
    args = [p[0], p[1], b]
    if res is None:
        body = _fuse_body_nores
    else:
        body = _fuse_body
        specs.append(blk)
        args.append(res)
    specs.append(pl.BlockSpec((_D, _D), lambda i: (0, 0)))
    args.append(w)
    return pl.pallas_call(
        body,
        grid=(_NP // _BLK,),
        in_specs=specs,
        out_specs=[blk, blk],
        out_shape=[jax.ShapeDtypeStruct((_NP, _D), jnp.float32),
                   jax.ShapeDtypeStruct((_NP, _D), jnp.float32)],
    )(*args)


def _final_body(p0_ref, p1_ref, b_ref, r_ref, o_ref):
    o_ref[...] = p0_ref[...] + p1_ref[...] + b_ref[...] + r_ref[...]


def _final_layer(p, b, res):
    return pl.pallas_call(
        _final_body,
        grid=(_NP // _BLK,),
        in_specs=[pl.BlockSpec((_BLK, _D), lambda i: (i, 0)),
                  pl.BlockSpec((_BLK, _D), lambda i: (i, 0)),
                  pl.BlockSpec((1, _D), lambda i: (0, 0)),
                  pl.BlockSpec((_BLK, _D), lambda i: (i, 0))],
        out_specs=pl.BlockSpec((_BLK, _D), lambda i: (i, 0)),
        out_shape=jax.ShapeDtypeStruct((_NP, _D), jnp.float32),
    )(p[0], p[1], b, res)


def _bilinear_body(fa_ref, fb_ref, wbr_ref, ones_ref, bb_ref, wd1_ref,
                   bd1_ref, wd2_ref, bd2_ref, out_ref):
    fa = fa_ref[...]
    fb = fb_ref[...].astype(jnp.bfloat16)
    t = jnp.dot(fa.astype(jnp.bfloat16), wbr_ref[...],
                preferred_element_type=jnp.float32)
    fbt = jnp.concatenate([fb] * _Z, axis=1)
    g = t.astype(jnp.bfloat16) * fbt
    feat = jnp.dot(g, ones_ref[...], preferred_element_type=jnp.float32)
    feat = feat + bb_ref[...]
    feat = jnp.where(feat > 0, feat, jnp.exp(jnp.minimum(feat, 0.0)) - 1.0)
    h = jnp.dot(feat, wd1_ref[...], preferred_element_type=jnp.float32)
    h = h + bd1_ref[...]
    h = jnp.where(h > 0, h, jnp.exp(jnp.minimum(h, 0.0)) - 1.0)
    pred = jnp.dot(h, wd2_ref[...], preferred_element_type=jnp.float32)
    out_ref[...] = pred + bd2_ref[...]


def _bilinear_decode(fab, Wb, bb, Wd1, bd1, Wd2, bd2):
    wbr = Wb.transpose(1, 0, 2).reshape(_D, _Z * _D).astype(jnp.bfloat16)
    ones_bd = (jnp.arange(_Z * _D, dtype=jnp.int32)[:, None] // _D
               == jnp.arange(_Z, dtype=jnp.int32)[None, :]).astype(jnp.bfloat16)
    nblk = _P // _BB
    return pl.pallas_call(
        _bilinear_body,
        grid=(nblk,),
        in_specs=[
            pl.BlockSpec((_BB, _D), lambda i: (i, 0)),
            pl.BlockSpec((_BB, _D), lambda i: (i + _P // _BB, 0)),
            pl.BlockSpec((_D, _Z * _D), lambda i: (0, 0)),
            pl.BlockSpec((_Z * _D, _Z), lambda i: (0, 0)),
            pl.BlockSpec((_Z,), lambda i: (0,)),
            pl.BlockSpec((_Z, _Z), lambda i: (0, 0)),
            pl.BlockSpec((_Z,), lambda i: (0,)),
            pl.BlockSpec((_Z, 1), lambda i: (0, 0)),
            pl.BlockSpec((1,), lambda i: (0,)),
        ],
        out_specs=pl.BlockSpec((_BB, 1), lambda i: (i, 0)),
        out_shape=jax.ShapeDtypeStruct((_P, 1), jnp.float32),
    )(fab, fab, wbr, ones_bd, bb, Wd1, bd1, Wd2, bd2)


def kernel(adj_indices, adj_values, features, idx, W0, b0, W1, b1, W2, b2,
           Wb, bb, Wd1, bd1, Wd2, bd2):
    pad_e = _EP - _E
    spread = jnp.arange(pad_e, dtype=jnp.int32)
    src3 = jnp.concatenate([adj_indices[0], spread]).reshape(
        _NW, _NCH, 1, _EC)
    dst3 = jnp.concatenate([adj_indices[1], spread]).reshape(
        _NW, _NCH, 1, _EC)
    vals3 = lax.bitcast_convert_type(
        jnp.pad(adj_values, (0, pad_e)), jnp.int32
    ).reshape(_NW, _NCH, 1, _EC)
    edata = jnp.concatenate([src3, dst3, vals3],
                            axis=2).reshape(_NW * _NCH, 3, _EC)
    feats_p = jnp.pad(features, ((0, _NP - _N), (0, 0)))
    b0r = b0.reshape(1, _D)
    b1r = b1.reshape(1, _D)
    b2r = b2.reshape(1, _D)

    h0 = _matmul(feats_p, W0)
    p0 = _spmm_partials(h0, edata)
    x1, h1 = _fused_layer(p0, b0r, None, W1)
    p1 = _spmm_partials(h1, edata)
    x2, h2 = _fused_layer(p1, b1r, x1, W2)
    p2 = _spmm_partials(h2, edata)
    latent_p = _final_layer(p2, b2r, x2)

    idxflat = jnp.concatenate([idx[0], idx[1]])
    fab = _pair_gather(latent_p, idxflat)
    pred = _bilinear_decode(fab, Wb, bb, Wd1, bd1, Wd2, bd2)
    return (pred, latent_p[:_N])

# --- scband reference (transcript-rebuilt; emitter-appended) ---
"""Pipeline reference for scband-gcn-31061203485068 (READ-ONLY COPY).

The authoritative reference and input builder live on the scoring server;
editing this copy changes nothing except your own understanding.
"""

import jax, jax.numpy as jnp
import numpy as np

N = 10000
E = 320000
NFEAT = 128
NHID = 128
ZDIM = 64
P = 65536


def setup_inputs(seed: int = 0) -> dict:
    key = jax.random.key(seed)
    ks = jax.random.split(key, 16)
    s = 0.05
    adj_indices = jax.random.randint(ks[0], (2, E), 0, N, dtype=jnp.int32)
    adj_values = jax.random.uniform(ks[1], (E,), dtype=jnp.float32)
    features = jax.random.normal(ks[2], (N, NFEAT), dtype=jnp.float32)
    idx = jax.random.randint(ks[3], (2, P), 0, N, dtype=jnp.int32)
    W0 = jax.random.normal(ks[4], (NFEAT, NHID), dtype=jnp.float32) * s
    b0 = jnp.zeros((NHID,), dtype=jnp.float32)
    W1 = jax.random.normal(ks[5], (NHID, NHID), dtype=jnp.float32) * s
    b1 = jnp.zeros((NHID,), dtype=jnp.float32)
    W2 = jax.random.normal(ks[6], (NHID, NHID), dtype=jnp.float32) * s
    b2 = jnp.zeros((NHID,), dtype=jnp.float32)
    Wb = jax.random.normal(ks[7], (ZDIM, NHID, NHID), dtype=jnp.float32) * s
    bb = jnp.zeros((ZDIM,), dtype=jnp.float32)
    Wd1 = jax.random.normal(ks[8], (ZDIM, ZDIM), dtype=jnp.float32) * s
    bd1 = jnp.zeros((ZDIM,), dtype=jnp.float32)
    Wd2 = jax.random.normal(ks[9], (ZDIM, 1), dtype=jnp.float32) * s
    bd2 = jnp.zeros((1,), dtype=jnp.float32)
    return {
        "adj_indices": adj_indices, "adj_values": adj_values,
        "features": features, "idx": idx,
        "W0": W0, "b0": b0, "W1": W1, "b1": b1, "W2": W2, "b2": b2,
        "Wb": Wb, "bb": bb, "Wd1": Wd1, "bd1": bd1, "Wd2": Wd2, "bd2": bd2,
    }


def reference(adj_indices, adj_values, features, idx,
              W0, b0, W1, b1, W2, b2, Wb, bb, Wd1, bd1, Wd2, bd2):
    src = adj_indices[0]
    dst = adj_indices[1]

    def spmm(x):
        # sparse normalized adjacency @ x via gather + scatter-add (SparseCore friendly)
        msgs = adj_values[:, None] * jnp.take(x, src, axis=0)
        return jax.ops.segment_sum(msgs, dst, num_segments=N)

    # GraphConvolution layer i=0 (Kipf-style: adj @ (x W) + b); dropout p=0
    x = spmm(features @ W0) + b0
    # layer i=1 with residual
    r = x
    x = spmm(x @ W1) + b1
    x = x + r
    # layer i=2 with residual
    r = x
    x = spmm(x @ W2) + b2
    x = x + r
    latent = x  # F.dropout with p=0.0 is identity

    fa = jnp.take(latent, idx[0], axis=0)
    fb = jnp.take(latent, idx[1], axis=0)
    # nn.Bilinear: out_z = fa^T Wb_z fb + bb_z
    feat = jnp.einsum('bi,zij,bj->bz', fa, Wb, fb) + bb
    feat = jax.nn.elu(feat)
    h = jax.nn.elu(feat @ Wd1 + bd1)
    pred = h @ Wd2 + bd2
    return (pred, latent)

if __name__ == "__main__":
    import jax
    _d = setup_inputs()
    print(jax.jit(kernel)(*tuple(_d.values())))

</pallas_src>

<mosaic_0001>
#map = affine_map<(d0, d1) -> (0, 0)>
#map1 = affine_map<(d0, d1) -> (0)>
module attributes {stable_mosaic.version = 14 : i64} {
  func.func @_pairs_body(%arg0: i32, %arg1: i32, %arg2: memref<10240x128xf32, #tpu.memory_space<hbm>>, %arg3: memref<131072xi32, #tpu.memory_space<hbm>>, %arg4: memref<131072x128xf32, #tpu.memory_space<hbm>>, %arg5: memref<128xi32, #tpu.memory_space<vmem>>, %arg6: memref<128x128xf32, #tpu.memory_space<vmem>>) attributes {dimension_semantics = [#tpu.dimension_semantics<core_parallel>, #tpu.dimension_semantics<subcore_parallel>], iteration_bounds = array<i64: 2, 16>, scalar_prefetch = 0 : i64, scratch_operands = 2 : i64, tpu.core_type = #tpu.core_type<sc_vector_subcore>, window_params = [{transform_indices = #map}, {transform_indices = #map1}, {transform_indices = #map}]} {
    %mul3A = arith.constant 2 : i32
    %mul3A_0 = arith.muli %arg1, %mul3A : i32
    %add3A = arith.addi %mul3A_0, %arg0 : i32
    %mul3A_1 = arith.constant 4096 : i32
    %mul3A_2 = arith.muli %add3A, %mul3A_1 : i32
    %scan3A = arith.constant 0 : i32
    %scan3A_3 = arith.constant 32 : i32
    %scan3A_4 = arith.addi %scan3A, %scan3A_3 : i32
    %scan3A_5 = arith.constant 1 : i32
    scf.for %scan3A_7 = %scan3A to %scan3A_4 step %scan3A_5  : i32 {
      %mul3A_8 = arith.constant 1 : i32
      %mul3A_9 = arith.muli %scan3A_7, %mul3A_8 : i32
      %add3A_10 = arith.constant 0 : i32
      %add3A_11 = arith.addi %add3A_10, %mul3A_9 : i32
      %mul3A_12 = arith.constant 128 : i32
      %mul3A_13 = arith.muli %add3A_11, %mul3A_12 : i32
      %add3A_14 = arith.addi %mul3A_2, %mul3A_13 : i32
      "tpu.region"() ({
        %run_scoped3A = tpu.sem_alloc : memref<!tpu.dma_semaphore, #tpu.memory_space<semaphore_mem>>
        %dma_start3A = tpu.memref_slice %arg3[%add3A_14] : memref<131072xi32, #tpu.memory_space<hbm>> -> memref<128xi32, #tpu.memory_space<hbm>>
        %dma_start3A_15 = tpu.memref_slice %arg3[%add3A_14] : memref<131072xi32, #tpu.memory_space<hbm>> -> memref<128xi32, #tpu.memory_space<hbm>>
        tpu.enqueue_dma source(%dma_start3A_15 : memref<128xi32, #tpu.memory_space<hbm>>) target(%arg5 : memref<128xi32, #tpu.memory_space<vmem>>) target_semaphore(%run_scoped3A : memref<!tpu.dma_semaphore, #tpu.memory_space<semaphore_mem>>)
        %dma_wait3A = tpu.memref_slice %arg3[%add3A_14] : memref<131072xi32, #tpu.memory_space<hbm>> -> memref<128xi32, #tpu.memory_space<hbm>>
        %dma_wait3A_16 = tpu.memref_slice %arg3[%add3A_14] : memref<131072xi32, #tpu.memory_space<hbm>> -> memref<128xi32, #tpu.memory_space<hbm>>
        tpu.wait_dma2 semaphore(%run_scoped3A : memref<!tpu.dma_semaphore, #tpu.memory_space<semaphore_mem>>) src(%dma_wait3A_16 : memref<128xi32, #tpu.memory_space<hbm>>) dst(%arg5 : memref<128xi32, #tpu.memory_space<vmem>>)
        tpu.yield
      }) : () -> ()
      "tpu.region"() ({
        %run_scoped3A = tpu.sem_alloc : memref<!tpu.dma_semaphore, #tpu.memory_space<semaphore_mem>>
        %dma_start3A = arith.constant 0 : i32
        %dma_start3A_15 = arith.constant 0 : i32
        %dma_start3A_16 = tpu.memref_slice %arg2[%dma_start3A, %dma_start3A_15] : memref<10240x128xf32, #tpu.memory_space<hbm>> -> memref<10240x128xf32, #tpu.memory_space<hbm>>
        tpu.enqueue_indirect_dma source(%dma_start3A_16 : memref<10240x128xf32, #tpu.memory_space<hbm>>) target(%arg6 : memref<128x128xf32, #tpu.memory_space<vmem>>) offsets(%arg5 : memref<128xi32, #tpu.memory_space<vmem>>) semaphore(%run_scoped3A : memref<!tpu.dma_semaphore, #tpu.memory_space<semaphore_mem>>)
        %dma_wait3A = arith.constant 0 : i32
        %dma_wait3A_17 = arith.constant 0 : i32
        %dma_wait3A_18 = tpu.memref_slice %arg2[%dma_wait3A, %dma_wait3A_17] : memref<10240x128xf32, #tpu.memory_space<hbm>> -> memref<10240x128xf32, #tpu.memory_space<hbm>>
        tpu.wait_indirect_dma semaphore(%run_scoped3A : memref<!tpu.dma_semaphore, #tpu.memory_space<semaphore_mem>>) src(%dma_wait3A_18 : memref<10240x128xf32, #tpu.memory_space<hbm>>) dst(%arg6 : memref<128x128xf32, #tpu.memory_space<vmem>>)
        tpu.yield
      }) : () -> ()
      "tpu.region"() ({
        %run_scoped3A = tpu.sem_alloc : memref<!tpu.dma_semaphore, #tpu.memory_space<semaphore_mem>>
        %dma_start3A = arith.constant 0 : i32
        %dma_start3A_15 = tpu.memref_slice %arg4[%add3A_14, %dma_start3A] : memref<131072x128xf32, #tpu.memory_space<hbm>> -> memref<128x128xf32, #tpu.memory_space<hbm>>
        %dma_start3A_16 = arith.constant 0 : i32
        %dma_start3A_17 = tpu.memref_slice %arg4[%add3A_14, %dma_start3A_16] : memref<131072x128xf32, #tpu.memory_space<hbm>> -> memref<128x128xf32, #tpu.memory_space<hbm>>
        tpu.enqueue_dma source(%arg6 : memref<128x128xf32, #tpu.memory_space<vmem>>) target(%dma_start3A_17 : memref<128x128xf32, #tpu.memory_space<hbm>>) target_semaphore(%run_scoped3A : memref<!tpu.dma_semaphore, #tpu.memory_space<semaphore_mem>>)
        %dma_wait3A = arith.constant 0 : i32
        %dma_wait3A_18 = tpu.memref_slice %arg4[%add3A_14, %dma_wait3A] : memref<131072x128xf32, #tpu.memory_space<hbm>> -> memref<128x128xf32, #tpu.memory_space<hbm>>
        %dma_wait3A_19 = arith.constant 0 : i32
        %dma_wait3A_20 = tpu.memref_slice %arg4[%add3A_14, %dma_wait3A_19] : memref<131072x128xf32, #tpu.memory_space<hbm>> -> memref<128x128xf32, #tpu.memory_space<hbm>>
        tpu.wait_dma2 semaphore(%run_scoped3A : memref<!tpu.dma_semaphore, #tpu.memory_space<semaphore_mem>>) src(%arg6 : memref<128x128xf32, #tpu.memory_space<vmem>>) dst(%dma_wait3A_20 : memref<128x128xf32, #tpu.memory_space<hbm>>)
        tpu.yield
      }) : () -> ()
    }
    %scan3A_6 = arith.constant 32 : i32
    return
  }
}

#map = affine_map<(d0, d1) -> (0, 0)>
#map1 = affine_map<(d0, d1) -> (0, 0, 0)>
module attributes {stable_mosaic.version = 14 : i64} {
  func.func @_spmm_body(%arg0: i32, %arg1: i32, %arg2: memref<10240x128xf32, #tpu.memory_space<hbm>>, %arg3: memref<2560x3x128xi32, #tpu.memory_space<hbm>>, %arg4: memref<2x10240x128xf32, #tpu.memory_space<hbm>>, %arg5: memref<3x128xi32, #tpu.memory_space<vmem>>, %arg6: memref<3x128xi32, #tpu.memory_space<vmem>>, %arg7: memref<128x128xf32, #tpu.memory_space<vmem>>, %arg8: memref<128x128xf32, #tpu.memory_space<vmem>>, %arg9: memref<10240x128xf32, #tpu.memory_space<vmem_shared>>, %arg10: memref<!tpu.dma_semaphore, #tpu.memory_space<semaphore_mem>>, %arg11: memref<!tpu.dma_semaphore, #tpu.memory_space<semaphore_mem>>, %arg12: memref<!tpu.dma_semaphore, #tpu.memory_space<semaphore_mem>>, %arg13: memref<!tpu.dma_semaphore, #tpu.memory_space<semaphore_mem>>) attributes {dimension_semantics = [#tpu.dimension_semantics<core_parallel>, #tpu.dimension_semantics<subcore_parallel>], iteration_bounds = array<i64: 2, 16>, scalar_prefetch = 0 : i64, scratch_operands = 9 : i64, tpu.core_type = #tpu.core_type<sc_vector_subcore>, window_params = [{transform_indices = #map}, {transform_indices = #map1}, {transform_indices = #map1}]} {
    %mul3A = arith.constant 2 : i32
    %mul3A_0 = arith.muli %arg1, %mul3A : i32
    %add3A = arith.addi %mul3A_0, %arg0 : i32
    "tpu.trace_start"() <{level = 10 : i32, message = "zero_acc"}> : () -> ()
    %scan3A = arith.constant 0 : i32
    %scan3A_1 = arith.constant 128 : i32
    %scan3A_2 = arith.addi %scan3A, %scan3A_1 : i32
    %scan3A_3 = arith.constant 1 : i32
    scf.for %scan3A_74 = %scan3A to %scan3A_2 step %scan3A_3  : i32 {
      %mul3A_75 = arith.constant 1 : i32
      %mul3A_76 = arith.muli %scan3A_74, %mul3A_75 : i32
      %add3A_77 = arith.constant 0 : i32
      %add3A_78 = arith.addi %add3A_77, %mul3A_76 : i32
      %broadcast_in_dim3A = arith.constant 0.000000e+00 : f32
      %broadcast_in_dim3A_79 = vector.broadcast %broadcast_in_dim3A : f32 to vector<16xf32>
      %swap3A = arith.index_cast %add3A_78 : i32 to index
      %swap3A_80 = arith.constant 0 : index
      %swap3A_81 = tpu.vector_load %arg7[%swap3A, %swap3A_80] {strides = array<i32>} : memref<128x128xf32, #tpu.memory_space<vmem>>, vector<16xf32>,
      tpu.vector_store %arg7[%swap3A, %swap3A_80], %broadcast_in_dim3A_79 {strides = array<i32>} : memref<128x128xf32, #tpu.memory_space<vmem>>, vector<16xf32>,
      %broadcast_in_dim3A_82 = arith.constant 0.000000e+00 : f32
      %broadcast_in_dim3A_83 = vector.broadcast %broadcast_in_dim3A_82 : f32 to vector<16xf32>
      %swap3A_84 = arith.index_cast %add3A_78 : i32 to index
      %swap3A_85 = arith.constant 16 : index
      %swap3A_86 = tpu.vector_load %arg7[%swap3A_84, %swap3A_85] {strides = array<i32>} : memref<128x128xf32, #tpu.memory_space<vmem>>, vector<16xf32>,
      tpu.vector_store %arg7[%swap3A_84, %swap3A_85], %broadcast_in_dim3A_83 {strides = array<i32>} : memref<128x128xf32, #tpu.memory_space<vmem>>, vector<16xf32>,
      %broadcast_in_dim3A_87 = arith.constant 0.000000e+00 : f32
      %broadcast_in_dim3A_88 = vector.broadcast %broadcast_in_dim3A_87 : f32 to vector<16xf32>
      %swap3A_89 = arith.index_cast %add3A_78 : i32 to index
      %swap3A_90 = arith.constant 32 : index
      %swap3A_91 = tpu.vector_load %arg7[%swap3A_89, %swap3A_90] {strides = array<i32>} : memref<128x128xf32, #tpu.memory_space<vmem>>, vector<16xf32>,
      tpu.vector_store %arg7[%swap3A_89, %swap3A_90], %broadcast_in_dim3A_88 {strides = array<i32>} : memref<128x128xf32, #tpu.memory_space<vmem>>, vector<16xf32>,
      %broadcast_in_dim3A_92 = arith.constant 0.000000e+00 : f32
      %broadcast_in_dim3A_93 = vector.broadcast %broadcast_in_dim3A_92 : f32 to vector<16xf32>
      %swap3A_94 = arith.index_cast %add3A_78 : i32 to index
      %swap3A_95 = arith.constant 48 : index
      %swap3A_96 = tpu.vector_load %arg7[%swap3A_94, %swap3A_95] {strides = array<i32>} : memref<128x128xf32, #tpu.memory_space<vmem>>, vector<16xf32>,
      tpu.vector_store %arg7[%swap3A_94, %swap3A_95], %broadcast_in_dim3A_93 {strides = array<i32>} : memref<128x128xf32, #tpu.memory_space<vmem>>, vector<16xf32>,
      %broadcast_in_dim3A_97 = arith.constant 0.000000e+00 : f32
      %broadcast_in_dim3A_98 = vector.broadcast %broadcast_in_dim3A_97 : f32 to vector<16xf32>
      %swap3A_99 = arith.index_cast %add3A_78 : i32 to index
      %swap3A_100 = arith.constant 64 : index
      %swap3A_101 = tpu.vector_load %arg7[%swap3A_99, %swap3A_100] {strides = array<i32>} : memref<128x128xf32, #tpu.memory_space<vmem>>, vector<16xf32>,
      tpu.vector_store %arg7[%swap3A_99, %swap3A_100], %broadcast_in_dim3A_98 {strides = array<i32>} : memref<128x128xf32, #tpu.memory_space<vmem>>, vector<16xf32>,
      %broadcast_in_dim3A_102 = arith.constant 0.000000e+00 : f32
      %broadcast_in_dim3A_103 = vector.broadcast %broadcast_in_dim3A_102 : f32 to vector<16xf32>
      %swap3A_104 = arith.index_cast %add3A_78 : i32 to index
      %swap3A_105 = arith.constant 80 : index
      %swap3A_106 = tpu.vector_load %arg7[%swap3A_104, %swap3A_105] {strides = array<i32>} : memref<128x128xf32, #tpu.memory_space<vmem>>, vector<16xf32>,
      tpu.vector_store %arg7[%swap3A_104, %swap3A_105], %broadcast_in_dim3A_103 {strides = array<i32>} : memref<128x128xf32, #tpu.memory_space<vmem>>, vector<16xf32>,
      %broadcast_in_dim3A_107 = arith.constant 0.000000e+00 : f32
      %broadcast_in_dim3A_108 = vector.broadcast %broadcast_in_dim3A_107 : f32 to vector<16xf32>
      %swap3A_109 = arith.index_cast %add3A_78 : i32 to index
      %swap3A_110 = arith.constant 96 : index
      %swap3A_111 = tpu.vector_load %arg7[%swap3A_109, %swap3A_110] {strides = array<i32>} : memref<128x128xf32, #tpu.memory_space<vmem>>, vector<16xf32>,
      tpu.vector_store %arg7[%swap3A_109, %swap3A_110], %broadcast_in_dim3A_108 {strides = array<i32>} : memref<128x128xf32, #tpu.memory_space<vmem>>, vector<16xf32>,
      %broadcast_in_dim3A_112 = arith.constant 0.000000e+00 : f32
      %broadcast_in_dim3A_113 = vector.broadcast %broadcast_in_dim3A_112 : f32 to vector<16xf32>
      %swap3A_114 = arith.index_cast %add3A_78 : i32 to index
      %swap3A_115 = arith.constant 112 : index
      %swap3A_116 = tpu.vector_load %arg7[%swap3A_114, %swap3A_115] {strides = array<i32>} : memref<128x128xf32, #tpu.memory_space<vmem>>, vector<16xf32>,
      tpu.vector_store %arg7[%swap3A_114, %swap3A_115], %broadcast_in_dim3A_113 {strides = array<i32>} : memref<128x128xf32, #tpu.memory_space<vmem>>, vector<16xf32>,
    }
    %scan3A_4 = arith.constant 128 : i32
    %scan3A_5 = arith.constant 0 : i32
    %scan3A_6 = arith.constant 5 : i32
    %scan3A_7 = arith.addi %scan3A_5, %scan3A_6 : i32
    %scan3A_8 = arith.constant 1 : i32
    scf.for %scan3A_74 = %scan3A_5 to %scan3A_7 step %scan3A_8  : i32 {
      %mul3A_75 = arith.constant 1 : i32
      %mul3A_76 = arith.muli %scan3A_74, %mul3A_75 : i32
      %add3A_77 = arith.constant 0 : i32
      %add3A_78 = arith.addi %add3A_77, %mul3A_76 : i32
      %mul3A_79 = arith.constant 640 : i32
      %mul3A_80 = arith.muli %arg1, %mul3A_79 : i32
      %mul3A_81 = arith.constant 128 : i32
      %mul3A_82 = arith.muli %add3A_78, %mul3A_81 : i32
      %add3A_83 = arith.addi %mul3A_80, %mul3A_82 : i32
      "tpu.region"() ({
        %run_scoped3A = tpu.sem_alloc : memref<!tpu.dma_semaphore, #tpu.memory_space<semaphore_mem>>
        %dma_start3A_84 = arith.constant 0 : i32
        %dma_start3A_85 = tpu.memref_slice %arg9[%add3A_83, %dma_start3A_84] : memref<10240x128xf32, #tpu.memory_space<vmem_shared>> -> memref<128x128xf32, #tpu.memory_space<vmem_shared>>
        %dma_start3A_86 = arith.constant 0 : i32
        %dma_start3A_87 = tpu.memref_slice %arg9[%add3A_83, %dma_start3A_86] : memref<10240x128xf32, #tpu.memory_space<vmem_shared>> -> memref<128x128xf32, #tpu.memory_space<vmem_shared>>
        tpu.enqueue_dma source(%arg7 : memref<128x128xf32, #tpu.memory_space<vmem>>) target(%dma_start3A_87 : memref<128x128xf32, #tpu.memory_space<vmem_shared>>) target_semaphore(%run_scoped3A : memref<!tpu.dma_semaphore, #tpu.memory_space<semaphore_mem>>)
        %dma_wait3A_88 = arith.constant 0 : i32
        %dma_wait3A_89 = tpu.memref_slice %arg9[%add3A_83, %dma_wait3A_88] : memref<10240x128xf32, #tpu.memory_space<vmem_shared>> -> memref<128x128xf32, #tpu.memory_space<vmem_shared>>
        %dma_wait3A_90 = arith.constant 0 : i32
        %dma_wait3A_91 = tpu.memref_slice %arg9[%add3A_83, %dma_wait3A_90] : memref<10240x128xf32, #tpu.memory_space<vmem_shared>> -> memref<128x128xf32, #tpu.memory_space<vmem_shared>>
        tpu.wait_dma2 semaphore(%run_scoped3A : memref<!tpu.dma_semaphore, #tpu.memory_space<semaphore_mem>>) src(%arg7 : memref<128x128xf32, #tpu.memory_space<vmem>>) dst(%dma_wait3A_91 : memref<128x128xf32, #tpu.memory_space<vmem_shared>>)
        tpu.yield
      }) : () -> ()
    }
    %scan3A_9 = arith.constant 5 : i32
    %eq3A = arith.constant 0 : i32
    "tpu.trace_stop"() : () -> ()
    %eq3A_10 = arith.cmpi eq, %arg0, %eq3A : i32
    %mul3A_11 = arith.constant 80 : i32
    %mul3A_12 = arith.muli %arg1, %mul3A_11 : i32
    %mul3A_13 = arith.constant 80 : i32
    %mul3A_14 = arith.muli %arg1, %mul3A_13 : i32
    %add3A_15 = arith.constant 1280 : i32
    %add3A_16 = arith.addi %add3A_15, %mul3A_14 : i32
    %select_n3A = arith.select %eq3A_10, %mul3A_12, %add3A_16 : i32
    %eq3A_17 = arith.constant 0 : i32
    %eq3A_18 = arith.cmpi eq, %arg0, %eq3A_17 : i32
    %select_n3A_19 = arith.constant 80 : i32
    %select_n3A_20 = arith.constant 80 : i32
    %select_n3A_21 = arith.select %eq3A_18, %select_n3A_20, %select_n3A_19 : i32
    %dma_start3A = arith.constant 0 : i32
    %dma_start3A_22 = arith.constant 0 : i32
    %dma_start3A_23 = tpu.memref_slice %arg3[%select_n3A, %dma_start3A, %dma_start3A_22] : memref<2560x3x128xi32, #tpu.memory_space<hbm>> -> memref<1x3x128xi32, #tpu.memory_space<hbm>>
    %dma_start3A_24 = tpu.memref_squeeze %dma_start3A_23 : memref<1x3x128xi32, #tpu.memory_space<hbm>> -> memref<3x128xi32, #tpu.memory_space<hbm>>
    %dma_start3A_25 = arith.constant 0 : i32
    %dma_start3A_26 = arith.constant 0 : i32
    %dma_start3A_27 = tpu.memref_slice %arg3[%select_n3A, %dma_start3A_25, %dma_start3A_26] : memref<2560x3x128xi32, #tpu.memory_space<hbm>> -> memref<1x3x128xi32, #tpu.memory_space<hbm>>
    %dma_start3A_28 = tpu.memref_squeeze %dma_start3A_27 : memref<1x3x128xi32, #tpu.memory_space<hbm>> -> memref<3x128xi32, #tpu.memory_space<hbm>>
    tpu.enqueue_dma source(%dma_start3A_28 : memref<3x128xi32, #tpu.memory_space<hbm>>) target(%arg5 : memref<3x128xi32, #tpu.memory_space<vmem>>) target_semaphore(%arg12 : memref<!tpu.dma_semaphore, #tpu.memory_space<semaphore_mem>>)
    %dma_wait3A = arith.constant 0 : i32
    %dma_wait3A_29 = arith.constant 0 : i32
    %dma_wait3A_30 = tpu.memref_slice %arg3[%select_n3A, %dma_wait3A, %dma_wait3A_29] : memref<2560x3x128xi32, #tpu.memory_space<hbm>> -> memref<1x3x128xi32, #tpu.memory_space<hbm>>
    %dma_wait3A_31 = tpu.memref_squeeze %dma_wait3A_30 : memref<1x3x128xi32, #tpu.memory_space<hbm>> -> memref<3x128xi32, #tpu.memory_space<hbm>>
    %dma_wait3A_32 = arith.constant 0 : i32
    %dma_wait3A_33 = arith.constant 0 : i32
    %dma_wait3A_34 = tpu.memref_slice %arg3[%select_n3A, %dma_wait3A_32, %dma_wait3A_33] : memref<2560x3x128xi32, #tpu.memory_space<hbm>> -> memref<1x3x128xi32, #tpu.memory_space<hbm>>
    %dma_wait3A_35 = tpu.memref_squeeze %dma_wait3A_34 : memref<1x3x128xi32, #tpu.memory_space<hbm>> -> memref<3x128xi32, #tpu.memory_space<hbm>>
    tpu.wait_dma2 semaphore(%arg12 : memref<!tpu.dma_semaphore, #tpu.memory_space<semaphore_mem>>) src(%dma_wait3A_35 : memref<3x128xi32, #tpu.memory_space<hbm>>) dst(%arg5 : memref<3x128xi32, #tpu.memory_space<vmem>>)
    %dma_start3A_36 = arith.constant 0 : i32
    %dma_start3A_37 = arith.constant 0 : i32
    %dma_start3A_38 = tpu.memref_slice %arg5[%dma_start3A_36, %dma_start3A_37] : memref<3x128xi32, #tpu.memory_space<vmem>> -> memref<1x128xi32, #tpu.memory_space<vmem>>
    %dma_start3A_39 = tpu.memref_squeeze %dma_start3A_38 : memref<1x128xi32, #tpu.memory_space<vmem>> -> memref<128xi32, #tpu.memory_space<vmem>>
    %dma_start3A_40 = arith.constant 0 : i32
    %dma_start3A_41 = arith.constant 0 : i32
    %dma_start3A_42 = tpu.memref_slice %arg2[%dma_start3A_40, %dma_start3A_41] : memref<10240x128xf32, #tpu.memory_space<hbm>> -> memref<10240x128xf32, #tpu.memory_space<hbm>>
    tpu.enqueue_indirect_dma source(%dma_start3A_42 : memref<10240x128xf32, #tpu.memory_space<hbm>>) target(%arg7 : memref<128x128xf32, #tpu.memory_space<vmem>>) offsets(%dma_start3A_39 : memref<128xi32, #tpu.memory_space<vmem>>) semaphore(%arg10 : memref<!tpu.dma_semaphore, #tpu.memory_space<semaphore_mem>>)
    %add3A_43 = arith.constant 1 : i32
    %add3A_44 = arith.addi %select_n3A, %add3A_43 : i32
    %dma_start3A_45 = arith.constant 0 : i32
    %dma_start3A_46 = arith.constant 0 : i32
    %dma_start3A_47 = tpu.memref_slice %arg3[%add3A_44, %dma_start3A_45, %dma_start3A_46] : memref<2560x3x128xi32, #tpu.memory_space<hbm>> -> memref<1x3x128xi32, #tpu.memory_space<hbm>>
    %dma_start3A_48 = tpu.memref_squeeze %dma_start3A_47 : memref<1x3x128xi32, #tpu.memory_space<hbm>> -> memref<3x128xi32, #tpu.memory_space<hbm>>
    %dma_start3A_49 = arith.constant 0 : i32
    %dma_start3A_50 = arith.constant 0 : i32
    %dma_start3A_51 = tpu.memref_slice %arg3[%add3A_44, %dma_start3A_49, %dma_start3A_50] : memref<2560x3x128xi32, #tpu.memory_space<hbm>> -> memref<1x3x128xi32, #tpu.memory_space<hbm>>
    %dma_start3A_52 = tpu.memref_squeeze %dma_start3A_51 : memref<1x3x128xi32, #tpu.memory_space<hbm>> -> memref<3x128xi32, #tpu.memory_space<hbm>>
    tpu.enqueue_dma source(%dma_start3A_52 : memref<3x128xi32, #tpu.memory_space<hbm>>) target(%arg6 : memref<3x128xi32, #tpu.memory_space<vmem>>) target_semaphore(%arg13 : memref<!tpu.dma_semaphore, #tpu.memory_space<semaphore_mem>>)
    %barrier3A = arith.constant 0 : index
    tpu.barrier barrier_id(%barrier3A)
    "tpu.trace_start"() <{level = 10 : i32, message = "edge_loop"}> : () -> ()
    %sub3A = arith.constant 0 : i32
    %sub3A_53 = arith.subi %select_n3A_21, %sub3A : i32
    %sub3A_54 = arith.constant 2 : i32
    %sub3A_55 = arith.constant 1 : i32
    %sub3A_56 = arith.subi %sub3A_54, %sub3A_55 : i32
    %add3A_57 = arith.addi %sub3A_53, %sub3A_56 : i32
    %div3A = arith.constant 2 : i32
    %div3A_58 = arith.divsi %add3A_57, %div3A : i32
    %while3A = arith.constant 2 : i32
    %while3A_59 = arith.constant 0 : i32
    %while3A_60 = arith.constant 0 : i32
    %while3A_61 = arith.subi %div3A_58, %while3A_60 : i32
    %while3A_62 = arith.addi %while3A_60, %while3A_61 : i32
    %while3A_63 = arith.constant 1 : i32
    %while3A_64 = arith.divsi %while3A_61, %while3A_63 : i32
    %while3A_65 = arith.muli %while3A_64, %while3A_63 : i32
    %while3A_66 = arith.addi %while3A_60, %while3A_65 : i32
    %while3A_67 = arith.constant 1 : i32
    scf.for %while3A_74 = %while3A_60 to %while3A_66 step %while3A_67  : i32 {
      %mul3A_75 = arith.muli %while3A_74, %while3A : i32
      %add3A_76 = arith.addi %while3A_59, %mul3A_75 : i32
      %add3A_77 = arith.constant 0 : i32
      %add3A_78 = arith.addi %add3A_76, %add3A_77 : i32
      %dma_wait3A_79 = arith.constant 0 : i32
      %dma_wait3A_80 = arith.constant 0 : i32
      %dma_wait3A_81 = tpu.memref_slice %arg5[%dma_wait3A_79, %dma_wait3A_80] : memref<3x128xi32, #tpu.memory_space<vmem>> -> memref<1x128xi32, #tpu.memory_space<vmem>>
      %dma_wait3A_82 = tpu.memref_squeeze %dma_wait3A_81 : memref<1x128xi32, #tpu.memory_space<vmem>> -> memref<128xi32, #tpu.memory_space<vmem>>
      %dma_wait3A_83 = arith.constant 0 : i32
      %dma_wait3A_84 = arith.constant 0 : i32
      %dma_wait3A_85 = tpu.memref_slice %arg2[%dma_wait3A_83, %dma_wait3A_84] : memref<10240x128xf32, #tpu.memory_space<hbm>> -> memref<10240x128xf32, #tpu.memory_space<hbm>>
      tpu.wait_indirect_dma semaphore(%arg10 : memref<!tpu.dma_semaphore, #tpu.memory_space<semaphore_mem>>) src(%dma_wait3A_85 : memref<10240x128xf32, #tpu.memory_space<hbm>>) dst(%arg7 : memref<128x128xf32, #tpu.memory_space<vmem>>)
      %add3A_86 = arith.constant 1 : i32
      %add3A_87 = arith.addi %add3A_78, %add3A_86 : i32
      %lt3A = arith.cmpi slt, %add3A_87, %select_n3A_21 : i32
      %convert_element_type3A = arith.extui %lt3A : i1 to i32
      %cond3A = arith.constant 0 : i32
      %cond3A_88 = arith.cmpi ne, %convert_element_type3A, %cond3A : i32
      scf.if %cond3A_88 {
        %add3A_127 = arith.addi %select_n3A, %add3A_78 : i32
        %add3A_128 = arith.constant 1 : i32
        %add3A_129 = arith.addi %add3A_127, %add3A_128 : i32
        %dma_wait3A_130 = arith.constant 0 : i32
        %dma_wait3A_131 = arith.constant 0 : i32
        %dma_wait3A_132 = tpu.memref_slice %arg3[%add3A_129, %dma_wait3A_130, %dma_wait3A_131] : memref<2560x3x128xi32, #tpu.memory_space<hbm>> -> memref<1x3x128xi32, #tpu.memory_space<hbm>>
        %dma_wait3A_133 = tpu.memref_squeeze %dma_wait3A_132 : memref<1x3x128xi32, #tpu.memory_space<hbm>> -> memref<3x128xi32, #tpu.memory_space<hbm>>
        %dma_wait3A_134 = arith.constant 0 : i32
        %dma_wait3A_135 = arith.constant 0 : i32
        %dma_wait3A_136 = tpu.memref_slice %arg3[%add3A_129, %dma_wait3A_134, %dma_wait3A_135] : memref<2560x3x128xi32, #tpu.memory_space<hbm>> -> memref<1x3x128xi32, #tpu.memory_space<hbm>>
        %dma_wait3A_137 = tpu.memref_squeeze %dma_wait3A_136 : memref<1x3x128xi32, #tpu.memory_space<hbm>> -> memref<3x128xi32, #tpu.memory_space<hbm>>
        tpu.wait_dma2 semaphore(%arg13 : memref<!tpu.dma_semaphore, #tpu.memory_space<semaphore_mem>>) src(%dma_wait3A_137 : memref<3x128xi32, #tpu.memory_space<hbm>>) dst(%arg6 : memref<3x128xi32, #tpu.memory_space<vmem>>)
        %dma_start3A_138 = arith.constant 0 : i32
        %dma_start3A_139 = arith.constant 0 : i32
        %dma_start3A_140 = tpu.memref_slice %arg6[%dma_start3A_138, %dma_start3A_139] : memref<3x128xi32, #tpu.memory_space<vmem>> -> memref<1x128xi32, #tpu.memory_space<vmem>>
        %dma_start3A_141 = tpu.memref_squeeze %dma_start3A_140 : memref<1x128xi32, #tpu.memory_space<vmem>> -> memref<128xi32, #tpu.memory_space<vmem>>
        %dma_start3A_142 = arith.constant 0 : i32
        %dma_start3A_143 = arith.constant 0 : i32
        %dma_start3A_144 = tpu.memref_slice %arg2[%dma_start3A_142, %dma_start3A_143] : memref<10240x128xf32, #tpu.memory_space<hbm>> -> memref<10240x128xf32, #tpu.memory_space<hbm>>
        tpu.enqueue_indirect_dma source(%dma_start3A_144 : memref<10240x128xf32, #tpu.memory_space<hbm>>) target(%arg8 : memref<128x128xf32, #tpu.memory_space<vmem>>) offsets(%dma_start3A_141 : memref<128xi32, #tpu.memory_space<vmem>>) semaphore(%arg11 : memref<!tpu.dma_semaphore, #tpu.memory_space<semaphore_mem>>)
      } else {
      }
      %scan3A_89 = arith.constant 0 : i32
      %scan3A_90 = arith.constant 128 : i32
      %scan3A_91 = arith.addi %scan3A_89, %scan3A_90 : i32
      %scan3A_92 = arith.constant 1 : i32
      scf.for %scan3A_127 = %scan3A_89 to %scan3A_91 step %scan3A_92  : i32 {
        %mul3A_128 = arith.constant 1 : i32
        %mul3A_129 = arith.muli %scan3A_127, %mul3A_128 : i32
        %add3A_130 = arith.constant 0 : i32
        %add3A_131 = arith.addi %add3A_130, %mul3A_129 : i32
        %broadcast_in_dim3A = vector.broadcast %add3A_131 : i32 to vector<16xi32>
        %broadcast_in_dim3A_132 = arith.constant 2 : i32
        %broadcast_in_dim3A_133 = vector.broadcast %broadcast_in_dim3A_132 : i32 to vector<16xi32>
        %gather3A = tpu.vector_load_idx %arg5[%broadcast_in_dim3A_133, %broadcast_in_dim3A] : memref<3x128xi32, #tpu.memory_space<vmem>>[vector<16xi32>, vector<16xi32>], vector<16xi32>,
        %bitcast3A = vector.bitcast %gather3A : vector<16xi32> to vector<16xf32>
        %get3A = arith.index_cast %add3A_131 : i32 to index
        %get3A_134 = arith.constant 0 : index
        %get3A_135 = tpu.vector_load %arg7[%get3A, %get3A_134] {strides = array<i32>} : memref<128x128xf32, #tpu.memory_space<vmem>>, vector<16xf32>,
        %mul3A_136 = arith.mulf %get3A_135, %bitcast3A : vector<16xf32>
        %swap3A = arith.index_cast %add3A_131 : i32 to index
        %swap3A_137 = arith.constant 0 : index
        %swap3A_138 = tpu.vector_load %arg7[%swap3A, %swap3A_137] {strides = array<i32>} : memref<128x128xf32, #tpu.memory_space<vmem>>, vector<16xf32>,
        tpu.vector_store %arg7[%swap3A, %swap3A_137], %mul3A_136 {strides = array<i32>} : memref<128x128xf32, #tpu.memory_space<vmem>>, vector<16xf32>,
        %get3A_139 = arith.index_cast %add3A_131 : i32 to index
        %get3A_140 = arith.constant 16 : index
        %get3A_141 = tpu.vector_load %arg7[%get3A_139, %get3A_140] {strides = array<i32>} : memref<128x128xf32, #tpu.memory_space<vmem>>, vector<16xf32>,
        %mul3A_142 = arith.mulf %get3A_141, %bitcast3A : vector<16xf32>
        %swap3A_143 = arith.index_cast %add3A_131 : i32 to index
        %swap3A_144 = arith.constant 16 : index
        %swap3A_145 = tpu.vector_load %arg7[%swap3A_143, %swap3A_144] {strides = array<i32>} : memref<128x128xf32, #tpu.memory_space<vmem>>, vector<16xf32>,
        tpu.vector_store %arg7[%swap3A_143, %swap3A_144], %mul3A_142 {strides = array<i32>} : memref<128x128xf32, #tpu.memory_space<vmem>>, vector<16xf32>,
        %get3A_146 = arith.index_cast %add3A_131 : i32 to index
        %get3A_147 = arith.constant 32 : index
        %get3A_148 = tpu.vector_load %arg7[%get3A_146, %get3A_147] {strides = array<i32>} : memref<128x128xf32, #tpu.memory_space<vmem>>, vector<16xf32>,
        %mul3A_149 = arith.mulf %get3A_148, %bitcast3A : vector<16xf32>
        %swap3A_150 = arith.index_cast %add3A_131 : i32 to index
        %swap3A_151 = arith.constant 32 : index
        %swap3A_152 = tpu.vector_load %arg7[%swap3A_150, %swap3A_151] {strides = array<i32>} : memref<128x128xf32, #tpu.memory_space<vmem>>, vector<16xf32>,
        tpu.vector_store %arg7[%swap3A_150, %swap3A_151], %mul3A_149 {strides = array<i32>} : memref<128x128xf32, #tpu.memory_space<vmem>>, vector<16xf32>,
        %get3A_153 = arith.index_cast %add3A_131 : i32 to index
        %get3A_154 = arith.constant 48 : index
        %get3A_155 = tpu.vector_load %arg7[%get3A_153, %get3A_154] {strides = array<i32>} : memref<128x128xf32, #tpu.memory_space<vmem>>, vector<16xf32>,
        %mul3A_156 = arith.mulf %get3A_155, %bitcast3A : vector<16xf32>
        %swap3A_157 = arith.index_cast %add3A_131 : i32 to index
        %swap3A_158 = arith.constant 48 : index
        %swap3A_159 = tpu.vector_load %arg7[%swap3A_157, %swap3A_158] {strides = array<i32>} : memref<128x128xf32, #tpu.memory_space<vmem>>, vector<16xf32>,
        tpu.vector_store %arg7[%swap3A_157, %swap3A_158], %mul3A_156 {strides = array<i32>} : memref<128x128xf32, #tpu.memory_space<vmem>>, vector<16xf32>,
        %get3A_160 = arith.index_cast %add3A_131 : i32 to index
        %get3A_161 = arith.constant 64 : index
        %get3A_162 = tpu.vector_load %arg7[%get3A_160, %get3A_161] {strides = array<i32>} : memref<128x128xf32, #tpu.memory_space<vmem>>, vector<16xf32>,
        %mul3A_163 = arith.mulf %get3A_162, %bitcast3A : vector<16xf32>
        %swap3A_164 = arith.index_cast %add3A_131 : i32 to index
        %swap3A_165 = arith.constant 64 : index
        %swap3A_166 = tpu.vector_load %arg7[%swap3A_164, %swap3A_165] {strides = array<i32>} : memref<128x128xf32, #tpu.memory_space<vmem>>, vector<16xf32>,
        tpu.vector_store %arg7[%swap3A_164, %swap3A_165], %mul3A_163 {strides = array<i32>} : memref<128x128xf32, #tpu.memory_space<vmem>>, vector<16xf32>,
        %get3A_167 = arith.index_cast %add3A_131 : i32 to index
        %get3A_168 = arith.constant 80 : index
        %get3A_169 = tpu.vector_load %arg7[%get3A_167, %get3A_168] {strides = array<i32>} : memref<128x128xf32, #tpu.memory_space<vmem>>, vector<16xf32>,
        %mul3A_170 = arith.mulf %get3A_169, %bitcast3A : vector<16xf32>
        %swap3A_171 = arith.index_cast %add3A_131 : i32 to index
        %swap3A_172 = arith.constant 80 : index
        %swap3A_173 = tpu.vector_load %arg7[%swap3A_171, %swap3A_172] {strides = array<i32>} : memref<128x128xf32, #tpu.memory_space<vmem>>, vector<16xf32>,
        tpu.vector_store %arg7[%swap3A_171, %swap3A_172], %mul3A_170 {strides = array<i32>} : memref<128x128xf32, #tpu.memory_space<vmem>>, vector<16xf32>,
        %get3A_174 = arith.index_cast %add3A_131 : i32 to index
        %get3A_175 = arith.constant 96 : index
        %get3A_176 = tpu.vector_load %arg7[%get3A_174, %get3A_175] {strides = array<i32>} : memref<128x128xf32, #tpu.memory_space<vmem>>, vector<16xf32>,
        %mul3A_177 = arith.mulf %get3A_176, %bitcast3A : vector<16xf32>
        %swap3A_178 = arith.index_cast %add3A_131 : i32 to index
        %swap3A_179 = arith.constant 96 : index
        %swap3A_180 = tpu.vector_load %arg7[%swap3A_178, %swap3A_179] {strides = array<i32>} : memref<128x128xf32, #tpu.memory_space<vmem>>, vector<16xf32>,
        tpu.vector_store %arg7[%swap3A_178, %swap3A_179], %mul3A_177 {strides = array<i32>} : memref<128x128xf32, #tpu.memory_space<vmem>>, vector<16xf32>,
        %get3A_181 = arith.index_cast %add3A_131 : i32 to index
        %get3A_182 = arith.constant 112 : index
        %get3A_183 = tpu.vector_load %arg7[%get3A_181, %get3A_182] {strides = array<i32>} : memref<128x128xf32, #tpu.memory_space<vmem>>, vector<16xf32>,
        %mul3A_184 = arith.mulf %get3A_183, %bitcast3A : vector<16xf32>
        %swap3A_185 = arith.index_cast %add3A_131 : i32 to index
        %swap3A_186 = arith.constant 112 : index
        %swap3A_187 = tpu.vector_load %arg7[%swap3A_185, %swap3A_186] {strides = array<i32>} : memref<128x128xf32, #tpu.memory_space<vmem>>, vector<16xf32>,
        tpu.vector_store %arg7[%swap3A_185, %swap3A_186], %mul3A_184 {strides = array<i32>} : memref<128x128xf32, #tpu.memory_space<vmem>>, vector<16xf32>,
      }
      %scan3A_93 = arith.constant 128 : i32
      %run_scoped3A = arith.constant 1 : i32
      "tpu.region"() ({
        %run_scoped3A_127 = tpu.sem_alloc : memref<!tpu.dma_semaphore, #tpu.memory_space<semaphore_mem>>
        %dma_start3A_128 = arith.constant 0 : i32
        %dma_start3A_129 = tpu.memref_slice %arg5[%run_scoped3A, %dma_start3A_128] : memref<3x128xi32, #tpu.memory_space<vmem>> -> memref<1x128xi32, #tpu.memory_space<vmem>>
        %dma_start3A_130 = tpu.memref_squeeze %dma_start3A_129 : memref<1x128xi32, #tpu.memory_space<vmem>> -> memref<128xi32, #tpu.memory_space<vmem>>
        %dma_start3A_131 = arith.constant 0 : i32
        %dma_start3A_132 = arith.constant 0 : i32
        %dma_start3A_133 = tpu.memref_slice %arg9[%dma_start3A_131, %dma_start3A_132] : memref<10240x128xf32, #tpu.memory_space<vmem_shared>> -> memref<10240x128xf32, #tpu.memory_space<vmem_shared>>
        tpu.enqueue_indirect_dma source(%arg7 : memref<128x128xf32, #tpu.memory_space<vmem>>) target(%dma_start3A_133 : memref<10240x128xf32, #tpu.memory_space<vmem_shared>>) offsets(%dma_start3A_130 : memref<128xi32, #tpu.memory_space<vmem>>) semaphore(%run_scoped3A_127 : memref<!tpu.dma_semaphore, #tpu.memory_space<semaphore_mem>>) {add = true}
        %dma_wait3A_134 = arith.constant 0 : i32
        %dma_wait3A_135 = tpu.memref_slice %arg5[%run_scoped3A, %dma_wait3A_134] : memref<3x128xi32, #tpu.memory_space<vmem>> -> memref<1x128xi32, #tpu.memory_space<vmem>>
        %dma_wait3A_136 = tpu.memref_squeeze %dma_wait3A_135 : memref<1x128xi32, #tpu.memory_space<vmem>> -> memref<128xi32, #tpu.memory_space<vmem>>
        %dma_wait3A_137 = arith.constant 0 : i32
        %dma_wait3A_138 = arith.constant 0 : i32
        %dma_wait3A_139 = tpu.memref_slice %arg9[%dma_wait3A_137, %dma_wait3A_138] : memref<10240x128xf32, #tpu.memory_space<vmem_shared>> -> memref<10240x128xf32, #tpu.memory_space<vmem_shared>>
        tpu.wait_indirect_dma semaphore(%run_scoped3A_127 : memref<!tpu.dma_semaphore, #tpu.memory_space<semaphore_mem>>) src(%arg7 : memref<128x128xf32, #tpu.memory_space<vmem>>) dst(%dma_wait3A_139 : memref<10240x128xf32, #tpu.memory_space<vmem_shared>>)
        tpu.yield
      }) : () -> ()
      %add3A_94 = arith.constant 2 : i32
      %add3A_95 = arith.addi %add3A_78, %add3A_94 : i32
      %lt3A_96 = arith.cmpi slt, %add3A_95, %select_n3A_21 : i32
      %convert_element_type3A_97 = arith.extui %lt3A_96 : i1 to i32
      %cond3A_98 = arith.constant 0 : i32
      %cond3A_99 = arith.cmpi ne, %convert_element_type3A_97, %cond3A_98 : i32
      scf.if %cond3A_99 {
        %add3A_127 = arith.addi %select_n3A, %add3A_78 : i32
        %add3A_128 = arith.constant 2 : i32
        %add3A_129 = arith.addi %add3A_127, %add3A_128 : i32
        %dma_start3A_130 = arith.constant 0 : i32
        %dma_start3A_131 = arith.constant 0 : i32
        %dma_start3A_132 = tpu.memref_slice %arg3[%add3A_129, %dma_start3A_130, %dma_start3A_131] : memref<2560x3x128xi32, #tpu.memory_space<hbm>> -> memref<1x3x128xi32, #tpu.memory_space<hbm>>
        %dma_start3A_133 = tpu.memref_squeeze %dma_start3A_132 : memref<1x3x128xi32, #tpu.memory_space<hbm>> -> memref<3x128xi32, #tpu.memory_space<hbm>>
        %dma_start3A_134 = arith.constant 0 : i32
        %dma_start3A_135 = arith.constant 0 : i32
        %dma_start3A_136 = tpu.memref_slice %arg3[%add3A_129, %dma_start3A_134, %dma_start3A_135] : memref<2560x3x128xi32, #tpu.memory_space<hbm>> -> memref<1x3x128xi32, #tpu.memory_space<hbm>>
        %dma_start3A_137 = tpu.memref_squeeze %dma_start3A_136 : memref<1x3x128xi32, #tpu.memory_space<hbm>> -> memref<3x128xi32, #tpu.memory_space<hbm>>
        tpu.enqueue_dma source(%dma_start3A_137 : memref<3x128xi32, #tpu.memory_space<hbm>>) target(%arg5 : memref<3x128xi32, #tpu.memory_space<vmem>>) target_semaphore(%arg12 : memref<!tpu.dma_semaphore, #tpu.memory_space<semaphore_mem>>)
      } else {
      }
      %add3A_100 = arith.constant 1 : i32
      %add3A_101 = arith.addi %add3A_76, %add3A_100 : i32
      %dma_wait3A_102 = arith.constant 0 : i32
      %dma_wait3A_103 = arith.constant 0 : i32
      %dma_wait3A_104 = tpu.memref_slice %arg6[%dma_wait3A_102, %dma_wait3A_103] : memref<3x128xi32, #tpu.memory_space<vmem>> -> memref<1x128xi32, #tpu.memory_space<vmem>>
      %dma_wait3A_105 = tpu.memref_squeeze %dma_wait3A_104 : memref<1x128xi32, #tpu.memory_space<vmem>> -> memref<128xi32, #tpu.memory_space<vmem>>
      %dma_wait3A_106 = arith.constant 0 : i32
      %dma_wait3A_107 = arith.constant 0 : i32
      %dma_wait3A_108 = tpu.memref_slice %arg2[%dma_wait3A_106, %dma_wait3A_107] : memref<10240x128xf32, #tpu.memory_space<hbm>> -> memref<10240x128xf32, #tpu.memory_space<hbm>>
      tpu.wait_indirect_dma semaphore(%arg11 : memref<!tpu.dma_semaphore, #tpu.memory_space<semaphore_mem>>) src(%dma_wait3A_108 : memref<10240x128xf32, #tpu.memory_space<hbm>>) dst(%arg8 : memref<128x128xf32, #tpu.memory_space<vmem>>)
      %add3A_109 = arith.constant 1 : i32
      %add3A_110 = arith.addi %add3A_101, %add3A_109 : i32
      %lt3A_111 = arith.cmpi slt, %add3A_110, %select_n3A_21 : i32
      %convert_element_type3A_112 = arith.extui %lt3A_111 : i1 to i32
      %cond3A_113 = arith.constant 0 : i32
      %cond3A_114 = arith.cmpi ne, %convert_element_type3A_112, %cond3A_113 : i32
      scf.if %cond3A_114 {
        %add3A_127 = arith.addi %select_n3A, %add3A_101 : i32
        %add3A_128 = arith.constant 1 : i32
        %add3A_129 = arith.addi %add3A_127, %add3A_128 : i32
        %dma_wait3A_130 = arith.constant 0 : i32
        %dma_wait3A_131 = arith.constant 0 : i32
        %dma_wait3A_132 = tpu.memref_slice %arg3[%add3A_129, %dma_wait3A_130, %dma_wait3A_131] : memref<2560x3x128xi32, #tpu.memory_space<hbm>> -> memref<1x3x128xi32, #tpu.memory_space<hbm>>
        %dma_wait3A_133 = tpu.memref_squeeze %dma_wait3A_132 : memref<1x3x128xi32, #tpu.memory_space<hbm>> -> memref<3x128xi32, #tpu.memory_space<hbm>>
        %dma_wait3A_134 = arith.constant 0 : i32
        %dma_wait3A_135 = arith.constant 0 : i32
        %dma_wait3A_136 = tpu.memref_slice %arg3[%add3A_129, %dma_wait3A_134, %dma_wait3A_135] : memref<2560x3x128xi32, #tpu.memory_space<hbm>> -> memref<1x3x128xi32, #tpu.memory_space<hbm>>
        %dma_wait3A_137 = tpu.memref_squeeze %dma_wait3A_136 : memref<1x3x128xi32, #tpu.memory_space<hbm>> -> memref<3x128xi32, #tpu.memory_space<hbm>>
        tpu.wait_dma2 semaphore(%arg12 : memref<!tpu.dma_semaphore, #tpu.memory_space<semaphore_mem>>) src(%dma_wait3A_137 : memref<3x128xi32, #tpu.memory_space<hbm>>) dst(%arg5 : memref<3x128xi32, #tpu.memory_space<vmem>>)
        %dma_start3A_138 = arith.constant 0 : i32
        %dma_start3A_139 = arith.constant 0 : i32
        %dma_start3A_140 = tpu.memref_slice %arg5[%dma_start3A_138, %dma_start3A_139] : memref<3x128xi32, #tpu.memory_space<vmem>> -> memref<1x128xi32, #tpu.memory_space<vmem>>
        %dma_start3A_141 = tpu.memref_squeeze %dma_start3A_140 : memref<1x128xi32, #tpu.memory_space<vmem>> -> memref<128xi32, #tpu.memory_space<vmem>>
        %dma_start3A_142 = arith.constant 0 : i32
        %dma_start3A_143 = arith.constant 0 : i32
        %dma_start3A_144 = tpu.memref_slice %arg2[%dma_start3A_142, %dma_start3A_143] : memref<10240x128xf32, #tpu.memory_space<hbm>> -> memref<10240x128xf32, #tpu.memory_space<hbm>>
        tpu.enqueue_indirect_dma source(%dma_start3A_144 : memref<10240x128xf32, #tpu.memory_space<hbm>>) target(%arg7 : memref<128x128xf32, #tpu.memory_space<vmem>>) offsets(%dma_start3A_141 : memref<128xi32, #tpu.memory_space<vmem>>) semaphore(%arg10 : memref<!tpu.dma_semaphore, #tpu.memory_space<semaphore_mem>>)
      } else {
      }
      %scan3A_115 = arith.constant 0 : i32
      %scan3A_116 = arith.constant 128 : i32
      %scan3A_117 = arith.addi %scan3A_115, %scan3A_116 : i32
      %scan3A_118 = arith.constant 1 : i32
      scf.for %scan3A_127 = %scan3A_115 to %scan3A_117 step %scan3A_118  : i32 {
        %mul3A_128 = arith.constant 1 : i32
        %mul3A_129 = arith.muli %scan3A_127, %mul3A_128 : i32
        %add3A_130 = arith.constant 0 : i32
        %add3A_131 = arith.addi %add3A_130, %mul3A_129 : i32
        %broadcast_in_dim3A = vector.broadcast %add3A_131 : i32 to vector<16xi32>
        %broadcast_in_dim3A_132 = arith.constant 2 : i32
        %broadcast_in_dim3A_133 = vector.broadcast %broadcast_in_dim3A_132 : i32 to vector<16xi32>
        %gather3A = tpu.vector_load_idx %arg6[%broadcast_in_dim3A_133, %broadcast_in_dim3A] : memref<3x128xi32, #tpu.memory_space<vmem>>[vector<16xi32>, vector<16xi32>], vector<16xi32>,
        %bitcast3A = vector.bitcast %gather3A : vector<16xi32> to vector<16xf32>
        %get3A = arith.index_cast %add3A_131 : i32 to index
        %get3A_134 = arith.constant 0 : index
        %get3A_135 = tpu.vector_load %arg8[%get3A, %get3A_134] {strides = array<i32>} : memref<128x128xf32, #tpu.memory_space<vmem>>, vector<16xf32>,
        %mul3A_136 = arith.mulf %get3A_135, %bitcast3A : vector<16xf32>
        %swap3A = arith.index_cast %add3A_131 : i32 to index
        %swap3A_137 = arith.constant 0 : index
        %swap3A_138 = tpu.vector_load %arg8[%swap3A, %swap3A_137] {strides = array<i32>} : memref<128x128xf32, #tpu.memory_space<vmem>>, vector<16xf32>,
        tpu.vector_store %arg8[%swap3A, %swap3A_137], %mul3A_136 {strides = array<i32>} : memref<128x128xf32, #tpu.memory_space<vmem>>, vector<16xf32>,
        %get3A_139 = arith.index_cast %add3A_131 : i32 to index
        %get3A_140 = arith.constant 16 : index
        %get3A_141 = tpu.vector_load %arg8[%get3A_139, %get3A_140] {strides = array<i32>} : memref<128x128xf32, #tpu.memory_space<vmem>>, vector<16xf32>,
        %mul3A_142 = arith.mulf %get3A_141, %bitcast3A : vector<16xf32>
        %swap3A_143 = arith.index_cast %add3A_131 : i32 to index
        %swap3A_144 = arith.constant 16 : index
        %swap3A_145 = tpu.vector_load %arg8[%swap3A_143, %swap3A_144] {strides = array<i32>} : memref<128x128xf32, #tpu.memory_space<vmem>>, vector<16xf32>,
        tpu.vector_store %arg8[%swap3A_143, %swap3A_144], %mul3A_142 {strides = array<i32>} : memref<128x128xf32, #tpu.memory_space<vmem>>, vector<16xf32>,
        %get3A_146 = arith.index_cast %add3A_131 : i32 to index
        %get3A_147 = arith.constant 32 : index
        %get3A_148 = tpu.vector_load %arg8[%get3A_146, %get3A_147] {strides = array<i32>} : memref<128x128xf32, #tpu.memory_space<vmem>>, vector<16xf32>,
        %mul3A_149 = arith.mulf %get3A_148, %bitcast3A : vector<16xf32>
        %swap3A_150 = arith.index_cast %add3A_131 : i32 to index
        %swap3A_151 = arith.constant 32 : index
        %swap3A_152 = tpu.vector_load %arg8[%swap3A_150, %swap3A_151] {strides = array<i32>} : memref<128x128xf32, #tpu.memory_space<vmem>>, vector<16xf32>,
        tpu.vector_store %arg8[%swap3A_150, %swap3A_151], %mul3A_149 {strides = array<i32>} : memref<128x128xf32, #tpu.memory_space<vmem>>, vector<16xf32>,
        %get3A_153 = arith.index_cast %add3A_131 : i32 to index
        %get3A_154 = arith.constant 48 : index
        %get3A_155 = tpu.vector_load %arg8[%get3A_153, %get3A_154] {strides = array<i32>} : memref<128x128xf32, #tpu.memory_space<vmem>>, vector<16xf32>,
        %mul3A_156 = arith.mulf %get3A_155, %bitcast3A : vector<16xf32>
        %swap3A_157 = arith.index_cast %add3A_131 : i32 to index
        %swap3A_158 = arith.constant 48 : index
        %swap3A_159 = tpu.vector_load %arg8[%swap3A_157, %swap3A_158] {strides = array<i32>} : memref<128x128xf32, #tpu.memory_space<vmem>>, vector<16xf32>,
        tpu.vector_store %arg8[%swap3A_157, %swap3A_158], %mul3A_156 {strides = array<i32>} : memref<128x128xf32, #tpu.memory_space<vmem>>, vector<16xf32>,
        %get3A_160 = arith.index_cast %add3A_131 : i32 to index
        %get3A_161 = arith.constant 64 : index
        %get3A_162 = tpu.vector_load %arg8[%get3A_160, %get3A_161] {strides = array<i32>} : memref<128x128xf32, #tpu.memory_space<vmem>>, vector<16xf32>,
        %mul3A_163 = arith.mulf %get3A_162, %bitcast3A : vector<16xf32>
        %swap3A_164 = arith.index_cast %add3A_131 : i32 to index
        %swap3A_165 = arith.constant 64 : index
        %swap3A_166 = tpu.vector_load %arg8[%swap3A_164, %swap3A_165] {strides = array<i32>} : memref<128x128xf32, #tpu.memory_space<vmem>>, vector<16xf32>,
        tpu.vector_store %arg8[%swap3A_164, %swap3A_165], %mul3A_163 {strides = array<i32>} : memref<128x128xf32, #tpu.memory_space<vmem>>, vector<16xf32>,
        %get3A_167 = arith.index_cast %add3A_131 : i32 to index
        %get3A_168 = arith.constant 80 : index
        %get3A_169 = tpu.vector_load %arg8[%get3A_167, %get3A_168] {strides = array<i32>} : memref<128x128xf32, #tpu.memory_space<vmem>>, vector<16xf32>,
        %mul3A_170 = arith.mulf %get3A_169, %bitcast3A : vector<16xf32>
        %swap3A_171 = arith.index_cast %add3A_131 : i32 to index
        %swap3A_172 = arith.constant 80 : index
        %swap3A_173 = tpu.vector_load %arg8[%swap3A_171, %swap3A_172] {strides = array<i32>} : memref<128x128xf32, #tpu.memory_space<vmem>>, vector<16xf32>,
        tpu.vector_store %arg8[%swap3A_171, %swap3A_172], %mul3A_170 {strides = array<i32>} : memref<128x128xf32, #tpu.memory_space<vmem>>, vector<16xf32>,
        %get3A_174 = arith.index_cast %add3A_131 : i32 to index
        %get3A_175 = arith.constant 96 : index
        %get3A_176 = tpu.vector_load %arg8[%get3A_174, %get3A_175] {strides = array<i32>} : memref<128x128xf32, #tpu.memory_space<vmem>>, vector<16xf32>,
        %mul3A_177 = arith.mulf %get3A_176, %bitcast3A : vector<16xf32>
        %swap3A_178 = arith.index_cast %add3A_131 : i32 to index
        %swap3A_179 = arith.constant 96 : index
        %swap3A_180 = tpu.vector_load %arg8[%swap3A_178, %swap3A_179] {strides = array<i32>} : memref<128x128xf32, #tpu.memory_space<vmem>>, vector<16xf32>,
        tpu.vector_store %arg8[%swap3A_178, %swap3A_179], %mul3A_177 {strides = array<i32>} : memref<128x128xf32, #tpu.memory_space<vmem>>, vector<16xf32>,
        %get3A_181 = arith.index_cast %add3A_131 : i32 to index
        %get3A_182 = arith.constant 112 : index
        %get3A_183 = tpu.vector_load %arg8[%get3A_181, %get3A_182] {strides = array<i32>} : memref<128x128xf32, #tpu.memory_space<vmem>>, vector<16xf32>,
        %mul3A_184 = arith.mulf %get3A_183, %bitcast3A : vector<16xf32>
        %swap3A_185 = arith.index_cast %add3A_131 : i32 to index
        %swap3A_186 = arith.constant 112 : index
        %swap3A_187 = tpu.vector_load %arg8[%swap3A_185, %swap3A_186] {strides = array<i32>} : memref<128x128xf32, #tpu.memory_space<vmem>>, vector<16xf32>,
        tpu.vector_store %arg8[%swap3A_185, %swap3A_186], %mul3A_184 {strides = array<i32>} : memref<128x128xf32, #tpu.memory_space<vmem>>, vector<16xf32>,
      }
      %scan3A_119 = arith.constant 128 : i32
      %run_scoped3A_120 = arith.constant 1 : i32
      "tpu.region"() ({
        %run_scoped3A_127 = tpu.sem_alloc : memref<!tpu.dma_semaphore, #tpu.memory_space<semaphore_mem>>
        %dma_start3A_128 = arith.constant 0 : i32
        %dma_start3A_129 = tpu.memref_slice %arg6[%run_scoped3A_120, %dma_start3A_128] : memref<3x128xi32, #tpu.memory_space<vmem>> -> memref<1x128xi32, #tpu.memory_space<vmem>>
        %dma_start3A_130 = tpu.memref_squeeze %dma_start3A_129 : memref<1x128xi32, #tpu.memory_space<vmem>> -> memref<128xi32, #tpu.memory_space<vmem>>
        %dma_start3A_131 = arith.constant 0 : i32
        %dma_start3A_132 = arith.constant 0 : i32
        %dma_start3A_133 = tpu.memref_slice %arg9[%dma_start3A_131, %dma_start3A_132] : memref<10240x128xf32, #tpu.memory_space<vmem_shared>> -> memref<10240x128xf32, #tpu.memory_space<vmem_shared>>
        tpu.enqueue_indirect_dma source(%arg8 : memref<128x128xf32, #tpu.memory_space<vmem>>) target(%dma_start3A_133 : memref<10240x128xf32, #tpu.memory_space<vmem_shared>>) offsets(%dma_start3A_130 : memref<128xi32, #tpu.memory_space<vmem>>) semaphore(%run_scoped3A_127 : memref<!tpu.dma_semaphore, #tpu.memory_space<semaphore_mem>>) {add = true}
        %dma_wait3A_134 = arith.constant 0 : i32
        %dma_wait3A_135 = tpu.memref_slice %arg6[%run_scoped3A_120, %dma_wait3A_134] : memref<3x128xi32, #tpu.memory_space<vmem>> -> memref<1x128xi32, #tpu.memory_space<vmem>>
        %dma_wait3A_136 = tpu.memref_squeeze %dma_wait3A_135 : memref<1x128xi32, #tpu.memory_space<vmem>> -> memref<128xi32, #tpu.memory_space<vmem>>
        %dma_wait3A_137 = arith.constant 0 : i32
        %dma_wait3A_138 = arith.constant 0 : i32
        %dma_wait3A_139 = tpu.memref_slice %arg9[%dma_wait3A_137, %dma_wait3A_138] : memref<10240x128xf32, #tpu.memory_space<vmem_shared>> -> memref<10240x128xf32, #tpu.memory_space<vmem_shared>>
        tpu.wait_indirect_dma semaphore(%run_scoped3A_127 : memref<!tpu.dma_semaphore, #tpu.memory_space<semaphore_mem>>) src(%arg8 : memref<128x128xf32, #tpu.memory_space<vmem>>) dst(%dma_wait3A_139 : memref<10240x128xf32, #tpu.memory_space<vmem_shared>>)
        tpu.yield
      }) : () -> ()
      %add3A_121 = arith.constant 2 : i32
      %add3A_122 = arith.addi %add3A_101, %add3A_121 : i32
      %lt3A_123 = arith.cmpi slt, %add3A_122, %select_n3A_21 : i32
      %convert_element_type3A_124 = arith.extui %lt3A_123 : i1 to i32
      %cond3A_125 = arith.constant 0 : i32
      %cond3A_126 = arith.cmpi ne, %convert_element_type3A_124, %cond3A_125 : i32
      scf.if %cond3A_126 {
        %add3A_127 = arith.addi %select_n3A, %add3A_101 : i32
        %add3A_128 = arith.constant 2 : i32
        %add3A_129 = arith.addi %add3A_127, %add3A_128 : i32
        %dma_start3A_130 = arith.constant 0 : i32
        %dma_start3A_131 = arith.constant 0 : i32
        %dma_start3A_132 = tpu.memref_slice %arg3[%add3A_129, %dma_start3A_130, %dma_start3A_131] : memref<2560x3x128xi32, #tpu.memory_space<hbm>> -> memref<1x3x128xi32, #tpu.memory_space<hbm>>
        %dma_start3A_133 = tpu.memref_squeeze %dma_start3A_132 : memref<1x3x128xi32, #tpu.memory_space<hbm>> -> memref<3x128xi32, #tpu.memory_space<hbm>>
        %dma_start3A_134 = arith.constant 0 : i32
        %dma_start3A_135 = arith.constant 0 : i32
        %dma_start3A_136 = tpu.memref_slice %arg3[%add3A_129, %dma_start3A_134, %dma_start3A_135] : memref<2560x3x128xi32, #tpu.memory_space<hbm>> -> memref<1x3x128xi32, #tpu.memory_space<hbm>>
        %dma_start3A_137 = tpu.memref_squeeze %dma_start3A_136 : memref<1x3x128xi32, #tpu.memory_space<hbm>> -> memref<3x128xi32, #tpu.memory_space<hbm>>
        tpu.enqueue_dma source(%dma_start3A_137 : memref<3x128xi32, #tpu.memory_space<hbm>>) target(%arg6 : memref<3x128xi32, #tpu.memory_space<vmem>>) target_semaphore(%arg13 : memref<!tpu.dma_semaphore, #tpu.memory_space<semaphore_mem>>)
      } else {
      }
    }
    %while3A_68 = arith.constant 1 : i32
    scf.for %while3A_74 = %while3A_66 to %while3A_62 step %while3A_68  : i32 {
      %mul3A_75 = arith.muli %while3A_74, %while3A : i32
      %add3A_76 = arith.addi %while3A_59, %mul3A_75 : i32
      %add3A_77 = arith.constant 0 : i32
      %add3A_78 = arith.addi %add3A_76, %add3A_77 : i32
      %dma_wait3A_79 = arith.constant 0 : i32
      %dma_wait3A_80 = arith.constant 0 : i32
      %dma_wait3A_81 = tpu.memref_slice %arg5[%dma_wait3A_79, %dma_wait3A_80] : memref<3x128xi32, #tpu.memory_space<vmem>> -> memref<1x128xi32, #tpu.memory_space<vmem>>
      %dma_wait3A_82 = tpu.memref_squeeze %dma_wait3A_81 : memref<1x128xi32, #tpu.memory_space<vmem>> -> memref<128xi32, #tpu.memory_space<vmem>>
      %dma_wait3A_83 = arith.constant 0 : i32
      %dma_wait3A_84 = arith.constant 0 : i32
      %dma_wait3A_85 = tpu.memref_slice %arg2[%dma_wait3A_83, %dma_wait3A_84] : memref<10240x128xf32, #tpu.memory_space<hbm>> -> memref<10240x128xf32, #tpu.memory_space<hbm>>
      tpu.wait_indirect_dma semaphore(%arg10 : memref<!tpu.dma_semaphore, #tpu.memory_space<semaphore_mem>>) src(%dma_wait3A_85 : memref<10240x128xf32, #tpu.memory_space<hbm>>) dst(%arg7 : memref<128x128xf32, #tpu.memory_space<vmem>>)
      %add3A_86 = arith.constant 1 : i32
      %add3A_87 = arith.addi %add3A_78, %add3A_86 : i32
      %lt3A = arith.cmpi slt, %add3A_87, %select_n3A_21 : i32
      %convert_element_type3A = arith.extui %lt3A : i1 to i32
      %cond3A = arith.constant 0 : i32
      %cond3A_88 = arith.cmpi ne, %convert_element_type3A, %cond3A : i32
      scf.if %cond3A_88 {
        %add3A_127 = arith.addi %select_n3A, %add3A_78 : i32
        %add3A_128 = arith.constant 1 : i32
        %add3A_129 = arith.addi %add3A_127, %add3A_128 : i32
        %dma_wait3A_130 = arith.constant 0 : i32
        %dma_wait3A_131 = arith.constant 0 : i32
        %dma_wait3A_132 = tpu.memref_slice %arg3[%add3A_129, %dma_wait3A_130, %dma_wait3A_131] : memref<2560x3x128xi32, #tpu.memory_space<hbm>> -> memref<1x3x128xi32, #tpu.memory_space<hbm>>
        %dma_wait3A_133 = tpu.memref_squeeze %dma_wait3A_132 : memref<1x3x128xi32, #tpu.memory_space<hbm>> -> memref<3x128xi32, #tpu.memory_space<hbm>>
        %dma_wait3A_134 = arith.constant 0 : i32
        %dma_wait3A_135 = arith.constant 0 : i32
        %dma_wait3A_136 = tpu.memref_slice %arg3[%add3A_129, %dma_wait3A_134, %dma_wait3A_135] : memref<2560x3x128xi32, #tpu.memory_space<hbm>> -> memref<1x3x128xi32, #tpu.memory_space<hbm>>
        %dma_wait3A_137 = tpu.memref_squeeze %dma_wait3A_136 : memref<1x3x128xi32, #tpu.memory_space<hbm>> -> memref<3x128xi32, #tpu.memory_space<hbm>>
        tpu.wait_dma2 semaphore(%arg13 : memref<!tpu.dma_semaphore, #tpu.memory_space<semaphore_mem>>) src(%dma_wait3A_137 : memref<3x128xi32, #tpu.memory_space<hbm>>) dst(%arg6 : memref<3x128xi32, #tpu.memory_space<vmem>>)
        %dma_start3A_138 = arith.constant 0 : i32
        %dma_start3A_139 = arith.constant 0 : i32
        %dma_start3A_140 = tpu.memref_slice %arg6[%dma_start3A_138, %dma_start3A_139] : memref<3x128xi32, #tpu.memory_space<vmem>> -> memref<1x128xi32, #tpu.memory_space<vmem>>
        %dma_start3A_141 = tpu.memref_squeeze %dma_start3A_140 : memref<1x128xi32, #tpu.memory_space<vmem>> -> memref<128xi32, #tpu.memory_space<vmem>>
        %dma_start3A_142 = arith.constant 0 : i32
        %dma_start3A_143 = arith.constant 0 : i32
        %dma_start3A_144 = tpu.memref_slice %arg2[%dma_start3A_142, %dma_start3A_143] : memref<10240x128xf32, #tpu.memory_space<hbm>> -> memref<10240x128xf32, #tpu.memory_space<hbm>>
        tpu.enqueue_indirect_dma source(%dma_start3A_144 : memref<10240x128xf32, #tpu.memory_space<hbm>>) target(%arg8 : memref<128x128xf32, #tpu.memory_space<vmem>>) offsets(%dma_start3A_141 : memref<128xi32, #tpu.memory_space<vmem>>) semaphore(%arg11 : memref<!tpu.dma_semaphore, #tpu.memory_space<semaphore_mem>>)
      } else {
      }
      %scan3A_89 = arith.constant 0 : i32
      %scan3A_90 = arith.constant 128 : i32
      %scan3A_91 = arith.addi %scan3A_89, %scan3A_90 : i32
      %scan3A_92 = arith.constant 1 : i32
      scf.for %scan3A_127 = %scan3A_89 to %scan3A_91 step %scan3A_92  : i32 {
        %mul3A_128 = arith.constant 1 : i32
        %mul3A_129 = arith.muli %scan3A_127, %mul3A_128 : i32
        %add3A_130 = arith.constant 0 : i32
        %add3A_131 = arith.addi %add3A_130, %mul3A_129 : i32
        %broadcast_in_dim3A = vector.broadcast %add3A_131 : i32 to vector<16xi32>
        %broadcast_in_dim3A_132 = arith.constant 2 : i32
        %broadcast_in_dim3A_133 = vector.broadcast %broadcast_in_dim3A_132 : i32 to vector<16xi32>
        %gather3A = tpu.vector_load_idx %arg5[%broadcast_in_dim3A_133, %broadcast_in_dim3A] : memref<3x128xi32, #tpu.memory_space<vmem>>[vector<16xi32>, vector<16xi32>], vector<16xi32>,
        %bitcast3A = vector.bitcast %gather3A : vector<16xi32> to vector<16xf32>
        %get3A = arith.index_cast %add3A_131 : i32 to index
        %get3A_134 = arith.constant 0 : index
        %get3A_135 = tpu.vector_load %arg7[%get3A, %get3A_134] {strides = array<i32>} : memref<128x128xf32, #tpu.memory_space<vmem>>, vector<16xf32>,
        %mul3A_136 = arith.mulf %get3A_135, %bitcast3A : vector<16xf32>
        %swap3A = arith.index_cast %add3A_131 : i32 to index
        %swap3A_137 = arith.constant 0 : index
        %swap3A_138 = tpu.vector_load %arg7[%swap3A, %swap3A_137] {strides = array<i32>} : memref<128x128xf32, #tpu.memory_space<vmem>>, vector<16xf32>,
        tpu.vector_store %arg7[%swap3A, %swap3A_137], %mul3A_136 {strides = array<i32>} : memref<128x128xf32, #tpu.memory_space<vmem>>, vector<16xf32>,
        %get3A_139 = arith.index_cast %add3A_131 : i32 to index
        %get3A_140 = arith.constant 16 : index
        %get3A_141 = tpu.vector_load %arg7[%get3A_139, %get3A_140] {strides = array<i32>} : memref<128x128xf32, #tpu.memory_space<vmem>>, vector<16xf32>,
        %mul3A_142 = arith.mulf %get3A_141, %bitcast3A : vector<16xf32>
        %swap3A_143 = arith.index_cast %add3A_131 : i32 to index
        %swap3A_144 = arith.constant 16 : index
        %swap3A_145 = tpu.vector_load %arg7[%swap3A_143, %swap3A_144] {strides = array<i32>} : memref<128x128xf32, #tpu.memory_space<vmem>>, vector<16xf32>,
        tpu.vector_store %arg7[%swap3A_143, %swap3A_144], %mul3A_142 {strides = array<i32>} : memref<128x128xf32, #tpu.memory_space<vmem>>, vector<16xf32>,
        %get3A_146 = arith.index_cast %add3A_131 : i32 to index
        %get3A_147 = arith.constant 32 : index
        %get3A_148 = tpu.vector_load %arg7[%get3A_146, %get3A_147] {strides = array<i32>} : memref<128x128xf32, #tpu.memory_space<vmem>>, vector<16xf32>,
        %mul3A_149 = arith.mulf %get3A_148, %bitcast3A : vector<16xf32>
        %swap3A_150 = arith.index_cast %add3A_131 : i32 to index
        %swap3A_151 = arith.constant 32 : index
        %swap3A_152 = tpu.vector_load %arg7[%swap3A_150, %swap3A_151] {strides = array<i32>} : memref<128x128xf32, #tpu.memory_space<vmem>>, vector<16xf32>,
        tpu.vector_store %arg7[%swap3A_150, %swap3A_151], %mul3A_149 {strides = array<i32>} : memref<128x128xf32, #tpu.memory_space<vmem>>, vector<16xf32>,
        %get3A_153 = arith.index_cast %add3A_131 : i32 to index
        %get3A_154 = arith.constant 48 : index
        %get3A_155 = tpu.vector_load %arg7[%get3A_153, %get3A_154] {strides = array<i32>} : memref<128x128xf32, #tpu.memory_space<vmem>>, vector<16xf32>,
        %mul3A_156 = arith.mulf %get3A_155, %bitcast3A : vector<16xf32>
        %swap3A_157 = arith.index_cast %add3A_131 : i32 to index
        %swap3A_158 = arith.constant 48 : index
        %swap3A_159 = tpu.vector_load %arg7[%swap3A_157, %swap3A_158] {strides = array<i32>} : memref<128x128xf32, #tpu.memory_space<vmem>>, vector<16xf32>,
        tpu.vector_store %arg7[%swap3A_157, %swap3A_158], %mul3A_156 {strides = array<i32>} : memref<128x128xf32, #tpu.memory_space<vmem>>, vector<16xf32>,
        %get3A_160 = arith.index_cast %add3A_131 : i32 to index
        %get3A_161 = arith.constant 64 : index
        %get3A_162 = tpu.vector_load %arg7[%get3A_160, %get3A_161] {strides = array<i32>} : memref<128x128xf32, #tpu.memory_space<vmem>>, vector<16xf32>,
        %mul3A_163 = arith.mulf %get3A_162, %bitcast3A : vector<16xf32>
        %swap3A_164 = arith.index_cast %add3A_131 : i32 to index
        %swap3A_165 = arith.constant 64 : index
        %swap3A_166 = tpu.vector_load %arg7[%swap3A_164, %swap3A_165] {strides = array<i32>} : memref<128x128xf32, #tpu.memory_space<vmem>>, vector<16xf32>,
        tpu.vector_store %arg7[%swap3A_164, %swap3A_165], %mul3A_163 {strides = array<i32>} : memref<128x128xf32, #tpu.memory_space<vmem>>, vector<16xf32>,
        %get3A_167 = arith.index_cast %add3A_131 : i32 to index
        %get3A_168 = arith.constant 80 : index
        %get3A_169 = tpu.vector_load %arg7[%get3A_167, %get3A_168] {strides = array<i32>} : memref<128x128xf32, #tpu.memory_space<vmem>>, vector<16xf32>,
        %mul3A_170 = arith.mulf %get3A_169, %bitcast3A : vector<16xf32>
        %swap3A_171 = arith.index_cast %add3A_131 : i32 to index
        %swap3A_172 = arith.constant 80 : index
        %swap3A_173 = tpu.vector_load %arg7[%swap3A_171, %swap3A_172] {strides = array<i32>} : memref<128x128xf32, #tpu.memory_space<vmem>>, vector<16xf32>,
        tpu.vector_store %arg7[%swap3A_171, %swap3A_172], %mul3A_170 {strides = array<i32>} : memref<128x128xf32, #tpu.memory_space<vmem>>, vector<16xf32>,
        %get3A_174 = arith.index_cast %add3A_131 : i32 to index
        %get3A_175 = arith.constant 96 : index
        %get3A_176 = tpu.vector_load %arg7[%get3A_174, %get3A_175] {strides = array<i32>} : memref<128x128xf32, #tpu.memory_space<vmem>>, vector<16xf32>,
        %mul3A_177 = arith.mulf %get3A_176, %bitcast3A : vector<16xf32>
        %swap3A_178 = arith.index_cast %add3A_131 : i32 to index
        %swap3A_179 = arith.constant 96 : index
        %swap3A_180 = tpu.vector_load %arg7[%swap3A_178, %swap3A_179] {strides = array<i32>} : memref<128x128xf32, #tpu.memory_space<vmem>>, vector<16xf32>,
        tpu.vector_store %arg7[%swap3A_178, %swap3A_179], %mul3A_177 {strides = array<i32>} : memref<128x128xf32, #tpu.memory_space<vmem>>, vector<16xf32>,
        %get3A_181 = arith.index_cast %add3A_131 : i32 to index
        %get3A_182 = arith.constant 112 : index
        %get3A_183 = tpu.vector_load %arg7[%get3A_181, %get3A_182] {strides = array<i32>} : memref<128x128xf32, #tpu.memory_space<vmem>>, vector<16xf32>,
        %mul3A_184 = arith.mulf %get3A_183, %bitcast3A : vector<16xf32>
        %swap3A_185 = arith.index_cast %add3A_131 : i32 to index
        %swap3A_186 = arith.constant 112 : index
        %swap3A_187 = tpu.vector_load %arg7[%swap3A_185, %swap3A_186] {strides = array<i32>} : memref<128x128xf32, #tpu.memory_space<vmem>>, vector<16xf32>,
        tpu.vector_store %arg7[%swap3A_185, %swap3A_186], %mul3A_184 {strides = array<i32>} : memref<128x128xf32, #tpu.memory_space<vmem>>, vector<16xf32>,
      }
      %scan3A_93 = arith.constant 128 : i32
      %run_scoped3A = arith.constant 1 : i32
      "tpu.region"() ({
        %run_scoped3A_127 = tpu.sem_alloc : memref<!tpu.dma_semaphore, #tpu.memory_space<semaphore_mem>>
        %dma_start3A_128 = arith.constant 0 : i32
        %dma_start3A_129 = tpu.memref_slice %arg5[%run_scoped3A, %dma_start3A_128] : memref<3x128xi32, #tpu.memory_space<vmem>> -> memref<1x128xi32, #tpu.memory_space<vmem>>
        %dma_start3A_130 = tpu.memref_squeeze %dma_start3A_129 : memref<1x128xi32, #tpu.memory_space<vmem>> -> memref<128xi32, #tpu.memory_space<vmem>>
        %dma_start3A_131 = arith.constant 0 : i32
        %dma_start3A_132 = arith.constant 0 : i32
        %dma_start3A_133 = tpu.memref_slice %arg9[%dma_start3A_131, %dma_start3A_132] : memref<10240x128xf32, #tpu.memory_space<vmem_shared>> -> memref<10240x128xf32, #tpu.memory_space<vmem_shared>>
        tpu.enqueue_indirect_dma source(%arg7 : memref<128x128xf32, #tpu.memory_space<vmem>>) target(%dma_start3A_133 : memref<10240x128xf32, #tpu.memory_space<vmem_shared>>) offsets(%dma_start3A_130 : memref<128xi32, #tpu.memory_space<vmem>>) semaphore(%run_scoped3A_127 : memref<!tpu.dma_semaphore, #tpu.memory_space<semaphore_mem>>) {add = true}
        %dma_wait3A_134 = arith.constant 0 : i32
        %dma_wait3A_135 = tpu.memref_slice %arg5[%run_scoped3A, %dma_wait3A_134] : memref<3x128xi32, #tpu.memory_space<vmem>> -> memref<1x128xi32, #tpu.memory_space<vmem>>
        %dma_wait3A_136 = tpu.memref_squeeze %dma_wait3A_135 : memref<1x128xi32, #tpu.memory_space<vmem>> -> memref<128xi32, #tpu.memory_space<vmem>>
        %dma_wait3A_137 = arith.constant 0 : i32
        %dma_wait3A_138 = arith.constant 0 : i32
        %dma_wait3A_139 = tpu.memref_slice %arg9[%dma_wait3A_137, %dma_wait3A_138] : memref<10240x128xf32, #tpu.memory_space<vmem_shared>> -> memref<10240x128xf32, #tpu.memory_space<vmem_shared>>
        tpu.wait_indirect_dma semaphore(%run_scoped3A_127 : memref<!tpu.dma_semaphore, #tpu.memory_space<semaphore_mem>>) src(%arg7 : memref<128x128xf32, #tpu.memory_space<vmem>>) dst(%dma_wait3A_139 : memref<10240x128xf32, #tpu.memory_space<vmem_shared>>)
        tpu.yield
      }) : () -> ()
      %add3A_94 = arith.constant 2 : i32
      %add3A_95 = arith.addi %add3A_78, %add3A_94 : i32
      %lt3A_96 = arith.cmpi slt, %add3A_95, %select_n3A_21 : i32
      %convert_element_type3A_97 = arith.extui %lt3A_96 : i1 to i32
      %cond3A_98 = arith.constant 0 : i32
      %cond3A_99 = arith.cmpi ne, %convert_element_type3A_97, %cond3A_98 : i32
      scf.if %cond3A_99 {
        %add3A_127 = arith.addi %select_n3A, %add3A_78 : i32
        %add3A_128 = arith.constant 2 : i32
        %add3A_129 = arith.addi %add3A_127, %add3A_128 : i32
        %dma_start3A_130 = arith.constant 0 : i32
        %dma_start3A_131 = arith.constant 0 : i32
        %dma_start3A_132 = tpu.memref_slice %arg3[%add3A_129, %dma_start3A_130, %dma_start3A_131] : memref<2560x3x128xi32, #tpu.memory_space<hbm>> -> memref<1x3x128xi32, #tpu.memory_space<hbm>>
        %dma_start3A_133 = tpu.memref_squeeze %dma_start3A_132 : memref<1x3x128xi32, #tpu.memory_space<hbm>> -> memref<3x128xi32, #tpu.memory_space<hbm>>
        %dma_start3A_134 = arith.constant 0 : i32
        %dma_start3A_135 = arith.constant 0 : i32
        %dma_start3A_136 = tpu.memref_slice %arg3[%add3A_129, %dma_start3A_134, %dma_start3A_135] : memref<2560x3x128xi32, #tpu.memory_space<hbm>> -> memref<1x3x128xi32, #tpu.memory_space<hbm>>
        %dma_start3A_137 = tpu.memref_squeeze %dma_start3A_136 : memref<1x3x128xi32, #tpu.memory_space<hbm>> -> memref<3x128xi32, #tpu.memory_space<hbm>>
        tpu.enqueue_dma source(%dma_start3A_137 : memref<3x128xi32, #tpu.memory_space<hbm>>) target(%arg5 : memref<3x128xi32, #tpu.memory_space<vmem>>) target_semaphore(%arg12 : memref<!tpu.dma_semaphore, #tpu.memory_space<semaphore_mem>>)
      } else {
      }
      %add3A_100 = arith.constant 1 : i32
      %add3A_101 = arith.addi %add3A_76, %add3A_100 : i32
      %dma_wait3A_102 = arith.constant 0 : i32
      %dma_wait3A_103 = arith.constant 0 : i32
      %dma_wait3A_104 = tpu.memref_slice %arg6[%dma_wait3A_102, %dma_wait3A_103] : memref<3x128xi32, #tpu.memory_space<vmem>> -> memref<1x128xi32, #tpu.memory_space<vmem>>
      %dma_wait3A_105 = tpu.memref_squeeze %dma_wait3A_104 : memref<1x128xi32, #tpu.memory_space<vmem>> -> memref<128xi32, #tpu.memory_space<vmem>>
      %dma_wait3A_106 = arith.constant 0 : i32
      %dma_wait3A_107 = arith.constant 0 : i32
      %dma_wait3A_108 = tpu.memref_slice %arg2[%dma_wait3A_106, %dma_wait3A_107] : memref<10240x128xf32, #tpu.memory_space<hbm>> -> memref<10240x128xf32, #tpu.memory_space<hbm>>
      tpu.wait_indirect_dma semaphore(%arg11 : memref<!tpu.dma_semaphore, #tpu.memory_space<semaphore_mem>>) src(%dma_wait3A_108 : memref<10240x128xf32, #tpu.memory_space<hbm>>) dst(%arg8 : memref<128x128xf32, #tpu.memory_space<vmem>>)
      %add3A_109 = arith.constant 1 : i32
      %add3A_110 = arith.addi %add3A_101, %add3A_109 : i32
      %lt3A_111 = arith.cmpi slt, %add3A_110, %select_n3A_21 : i32
      %convert_element_type3A_112 = arith.extui %lt3A_111 : i1 to i32
      %cond3A_113 = arith.constant 0 : i32
      %cond3A_114 = arith.cmpi ne, %convert_element_type3A_112, %cond3A_113 : i32
      scf.if %cond3A_114 {
        %add3A_127 = arith.addi %select_n3A, %add3A_101 : i32
        %add3A_128 = arith.constant 1 : i32
        %add3A_129 = arith.addi %add3A_127, %add3A_128 : i32
        %dma_wait3A_130 = arith.constant 0 : i32
        %dma_wait3A_131 = arith.constant 0 : i32
        %dma_wait3A_132 = tpu.memref_slice %arg3[%add3A_129, %dma_wait3A_130, %dma_wait3A_131] : memref<2560x3x128xi32, #tpu.memory_space<hbm>> -> memref<1x3x128xi32, #tpu.memory_space<hbm>>
        %dma_wait3A_133 = tpu.memref_squeeze %dma_wait3A_132 : memref<1x3x128xi32, #tpu.memory_space<hbm>> -> memref<3x128xi32, #tpu.memory_space<hbm>>
        %dma_wait3A_134 = arith.constant 0 : i32
        %dma_wait3A_135 = arith.constant 0 : i32
        %dma_wait3A_136 = tpu.memref_slice %arg3[%add3A_129, %dma_wait3A_134, %dma_wait3A_135] : memref<2560x3x128xi32, #tpu.memory_space<hbm>> -> memref<1x3x128xi32, #tpu.memory_space<hbm>>
        %dma_wait3A_137 = tpu.memref_squeeze %dma_wait3A_136 : memref<1x3x128xi32, #tpu.memory_space<hbm>> -> memref<3x128xi32, #tpu.memory_space<hbm>>
        tpu.wait_dma2 semaphore(%arg12 : memref<!tpu.dma_semaphore, #tpu.memory_space<semaphore_mem>>) src(%dma_wait3A_137 : memref<3x128xi32, #tpu.memory_space<hbm>>) dst(%arg5 : memref<3x128xi32, #tpu.memory_space<vmem>>)
        %dma_start3A_138 = arith.constant 0 : i32
        %dma_start3A_139 = arith.constant 0 : i32
        %dma_start3A_140 = tpu.memref_slice %arg5[%dma_start3A_138, %dma_start3A_139] : memref<3x128xi32, #tpu.memory_space<vmem>> -> memref<1x128xi32, #tpu.memory_space<vmem>>
        %dma_start3A_141 = tpu.memref_squeeze %dma_start3A_140 : memref<1x128xi32, #tpu.memory_space<vmem>> -> memref<128xi32, #tpu.memory_space<vmem>>
        %dma_start3A_142 = arith.constant 0 : i32
        %dma_start3A_143 = arith.constant 0 : i32
        %dma_start3A_144 = tpu.memref_slice %arg2[%dma_start3A_142, %dma_start3A_143] : memref<10240x128xf32, #tpu.memory_space<hbm>> -> memref<10240x128xf32, #tpu.memory_space<hbm>>
        tpu.enqueue_indirect_dma source(%dma_start3A_144 : memref<10240x128xf32, #tpu.memory_space<hbm>>) target(%arg7 : memref<128x128xf32, #tpu.memory_space<vmem>>) offsets(%dma_start3A_141 : memref<128xi32, #tpu.memory_space<vmem>>) semaphore(%arg10 : memref<!tpu.dma_semaphore, #tpu.memory_space<semaphore_mem>>)
      } else {
      }
      %scan3A_115 = arith.constant 0 : i32
      %scan3A_116 = arith.constant 128 : i32
      %scan3A_117 = arith.addi %scan3A_115, %scan3A_116 : i32
      %scan3A_118 = arith.constant 1 : i32
      scf.for %scan3A_127 = %scan3A_115 to %scan3A_117 step %scan3A_118  : i32 {
        %mul3A_128 = arith.constant 1 : i32
        %mul3A_129 = arith.muli %scan3A_127, %mul3A_128 : i32
        %add3A_130 = arith.constant 0 : i32
        %add3A_131 = arith.addi %add3A_130, %mul3A_129 : i32
        %broadcast_in_dim3A = vector.broadcast %add3A_131 : i32 to vector<16xi32>
        %broadcast_in_dim3A_132 = arith.constant 2 : i32
        %broadcast_in_dim3A_133 = vector.broadcast %broadcast_in_dim3A_132 : i32 to vector<16xi32>
        %gather3A = tpu.vector_load_idx %arg6[%broadcast_in_dim3A_133, %broadcast_in_dim3A] : memref<3x128xi32, #tpu.memory_space<vmem>>[vector<16xi32>, vector<16xi32>], vector<16xi32>,
        %bitcast3A = vector.bitcast %gather3A : vector<16xi32> to vector<16xf32>
        %get3A = arith.index_cast %add3A_131 : i32 to index
        %get3A_134 = arith.constant 0 : index
        %get3A_135 = tpu.vector_load %arg8[%get3A, %get3A_134] {strides = array<i32>} : memref<128x128xf32, #tpu.memory_space<vmem>>, vector<16xf32>,
        %mul3A_136 = arith.mulf %get3A_135, %bitcast3A : vector<16xf32>
        %swap3A = arith.index_cast %add3A_131 : i32 to index
        %swap3A_137 = arith.constant 0 : index
        %swap3A_138 = tpu.vector_load %arg8[%swap3A, %swap3A_137] {strides = array<i32>} : memref<128x128xf32, #tpu.memory_space<vmem>>, vector<16xf32>,
        tpu.vector_store %arg8[%swap3A, %swap3A_137], %mul3A_136 {strides = array<i32>} : memref<128x128xf32, #tpu.memory_space<vmem>>, vector<16xf32>,
        %get3A_139 = arith.index_cast %add3A_131 : i32 to index
        %get3A_140 = arith.constant 16 : index
        %get3A_141 = tpu.vector_load %arg8[%get3A_139, %get3A_140] {strides = array<i32>} : memref<128x128xf32, #tpu.memory_space<vmem>>, vector<16xf32>,
        %mul3A_142 = arith.mulf %get3A_141, %bitcast3A : vector<16xf32>
        %swap3A_143 = arith.index_cast %add3A_131 : i32 to index
        %swap3A_144 = arith.constant 16 : index
        %swap3A_145 = tpu.vector_load %arg8[%swap3A_143, %swap3A_144] {strides = array<i32>} : memref<128x128xf32, #tpu.memory_space<vmem>>, vector<16xf32>,
        tpu.vector_store %arg8[%swap3A_143, %swap3A_144], %mul3A_142 {strides = array<i32>} : memref<128x128xf32, #tpu.memory_space<vmem>>, vector<16xf32>,
        %get3A_146 = arith.index_cast %add3A_131 : i32 to index
        %get3A_147 = arith.constant 32 : index
        %get3A_148 = tpu.vector_load %arg8[%get3A_146, %get3A_147] {strides = array<i32>} : memref<128x128xf32, #tpu.memory_space<vmem>>, vector<16xf32>,
        %mul3A_149 = arith.mulf %get3A_148, %bitcast3A : vector<16xf32>
        %swap3A_150 = arith.index_cast %add3A_131 : i32 to index
        %swap3A_151 = arith.constant 32 : index
        %swap3A_152 = tpu.vector_load %arg8[%swap3A_150, %swap3A_151] {strides = array<i32>} : memref<128x128xf32, #tpu.memory_space<vmem>>, vector<16xf32>,
        tpu.vector_store %arg8[%swap3A_150, %swap3A_151], %mul3A_149 {strides = array<i32>} : memref<128x128xf32, #tpu.memory_space<vmem>>, vector<16xf32>,
        %get3A_153 = arith.index_cast %add3A_131 : i32 to index
        %get3A_154 = arith.constant 48 : index
        %get3A_155 = tpu.vector_load %arg8[%get3A_153, %get3A_154] {strides = array<i32>} : memref<128x128xf32, #tpu.memory_space<vmem>>, vector<16xf32>,
        %mul3A_156 = arith.mulf %get3A_155, %bitcast3A : vector<16xf32>
        %swap3A_157 = arith.index_cast %add3A_131 : i32 to index
        %swap3A_158 = arith.constant 48 : index
        %swap3A_159 = tpu.vector_load %arg8[%swap3A_157, %swap3A_158] {strides = array<i32>} : memref<128x128xf32, #tpu.memory_space<vmem>>, vector<16xf32>,
        tpu.vector_store %arg8[%swap3A_157, %swap3A_158], %mul3A_156 {strides = array<i32>} : memref<128x128xf32, #tpu.memory_space<vmem>>, vector<16xf32>,
        %get3A_160 = arith.index_cast %add3A_131 : i32 to index
        %get3A_161 = arith.constant 64 : index
        %get3A_162 = tpu.vector_load %arg8[%get3A_160, %get3A_161] {strides = array<i32>} : memref<128x128xf32, #tpu.memory_space<vmem>>, vector<16xf32>,
        %mul3A_163 = arith.mulf %get3A_162, %bitcast3A : vector<16xf32>
        %swap3A_164 = arith.index_cast %add3A_131 : i32 to index
        %swap3A_165 = arith.constant 64 : index
        %swap3A_166 = tpu.vector_load %arg8[%swap3A_164, %swap3A_165] {strides = array<i32>} : memref<128x128xf32, #tpu.memory_space<vmem>>, vector<16xf32>,
        tpu.vector_store %arg8[%swap3A_164, %swap3A_165], %mul3A_163 {strides = array<i32>} : memref<128x128xf32, #tpu.memory_space<vmem>>, vector<16xf32>,
        %get3A_167 = arith.index_cast %add3A_131 : i32 to index
        %get3A_168 = arith.constant 80 : index
        %get3A_169 = tpu.vector_load %arg8[%get3A_167, %get3A_168] {strides = array<i32>} : memref<128x128xf32, #tpu.memory_space<vmem>>, vector<16xf32>,
        %mul3A_170 = arith.mulf %get3A_169, %bitcast3A : vector<16xf32>
        %swap3A_171 = arith.index_cast %add3A_131 : i32 to index
        %swap3A_172 = arith.constant 80 : index
        %swap3A_173 = tpu.vector_load %arg8[%swap3A_171, %swap3A_172] {strides = array<i32>} : memref<128x128xf32, #tpu.memory_space<vmem>>, vector<16xf32>,
        tpu.vector_store %arg8[%swap3A_171, %swap3A_172], %mul3A_170 {strides = array<i32>} : memref<128x128xf32, #tpu.memory_space<vmem>>, vector<16xf32>,
        %get3A_174 = arith.index_cast %add3A_131 : i32 to index
        %get3A_175 = arith.constant 96 : index
        %get3A_176 = tpu.vector_load %arg8[%get3A_174, %get3A_175] {strides = array<i32>} : memref<128x128xf32, #tpu.memory_space<vmem>>, vector<16xf32>,
        %mul3A_177 = arith.mulf %get3A_176, %bitcast3A : vector<16xf32>
        %swap3A_178 = arith.index_cast %add3A_131 : i32 to index
        %swap3A_179 = arith.constant 96 : index
        %swap3A_180 = tpu.vector_load %arg8[%swap3A_178, %swap3A_179] {strides = array<i32>} : memref<128x128xf32, #tpu.memory_space<vmem>>, vector<16xf32>,
        tpu.vector_store %arg8[%swap3A_178, %swap3A_179], %mul3A_177 {strides = array<i32>} : memref<128x128xf32, #tpu.memory_space<vmem>>, vector<16xf32>,
        %get3A_181 = arith.index_cast %add3A_131 : i32 to index
        %get3A_182 = arith.constant 112 : index
        %get3A_183 = tpu.vector_load %arg8[%get3A_181, %get3A_182] {strides = array<i32>} : memref<128x128xf32, #tpu.memory_space<vmem>>, vector<16xf32>,
        %mul3A_184 = arith.mulf %get3A_183, %bitcast3A : vector<16xf32>
        %swap3A_185 = arith.index_cast %add3A_131 : i32 to index
        %swap3A_186 = arith.constant 112 : index
        %swap3A_187 = tpu.vector_load %arg8[%swap3A_185, %swap3A_186] {strides = array<i32>} : memref<128x128xf32, #tpu.memory_space<vmem>>, vector<16xf32>,
        tpu.vector_store %arg8[%swap3A_185, %swap3A_186], %mul3A_184 {strides = array<i32>} : memref<128x128xf32, #tpu.memory_space<vmem>>, vector<16xf32>,
      }
      %scan3A_119 = arith.constant 128 : i32
      %run_scoped3A_120 = arith.constant 1 : i32
      "tpu.region"() ({
        %run_scoped3A_127 = tpu.sem_alloc : memref<!tpu.dma_semaphore, #tpu.memory_space<semaphore_mem>>
        %dma_start3A_128 = arith.constant 0 : i32
        %dma_start3A_129 = tpu.memref_slice %arg6[%run_scoped3A_120, %dma_start3A_128] : memref<3x128xi32, #tpu.memory_space<vmem>> -> memref<1x128xi32, #tpu.memory_space<vmem>>
        %dma_start3A_130 = tpu.memref_squeeze %dma_start3A_129 : memref<1x128xi32, #tpu.memory_space<vmem>> -> memref<128xi32, #tpu.memory_space<vmem>>
        %dma_start3A_131 = arith.constant 0 : i32
        %dma_start3A_132 = arith.constant 0 : i32
        %dma_start3A_133 = tpu.memref_slice %arg9[%dma_start3A_131, %dma_start3A_132] : memref<10240x128xf32, #tpu.memory_space<vmem_shared>> -> memref<10240x128xf32, #tpu.memory_space<vmem_shared>>
        tpu.enqueue_indirect_dma source(%arg8 : memref<128x128xf32, #tpu.memory_space<vmem>>) target(%dma_start3A_133 : memref<10240x128xf32, #tpu.memory_space<vmem_shared>>) offsets(%dma_start3A_130 : memref<128xi32, #tpu.memory_space<vmem>>) semaphore(%run_scoped3A_127 : memref<!tpu.dma_semaphore, #tpu.memory_space<semaphore_mem>>) {add = true}
        %dma_wait3A_134 = arith.constant 0 : i32
        %dma_wait3A_135 = tpu.memref_slice %arg6[%run_scoped3A_120, %dma_wait3A_134] : memref<3x128xi32, #tpu.memory_space<vmem>> -> memref<1x128xi32, #tpu.memory_space<vmem>>
        %dma_wait3A_136 = tpu.memref_squeeze %dma_wait3A_135 : memref<1x128xi32, #tpu.memory_space<vmem>> -> memref<128xi32, #tpu.memory_space<vmem>>
        %dma_wait3A_137 = arith.constant 0 : i32
        %dma_wait3A_138 = arith.constant 0 : i32
        %dma_wait3A_139 = tpu.memref_slice %arg9[%dma_wait3A_137, %dma_wait3A_138] : memref<10240x128xf32, #tpu.memory_space<vmem_shared>> -> memref<10240x128xf32, #tpu.memory_space<vmem_shared>>
        tpu.wait_indirect_dma semaphore(%run_scoped3A_127 : memref<!tpu.dma_semaphore, #tpu.memory_space<semaphore_mem>>) src(%arg8 : memref<128x128xf32, #tpu.memory_space<vmem>>) dst(%dma_wait3A_139 : memref<10240x128xf32, #tpu.memory_space<vmem_shared>>)
        tpu.yield
      }) : () -> ()
      %add3A_121 = arith.constant 2 : i32
      %add3A_122 = arith.addi %add3A_101, %add3A_121 : i32
      %lt3A_123 = arith.cmpi slt, %add3A_122, %select_n3A_21 : i32
      %convert_element_type3A_124 = arith.extui %lt3A_123 : i1 to i32
      %cond3A_125 = arith.constant 0 : i32
      %cond3A_126 = arith.cmpi ne, %convert_element_type3A_124, %cond3A_125 : i32
      scf.if %cond3A_126 {
        %add3A_127 = arith.addi %select_n3A, %add3A_101 : i32
        %add3A_128 = arith.constant 2 : i32
        %add3A_129 = arith.addi %add3A_127, %add3A_128 : i32
        %dma_start3A_130 = arith.constant 0 : i32
        %dma_start3A_131 = arith.constant 0 : i32
        %dma_start3A_132 = tpu.memref_slice %arg3[%add3A_129, %dma_start3A_130, %dma_start3A_131] : memref<2560x3x128xi32, #tpu.memory_space<hbm>> -> memref<1x3x128xi32, #tpu.memory_space<hbm>>
        %dma_start3A_133 = tpu.memref_squeeze %dma_start3A_132 : memref<1x3x128xi32, #tpu.memory_space<hbm>> -> memref<3x128xi32, #tpu.memory_space<hbm>>
        %dma_start3A_134 = arith.constant 0 : i32
        %dma_start3A_135 = arith.constant 0 : i32
        %dma_start3A_136 = tpu.memref_slice %arg3[%add3A_129, %dma_start3A_134, %dma_start3A_135] : memref<2560x3x128xi32, #tpu.memory_space<hbm>> -> memref<1x3x128xi32, #tpu.memory_space<hbm>>
        %dma_start3A_137 = tpu.memref_squeeze %dma_start3A_136 : memref<1x3x128xi32, #tpu.memory_space<hbm>> -> memref<3x128xi32, #tpu.memory_space<hbm>>
        tpu.enqueue_dma source(%dma_start3A_137 : memref<3x128xi32, #tpu.memory_space<hbm>>) target(%arg6 : memref<3x128xi32, #tpu.memory_space<vmem>>) target_semaphore(%arg13 : memref<!tpu.dma_semaphore, #tpu.memory_space<semaphore_mem>>)
      } else {
      }
    }
    "tpu.trace_stop"() : () -> ()
    "tpu.trace_start"() <{level = 10 : i32, message = "tail_barrier"}> : () -> ()
    %barrier3A_69 = arith.constant 0 : index
    tpu.barrier barrier_id(%barrier3A_69)
    "tpu.trace_stop"() : () -> ()
    "tpu.trace_start"() <{level = 10 : i32, message = "copy_out"}> : () -> ()
    %mul3A_70 = arith.constant 640 : i32
    %mul3A_71 = arith.muli %arg1, %mul3A_70 : i32
    %mul3A_72 = arith.constant 640 : i32
    %mul3A_73 = arith.muli %arg1, %mul3A_72 : i32
    "tpu.region"() ({
      %run_scoped3A = tpu.sem_alloc : memref<!tpu.dma_semaphore, #tpu.memory_space<semaphore_mem>>
      %dma_start3A_74 = arith.constant 0 : i32
      %dma_start3A_75 = tpu.memref_slice %arg4[%arg0, %mul3A_73, %dma_start3A_74] : memref<2x10240x128xf32, #tpu.memory_space<hbm>> -> memref<1x640x128xf32, #tpu.memory_space<hbm>>
      %dma_start3A_76 = tpu.memref_squeeze %dma_start3A_75 : memref<1x640x128xf32, #tpu.memory_space<hbm>> -> memref<640x128xf32, #tpu.memory_space<hbm>>
      %dma_start3A_77 = arith.constant 0 : i32
      %dma_start3A_78 = tpu.memref_slice %arg9[%mul3A_71, %dma_start3A_77] : memref<10240x128xf32, #tpu.memory_space<vmem_shared>> -> memref<640x128xf32, #tpu.memory_space<vmem_shared>>
      tpu.enqueue_dma source(%dma_start3A_78 : memref<640x128xf32, #tpu.memory_space<vmem_shared>>) target(%dma_start3A_76 : memref<640x128xf32, #tpu.memory_space<hbm>>) target_semaphore(%run_scoped3A : memref<!tpu.dma_semaphore, #tpu.memory_space<semaphore_mem>>)
      %dma_wait3A_79 = arith.constant 0 : i32
      %dma_wait3A_80 = tpu.memref_slice %arg4[%arg0, %mul3A_73, %dma_wait3A_79] : memref<2x10240x128xf32, #tpu.memory_space<hbm>> -> memref<1x640x128xf32, #tpu.memory_space<hbm>>
      %dma_wait3A_81 = tpu.memref_squeeze %dma_wait3A_80 : memref<1x640x128xf32, #tpu.memory_space<hbm>> -> memref<640x128xf32, #tpu.memory_space<hbm>>
      %dma_wait3A_82 = arith.constant 0 : i32
      %dma_wait3A_83 = tpu.memref_slice %arg9[%mul3A_71, %dma_wait3A_82] : memref<10240x128xf32, #tpu.memory_space<vmem_shared>> -> memref<640x128xf32, #tpu.memory_space<vmem_shared>>
      tpu.wait_dma2 semaphore(%run_scoped3A : memref<!tpu.dma_semaphore, #tpu.memory_space<semaphore_mem>>) src(%dma_wait3A_83 : memref<640x128xf32, #tpu.memory_space<vmem_shared>>) dst(%dma_wait3A_81 : memref<640x128xf32, #tpu.memory_space<hbm>>)
      tpu.yield
    }) : () -> ()
    "tpu.trace_stop"() : () -> ()
    return
  }
}

#map = affine_map<(d0, d1) -> (0, 0)>
#map1 = affine_map<(d0, d1) -> (0, 0, 0)>
module attributes {stable_mosaic.version = 14 : i64} {
  func.func @_spmm_body(%arg0: i32, %arg1: i32, %arg2: memref<10240x128xf32, #tpu.memory_space<hbm>>, %arg3: memref<2560x3x128xi32, #tpu.memory_space<hbm>>, %arg4: memref<2x10240x128xf32, #tpu.memory_space<hbm>>, %arg5: memref<3x128xi32, #tpu.memory_space<vmem>>, %arg6: memref<3x128xi32, #tpu.memory_space<vmem>>, %arg7: memref<128x128xf32, #tpu.memory_space<vmem>>, %arg8: memref<128x128xf32, #tpu.memory_space<vmem>>, %arg9: memref<10240x128xf32, #tpu.memory_space<vmem_shared>>, %arg10: memref<!tpu.dma_semaphore, #tpu.memory_space<semaphore_mem>>, %arg11: memref<!tpu.dma_semaphore, #tpu.memory_space<semaphore_mem>>, %arg12: memref<!tpu.dma_semaphore, #tpu.memory_space<semaphore_mem>>, %arg13: memref<!tpu.dma_semaphore, #tpu.memory_space<semaphore_mem>>) attributes {dimension_semantics = [#tpu.dimension_semantics<core_parallel>, #tpu.dimension_semantics<subcore_parallel>], iteration_bounds = array<i64: 2, 16>, scalar_prefetch = 0 : i64, scratch_operands = 9 : i64, tpu.core_type = #tpu.core_type<sc_vector_subcore>, window_params = [{transform_indices = #map}, {transform_indices = #map1}, {transform_indices = #map1}]} {
    %mul3A = arith.constant 2 : i32
    %mul3A_0 = arith.muli %arg1, %mul3A : i32
    %add3A = arith.addi %mul3A_0, %arg0 : i32
    "tpu.trace_start"() <{level = 10 : i32, message = "zero_acc"}> : () -> ()
    %scan3A = arith.constant 0 : i32
    %scan3A_1 = arith.constant 128 : i32
    %scan3A_2 = arith.addi %scan3A, %scan3A_1 : i32
    %scan3A_3 = arith.constant 1 : i32
    scf.for %scan3A_74 = %scan3A to %scan3A_2 step %scan3A_3  : i32 {
      %mul3A_75 = arith.constant 1 : i32
      %mul3A_76 = arith.muli %scan3A_74, %mul3A_75 : i32
      %add3A_77 = arith.constant 0 : i32
      %add3A_78 = arith.addi %add3A_77, %mul3A_76 : i32
      %broadcast_in_dim3A = arith.constant 0.000000e+00 : f32
      %broadcast_in_dim3A_79 = vector.broadcast %broadcast_in_dim3A : f32 to vector<16xf32>
      %swap3A = arith.index_cast %add3A_78 : i32 to index
      %swap3A_80 = arith.constant 0 : index
      %swap3A_81 = tpu.vector_load %arg7[%swap3A, %swap3A_80] {strides = array<i32>} : memref<128x128xf32, #tpu.memory_space<vmem>>, vector<16xf32>,
      tpu.vector_store %arg7[%swap3A, %swap3A_80], %broadcast_in_dim3A_79 {strides = array<i32>} : memref<128x128xf32, #tpu.memory_space<vmem>>, vector<16xf32>,
      %broadcast_in_dim3A_82 = arith.constant 0.000000e+00 : f32
      %broadcast_in_dim3A_83 = vector.broadcast %broadcast_in_dim3A_82 : f32 to vector<16xf32>
      %swap3A_84 = arith.index_cast %add3A_78 : i32 to index
      %swap3A_85 = arith.constant 16 : index
      %swap3A_86 = tpu.vector_load %arg7[%swap3A_84, %swap3A_85] {strides = array<i32>} : memref<128x128xf32, #tpu.memory_space<vmem>>, vector<16xf32>,
      tpu.vector_store %arg7[%swap3A_84, %swap3A_85], %broadcast_in_dim3A_83 {strides = array<i32>} : memref<128x128xf32, #tpu.memory_space<vmem>>, vector<16xf32>,
      %broadcast_in_dim3A_87 = arith.constant 0.000000e+00 : f32
      %broadcast_in_dim3A_88 = vector.broadcast %broadcast_in_dim3A_87 : f32 to vector<16xf32>
      %swap3A_89 = arith.index_cast %add3A_78 : i32 to index
      %swap3A_90 = arith.constant 32 : index
      %swap3A_91 = tpu.vector_load %arg7[%swap3A_89, %swap3A_90] {strides = array<i32>} : memref<128x128xf32, #tpu.memory_space<vmem>>, vector<16xf32>,
      tpu.vector_store %arg7[%swap3A_89, %swap3A_90], %broadcast_in_dim3A_88 {strides = array<i32>} : memref<128x128xf32, #tpu.memory_space<vmem>>, vector<16xf32>,
      %broadcast_in_dim3A_92 = arith.constant 0.000000e+00 : f32
      %broadcast_in_dim3A_93 = vector.broadcast %broadcast_in_dim3A_92 : f32 to vector<16xf32>
      %swap3A_94 = arith.index_cast %add3A_78 : i32 to index
      %swap3A_95 = arith.constant 48 : index
      %swap3A_96 = tpu.vector_load %arg7[%swap3A_94, %swap3A_95] {strides = array<i32>} : memref<128x128xf32, #tpu.memory_space<vmem>>, vector<16xf32>,
      tpu.vector_store %arg7[%swap3A_94, %swap3A_95], %broadcast_in_dim3A_93 {strides = array<i32>} : memref<128x128xf32, #tpu.memory_space<vmem>>, vector<16xf32>,
      %broadcast_in_dim3A_97 = arith.constant 0.000000e+00 : f32
      %broadcast_in_dim3A_98 = vector.broadcast %broadcast_in_dim3A_97 : f32 to vector<16xf32>
      %swap3A_99 = arith.index_cast %add3A_78 : i32 to index
      %swap3A_100 = arith.constant 64 : index
      %swap3A_101 = tpu.vector_load %arg7[%swap3A_99, %swap3A_100] {strides = array<i32>} : memref<128x128xf32, #tpu.memory_space<vmem>>, vector<16xf32>,
      tpu.vector_store %arg7[%swap3A_99, %swap3A_100], %broadcast_in_dim3A_98 {strides = array<i32>} : memref<128x128xf32, #tpu.memory_space<vmem>>, vector<16xf32>,
      %broadcast_in_dim3A_102 = arith.constant 0.000000e+00 : f32
      %broadcast_in_dim3A_103 = vector.broadcast %broadcast_in_dim3A_102 : f32 to vector<16xf32>
      %swap3A_104 = arith.index_cast %add3A_78 : i32 to index
      %swap3A_105 = arith.constant 80 : index
      %swap3A_106 = tpu.vector_load %arg7[%swap3A_104, %swap3A_105] {strides = array<i32>} : memref<128x128xf32, #tpu.memory_space<vmem>>, vector<16xf32>,
      tpu.vector_store %arg7[%swap3A_104, %swap3A_105], %broadcast_in_dim3A_103 {strides = array<i32>} : memref<128x128xf32, #tpu.memory_space<vmem>>, vector<16xf32>,
      %broadcast_in_dim3A_107 = arith.constant 0.000000e+00 : f32
      %broadcast_in_dim3A_108 = vector.broadcast %broadcast_in_dim3A_107 : f32 to vector<16xf32>
      %swap3A_109 = arith.index_cast %add3A_78 : i32 to index
      %swap3A_110 = arith.constant 96 : index
      %swap3A_111 = tpu.vector_load %arg7[%swap3A_109, %swap3A_110] {strides = array<i32>} : memref<128x128xf32, #tpu.memory_space<vmem>>, vector<16xf32>,
      tpu.vector_store %arg7[%swap3A_109, %swap3A_110], %broadcast_in_dim3A_108 {strides = array<i32>} : memref<128x128xf32, #tpu.memory_space<vmem>>, vector<16xf32>,
      %broadcast_in_dim3A_112 = arith.constant 0.000000e+00 : f32
      %broadcast_in_dim3A_113 = vector.broadcast %broadcast_in_dim3A_112 : f32 to vector<16xf32>
      %swap3A_114 = arith.index_cast %add3A_78 : i32 to index
      %swap3A_115 = arith.constant 112 : index
      %swap3A_116 = tpu.vector_load %arg7[%swap3A_114, %swap3A_115] {strides = array<i32>} : memref<128x128xf32, #tpu.memory_space<vmem>>, vector<16xf32>,
      tpu.vector_store %arg7[%swap3A_114, %swap3A_115], %broadcast_in_dim3A_113 {strides = array<i32>} : memref<128x128xf32, #tpu.memory_space<vmem>>, vector<16xf32>,
    }
    %scan3A_4 = arith.constant 128 : i32
    %scan3A_5 = arith.constant 0 : i32
    %scan3A_6 = arith.constant 5 : i32
    %scan3A_7 = arith.addi %scan3A_5, %scan3A_6 : i32
    %scan3A_8 = arith.constant 1 : i32
    scf.for %scan3A_74 = %scan3A_5 to %scan3A_7 step %scan3A_8  : i32 {
      %mul3A_75 = arith.constant 1 : i32
      %mul3A_76 = arith.muli %scan3A_74, %mul3A_75 : i32
      %add3A_77 = arith.constant 0 : i32
      %add3A_78 = arith.addi %add3A_77, %mul3A_76 : i32
      %mul3A_79 = arith.constant 640 : i32
      %mul3A_80 = arith.muli %arg1, %mul3A_79 : i32
      %mul3A_81 = arith.constant 128 : i32
      %mul3A_82 = arith.muli %add3A_78, %mul3A_81 : i32
      %add3A_83 = arith.addi %mul3A_80, %mul3A_82 : i32
      "tpu.region"() ({
        %run_scoped3A = tpu.sem_alloc : memref<!tpu.dma_semaphore, #tpu.memory_space<semaphore_mem>>
        %dma_start3A_84 = arith.constant 0 : i32
        %dma_start3A_85 = tpu.memref_slice %arg9[%add3A_83, %dma_start3A_84] : memref<10240x128xf32, #tpu.memory_space<vmem_shared>> -> memref<128x128xf32, #tpu.memory_space<vmem_shared>>
        %dma_start3A_86 = arith.constant 0 : i32
        %dma_start3A_87 = tpu.memref_slice %arg9[%add3A_83, %dma_start3A_86] : memref<10240x128xf32, #tpu.memory_space<vmem_shared>> -> memref<128x128xf32, #tpu.memory_space<vmem_shared>>
        tpu.enqueue_dma source(%arg7 : memref<128x128xf32, #tpu.memory_space<vmem>>) target(%dma_start3A_87 : memref<128x128xf32, #tpu.memory_space<vmem_shared>>) target_semaphore(%run_scoped3A : memref<!tpu.dma_semaphore, #tpu.memory_space<semaphore_mem>>)
        %dma_wait3A_88 = arith.constant 0 : i32
        %dma_wait3A_89 = tpu.memref_slice %arg9[%add3A_83, %dma_wait3A_88] : memref<10240x128xf32, #tpu.memory_space<vmem_shared>> -> memref<128x128xf32, #tpu.memory_space<vmem_shared>>
        %dma_wait3A_90 = arith.constant 0 : i32
        %dma_wait3A_91 = tpu.memref_slice %arg9[%add3A_83, %dma_wait3A_90] : memref<10240x128xf32, #tpu.memory_space<vmem_shared>> -> memref<128x128xf32, #tpu.memory_space<vmem_shared>>
        tpu.wait_dma2 semaphore(%run_scoped3A : memref<!tpu.dma_semaphore, #tpu.memory_space<semaphore_mem>>) src(%arg7 : memref<128x128xf32, #tpu.memory_space<vmem>>) dst(%dma_wait3A_91 : memref<128x128xf32, #tpu.memory_space<vmem_shared>>)
        tpu.yield
      }) : () -> ()
    }
    %scan3A_9 = arith.constant 5 : i32
    %eq3A = arith.constant 0 : i32
    "tpu.trace_stop"() : () -> ()
    %eq3A_10 = arith.cmpi eq, %arg0, %eq3A : i32
    %mul3A_11 = arith.constant 80 : i32
    %mul3A_12 = arith.muli %arg1, %mul3A_11 : i32
    %mul3A_13 = arith.constant 80 : i32
    %mul3A_14 = arith.muli %arg1, %mul3A_13 : i32
    %add3A_15 = arith.constant 1280 : i32
    %add3A_16 = arith.addi %add3A_15, %mul3A_14 : i32
    %select_n3A = arith.select %eq3A_10, %mul3A_12, %add3A_16 : i32
    %eq3A_17 = arith.constant 0 : i32
    %eq3A_18 = arith.cmpi eq, %arg0, %eq3A_17 : i32
    %select_n3A_19 = arith.constant 80 : i32
    %select_n3A_20 = arith.constant 80 : i32
    %select_n3A_21 = arith.select %eq3A_18, %select_n3A_20, %select_n3A_19 : i32
    %dma_start3A = arith.constant 0 : i32
    %dma_start3A_22 = arith.constant 0 : i32
    %dma_start3A_23 = tpu.memref_slice %arg3[%select_n3A, %dma_start3A, %dma_start3A_22] : memref<2560x3x128xi32, #tpu.memory_space<hbm>> -> memref<1x3x128xi32, #tpu.memory_space<hbm>>
    %dma_start3A_24 = tpu.memref_squeeze %dma_start3A_23 : memref<1x3x128xi32, #tpu.memory_space<hbm>> -> memref<3x128xi32, #tpu.memory_space<hbm>>
    %dma_start3A_25 = arith.constant 0 : i32
    %dma_start3A_26 = arith.constant 0 : i32
    %dma_start3A_27 = tpu.memref_slice %arg3[%select_n3A, %dma_start3A_25, %dma_start3A_26] : memref<2560x3x128xi32, #tpu.memory_space<hbm>> -> memref<1x3x128xi32, #tpu.memory_space<hbm>>
    %dma_start3A_28 = tpu.memref_squeeze %dma_start3A_27 : memref<1x3x128xi32, #tpu.memory_space<hbm>> -> memref<3x128xi32, #tpu.memory_space<hbm>>
    tpu.enqueue_dma source(%dma_start3A_28 : memref<3x128xi32, #tpu.memory_space<hbm>>) target(%arg5 : memref<3x128xi32, #tpu.memory_space<vmem>>) target_semaphore(%arg12 : memref<!tpu.dma_semaphore, #tpu.memory_space<semaphore_mem>>)
    %dma_wait3A = arith.constant 0 : i32
    %dma_wait3A_29 = arith.constant 0 : i32
    %dma_wait3A_30 = tpu.memref_slice %arg3[%select_n3A, %dma_wait3A, %dma_wait3A_29] : memref<2560x3x128xi32, #tpu.memory_space<hbm>> -> memref<1x3x128xi32, #tpu.memory_space<hbm>>
    %dma_wait3A_31 = tpu.memref_squeeze %dma_wait3A_30 : memref<1x3x128xi32, #tpu.memory_space<hbm>> -> memref<3x128xi32, #tpu.memory_space<hbm>>
    %dma_wait3A_32 = arith.constant 0 : i32
    %dma_wait3A_33 = arith.constant 0 : i32
    %dma_wait3A_34 = tpu.memref_slice %arg3[%select_n3A, %dma_wait3A_32, %dma_wait3A_33] : memref<2560x3x128xi32, #tpu.memory_space<hbm>> -> memref<1x3x128xi32, #tpu.memory_space<hbm>>
    %dma_wait3A_35 = tpu.memref_squeeze %dma_wait3A_34 : memref<1x3x128xi32, #tpu.memory_space<hbm>> -> memref<3x128xi32, #tpu.memory_space<hbm>>
    tpu.wait_dma2 semaphore(%arg12 : memref<!tpu.dma_semaphore, #tpu.memory_space<semaphore_mem>>) src(%dma_wait3A_35 : memref<3x128xi32, #tpu.memory_space<hbm>>) dst(%arg5 : memref<3x128xi32, #tpu.memory_space<vmem>>)
    %dma_start3A_36 = arith.constant 0 : i32
    %dma_start3A_37 = arith.constant 0 : i32
    %dma_start3A_38 = tpu.memref_slice %arg5[%dma_start3A_36, %dma_start3A_37] : memref<3x128xi32, #tpu.memory_space<vmem>> -> memref<1x128xi32, #tpu.memory_space<vmem>>
    %dma_start3A_39 = tpu.memref_squeeze %dma_start3A_38 : memref<1x128xi32, #tpu.memory_space<vmem>> -> memref<128xi32, #tpu.memory_space<vmem>>
    %dma_start3A_40 = arith.constant 0 : i32
    %dma_start3A_41 = arith.constant 0 : i32
    %dma_start3A_42 = tpu.memref_slice %arg2[%dma_start3A_40, %dma_start3A_41] : memref<10240x128xf32, #tpu.memory_space<hbm>> -> memref<10240x128xf32, #tpu.memory_space<hbm>>
    tpu.enqueue_indirect_dma source(%dma_start3A_42 : memref<10240x128xf32, #tpu.memory_space<hbm>>) target(%arg7 : memref<128x128xf32, #tpu.memory_space<vmem>>) offsets(%dma_start3A_39 : memref<128xi32, #tpu.memory_space<vmem>>) semaphore(%arg10 : memref<!tpu.dma_semaphore, #tpu.memory_space<semaphore_mem>>)
    %add3A_43 = arith.constant 1 : i32
    %add3A_44 = arith.addi %select_n3A, %add3A_43 : i32
    %dma_start3A_45 = arith.constant 0 : i32
    %dma_start3A_46 = arith.constant 0 : i32
    %dma_start3A_47 = tpu.memref_slice %arg3[%add3A_44, %dma_start3A_45, %dma_start3A_46] : memref<2560x3x128xi32, #tpu.memory_space<hbm>> -> memref<1x3x128xi32, #tpu.memory_space<hbm>>
    %dma_start3A_48 = tpu.memref_squeeze %dma_start3A_47 : memref<1x3x128xi32, #tpu.memory_space<hbm>> -> memref<3x128xi32, #tpu.memory_space<hbm>>
    %dma_start3A_49 = arith.constant 0 : i32
    %dma_start3A_50 = arith.constant 0 : i32
    %dma_start3A_51 = tpu.memref_slice %arg3[%add3A_44, %dma_start3A_49, %dma_start3A_50] : memref<2560x3x128xi32, #tpu.memory_space<hbm>> -> memref<1x3x128xi32, #tpu.memory_space<hbm>>
    %dma_start3A_52 = tpu.memref_squeeze %dma_start3A_51 : memref<1x3x128xi32, #tpu.memory_space<hbm>> -> memref<3x128xi32, #tpu.memory_space<hbm>>
    tpu.enqueue_dma source(%dma_start3A_52 : memref<3x128xi32, #tpu.memory_space<hbm>>) target(%arg6 : memref<3x128xi32, #tpu.memory_space<vmem>>) target_semaphore(%arg13 : memref<!tpu.dma_semaphore, #tpu.memory_space<semaphore_mem>>)
    %barrier3A = arith.constant 0 : index
    tpu.barrier barrier_id(%barrier3A)
    "tpu.trace_start"() <{level = 10 : i32, message = "edge_loop"}> : () -> ()
    %sub3A = arith.constant 0 : i32
    %sub3A_53 = arith.subi %select_n3A_21, %sub3A : i32
    %sub3A_54 = arith.constant 2 : i32
    %sub3A_55 = arith.constant 1 : i32
    %sub3A_56 = arith.subi %sub3A_54, %sub3A_55 : i32
    %add3A_57 = arith.addi %sub3A_53, %sub3A_56 : i32
    %div3A = arith.constant 2 : i32
    %div3A_58 = arith.divsi %add3A_57, %div3A : i32
    %while3A = arith.constant 2 : i32
    %while3A_59 = arith.constant 0 : i32
    %while3A_60 = arith.constant 0 : i32
    %while3A_61 = arith.subi %div3A_58, %while3A_60 : i32
    %while3A_62 = arith.addi %while3A_60, %while3A_61 : i32
    %while3A_63 = arith.constant 1 : i32
    %while3A_64 = arith.divsi %while3A_61, %while3A_63 : i32
    %while3A_65 = arith.muli %while3A_64, %while3A_63 : i32
    %while3A_66 = arith.addi %while3A_60, %while3A_65 : i32
    %while3A_67 = arith.constant 1 : i32
    scf.for %while3A_74 = %while3A_60 to %while3A_66 step %while3A_67  : i32 {
      %mul3A_75 = arith.muli %while3A_74, %while3A : i32
      %add3A_76 = arith.addi %while3A_59, %mul3A_75 : i32
      %add3A_77 = arith.constant 0 : i32
      %add3A_78 = arith.addi %add3A_76, %add3A_77 : i32
      %dma_wait3A_79 = arith.constant 0 : i32
      %dma_wait3A_80 = arith.constant 0 : i32
      %dma_wait3A_81 = tpu.memref_slice %arg5[%dma_wait3A_79, %dma_wait3A_80] : memref<3x128xi32, #tpu.memory_space<vmem>> -> memref<1x128xi32, #tpu.memory_space<vmem>>
      %dma_wait3A_82 = tpu.memref_squeeze %dma_wait3A_81 : memref<1x128xi32, #tpu.memory_space<vmem>> -> memref<128xi32, #tpu.memory_space<vmem>>
      %dma_wait3A_83 = arith.constant 0 : i32
      %dma_wait3A_84 = arith.constant 0 : i32
      %dma_wait3A_85 = tpu.memref_slice %arg2[%dma_wait3A_83, %dma_wait3A_84] : memref<10240x128xf32, #tpu.memory_space<hbm>> -> memref<10240x128xf32, #tpu.memory_space<hbm>>
      tpu.wait_indirect_dma semaphore(%arg10 : memref<!tpu.dma_semaphore, #tpu.memory_space<semaphore_mem>>) src(%dma_wait3A_85 : memref<10240x128xf32, #tpu.memory_space<hbm>>) dst(%arg7 : memref<128x128xf32, #tpu.memory_space<vmem>>)
      %add3A_86 = arith.constant 1 : i32
      %add3A_87 = arith.addi %add3A_78, %add3A_86 : i32
      %lt3A = arith.cmpi slt, %add3A_87, %select_n3A_21 : i32
      %convert_element_type3A = arith.extui %lt3A : i1 to i32
      %cond3A = arith.constant 0 : i32
      %cond3A_88 = arith.cmpi ne, %convert_element_type3A, %cond3A : i32
      scf.if %cond3A_88 {
        %add3A_127 = arith.addi %select_n3A, %add3A_78 : i32
        %add3A_128 = arith.constant 1 : i32
        %add3A_129 = arith.addi %add3A_127, %add3A_128 : i32
        %dma_wait3A_130 = arith.constant 0 : i32
        %dma_wait3A_131 = arith.constant 0 : i32
        %dma_wait3A_132 = tpu.memref_slice %arg3[%add3A_129, %dma_wait3A_130, %dma_wait3A_131] : memref<2560x3x128xi32, #tpu.memory_space<hbm>> -> memref<1x3x128xi32, #tpu.memory_space<hbm>>
        %dma_wait3A_133 = tpu.memref_squeeze %dma_wait3A_132 : memref<1x3x128xi32, #tpu.memory_space<hbm>> -> memref<3x128xi32, #tpu.memory_space<hbm>>
        %dma_wait3A_134 = arith.constant 0 : i32
        %dma_wait3A_135 = arith.constant 0 : i32
        %dma_wait3A_136 = tpu.memref_slice %arg3[%add3A_129, %dma_wait3A_134, %dma_wait3A_135] : memref<2560x3x128xi32, #tpu.memory_space<hbm>> -> memref<1x3x128xi32, #tpu.memory_space<hbm>>
        %dma_wait3A_137 = tpu.memref_squeeze %dma_wait3A_136 : memref<1x3x128xi32, #tpu.memory_space<hbm>> -> memref<3x128xi32, #tpu.memory_space<hbm>>
        tpu.wait_dma2 semaphore(%arg13 : memref<!tpu.dma_semaphore, #tpu.memory_space<semaphore_mem>>) src(%dma_wait3A_137 : memref<3x128xi32, #tpu.memory_space<hbm>>) dst(%arg6 : memref<3x128xi32, #tpu.memory_space<vmem>>)
        %dma_start3A_138 = arith.constant 0 : i32
        %dma_start3A_139 = arith.constant 0 : i32
        %dma_start3A_140 = tpu.memref_slice %arg6[%dma_start3A_138, %dma_start3A_139] : memref<3x128xi32, #tpu.memory_space<vmem>> -> memref<1x128xi32, #tpu.memory_space<vmem>>
        %dma_start3A_141 = tpu.memref_squeeze %dma_start3A_140 : memref<1x128xi32, #tpu.memory_space<vmem>> -> memref<128xi32, #tpu.memory_space<vmem>>
        %dma_start3A_142 = arith.constant 0 : i32
        %dma_start3A_143 = arith.constant 0 : i32
        %dma_start3A_144 = tpu.memref_slice %arg2[%dma_start3A_142, %dma_start3A_143] : memref<10240x128xf32, #tpu.memory_space<hbm>> -> memref<10240x128xf32, #tpu.memory_space<hbm>>
        tpu.enqueue_indirect_dma source(%dma_start3A_144 : memref<10240x128xf32, #tpu.memory_space<hbm>>) target(%arg8 : memref<128x128xf32, #tpu.memory_space<vmem>>) offsets(%dma_start3A_141 : memref<128xi32, #tpu.memory_space<vmem>>) semaphore(%arg11 : memref<!tpu.dma_semaphore, #tpu.memory_space<semaphore_mem>>)
      } else {
      }
      %scan3A_89 = arith.constant 0 : i32
      %scan3A_90 = arith.constant 128 : i32
      %scan3A_91 = arith.addi %scan3A_89, %scan3A_90 : i32
      %scan3A_92 = arith.constant 1 : i32
      scf.for %scan3A_127 = %scan3A_89 to %scan3A_91 step %scan3A_92  : i32 {
        %mul3A_128 = arith.constant 1 : i32
        %mul3A_129 = arith.muli %scan3A_127, %mul3A_128 : i32
        %add3A_130 = arith.constant 0 : i32
        %add3A_131 = arith.addi %add3A_130, %mul3A_129 : i32
        %broadcast_in_dim3A = vector.broadcast %add3A_131 : i32 to vector<16xi32>
        %broadcast_in_dim3A_132 = arith.constant 2 : i32
        %broadcast_in_dim3A_133 = vector.broadcast %broadcast_in_dim3A_132 : i32 to vector<16xi32>
        %gather3A = tpu.vector_load_idx %arg5[%broadcast_in_dim3A_133, %broadcast_in_dim3A] : memref<3x128xi32, #tpu.memory_space<vmem>>[vector<16xi32>, vector<16xi32>], vector<16xi32>,
        %bitcast3A = vector.bitcast %gather3A : vector<16xi32> to vector<16xf32>
        %get3A = arith.index_cast %add3A_131 : i32 to index
        %get3A_134 = arith.constant 0 : index
        %get3A_135 = tpu.vector_load %arg7[%get3A, %get3A_134] {strides = array<i32>} : memref<128x128xf32, #tpu.memory_space<vmem>>, vector<16xf32>,
        %mul3A_136 = arith.mulf %get3A_135, %bitcast3A : vector<16xf32>
        %swap3A = arith.index_cast %add3A_131 : i32 to index
        %swap3A_137 = arith.constant 0 : index
        %swap3A_138 = tpu.vector_load %arg7[%swap3A, %swap3A_137] {strides = array<i32>} : memref<128x128xf32, #tpu.memory_space<vmem>>, vector<16xf32>,
        tpu.vector_store %arg7[%swap3A, %swap3A_137], %mul3A_136 {strides = array<i32>} : memref<128x128xf32, #tpu.memory_space<vmem>>, vector<16xf32>,
        %get3A_139 = arith.index_cast %add3A_131 : i32 to index
        %get3A_140 = arith.constant 16 : index
        %get3A_141 = tpu.vector_load %arg7[%get3A_139, %get3A_140] {strides = array<i32>} : memref<128x128xf32, #tpu.memory_space<vmem>>, vector<16xf32>,
        %mul3A_142 = arith.mulf %get3A_141, %bitcast3A : vector<16xf32>
        %swap3A_143 = arith.index_cast %add3A_131 : i32 to index
        %swap3A_144 = arith.constant 16 : index
        %swap3A_145 = tpu.vector_load %arg7[%swap3A_143, %swap3A_144] {strides = array<i32>} : memref<128x128xf32, #tpu.memory_space<vmem>>, vector<16xf32>,
        tpu.vector_store %arg7[%swap3A_143, %swap3A_144], %mul3A_142 {strides = array<i32>} : memref<128x128xf32, #tpu.memory_space<vmem>>, vector<16xf32>,
        %get3A_146 = arith.index_cast %add3A_131 : i32 to index
        %get3A_147 = arith.constant 32 : index
        %get3A_148 = tpu.vector_load %arg7[%get3A_146, %get3A_147] {strides = array<i32>} : memref<128x128xf32, #tpu.memory_space<vmem>>, vector<16xf32>,
        %mul3A_149 = arith.mulf %get3A_148, %bitcast3A : vector<16xf32>
        %swap3A_150 = arith.index_cast %add3A_131 : i32 to index
        %swap3A_151 = arith.constant 32 : index
        %swap3A_152 = tpu.vector_load %arg7[%swap3A_150, %swap3A_151] {strides = array<i32>} : memref<128x128xf32, #tpu.memory_space<vmem>>, vector<16xf32>,
        tpu.vector_store %arg7[%swap3A_150, %swap3A_151], %mul3A_149 {strides = array<i32>} : memref<128x128xf32, #tpu.memory_space<vmem>>, vector<16xf32>,
        %get3A_153 = arith.index_cast %add3A_131 : i32 to index
        %get3A_154 = arith.constant 48 : index
        %get3A_155 = tpu.vector_load %arg7[%get3A_153, %get3A_154] {strides = array<i32>} : memref<128x128xf32, #tpu.memory_space<vmem>>, vector<16xf32>,
        %mul3A_156 = arith.mulf %get3A_155, %bitcast3A : vector<16xf32>
        %swap3A_157 = arith.index_cast %add3A_131 : i32 to index
        %swap3A_158 = arith.constant 48 : index
        %swap3A_159 = tpu.vector_load %arg7[%swap3A_157, %swap3A_158] {strides = array<i32>} : memref<128x128xf32, #tpu.memory_space<vmem>>, vector<16xf32>,
        tpu.vector_store %arg7[%swap3A_157, %swap3A_158], %mul3A_156 {strides = array<i32>} : memref<128x128xf32, #tpu.memory_space<vmem>>, vector<16xf32>,
        %get3A_160 = arith.index_cast %add3A_131 : i32 to index
        %get3A_161 = arith.constant 64 : index
        %get3A_162 = tpu.vector_load %arg7[%get3A_160, %get3A_161] {strides = array<i32>} : memref<128x128xf32, #tpu.memory_space<vmem>>, vector<16xf32>,
        %mul3A_163 = arith.mulf %get3A_162, %bitcast3A : vector<16xf32>
        %swap3A_164 = arith.index_cast %add3A_131 : i32 to index
        %swap3A_165 = arith.constant 64 : index
        %swap3A_166 = tpu.vector_load %arg7[%swap3A_164, %swap3A_165] {strides = array<i32>} : memref<128x128xf32, #tpu.memory_space<vmem>>, vector<16xf32>,
        tpu.vector_store %arg7[%swap3A_164, %swap3A_165], %mul3A_163 {strides = array<i32>} : memref<128x128xf32, #tpu.memory_space<vmem>>, vector<16xf32>,
        %get3A_167 = arith.index_cast %add3A_131 : i32 to index
        %get3A_168 = arith.constant 80 : index
        %get3A_169 = tpu.vector_load %arg7[%get3A_167, %get3A_168] {strides = array<i32>} : memref<128x128xf32, #tpu.memory_space<vmem>>, vector<16xf32>,
        %mul3A_170 = arith.mulf %get3A_169, %bitcast3A : vector<16xf32>
        %swap3A_171 = arith.index_cast %add3A_131 : i32 to index
        %swap3A_172 = arith.constant 80 : index
        %swap3A_173 = tpu.vector_load %arg7[%swap3A_171, %swap3A_172] {strides = array<i32>} : memref<128x128xf32, #tpu.memory_space<vmem>>, vector<16xf32>,
        tpu.vector_store %arg7[%swap3A_171, %swap3A_172], %mul3A_170 {strides = array<i32>} : memref<128x128xf32, #tpu.memory_space<vmem>>, vector<16xf32>,
        %get3A_174 = arith.index_cast %add3A_131 : i32 to index
        %get3A_175 = arith.constant 96 : index
        %get3A_176 = tpu.vector_load %arg7[%get3A_174, %get3A_175] {strides = array<i32>} : memref<128x128xf32, #tpu.memory_space<vmem>>, vector<16xf32>,
        %mul3A_177 = arith.mulf %get3A_176, %bitcast3A : vector<16xf32>
        %swap3A_178 = arith.index_cast %add3A_131 : i32 to index
        %swap3A_179 = arith.constant 96 : index
        %swap3A_180 = tpu.vector_load %arg7[%swap3A_178, %swap3A_179] {strides = array<i32>} : memref<128x128xf32, #tpu.memory_space<vmem>>, vector<16xf32>,
        tpu.vector_store %arg7[%swap3A_178, %swap3A_179], %mul3A_177 {strides = array<i32>} : memref<128x128xf32, #tpu.memory_space<vmem>>, vector<16xf32>,
        %get3A_181 = arith.index_cast %add3A_131 : i32 to index
        %get3A_182 = arith.constant 112 : index
        %get3A_183 = tpu.vector_load %arg7[%get3A_181, %get3A_182] {strides = array<i32>} : memref<128x128xf32, #tpu.memory_space<vmem>>, vector<16xf32>,
        %mul3A_184 = arith.mulf %get3A_183, %bitcast3A : vector<16xf32>
        %swap3A_185 = arith.index_cast %add3A_131 : i32 to index
        %swap3A_186 = arith.constant 112 : index
        %swap3A_187 = tpu.vector_load %arg7[%swap3A_185, %swap3A_186] {strides = array<i32>} : memref<128x128xf32, #tpu.memory_space<vmem>>, vector<16xf32>,
        tpu.vector_store %arg7[%swap3A_185, %swap3A_186], %mul3A_184 {strides = array<i32>} : memref<128x128xf32, #tpu.memory_space<vmem>>, vector<16xf32>,
      }
      %scan3A_93 = arith.constant 128 : i32
      %run_scoped3A = arith.constant 1 : i32
      "tpu.region"() ({
        %run_scoped3A_127 = tpu.sem_alloc : memref<!tpu.dma_semaphore, #tpu.memory_space<semaphore_mem>>
        %dma_start3A_128 = arith.constant 0 : i32
        %dma_start3A_129 = tpu.memref_slice %arg5[%run_scoped3A, %dma_start3A_128] : memref<3x128xi32, #tpu.memory_space<vmem>> -> memref<1x128xi32, #tpu.memory_space<vmem>>
        %dma_start3A_130 = tpu.memref_squeeze %dma_start3A_129 : memref<1x128xi32, #tpu.memory_space<vmem>> -> memref<128xi32, #tpu.memory_space<vmem>>
        %dma_start3A_131 = arith.constant 0 : i32
        %dma_start3A_132 = arith.constant 0 : i32
        %dma_start3A_133 = tpu.memref_slice %arg9[%dma_start3A_131, %dma_start3A_132] : memref<10240x128xf32, #tpu.memory_space<vmem_shared>> -> memref<10240x128xf32, #tpu.memory_space<vmem_shared>>
        tpu.enqueue_indirect_dma source(%arg7 : memref<128x128xf32, #tpu.memory_space<vmem>>) target(%dma_start3A_133 : memref<10240x128xf32, #tpu.memory_space<vmem_shared>>) offsets(%dma_start3A_130 : memref<128xi32, #tpu.memory_space<vmem>>) semaphore(%run_scoped3A_127 : memref<!tpu.dma_semaphore, #tpu.memory_space<semaphore_mem>>) {add = true}
        %dma_wait3A_134 = arith.constant 0 : i32
        %dma_wait3A_135 = tpu.memref_slice %arg5[%run_scoped3A, %dma_wait3A_134] : memref<3x128xi32, #tpu.memory_space<vmem>> -> memref<1x128xi32, #tpu.memory_space<vmem>>
        %dma_wait3A_136 = tpu.memref_squeeze %dma_wait3A_135 : memref<1x128xi32, #tpu.memory_space<vmem>> -> memref<128xi32, #tpu.memory_space<vmem>>
        %dma_wait3A_137 = arith.constant 0 : i32
        %dma_wait3A_138 = arith.constant 0 : i32
        %dma_wait3A_139 = tpu.memref_slice %arg9[%dma_wait3A_137, %dma_wait3A_138] : memref<10240x128xf32, #tpu.memory_space<vmem_shared>> -> memref<10240x128xf32, #tpu.memory_space<vmem_shared>>
        tpu.wait_indirect_dma semaphore(%run_scoped3A_127 : memref<!tpu.dma_semaphore, #tpu.memory_space<semaphore_mem>>) src(%arg7 : memref<128x128xf32, #tpu.memory_space<vmem>>) dst(%dma_wait3A_139 : memref<10240x128xf32, #tpu.memory_space<vmem_shared>>)
        tpu.yield
      }) : () -> ()
      %add3A_94 = arith.constant 2 : i32
      %add3A_95 = arith.addi %add3A_78, %add3A_94 : i32
      %lt3A_96 = arith.cmpi slt, %add3A_95, %select_n3A_21 : i32
      %convert_element_type3A_97 = arith.extui %lt3A_96 : i1 to i32
      %cond3A_98 = arith.constant 0 : i32
      %cond3A_99 = arith.cmpi ne, %convert_element_type3A_97, %cond3A_98 : i32
      scf.if %cond3A_99 {
        %add3A_127 = arith.addi %select_n3A, %add3A_78 : i32
        %add3A_128 = arith.constant 2 : i32
        %add3A_129 = arith.addi %add3A_127, %add3A_128 : i32
        %dma_start3A_130 = arith.constant 0 : i32
        %dma_start3A_131 = arith.constant 0 : i32
        %dma_start3A_132 = tpu.memref_slice %arg3[%add3A_129, %dma_start3A_130, %dma_start3A_131] : memref<2560x3x128xi32, #tpu.memory_space<hbm>> -> memref<1x3x128xi32, #tpu.memory_space<hbm>>
        %dma_start3A_133 = tpu.memref_squeeze %dma_start3A_132 : memref<1x3x128xi32, #tpu.memory_space<hbm>> -> memref<3x128xi32, #tpu.memory_space<hbm>>
        %dma_start3A_134 = arith.constant 0 : i32
        %dma_start3A_135 = arith.constant 0 : i32
        %dma_start3A_136 = tpu.memref_slice %arg3[%add3A_129, %dma_start3A_134, %dma_start3A_135] : memref<2560x3x128xi32, #tpu.memory_space<hbm>> -> memref<1x3x128xi32, #tpu.memory_space<hbm>>
        %dma_start3A_137 = tpu.memref_squeeze %dma_start3A_136 : memref<1x3x128xi32, #tpu.memory_space<hbm>> -> memref<3x128xi32, #tpu.memory_space<hbm>>
        tpu.enqueue_dma source(%dma_start3A_137 : memref<3x128xi32, #tpu.memory_space<hbm>>) target(%arg5 : memref<3x128xi32, #tpu.memory_space<vmem>>) target_semaphore(%arg12 : memref<!tpu.dma_semaphore, #tpu.memory_space<semaphore_mem>>)
      } else {
      }
      %add3A_100 = arith.constant 1 : i32
      %add3A_101 = arith.addi %add3A_76, %add3A_100 : i32
      %dma_wait3A_102 = arith.constant 0 : i32
      %dma_wait3A_103 = arith.constant 0 : i32
      %dma_wait3A_104 = tpu.memref_slice %arg6[%dma_wait3A_102, %dma_wait3A_103] : memref<3x128xi32, #tpu.memory_space<vmem>> -> memref<1x128xi32, #tpu.memory_space<vmem>>
      %dma_wait3A_105 = tpu.memref_squeeze %dma_wait3A_104 : memref<1x128xi32, #tpu.memory_space<vmem>> -> memref<128xi32, #tpu.memory_space<vmem>>
      %dma_wait3A_106 = arith.constant 0 : i32
      %dma_wait3A_107 = arith.constant 0 : i32
      %dma_wait3A_108 = tpu.memref_slice %arg2[%dma_wait3A_106, %dma_wait3A_107] : memref<10240x128xf32, #tpu.memory_space<hbm>> -> memref<10240x128xf32, #tpu.memory_space<hbm>>
      tpu.wait_indirect_dma semaphore(%arg11 : memref<!tpu.dma_semaphore, #tpu.memory_space<semaphore_mem>>) src(%dma_wait3A_108 : memref<10240x128xf32, #tpu.memory_space<hbm>>) dst(%arg8 : memref<128x128xf32, #tpu.memory_space<vmem>>)
      %add3A_109 = arith.constant 1 : i32
      %add3A_110 = arith.addi %add3A_101, %add3A_109 : i32
      %lt3A_111 = arith.cmpi slt, %add3A_110, %select_n3A_21 : i32
      %convert_element_type3A_112 = arith.extui %lt3A_111 : i1 to i32
      %cond3A_113 = arith.constant 0 : i32
      %cond3A_114 = arith.cmpi ne, %convert_element_type3A_112, %cond3A_113 : i32
      scf.if %cond3A_114 {
        %add3A_127 = arith.addi %select_n3A, %add3A_101 : i32
        %add3A_128 = arith.constant 1 : i32
        %add3A_129 = arith.addi %add3A_127, %add3A_128 : i32
        %dma_wait3A_130 = arith.constant 0 : i32
        %dma_wait3A_131 = arith.constant 0 : i32
        %dma_wait3A_132 = tpu.memref_slice %arg3[%add3A_129, %dma_wait3A_130, %dma_wait3A_131] : memref<2560x3x128xi32, #tpu.memory_space<hbm>> -> memref<1x3x128xi32, #tpu.memory_space<hbm>>
        %dma_wait3A_133 = tpu.memref_squeeze %dma_wait3A_132 : memref<1x3x128xi32, #tpu.memory_space<hbm>> -> memref<3x128xi32, #tpu.memory_space<hbm>>
        %dma_wait3A_134 = arith.constant 0 : i32
        %dma_wait3A_135 = arith.constant 0 : i32
        %dma_wait3A_136 = tpu.memref_slice %arg3[%add3A_129, %dma_wait3A_134, %dma_wait3A_135] : memref<2560x3x128xi32, #tpu.memory_space<hbm>> -> memref<1x3x128xi32, #tpu.memory_space<hbm>>
        %dma_wait3A_137 = tpu.memref_squeeze %dma_wait3A_136 : memref<1x3x128xi32, #tpu.memory_space<hbm>> -> memref<3x128xi32, #tpu.memory_space<hbm>>
        tpu.wait_dma2 semaphore(%arg12 : memref<!tpu.dma_semaphore, #tpu.memory_space<semaphore_mem>>) src(%dma_wait3A_137 : memref<3x128xi32, #tpu.memory_space<hbm>>) dst(%arg5 : memref<3x128xi32, #tpu.memory_space<vmem>>)
        %dma_start3A_138 = arith.constant 0 : i32
        %dma_start3A_139 = arith.constant 0 : i32
        %dma_start3A_140 = tpu.memref_slice %arg5[%dma_start3A_138, %dma_start3A_139] : memref<3x128xi32, #tpu.memory_space<vmem>> -> memref<1x128xi32, #tpu.memory_space<vmem>>
        %dma_start3A_141 = tpu.memref_squeeze %dma_start3A_140 : memref<1x128xi32, #tpu.memory_space<vmem>> -> memref<128xi32, #tpu.memory_space<vmem>>
        %dma_start3A_142 = arith.constant 0 : i32
        %dma_start3A_143 = arith.constant 0 : i32
        %dma_start3A_144 = tpu.memref_slice %arg2[%dma_start3A_142, %dma_start3A_143] : memref<10240x128xf32, #tpu.memory_space<hbm>> -> memref<10240x128xf32, #tpu.memory_space<hbm>>
        tpu.enqueue_indirect_dma source(%dma_start3A_144 : memref<10240x128xf32, #tpu.memory_space<hbm>>) target(%arg7 : memref<128x128xf32, #tpu.memory_space<vmem>>) offsets(%dma_start3A_141 : memref<128xi32, #tpu.memory_space<vmem>>) semaphore(%arg10 : memref<!tpu.dma_semaphore, #tpu.memory_space<semaphore_mem>>)
      } else {
      }
      %scan3A_115 = arith.constant 0 : i32
      %scan3A_116 = arith.constant 128 : i32
      %scan3A_117 = arith.addi %scan3A_115, %scan3A_116 : i32
      %scan3A_118 = arith.constant 1 : i32
      scf.for %scan3A_127 = %scan3A_115 to %scan3A_117 step %scan3A_118  : i32 {
        %mul3A_128 = arith.constant 1 : i32
        %mul3A_129 = arith.muli %scan3A_127, %mul3A_128 : i32
        %add3A_130 = arith.constant 0 : i32
        %add3A_131 = arith.addi %add3A_130, %mul3A_129 : i32
        %broadcast_in_dim3A = vector.broadcast %add3A_131 : i32 to vector<16xi32>
        %broadcast_in_dim3A_132 = arith.constant 2 : i32
        %broadcast_in_dim3A_133 = vector.broadcast %broadcast_in_dim3A_132 : i32 to vector<16xi32>
        %gather3A = tpu.vector_load_idx %arg6[%broadcast_in_dim3A_133, %broadcast_in_dim3A] : memref<3x128xi32, #tpu.memory_space<vmem>>[vector<16xi32>, vector<16xi32>], vector<16xi32>,
        %bitcast3A = vector.bitcast %gather3A : vector<16xi32> to vector<16xf32>
        %get3A = arith.index_cast %add3A_131 : i32 to index
        %get3A_134 = arith.constant 0 : index
        %get3A_135 = tpu.vector_load %arg8[%get3A, %get3A_134] {strides = array<i32>} : memref<128x128xf32, #tpu.memory_space<vmem>>, vector<16xf32>,
        %mul3A_136 = arith.mulf %get3A_135, %bitcast3A : vector<16xf32>
        %swap3A = arith.index_cast %add3A_131 : i32 to index
        %swap3A_137 = arith.constant 0 : index
        %swap3A_138 = tpu.vector_load %arg8[%swap3A, %swap3A_137] {strides = array<i32>} : memref<128x128xf32, #tpu.memory_space<vmem>>, vector<16xf32>,
        tpu.vector_store %arg8[%swap3A, %swap3A_137], %mul3A_136 {strides = array<i32>} : memref<128x128xf32, #tpu.memory_space<vmem>>, vector<16xf32>,
        %get3A_139 = arith.index_cast %add3A_131 : i32 to index
        %get3A_140 = arith.constant 16 : index
        %get3A_141 = tpu.vector_load %arg8[%get3A_139, %get3A_140] {strides = array<i32>} : memref<128x128xf32, #tpu.memory_space<vmem>>, vector<16xf32>,
        %mul3A_142 = arith.mulf %get3A_141, %bitcast3A : vector<16xf32>
        %swap3A_143 = arith.index_cast %add3A_131 : i32 to index
        %swap3A_144 = arith.constant 16 : index
        %swap3A_145 = tpu.vector_load %arg8[%swap3A_143, %swap3A_144] {strides = array<i32>} : memref<128x128xf32, #tpu.memory_space<vmem>>, vector<16xf32>,
        tpu.vector_store %arg8[%swap3A_143, %swap3A_144], %mul3A_142 {strides = array<i32>} : memref<128x128xf32, #tpu.memory_space<vmem>>, vector<16xf32>,
        %get3A_146 = arith.index_cast %add3A_131 : i32 to index
        %get3A_147 = arith.constant 32 : index
        %get3A_148 = tpu.vector_load %arg8[%get3A_146, %get3A_147] {strides = array<i32>} : memref<128x128xf32, #tpu.memory_space<vmem>>, vector<16xf32>,
        %mul3A_149 = arith.mulf %get3A_148, %bitcast3A : vector<16xf32>
        %swap3A_150 = arith.index_cast %add3A_131 : i32 to index
        %swap3A_151 = arith.constant 32 : index
        %swap3A_152 = tpu.vector_load %arg8[%swap3A_150, %swap3A_151] {strides = array<i32>} : memref<128x128xf32, #tpu.memory_space<vmem>>, vector<16xf32>,
        tpu.vector_store %arg8[%swap3A_150, %swap3A_151], %mul3A_149 {strides = array<i32>} : memref<128x128xf32, #tpu.memory_space<vmem>>, vector<16xf32>,
        %get3A_153 = arith.index_cast %add3A_131 : i32 to index
        %get3A_154 = arith.constant 48 : index
        %get3A_155 = tpu.vector_load %arg8[%get3A_153, %get3A_154] {strides = array<i32>} : memref<128x128xf32, #tpu.memory_space<vmem>>, vector<16xf32>,
        %mul3A_156 = arith.mulf %get3A_155, %bitcast3A : vector<16xf32>
        %swap3A_157 = arith.index_cast %add3A_131 : i32 to index
        %swap3A_158 = arith.constant 48 : index
        %swap3A_159 = tpu.vector_load %arg8[%swap3A_157, %swap3A_158] {strides = array<i32>} : memref<128x128xf32, #tpu.memory_space<vmem>>, vector<16xf32>,
        tpu.vector_store %arg8[%swap3A_157, %swap3A_158], %mul3A_156 {strides = array<i32>} : memref<128x128xf32, #tpu.memory_space<vmem>>, vector<16xf32>,
        %get3A_160 = arith.index_cast %add3A_131 : i32 to index
        %get3A_161 = arith.constant 64 : index
        %get3A_162 = tpu.vector_load %arg8[%get3A_160, %get3A_161] {strides = array<i32>} : memref<128x128xf32, #tpu.memory_space<vmem>>, vector<16xf32>,
        %mul3A_163 = arith.mulf %get3A_162, %bitcast3A : vector<16xf32>
        %swap3A_164 = arith.index_cast %add3A_131 : i32 to index
        %swap3A_165 = arith.constant 64 : index
        %swap3A_166 = tpu.vector_load %arg8[%swap3A_164, %swap3A_165] {strides = array<i32>} : memref<128x128xf32, #tpu.memory_space<vmem>>, vector<16xf32>,
        tpu.vector_store %arg8[%swap3A_164, %swap3A_165], %mul3A_163 {strides = array<i32>} : memref<128x128xf32, #tpu.memory_space<vmem>>, vector<16xf32>,
        %get3A_167 = arith.index_cast %add3A_131 : i32 to index
        %get3A_168 = arith.constant 80 : index
        %get3A_169 = tpu.vector_load %arg8[%get3A_167, %get3A_168] {strides = array<i32>} : memref<128x128xf32, #tpu.memory_space<vmem>>, vector<16xf32>,
        %mul3A_170 = arith.mulf %get3A_169, %bitcast3A : vector<16xf32>
        %swap3A_171 = arith.index_cast %add3A_131 : i32 to index
        %swap3A_172 = arith.constant 80 : index
        %swap3A_173 = tpu.vector_load %arg8[%swap3A_171, %swap3A_172] {strides = array<i32>} : memref<128x128xf32, #tpu.memory_space<vmem>>, vector<16xf32>,
        tpu.vector_store %arg8[%swap3A_171, %swap3A_172], %mul3A_170 {strides = array<i32>} : memref<128x128xf32, #tpu.memory_space<vmem>>, vector<16xf32>,
        %get3A_174 = arith.index_cast %add3A_131 : i32 to index
        %get3A_175 = arith.constant 96 : index
        %get3A_176 = tpu.vector_load %arg8[%get3A_174, %get3A_175] {strides = array<i32>} : memref<128x128xf32, #tpu.memory_space<vmem>>, vector<16xf32>,
        %mul3A_177 = arith.mulf %get3A_176, %bitcast3A : vector<16xf32>
        %swap3A_178 = arith.index_cast %add3A_131 : i32 to index
        %swap3A_179 = arith.constant 96 : index
        %swap3A_180 = tpu.vector_load %arg8[%swap3A_178, %swap3A_179] {strides = array<i32>} : memref<128x128xf32, #tpu.memory_space<vmem>>, vector<16xf32>,
        tpu.vector_store %arg8[%swap3A_178, %swap3A_179], %mul3A_177 {strides = array<i32>} : memref<128x128xf32, #tpu.memory_space<vmem>>, vector<16xf32>,
        %get3A_181 = arith.index_cast %add3A_131 : i32 to index
        %get3A_182 = arith.constant 112 : index
        %get3A_183 = tpu.vector_load %arg8[%get3A_181, %get3A_182] {strides = array<i32>} : memref<128x128xf32, #tpu.memory_space<vmem>>, vector<16xf32>,
        %mul3A_184 = arith.mulf %get3A_183, %bitcast3A : vector<16xf32>
        %swap3A_185 = arith.index_cast %add3A_131 : i32 to index
        %swap3A_186 = arith.constant 112 : index
        %swap3A_187 = tpu.vector_load %arg8[%swap3A_185, %swap3A_186] {strides = array<i32>} : memref<128x128xf32, #tpu.memory_space<vmem>>, vector<16xf32>,
        tpu.vector_store %arg8[%swap3A_185, %swap3A_186], %mul3A_184 {strides = array<i32>} : memref<128x128xf32, #tpu.memory_space<vmem>>, vector<16xf32>,
      }
      %scan3A_119 = arith.constant 128 : i32
      %run_scoped3A_120 = arith.constant 1 : i32
      "tpu.region"() ({
        %run_scoped3A_127 = tpu.sem_alloc : memref<!tpu.dma_semaphore, #tpu.memory_space<semaphore_mem>>
        %dma_start3A_128 = arith.constant 0 : i32
        %dma_start3A_129 = tpu.memref_slice %arg6[%run_scoped3A_120, %dma_start3A_128] : memref<3x128xi32, #tpu.memory_space<vmem>> -> memref<1x128xi32, #tpu.memory_space<vmem>>
        %dma_start3A_130 = tpu.memref_squeeze %dma_start3A_129 : memref<1x128xi32, #tpu.memory_space<vmem>> -> memref<128xi32, #tpu.memory_space<vmem>>
        %dma_start3A_131 = arith.constant 0 : i32
        %dma_start3A_132 = arith.constant 0 : i32
        %dma_start3A_133 = tpu.memref_slice %arg9[%dma_start3A_131, %dma_start3A_132] : memref<10240x128xf32, #tpu.memory_space<vmem_shared>> -> memref<10240x128xf32, #tpu.memory_space<vmem_shared>>
        tpu.enqueue_indirect_dma source(%arg8 : memref<128x128xf32, #tpu.memory_space<vmem>>) target(%dma_start3A_133 : memref<10240x128xf32, #tpu.memory_space<vmem_shared>>) offsets(%dma_start3A_130 : memref<128xi32, #tpu.memory_space<vmem>>) semaphore(%run_scoped3A_127 : memref<!tpu.dma_semaphore, #tpu.memory_space<semaphore_mem>>) {add = true}
        %dma_wait3A_134 = arith.constant 0 : i32
        %dma_wait3A_135 = tpu.memref_slice %arg6[%run_scoped3A_120, %dma_wait3A_134] : memref<3x128xi32, #tpu.memory_space<vmem>> -> memref<1x128xi32, #tpu.memory_space<vmem>>
        %dma_wait3A_136 = tpu.memref_squeeze %dma_wait3A_135 : memref<1x128xi32, #tpu.memory_space<vmem>> -> memref<128xi32, #tpu.memory_space<vmem>>
        %dma_wait3A_137 = arith.constant 0 : i32
        %dma_wait3A_138 = arith.constant 0 : i32
        %dma_wait3A_139 = tpu.memref_slice %arg9[%dma_wait3A_137, %dma_wait3A_138] : memref<10240x128xf32, #tpu.memory_space<vmem_shared>> -> memref<10240x128xf32, #tpu.memory_space<vmem_shared>>
        tpu.wait_indirect_dma semaphore(%run_scoped3A_127 : memref<!tpu.dma_semaphore, #tpu.memory_space<semaphore_mem>>) src(%arg8 : memref<128x128xf32, #tpu.memory_space<vmem>>) dst(%dma_wait3A_139 : memref<10240x128xf32, #tpu.memory_space<vmem_shared>>)
        tpu.yield
      }) : () -> ()
      %add3A_121 = arith.constant 2 : i32
      %add3A_122 = arith.addi %add3A_101, %add3A_121 : i32
      %lt3A_123 = arith.cmpi slt, %add3A_122, %select_n3A_21 : i32
      %convert_element_type3A_124 = arith.extui %lt3A_123 : i1 to i32
      %cond3A_125 = arith.constant 0 : i32
      %cond3A_126 = arith.cmpi ne, %convert_element_type3A_124, %cond3A_125 : i32
      scf.if %cond3A_126 {
        %add3A_127 = arith.addi %select_n3A, %add3A_101 : i32
        %add3A_128 = arith.constant 2 : i32
        %add3A_129 = arith.addi %add3A_127, %add3A_128 : i32
        %dma_start3A_130 = arith.constant 0 : i32
        %dma_start3A_131 = arith.constant 0 : i32
        %dma_start3A_132 = tpu.memref_slice %arg3[%add3A_129, %dma_start3A_130, %dma_start3A_131] : memref<2560x3x128xi32, #tpu.memory_space<hbm>> -> memref<1x3x128xi32, #tpu.memory_space<hbm>>
        %dma_start3A_133 = tpu.memref_squeeze %dma_start3A_132 : memref<1x3x128xi32, #tpu.memory_space<hbm>> -> memref<3x128xi32, #tpu.memory_space<hbm>>
        %dma_start3A_134 = arith.constant 0 : i32
        %dma_start3A_135 = arith.constant 0 : i32
        %dma_start3A_136 = tpu.memref_slice %arg3[%add3A_129, %dma_start3A_134, %dma_start3A_135] : memref<2560x3x128xi32, #tpu.memory_space<hbm>> -> memref<1x3x128xi32, #tpu.memory_space<hbm>>
        %dma_start3A_137 = tpu.memref_squeeze %dma_start3A_136 : memref<1x3x128xi32, #tpu.memory_space<hbm>> -> memref<3x128xi32, #tpu.memory_space<hbm>>
        tpu.enqueue_dma source(%dma_start3A_137 : memref<3x128xi32, #tpu.memory_space<hbm>>) target(%arg6 : memref<3x128xi32, #tpu.memory_space<vmem>>) target_semaphore(%arg13 : memref<!tpu.dma_semaphore, #tpu.memory_space<semaphore_mem>>)
      } else {
      }
    }
    %while3A_68 = arith.constant 1 : i32
    scf.for %while3A_74 = %while3A_66 to %while3A_62 step %while3A_68  : i32 {
      %mul3A_75 = arith.muli %while3A_74, %while3A : i32
      %add3A_76 = arith.addi %while3A_59, %mul3A_75 : i32
      %add3A_77 = arith.constant 0 : i32
      %add3A_78 = arith.addi %add3A_76, %add3A_77 : i32
      %dma_wait3A_79 = arith.constant 0 : i32
      %dma_wait3A_80 = arith.constant 0 : i32
      %dma_wait3A_81 = tpu.memref_slice %arg5[%dma_wait3A_79, %dma_wait3A_80] : memref<3x128xi32, #tpu.memory_space<vmem>> -> memref<1x128xi32, #tpu.memory_space<vmem>>
      %dma_wait3A_82 = tpu.memref_squeeze %dma_wait3A_81 : memref<1x128xi32, #tpu.memory_space<vmem>> -> memref<128xi32, #tpu.memory_space<vmem>>
      %dma_wait3A_83 = arith.constant 0 : i32
      %dma_wait3A_84 = arith.constant 0 : i32
      %dma_wait3A_85 = tpu.memref_slice %arg2[%dma_wait3A_83, %dma_wait3A_84] : memref<10240x128xf32, #tpu.memory_space<hbm>> -> memref<10240x128xf32, #tpu.memory_space<hbm>>
      tpu.wait_indirect_dma semaphore(%arg10 : memref<!tpu.dma_semaphore, #tpu.memory_space<semaphore_mem>>) src(%dma_wait3A_85 : memref<10240x128xf32, #tpu.memory_space<hbm>>) dst(%arg7 : memref<128x128xf32, #tpu.memory_space<vmem>>)
      %add3A_86 = arith.constant 1 : i32
      %add3A_87 = arith.addi %add3A_78, %add3A_86 : i32
      %lt3A = arith.cmpi slt, %add3A_87, %select_n3A_21 : i32
      %convert_element_type3A = arith.extui %lt3A : i1 to i32
      %cond3A = arith.constant 0 : i32
      %cond3A_88 = arith.cmpi ne, %convert_element_type3A, %cond3A : i32
      scf.if %cond3A_88 {
        %add3A_127 = arith.addi %select_n3A, %add3A_78 : i32
        %add3A_128 = arith.constant 1 : i32
        %add3A_129 = arith.addi %add3A_127, %add3A_128 : i32
        %dma_wait3A_130 = arith.constant 0 : i32
        %dma_wait3A_131 = arith.constant 0 : i32
        %dma_wait3A_132 = tpu.memref_slice %arg3[%add3A_129, %dma_wait3A_130, %dma_wait3A_131] : memref<2560x3x128xi32, #tpu.memory_space<hbm>> -> memref<1x3x128xi32, #tpu.memory_space<hbm>>
        %dma_wait3A_133 = tpu.memref_squeeze %dma_wait3A_132 : memref<1x3x128xi32, #tpu.memory_space<hbm>> -> memref<3x128xi32, #tpu.memory_space<hbm>>
        %dma_wait3A_134 = arith.constant 0 : i32
        %dma_wait3A_135 = arith.constant 0 : i32
        %dma_wait3A_136 = tpu.memref_slice %arg3[%add3A_129, %dma_wait3A_134, %dma_wait3A_135] : memref<2560x3x128xi32, #tpu.memory_space<hbm>> -> memref<1x3x128xi32, #tpu.memory_space<hbm>>
        %dma_wait3A_137 = tpu.memref_squeeze %dma_wait3A_136 : memref<1x3x128xi32, #tpu.memory_space<hbm>> -> memref<3x128xi32, #tpu.memory_space<hbm>>
        tpu.wait_dma2 semaphore(%arg13 : memref<!tpu.dma_semaphore, #tpu.memory_space<semaphore_mem>>) src(%dma_wait3A_137 : memref<3x128xi32, #tpu.memory_space<hbm>>) dst(%arg6 : memref<3x128xi32, #tpu.memory_space<vmem>>)
        %dma_start3A_138 = arith.constant 0 : i32
        %dma_start3A_139 = arith.constant 0 : i32
        %dma_start3A_140 = tpu.memref_slice %arg6[%dma_start3A_138, %dma_start3A_139] : memref<3x128xi32, #tpu.memory_space<vmem>> -> memref<1x128xi32, #tpu.memory_space<vmem>>
        %dma_start3A_141 = tpu.memref_squeeze %dma_start3A_140 : memref<1x128xi32, #tpu.memory_space<vmem>> -> memref<128xi32, #tpu.memory_space<vmem>>
        %dma_start3A_142 = arith.constant 0 : i32
        %dma_start3A_143 = arith.constant 0 : i32
        %dma_start3A_144 = tpu.memref_slice %arg2[%dma_start3A_142, %dma_start3A_143] : memref<10240x128xf32, #tpu.memory_space<hbm>> -> memref<10240x128xf32, #tpu.memory_space<hbm>>
        tpu.enqueue_indirect_dma source(%dma_start3A_144 : memref<10240x128xf32, #tpu.memory_space<hbm>>) target(%arg8 : memref<128x128xf32, #tpu.memory_space<vmem>>) offsets(%dma_start3A_141 : memref<128xi32, #tpu.memory_space<vmem>>) semaphore(%arg11 : memref<!tpu.dma_semaphore, #tpu.memory_space<semaphore_mem>>)
      } else {
      }
      %scan3A_89 = arith.constant 0 : i32
      %scan3A_90 = arith.constant 128 : i32
      %scan3A_91 = arith.addi %scan3A_89, %scan3A_90 : i32
      %scan3A_92 = arith.constant 1 : i32
      scf.for %scan3A_127 = %scan3A_89 to %scan3A_91 step %scan3A_92  : i32 {
        %mul3A_128 = arith.constant 1 : i32
        %mul3A_129 = arith.muli %scan3A_127, %mul3A_128 : i32
        %add3A_130 = arith.constant 0 : i32
        %add3A_131 = arith.addi %add3A_130, %mul3A_129 : i32
        %broadcast_in_dim3A = vector.broadcast %add3A_131 : i32 to vector<16xi32>
        %broadcast_in_dim3A_132 = arith.constant 2 : i32
        %broadcast_in_dim3A_133 = vector.broadcast %broadcast_in_dim3A_132 : i32 to vector<16xi32>
        %gather3A = tpu.vector_load_idx %arg5[%broadcast_in_dim3A_133, %broadcast_in_dim3A] : memref<3x128xi32, #tpu.memory_space<vmem>>[vector<16xi32>, vector<16xi32>], vector<16xi32>,
        %bitcast3A = vector.bitcast %gather3A : vector<16xi32> to vector<16xf32>
        %get3A = arith.index_cast %add3A_131 : i32 to index
        %get3A_134 = arith.constant 0 : index
        %get3A_135 = tpu.vector_load %arg7[%get3A, %get3A_134] {strides = array<i32>} : memref<128x128xf32, #tpu.memory_space<vmem>>, vector<16xf32>,
        %mul3A_136 = arith.mulf %get3A_135, %bitcast3A : vector<16xf32>
        %swap3A = arith.index_cast %add3A_131 : i32 to index
        %swap3A_137 = arith.constant 0 : index
        %swap3A_138 = tpu.vector_load %arg7[%swap3A, %swap3A_137] {strides = array<i32>} : memref<128x128xf32, #tpu.memory_space<vmem>>, vector<16xf32>,
        tpu.vector_store %arg7[%swap3A, %swap3A_137], %mul3A_136 {strides = array<i32>} : memref<128x128xf32, #tpu.memory_space<vmem>>, vector<16xf32>,
        %get3A_139 = arith.index_cast %add3A_131 : i32 to index
        %get3A_140 = arith.constant 16 : index
        %get3A_141 = tpu.vector_load %arg7[%get3A_139, %get3A_140] {strides = array<i32>} : memref<128x128xf32, #tpu.memory_space<vmem>>, vector<16xf32>,
        %mul3A_142 = arith.mulf %get3A_141, %bitcast3A : vector<16xf32>
        %swap3A_143 = arith.index_cast %add3A_131 : i32 to index
        %swap3A_144 = arith.constant 16 : index
        %swap3A_145 = tpu.vector_load %arg7[%swap3A_143, %swap3A_144] {strides = array<i32>} : memref<128x128xf32, #tpu.memory_space<vmem>>, vector<16xf32>,
        tpu.vector_store %arg7[%swap3A_143, %swap3A_144], %mul3A_142 {strides = array<i32>} : memref<128x128xf32, #tpu.memory_space<vmem>>, vector<16xf32>,
        %get3A_146 = arith.index_cast %add3A_131 : i32 to index
        %get3A_147 = arith.constant 32 : index
        %get3A_148 = tpu.vector_load %arg7[%get3A_146, %get3A_147] {strides = array<i32>} : memref<128x128xf32, #tpu.memory_space<vmem>>, vector<16xf32>,
        %mul3A_149 = arith.mulf %get3A_148, %bitcast3A : vector<16xf32>
        %swap3A_150 = arith.index_cast %add3A_131 : i32 to index
        %swap3A_151 = arith.constant 32 : index
        %swap3A_152 = tpu.vector_load %arg7[%swap3A_150, %swap3A_151] {strides = array<i32>} : memref<128x128xf32, #tpu.memory_space<vmem>>, vector<16xf32>,
        tpu.vector_store %arg7[%swap3A_150, %swap3A_151], %mul3A_149 {strides = array<i32>} : memref<128x128xf32, #tpu.memory_space<vmem>>, vector<16xf32>,
        %get3A_153 = arith.index_cast %add3A_131 : i32 to index
        %get3A_154 = arith.constant 48 : index
        %get3A_155 = tpu.vector_load %arg7[%get3A_153, %get3A_154] {strides = array<i32>} : memref<128x128xf32, #tpu.memory_space<vmem>>, vector<16xf32>,
        %mul3A_156 = arith.mulf %get3A_155, %bitcast3A : vector<16xf32>
        %swap3A_157 = arith.index_cast %add3A_131 : i32 to index
        %swap3A_158 = arith.constant 48 : index
        %swap3A_159 = tpu.vector_load %arg7[%swap3A_157, %swap3A_158] {strides = array<i32>} : memref<128x128xf32, #tpu.memory_space<vmem>>, vector<16xf32>,
        tpu.vector_store %arg7[%swap3A_157, %swap3A_158], %mul3A_156 {strides = array<i32>} : memref<128x128xf32, #tpu.memory_space<vmem>>, vector<16xf32>,
        %get3A_160 = arith.index_cast %add3A_131 : i32 to index
        %get3A_161 = arith.constant 64 : index
        %get3A_162 = tpu.vector_load %arg7[%get3A_160, %get3A_161] {strides = array<i32>} : memref<128x128xf32, #tpu.memory_space<vmem>>, vector<16xf32>,
        %mul3A_163 = arith.mulf %get3A_162, %bitcast3A : vector<16xf32>
        %swap3A_164 = arith.index_cast %add3A_131 : i32 to index
        %swap3A_165 = arith.constant 64 : index
        %swap3A_166 = tpu.vector_load %arg7[%swap3A_164, %swap3A_165] {strides = array<i32>} : memref<128x128xf32, #tpu.memory_space<vmem>>, vector<16xf32>,
        tpu.vector_store %arg7[%swap3A_164, %swap3A_165], %mul3A_163 {strides = array<i32>} : memref<128x128xf32, #tpu.memory_space<vmem>>, vector<16xf32>,
        %get3A_167 = arith.index_cast %add3A_131 : i32 to index
        %get3A_168 = arith.constant 80 : index
        %get3A_169 = tpu.vector_load %arg7[%get3A_167, %get3A_168] {strides = array<i32>} : memref<128x128xf32, #tpu.memory_space<vmem>>, vector<16xf32>,
        %mul3A_170 = arith.mulf %get3A_169, %bitcast3A : vector<16xf32>
        %swap3A_171 = arith.index_cast %add3A_131 : i32 to index
        %swap3A_172 = arith.constant 80 : index
        %swap3A_173 = tpu.vector_load %arg7[%swap3A_171, %swap3A_172] {strides = array<i32>} : memref<128x128xf32, #tpu.memory_space<vmem>>, vector<16xf32>,
        tpu.vector_store %arg7[%swap3A_171, %swap3A_172], %mul3A_170 {strides = array<i32>} : memref<128x128xf32, #tpu.memory_space<vmem>>, vector<16xf32>,
        %get3A_174 = arith.index_cast %add3A_131 : i32 to index
        %get3A_175 = arith.constant 96 : index
        %get3A_176 = tpu.vector_load %arg7[%get3A_174, %get3A_175] {strides = array<i32>} : memref<128x128xf32, #tpu.memory_space<vmem>>, vector<16xf32>,
        %mul3A_177 = arith.mulf %get3A_176, %bitcast3A : vector<16xf32>
        %swap3A_178 = arith.index_cast %add3A_131 : i32 to index
        %swap3A_179 = arith.constant 96 : index
        %swap3A_180 = tpu.vector_load %arg7[%swap3A_178, %swap3A_179] {strides = array<i32>} : memref<128x128xf32, #tpu.memory_space<vmem>>, vector<16xf32>,
        tpu.vector_store %arg7[%swap3A_178, %swap3A_179], %mul3A_177 {strides = array<i32>} : memref<128x128xf32, #tpu.memory_space<vmem>>, vector<16xf32>,
        %get3A_181 = arith.index_cast %add3A_131 : i32 to index
        %get3A_182 = arith.constant 112 : index
        %get3A_183 = tpu.vector_load %arg7[%get3A_181, %get3A_182] {strides = array<i32>} : memref<128x128xf32, #tpu.memory_space<vmem>>, vector<16xf32>,
        %mul3A_184 = arith.mulf %get3A_183, %bitcast3A : vector<16xf32>
        %swap3A_185 = arith.index_cast %add3A_131 : i32 to index
        %swap3A_186 = arith.constant 112 : index
        %swap3A_187 = tpu.vector_load %arg7[%swap3A_185, %swap3A_186] {strides = array<i32>} : memref<128x128xf32, #tpu.memory_space<vmem>>, vector<16xf32>,
        tpu.vector_store %arg7[%swap3A_185, %swap3A_186], %mul3A_184 {strides = array<i32>} : memref<128x128xf32, #tpu.memory_space<vmem>>, vector<16xf32>,
      }
      %scan3A_93 = arith.constant 128 : i32
      %run_scoped3A = arith.constant 1 : i32
      "tpu.region"() ({
        %run_scoped3A_127 = tpu.sem_alloc : memref<!tpu.dma_semaphore, #tpu.memory_space<semaphore_mem>>
        %dma_start3A_128 = arith.constant 0 : i32
        %dma_start3A_129 = tpu.memref_slice %arg5[%run_scoped3A, %dma_start3A_128] : memref<3x128xi32, #tpu.memory_space<vmem>> -> memref<1x128xi32, #tpu.memory_space<vmem>>
        %dma_start3A_130 = tpu.memref_squeeze %dma_start3A_129 : memref<1x128xi32, #tpu.memory_space<vmem>> -> memref<128xi32, #tpu.memory_space<vmem>>
        %dma_start3A_131 = arith.constant 0 : i32
        %dma_start3A_132 = arith.constant 0 : i32
        %dma_start3A_133 = tpu.memref_slice %arg9[%dma_start3A_131, %dma_start3A_132] : memref<10240x128xf32, #tpu.memory_space<vmem_shared>> -> memref<10240x128xf32, #tpu.memory_space<vmem_shared>>
        tpu.enqueue_indirect_dma source(%arg7 : memref<128x128xf32, #tpu.memory_space<vmem>>) target(%dma_start3A_133 : memref<10240x128xf32, #tpu.memory_space<vmem_shared>>) offsets(%dma_start3A_130 : memref<128xi32, #tpu.memory_space<vmem>>) semaphore(%run_scoped3A_127 : memref<!tpu.dma_semaphore, #tpu.memory_space<semaphore_mem>>) {add = true}
        %dma_wait3A_134 = arith.constant 0 : i32
        %dma_wait3A_135 = tpu.memref_slice %arg5[%run_scoped3A, %dma_wait3A_134] : memref<3x128xi32, #tpu.memory_space<vmem>> -> memref<1x128xi32, #tpu.memory_space<vmem>>
        %dma_wait3A_136 = tpu.memref_squeeze %dma_wait3A_135 : memref<1x128xi32, #tpu.memory_space<vmem>> -> memref<128xi32, #tpu.memory_space<vmem>>
        %dma_wait3A_137 = arith.constant 0 : i32
        %dma_wait3A_138 = arith.constant 0 : i32
        %dma_wait3A_139 = tpu.memref_slice %arg9[%dma_wait3A_137, %dma_wait3A_138] : memref<10240x128xf32, #tpu.memory_space<vmem_shared>> -> memref<10240x128xf32, #tpu.memory_space<vmem_shared>>
        tpu.wait_indirect_dma semaphore(%run_scoped3A_127 : memref<!tpu.dma_semaphore, #tpu.memory_space<semaphore_mem>>) src(%arg7 : memref<128x128xf32, #tpu.memory_space<vmem>>) dst(%dma_wait3A_139 : memref<10240x128xf32, #tpu.memory_space<vmem_shared>>)
        tpu.yield
      }) : () -> ()
      %add3A_94 = arith.constant 2 : i32
      %add3A_95 = arith.addi %add3A_78, %add3A_94 : i32
      %lt3A_96 = arith.cmpi slt, %add3A_95, %select_n3A_21 : i32
      %convert_element_type3A_97 = arith.extui %lt3A_96 : i1 to i32
      %cond3A_98 = arith.constant 0 : i32
      %cond3A_99 = arith.cmpi ne, %convert_element_type3A_97, %cond3A_98 : i32
      scf.if %cond3A_99 {
        %add3A_127 = arith.addi %select_n3A, %add3A_78 : i32
        %add3A_128 = arith.constant 2 : i32
        %add3A_129 = arith.addi %add3A_127, %add3A_128 : i32
        %dma_start3A_130 = arith.constant 0 : i32
        %dma_start3A_131 = arith.constant 0 : i32
        %dma_start3A_132 = tpu.memref_slice %arg3[%add3A_129, %dma_start3A_130, %dma_start3A_131] : memref<2560x3x128xi32, #tpu.memory_space<hbm>> -> memref<1x3x128xi32, #tpu.memory_space<hbm>>
        %dma_start3A_133 = tpu.memref_squeeze %dma_start3A_132 : memref<1x3x128xi32, #tpu.memory_space<hbm>> -> memref<3x128xi32, #tpu.memory_space<hbm>>
        %dma_start3A_134 = arith.constant 0 : i32
        %dma_start3A_135 = arith.constant 0 : i32
        %dma_start3A_136 = tpu.memref_slice %arg3[%add3A_129, %dma_start3A_134, %dma_start3A_135] : memref<2560x3x128xi32, #tpu.memory_space<hbm>> -> memref<1x3x128xi32, #tpu.memory_space<hbm>>
        %dma_start3A_137 = tpu.memref_squeeze %dma_start3A_136 : memref<1x3x128xi32, #tpu.memory_space<hbm>> -> memref<3x128xi32, #tpu.memory_space<hbm>>
        tpu.enqueue_dma source(%dma_start3A_137 : memref<3x128xi32, #tpu.memory_space<hbm>>) target(%arg5 : memref<3x128xi32, #tpu.memory_space<vmem>>) target_semaphore(%arg12 : memref<!tpu.dma_semaphore, #tpu.memory_space<semaphore_mem>>)
      } else {
      }
      %add3A_100 = arith.constant 1 : i32
      %add3A_101 = arith.addi %add3A_76, %add3A_100 : i32
      %dma_wait3A_102 = arith.constant 0 : i32
      %dma_wait3A_103 = arith.constant 0 : i32
      %dma_wait3A_104 = tpu.memref_slice %arg6[%dma_wait3A_102, %dma_wait3A_103] : memref<3x128xi32, #tpu.memory_space<vmem>> -> memref<1x128xi32, #tpu.memory_space<vmem>>
      %dma_wait3A_105 = tpu.memref_squeeze %dma_wait3A_104 : memref<1x128xi32, #tpu.memory_space<vmem>> -> memref<128xi32, #tpu.memory_space<vmem>>
      %dma_wait3A_106 = arith.constant 0 : i32
      %dma_wait3A_107 = arith.constant 0 : i32
      %dma_wait3A_108 = tpu.memref_slice %arg2[%dma_wait3A_106, %dma_wait3A_107] : memref<10240x128xf32, #tpu.memory_space<hbm>> -> memref<10240x128xf32, #tpu.memory_space<hbm>>
      tpu.wait_indirect_dma semaphore(%arg11 : memref<!tpu.dma_semaphore, #tpu.memory_space<semaphore_mem>>) src(%dma_wait3A_108 : memref<10240x128xf32, #tpu.memory_space<hbm>>) dst(%arg8 : memref<128x128xf32, #tpu.memory_space<vmem>>)
      %add3A_109 = arith.constant 1 : i32
      %add3A_110 = arith.addi %add3A_101, %add3A_109 : i32
      %lt3A_111 = arith.cmpi slt, %add3A_110, %select_n3A_21 : i32
      %convert_element_type3A_112 = arith.extui %lt3A_111 : i1 to i32
      %cond3A_113 = arith.constant 0 : i32
      %cond3A_114 = arith.cmpi ne, %convert_element_type3A_112, %cond3A_113 : i32
      scf.if %cond3A_114 {
        %add3A_127 = arith.addi %select_n3A, %add3A_101 : i32
        %add3A_128 = arith.constant 1 : i32
        %add3A_129 = arith.addi %add3A_127, %add3A_128 : i32
        %dma_wait3A_130 = arith.constant 0 : i32
        %dma_wait3A_131 = arith.constant 0 : i32
        %dma_wait3A_132 = tpu.memref_slice %arg3[%add3A_129, %dma_wait3A_130, %dma_wait3A_131] : memref<2560x3x128xi32, #tpu.memory_space<hbm>> -> memref<1x3x128xi32, #tpu.memory_space<hbm>>
        %dma_wait3A_133 = tpu.memref_squeeze %dma_wait3A_132 : memref<1x3x128xi32, #tpu.memory_space<hbm>> -> memref<3x128xi32, #tpu.memory_space<hbm>>
        %dma_wait3A_134 = arith.constant 0 : i32
        %dma_wait3A_135 = arith.constant 0 : i32
        %dma_wait3A_136 = tpu.memref_slice %arg3[%add3A_129, %dma_wait3A_134, %dma_wait3A_135] : memref<2560x3x128xi32, #tpu.memory_space<hbm>> -> memref<1x3x128xi32, #tpu.memory_space<hbm>>
        %dma_wait3A_137 = tpu.memref_squeeze %dma_wait3A_136 : memref<1x3x128xi32, #tpu.memory_space<hbm>> -> memref<3x128xi32, #tpu.memory_space<hbm>>
        tpu.wait_dma2 semaphore(%arg12 : memref<!tpu.dma_semaphore, #tpu.memory_space<semaphore_mem>>) src(%dma_wait3A_137 : memref<3x128xi32, #tpu.memory_space<hbm>>) dst(%arg5 : memref<3x128xi32, #tpu.memory_space<vmem>>)
        %dma_start3A_138 = arith.constant 0 : i32
        %dma_start3A_139 = arith.constant 0 : i32
        %dma_start3A_140 = tpu.memref_slice %arg5[%dma_start3A_138, %dma_start3A_139] : memref<3x128xi32, #tpu.memory_space<vmem>> -> memref<1x128xi32, #tpu.memory_space<vmem>>
        %dma_start3A_141 = tpu.memref_squeeze %dma_start3A_140 : memref<1x128xi32, #tpu.memory_space<vmem>> -> memref<128xi32, #tpu.memory_space<vmem>>
        %dma_start3A_142 = arith.constant 0 : i32
        %dma_start3A_143 = arith.constant 0 : i32
        %dma_start3A_144 = tpu.memref_slice %arg2[%dma_start3A_142, %dma_start3A_143] : memref<10240x128xf32, #tpu.memory_space<hbm>> -> memref<10240x128xf32, #tpu.memory_space<hbm>>
        tpu.enqueue_indirect_dma source(%dma_start3A_144 : memref<10240x128xf32, #tpu.memory_space<hbm>>) target(%arg7 : memref<128x128xf32, #tpu.memory_space<vmem>>) offsets(%dma_start3A_141 : memref<128xi32, #tpu.memory_space<vmem>>) semaphore(%arg10 : memref<!tpu.dma_semaphore, #tpu.memory_space<semaphore_mem>>)
      } else {
      }
      %scan3A_115 = arith.constant 0 : i32
      %scan3A_116 = arith.constant 128 : i32
      %scan3A_117 = arith.addi %scan3A_115, %scan3A_116 : i32
      %scan3A_118 = arith.constant 1 : i32
      scf.for %scan3A_127 = %scan3A_115 to %scan3A_117 step %scan3A_118  : i32 {
        %mul3A_128 = arith.constant 1 : i32
        %mul3A_129 = arith.muli %scan3A_127, %mul3A_128 : i32
        %add3A_130 = arith.constant 0 : i32
        %add3A_131 = arith.addi %add3A_130, %mul3A_129 : i32
        %broadcast_in_dim3A = vector.broadcast %add3A_131 : i32 to vector<16xi32>
        %broadcast_in_dim3A_132 = arith.constant 2 : i32
        %broadcast_in_dim3A_133 = vector.broadcast %broadcast_in_dim3A_132 : i32 to vector<16xi32>
        %gather3A = tpu.vector_load_idx %arg6[%broadcast_in_dim3A_133, %broadcast_in_dim3A] : memref<3x128xi32, #tpu.memory_space<vmem>>[vector<16xi32>, vector<16xi32>], vector<16xi32>,
        %bitcast3A = vector.bitcast %gather3A : vector<16xi32> to vector<16xf32>
        %get3A = arith.index_cast %add3A_131 : i32 to index
        %get3A_134 = arith.constant 0 : index
        %get3A_135 = tpu.vector_load %arg8[%get3A, %get3A_134] {strides = array<i32>} : memref<128x128xf32, #tpu.memory_space<vmem>>, vector<16xf32>,
        %mul3A_136 = arith.mulf %get3A_135, %bitcast3A : vector<16xf32>
        %swap3A = arith.index_cast %add3A_131 : i32 to index
        %swap3A_137 = arith.constant 0 : index
        %swap3A_138 = tpu.vector_load %arg8[%swap3A, %swap3A_137] {strides = array<i32>} : memref<128x128xf32, #tpu.memory_space<vmem>>, vector<16xf32>,
        tpu.vector_store %arg8[%swap3A, %swap3A_137], %mul3A_136 {strides = array<i32>} : memref<128x128xf32, #tpu.memory_space<vmem>>, vector<16xf32>,
        %get3A_139 = arith.index_cast %add3A_131 : i32 to index
        %get3A_140 = arith.constant 16 : index
        %get3A_141 = tpu.vector_load %arg8[%get3A_139, %get3A_140] {strides = array<i32>} : memref<128x128xf32, #tpu.memory_space<vmem>>, vector<16xf32>,
        %mul3A_142 = arith.mulf %get3A_141, %bitcast3A : vector<16xf32>
        %swap3A_143 = arith.index_cast %add3A_131 : i32 to index
        %swap3A_144 = arith.constant 16 : index
        %swap3A_145 = tpu.vector_load %arg8[%swap3A_143, %swap3A_144] {strides = array<i32>} : memref<128x128xf32, #tpu.memory_space<vmem>>, vector<16xf32>,
        tpu.vector_store %arg8[%swap3A_143, %swap3A_144], %mul3A_142 {strides = array<i32>} : memref<128x128xf32, #tpu.memory_space<vmem>>, vector<16xf32>,
        %get3A_146 = arith.index_cast %add3A_131 : i32 to index
        %get3A_147 = arith.constant 32 : index
        %get3A_148 = tpu.vector_load %arg8[%get3A_146, %get3A_147] {strides = array<i32>} : memref<128x128xf32, #tpu.memory_space<vmem>>, vector<16xf32>,
        %mul3A_149 = arith.mulf %get3A_148, %bitcast3A : vector<16xf32>
        %swap3A_150 = arith.index_cast %add3A_131 : i32 to index
        %swap3A_151 = arith.constant 32 : index
        %swap3A_152 = tpu.vector_load %arg8[%swap3A_150, %swap3A_151] {strides = array<i32>} : memref<128x128xf32, #tpu.memory_space<vmem>>, vector<16xf32>,
        tpu.vector_store %arg8[%swap3A_150, %swap3A_151], %mul3A_149 {strides = array<i32>} : memref<128x128xf32, #tpu.memory_space<vmem>>, vector<16xf32>,
        %get3A_153 = arith.index_cast %add3A_131 : i32 to index
        %get3A_154 = arith.constant 48 : index
        %get3A_155 = tpu.vector_load %arg8[%get3A_153, %get3A_154] {strides = array<i32>} : memref<128x128xf32, #tpu.memory_space<vmem>>, vector<16xf32>,
        %mul3A_156 = arith.mulf %get3A_155, %bitcast3A : vector<16xf32>
        %swap3A_157 = arith.index_cast %add3A_131 : i32 to index
        %swap3A_158 = arith.constant 48 : index
        %swap3A_159 = tpu.vector_load %arg8[%swap3A_157, %swap3A_158] {strides = array<i32>} : memref<128x128xf32, #tpu.memory_space<vmem>>, vector<16xf32>,
        tpu.vector_store %arg8[%swap3A_157, %swap3A_158], %mul3A_156 {strides = array<i32>} : memref<128x128xf32, #tpu.memory_space<vmem>>, vector<16xf32>,
        %get3A_160 = arith.index_cast %add3A_131 : i32 to index
        %get3A_161 = arith.constant 64 : index
        %get3A_162 = tpu.vector_load %arg8[%get3A_160, %get3A_161] {strides = array<i32>} : memref<128x128xf32, #tpu.memory_space<vmem>>, vector<16xf32>,
        %mul3A_163 = arith.mulf %get3A_162, %bitcast3A : vector<16xf32>
        %swap3A_164 = arith.index_cast %add3A_131 : i32 to index
        %swap3A_165 = arith.constant 64 : index
        %swap3A_166 = tpu.vector_load %arg8[%swap3A_164, %swap3A_165] {strides = array<i32>} : memref<128x128xf32, #tpu.memory_space<vmem>>, vector<16xf32>,
        tpu.vector_store %arg8[%swap3A_164, %swap3A_165], %mul3A_163 {strides = array<i32>} : memref<128x128xf32, #tpu.memory_space<vmem>>, vector<16xf32>,
        %get3A_167 = arith.index_cast %add3A_131 : i32 to index
        %get3A_168 = arith.constant 80 : index
        %get3A_169 = tpu.vector_load %arg8[%get3A_167, %get3A_168] {strides = array<i32>} : memref<128x128xf32, #tpu.memory_space<vmem>>, vector<16xf32>,
        %mul3A_170 = arith.mulf %get3A_169, %bitcast3A : vector<16xf32>
        %swap3A_171 = arith.index_cast %add3A_131 : i32 to index
        %swap3A_172 = arith.constant 80 : index
        %swap3A_173 = tpu.vector_load %arg8[%swap3A_171, %swap3A_172] {strides = array<i32>} : memref<128x128xf32, #tpu.memory_space<vmem>>, vector<16xf32>,
        tpu.vector_store %arg8[%swap3A_171, %swap3A_172], %mul3A_170 {strides = array<i32>} : memref<128x128xf32, #tpu.memory_space<vmem>>, vector<16xf32>,
        %get3A_174 = arith.index_cast %add3A_131 : i32 to index
        %get3A_175 = arith.constant 96 : index
        %get3A_176 = tpu.vector_load %arg8[%get3A_174, %get3A_175] {strides = array<i32>} : memref<128x128xf32, #tpu.memory_space<vmem>>, vector<16xf32>,
        %mul3A_177 = arith.mulf %get3A_176, %bitcast3A : vector<16xf32>
        %swap3A_178 = arith.index_cast %add3A_131 : i32 to index
        %swap3A_179 = arith.constant 96 : index
        %swap3A_180 = tpu.vector_load %arg8[%swap3A_178, %swap3A_179] {strides = array<i32>} : memref<128x128xf32, #tpu.memory_space<vmem>>, vector<16xf32>,
        tpu.vector_store %arg8[%swap3A_178, %swap3A_179], %mul3A_177 {strides = array<i32>} : memref<128x128xf32, #tpu.memory_space<vmem>>, vector<16xf32>,
        %get3A_181 = arith.index_cast %add3A_131 : i32 to index
        %get3A_182 = arith.constant 112 : index
        %get3A_183 = tpu.vector_load %arg8[%get3A_181, %get3A_182] {strides = array<i32>} : memref<128x128xf32, #tpu.memory_space<vmem>>, vector<16xf32>,
        %mul3A_184 = arith.mulf %get3A_183, %bitcast3A : vector<16xf32>
        %swap3A_185 = arith.index_cast %add3A_131 : i32 to index
        %swap3A_186 = arith.constant 112 : index
        %swap3A_187 = tpu.vector_load %arg8[%swap3A_185, %swap3A_186] {strides = array<i32>} : memref<128x128xf32, #tpu.memory_space<vmem>>, vector<16xf32>,
        tpu.vector_store %arg8[%swap3A_185, %swap3A_186], %mul3A_184 {strides = array<i32>} : memref<128x128xf32, #tpu.memory_space<vmem>>, vector<16xf32>,
      }
      %scan3A_119 = arith.constant 128 : i32
      %run_scoped3A_120 = arith.constant 1 : i32
      "tpu.region"() ({
        %run_scoped3A_127 = tpu.sem_alloc : memref<!tpu.dma_semaphore, #tpu.memory_space<semaphore_mem>>
        %dma_start3A_128 = arith.constant 0 : i32
        %dma_start3A_129 = tpu.memref_slice %arg6[%run_scoped3A_120, %dma_start3A_128] : memref<3x128xi32, #tpu.memory_space<vmem>> -> memref<1x128xi32, #tpu.memory_space<vmem>>
        %dma_start3A_130 = tpu.memref_squeeze %dma_start3A_129 : memref<1x128xi32, #tpu.memory_space<vmem>> -> memref<128xi32, #tpu.memory_space<vmem>>
        %dma_start3A_131 = arith.constant 0 : i32
        %dma_start3A_132 = arith.constant 0 : i32
        %dma_start3A_133 = tpu.memref_slice %arg9[%dma_start3A_131, %dma_start3A_132] : memref<10240x128xf32, #tpu.memory_space<vmem_shared>> -> memref<10240x128xf32, #tpu.memory_space<vmem_shared>>
        tpu.enqueue_indirect_dma source(%arg8 : memref<128x128xf32, #tpu.memory_space<vmem>>) target(%dma_start3A_133 : memref<10240x128xf32, #tpu.memory_space<vmem_shared>>) offsets(%dma_start3A_130 : memref<128xi32, #tpu.memory_space<vmem>>) semaphore(%run_scoped3A_127 : memref<!tpu.dma_semaphore, #tpu.memory_space<semaphore_mem>>) {add = true}
        %dma_wait3A_134 = arith.constant 0 : i32
        %dma_wait3A_135 = tpu.memref_slice %arg6[%run_scoped3A_120, %dma_wait3A_134] : memref<3x128xi32, #tpu.memory_space<vmem>> -> memref<1x128xi32, #tpu.memory_space<vmem>>
        %dma_wait3A_136 = tpu.memref_squeeze %dma_wait3A_135 : memref<1x128xi32, #tpu.memory_space<vmem>> -> memref<128xi32, #tpu.memory_space<vmem>>
        %dma_wait3A_137 = arith.constant 0 : i32
        %dma_wait3A_138 = arith.constant 0 : i32
        %dma_wait3A_139 = tpu.memref_slice %arg9[%dma_wait3A_137, %dma_wait3A_138] : memref<10240x128xf32, #tpu.memory_space<vmem_shared>> -> memref<10240x128xf32, #tpu.memory_space<vmem_shared>>
        tpu.wait_indirect_dma semaphore(%run_scoped3A_127 : memref<!tpu.dma_semaphore, #tpu.memory_space<semaphore_mem>>) src(%arg8 : memref<128x128xf32, #tpu.memory_space<vmem>>) dst(%dma_wait3A_139 : memref<10240x128xf32, #tpu.memory_space<vmem_shared>>)
        tpu.yield
      }) : () -> ()
      %add3A_121 = arith.constant 2 : i32
      %add3A_122 = arith.addi %add3A_101, %add3A_121 : i32
      %lt3A_123 = arith.cmpi slt, %add3A_122, %select_n3A_21 : i32
      %convert_element_type3A_124 = arith.extui %lt3A_123 : i1 to i32
      %cond3A_125 = arith.constant 0 : i32
      %cond3A_126 = arith.cmpi ne, %convert_element_type3A_124, %cond3A_125 : i32
      scf.if %cond3A_126 {
        %add3A_127 = arith.addi %select_n3A, %add3A_101 : i32
        %add3A_128 = arith.constant 2 : i32
        %add3A_129 = arith.addi %add3A_127, %add3A_128 : i32
        %dma_start3A_130 = arith.constant 0 : i32
        %dma_start3A_131 = arith.constant 0 : i32
        %dma_start3A_132 = tpu.memref_slice %arg3[%add3A_129, %dma_start3A_130, %dma_start3A_131] : memref<2560x3x128xi32, #tpu.memory_space<hbm>> -> memref<1x3x128xi32, #tpu.memory_space<hbm>>
        %dma_start3A_133 = tpu.memref_squeeze %dma_start3A_132 : memref<1x3x128xi32, #tpu.memory_space<hbm>> -> memref<3x128xi32, #tpu.memory_space<hbm>>
        %dma_start3A_134 = arith.constant 0 : i32
        %dma_start3A_135 = arith.constant 0 : i32
        %dma_start3A_136 = tpu.memref_slice %arg3[%add3A_129, %dma_start3A_134, %dma_start3A_135] : memref<2560x3x128xi32, #tpu.memory_space<hbm>> -> memref<1x3x128xi32, #tpu.memory_space<hbm>>
        %dma_start3A_137 = tpu.memref_squeeze %dma_start3A_136 : memref<1x3x128xi32, #tpu.memory_space<hbm>> -> memref<3x128xi32, #tpu.memory_space<hbm>>
        tpu.enqueue_dma source(%dma_start3A_137 : memref<3x128xi32, #tpu.memory_space<hbm>>) target(%arg6 : memref<3x128xi32, #tpu.memory_space<vmem>>) target_semaphore(%arg13 : memref<!tpu.dma_semaphore, #tpu.memory_space<semaphore_mem>>)
      } else {
      }
    }
    "tpu.trace_stop"() : () -> ()
    "tpu.trace_start"() <{level = 10 : i32, message = "tail_barrier"}> : () -> ()
    %barrier3A_69 = arith.constant 0 : index
    tpu.barrier barrier_id(%barrier3A_69)
    "tpu.trace_stop"() : () -> ()
    "tpu.trace_start"() <{level = 10 : i32, message = "copy_out"}> : () -> ()
    %mul3A_70 = arith.constant 640 : i32
    %mul3A_71 = arith.muli %arg1, %mul3A_70 : i32
    %mul3A_72 = arith.constant 640 : i32
    %mul3A_73 = arith.muli %arg1, %mul3A_72 : i32
    "tpu.region"() ({
      %run_scoped3A = tpu.sem_alloc : memref<!tpu.dma_semaphore, #tpu.memory_space<semaphore_mem>>
      %dma_start3A_74 = arith.constant 0 : i32
      %dma_start3A_75 = tpu.memref_slice %arg4[%arg0, %mul3A_73, %dma_start3A_74] : memref<2x10240x128xf32, #tpu.memory_space<hbm>> -> memref<1x640x128xf32, #tpu.memory_space<hbm>>
      %dma_start3A_76 = tpu.memref_squeeze %dma_start3A_75 : memref<1x640x128xf32, #tpu.memory_space<hbm>> -> memref<640x128xf32, #tpu.memory_space<hbm>>
      %dma_start3A_77 = arith.constant 0 : i32
      %dma_start3A_78 = tpu.memref_slice %arg9[%mul3A_71, %dma_start3A_77] : memref<10240x128xf32, #tpu.memory_space<vmem_shared>> -> memref<640x128xf32, #tpu.memory_space<vmem_shared>>
      tpu.enqueue_dma source(%dma_start3A_78 : memref<640x128xf32, #tpu.memory_space<vmem_shared>>) target(%dma_start3A_76 : memref<640x128xf32, #tpu.memory_space<hbm>>) target_semaphore(%run_scoped3A : memref<!tpu.dma_semaphore, #tpu.memory_space<semaphore_mem>>)
      %dma_wait3A_79 = arith.constant 0 : i32
      %dma_wait3A_80 = tpu.memref_slice %arg4[%arg0, %mul3A_73, %dma_wait3A_79] : memref<2x10240x128xf32, #tpu.memory_space<hbm>> -> memref<1x640x128xf32, #tpu.memory_space<hbm>>
      %dma_wait3A_81 = tpu.memref_squeeze %dma_wait3A_80 : memref<1x640x128xf32, #tpu.memory_space<hbm>> -> memref<640x128xf32, #tpu.memory_space<hbm>>
      %dma_wait3A_82 = arith.constant 0 : i32
      %dma_wait3A_83 = tpu.memref_slice %arg9[%mul3A_71, %dma_wait3A_82] : memref<10240x128xf32, #tpu.memory_space<vmem_shared>> -> memref<640x128xf32, #tpu.memory_space<vmem_shared>>
      tpu.wait_dma2 semaphore(%run_scoped3A : memref<!tpu.dma_semaphore, #tpu.memory_space<semaphore_mem>>) src(%dma_wait3A_83 : memref<640x128xf32, #tpu.memory_space<vmem_shared>>) dst(%dma_wait3A_81 : memref<640x128xf32, #tpu.memory_space<hbm>>)
      tpu.yield
    }) : () -> ()
    "tpu.trace_stop"() : () -> ()
    return
  }
}

#map = affine_map<(d0, d1) -> (0, 0)>
#map1 = affine_map<(d0, d1) -> (0, 0, 0)>
module attributes {stable_mosaic.version = 14 : i64} {
  func.func @_spmm_body(%arg0: i32, %arg1: i32, %arg2: memref<10240x128xf32, #tpu.memory_space<hbm>>, %arg3: memref<2560x3x128xi32, #tpu.memory_space<hbm>>, %arg4: memref<2x10240x128xf32, #tpu.memory_space<hbm>>, %arg5: memref<3x128xi32, #tpu.memory_space<vmem>>, %arg6: memref<3x128xi32, #tpu.memory_space<vmem>>, %arg7: memref<128x128xf32, #tpu.memory_space<vmem>>, %arg8: memref<128x128xf32, #tpu.memory_space<vmem>>, %arg9: memref<10240x128xf32, #tpu.memory_space<vmem_shared>>, %arg10: memref<!tpu.dma_semaphore, #tpu.memory_space<semaphore_mem>>, %arg11: memref<!tpu.dma_semaphore, #tpu.memory_space<semaphore_mem>>, %arg12: memref<!tpu.dma_semaphore, #tpu.memory_space<semaphore_mem>>, %arg13: memref<!tpu.dma_semaphore, #tpu.memory_space<semaphore_mem>>) attributes {dimension_semantics = [#tpu.dimension_semantics<core_parallel>, #tpu.dimension_semantics<subcore_parallel>], iteration_bounds = array<i64: 2, 16>, scalar_prefetch = 0 : i64, scratch_operands = 9 : i64, tpu.core_type = #tpu.core_type<sc_vector_subcore>, window_params = [{transform_indices = #map}, {transform_indices = #map1}, {transform_indices = #map1}]} {
    %mul3A = arith.constant 2 : i32
    %mul3A_0 = arith.muli %arg1, %mul3A : i32
    %add3A = arith.addi %mul3A_0, %arg0 : i32
    "tpu.trace_start"() <{level = 10 : i32, message = "zero_acc"}> : () -> ()
    %scan3A = arith.constant 0 : i32
    %scan3A_1 = arith.constant 128 : i32
    %scan3A_2 = arith.addi %scan3A, %scan3A_1 : i32
    %scan3A_3 = arith.constant 1 : i32
    scf.for %scan3A_74 = %scan3A to %scan3A_2 step %scan3A_3  : i32 {
      %mul3A_75 = arith.constant 1 : i32
      %mul3A_76 = arith.muli %scan3A_74, %mul3A_75 : i32
      %add3A_77 = arith.constant 0 : i32
      %add3A_78 = arith.addi %add3A_77, %mul3A_76 : i32
      %broadcast_in_dim3A = arith.constant 0.000000e+00 : f32
      %broadcast_in_dim3A_79 = vector.broadcast %broadcast_in_dim3A : f32 to vector<16xf32>
      %swap3A = arith.index_cast %add3A_78 : i32 to index
      %swap3A_80 = arith.constant 0 : index
      %swap3A_81 = tpu.vector_load %arg7[%swap3A, %swap3A_80] {strides = array<i32>} : memref<128x128xf32, #tpu.memory_space<vmem>>, vector<16xf32>,
      tpu.vector_store %arg7[%swap3A, %swap3A_80], %broadcast_in_dim3A_79 {strides = array<i32>} : memref<128x128xf32, #tpu.memory_space<vmem>>, vector<16xf32>,
      %broadcast_in_dim3A_82 = arith.constant 0.000000e+00 : f32
      %broadcast_in_dim3A_83 = vector.broadcast %broadcast_in_dim3A_82 : f32 to vector<16xf32>
      %swap3A_84 = arith.index_cast %add3A_78 : i32 to index
      %swap3A_85 = arith.constant 16 : index
      %swap3A_86 = tpu.vector_load %arg7[%swap3A_84, %swap3A_85] {strides = array<i32>} : memref<128x128xf32, #tpu.memory_space<vmem>>, vector<16xf32>,
      tpu.vector_store %arg7[%swap3A_84, %swap3A_85], %broadcast_in_dim3A_83 {strides = array<i32>} : memref<128x128xf32, #tpu.memory_space<vmem>>, vector<16xf32>,
      %broadcast_in_dim3A_87 = arith.constant 0.000000e+00 : f32
      %broadcast_in_dim3A_88 = vector.broadcast %broadcast_in_dim3A_87 : f32 to vector<16xf32>
      %swap3A_89 = arith.index_cast %add3A_78 : i32 to index
      %swap3A_90 = arith.constant 32 : index
      %swap3A_91 = tpu.vector_load %arg7[%swap3A_89, %swap3A_90] {strides = array<i32>} : memref<128x128xf32, #tpu.memory_space<vmem>>, vector<16xf32>,
      tpu.vector_store %arg7[%swap3A_89, %swap3A_90], %broadcast_in_dim3A_88 {strides = array<i32>} : memref<128x128xf32, #tpu.memory_space<vmem>>, vector<16xf32>,
      %broadcast_in_dim3A_92 = arith.constant 0.000000e+00 : f32
      %broadcast_in_dim3A_93 = vector.broadcast %broadcast_in_dim3A_92 : f32 to vector<16xf32>
      %swap3A_94 = arith.index_cast %add3A_78 : i32 to index
      %swap3A_95 = arith.constant 48 : index
      %swap3A_96 = tpu.vector_load %arg7[%swap3A_94, %swap3A_95] {strides = array<i32>} : memref<128x128xf32, #tpu.memory_space<vmem>>, vector<16xf32>,
      tpu.vector_store %arg7[%swap3A_94, %swap3A_95], %broadcast_in_dim3A_93 {strides = array<i32>} : memref<128x128xf32, #tpu.memory_space<vmem>>, vector<16xf32>,
      %broadcast_in_dim3A_97 = arith.constant 0.000000e+00 : f32
      %broadcast_in_dim3A_98 = vector.broadcast %broadcast_in_dim3A_97 : f32 to vector<16xf32>
      %swap3A_99 = arith.index_cast %add3A_78 : i32 to index
      %swap3A_100 = arith.constant 64 : index
      %swap3A_101 = tpu.vector_load %arg7[%swap3A_99, %swap3A_100] {strides = array<i32>} : memref<128x128xf32, #tpu.memory_space<vmem>>, vector<16xf32>,
      tpu.vector_store %arg7[%swap3A_99, %swap3A_100], %broadcast_in_dim3A_98 {strides = array<i32>} : memref<128x128xf32, #tpu.memory_space<vmem>>, vector<16xf32>,
      %broadcast_in_dim3A_102 = arith.constant 0.000000e+00 : f32
      %broadcast_in_dim3A_103 = vector.broadcast %broadcast_in_dim3A_102 : f32 to vector<16xf32>
      %swap3A_104 = arith.index_cast %add3A_78 : i32 to index
      %swap3A_105 = arith.constant 80 : index
      %swap3A_106 = tpu.vector_load %arg7[%swap3A_104, %swap3A_105] {strides = array<i32>} : memref<128x128xf32, #tpu.memory_space<vmem>>, vector<16xf32>,
      tpu.vector_store %arg7[%swap3A_104, %swap3A_105], %broadcast_in_dim3A_103 {strides = array<i32>} : memref<128x128xf32, #tpu.memory_space<vmem>>, vector<16xf32>,
      %broadcast_in_dim3A_107 = arith.constant 0.000000e+00 : f32
      %broadcast_in_dim3A_108 = vector.broadcast %broadcast_in_dim3A_107 : f32 to vector<16xf32>
      %swap3A_109 = arith.index_cast %add3A_78 : i32 to index
      %swap3A_110 = arith.constant 96 : index
      %swap3A_111 = tpu.vector_load %arg7[%swap3A_109, %swap3A_110] {strides = array<i32>} : memref<128x128xf32, #tpu.memory_space<vmem>>, vector<16xf32>,
      tpu.vector_store %arg7[%swap3A_109, %swap3A_110], %broadcast_in_dim3A_108 {strides = array<i32>} : memref<128x128xf32, #tpu.memory_space<vmem>>, vector<16xf32>,
      %broadcast_in_dim3A_112 = arith.constant 0.000000e+00 : f32
      %broadcast_in_dim3A_113 = vector.broadcast %broadcast_in_dim3A_112 : f32 to vector<16xf32>
      %swap3A_114 = arith.index_cast %add3A_78 : i32 to index
      %swap3A_115 = arith.constant 112 : index
      %swap3A_116 = tpu.vector_load %arg7[%swap3A_114, %swap3A_115] {strides = array<i32>} : memref<128x128xf32, #tpu.memory_space<vmem>>, vector<16xf32>,
      tpu.vector_store %arg7[%swap3A_114, %swap3A_115], %broadcast_in_dim3A_113 {strides = array<i32>} : memref<128x128xf32, #tpu.memory_space<vmem>>, vector<16xf32>,
    }
    %scan3A_4 = arith.constant 128 : i32
    %scan3A_5 = arith.constant 0 : i32
    %scan3A_6 = arith.constant 5 : i32
    %scan3A_7 = arith.addi %scan3A_5, %scan3A_6 : i32
    %scan3A_8 = arith.constant 1 : i32
    scf.for %scan3A_74 = %scan3A_5 to %scan3A_7 step %scan3A_8  : i32 {
      %mul3A_75 = arith.constant 1 : i32
      %mul3A_76 = arith.muli %scan3A_74, %mul3A_75 : i32
      %add3A_77 = arith.constant 0 : i32
      %add3A_78 = arith.addi %add3A_77, %mul3A_76 : i32
      %mul3A_79 = arith.constant 640 : i32
      %mul3A_80 = arith.muli %arg1, %mul3A_79 : i32
      %mul3A_81 = arith.constant 128 : i32
      %mul3A_82 = arith.muli %add3A_78, %mul3A_81 : i32
      %add3A_83 = arith.addi %mul3A_80, %mul3A_82 : i32
      "tpu.region"() ({
        %run_scoped3A = tpu.sem_alloc : memref<!tpu.dma_semaphore, #tpu.memory_space<semaphore_mem>>
        %dma_start3A_84 = arith.constant 0 : i32
        %dma_start3A_85 = tpu.memref_slice %arg9[%add3A_83, %dma_start3A_84] : memref<10240x128xf32, #tpu.memory_space<vmem_shared>> -> memref<128x128xf32, #tpu.memory_space<vmem_shared>>
        %dma_start3A_86 = arith.constant 0 : i32
        %dma_start3A_87 = tpu.memref_slice %arg9[%add3A_83, %dma_start3A_86] : memref<10240x128xf32, #tpu.memory_space<vmem_shared>> -> memref<128x128xf32, #tpu.memory_space<vmem_shared>>
        tpu.enqueue_dma source(%arg7 : memref<128x128xf32, #tpu.memory_space<vmem>>) target(%dma_start3A_87 : memref<128x128xf32, #tpu.memory_space<vmem_shared>>) target_semaphore(%run_scoped3A : memref<!tpu.dma_semaphore, #tpu.memory_space<semaphore_mem>>)
        %dma_wait3A_88 = arith.constant 0 : i32
        %dma_wait3A_89 = tpu.memref_slice %arg9[%add3A_83, %dma_wait3A_88] : memref<10240x128xf32, #tpu.memory_space<vmem_shared>> -> memref<128x128xf32, #tpu.memory_space<vmem_shared>>
        %dma_wait3A_90 = arith.constant 0 : i32
        %dma_wait3A_91 = tpu.memref_slice %arg9[%add3A_83, %dma_wait3A_90] : memref<10240x128xf32, #tpu.memory_space<vmem_shared>> -> memref<128x128xf32, #tpu.memory_space<vmem_shared>>
        tpu.wait_dma2 semaphore(%run_scoped3A : memref<!tpu.dma_semaphore, #tpu.memory_space<semaphore_mem>>) src(%arg7 : memref<128x128xf32, #tpu.memory_space<vmem>>) dst(%dma_wait3A_91 : memref<128x128xf32, #tpu.memory_space<vmem_shared>>)
        tpu.yield
      }) : () -> ()
    }
    %scan3A_9 = arith.constant 5 : i32
    %eq3A = arith.constant 0 : i32
    "tpu.trace_stop"() : () -> ()
    %eq3A_10 = arith.cmpi eq, %arg0, %eq3A : i32
    %mul3A_11 = arith.constant 80 : i32
    %mul3A_12 = arith.muli %arg1, %mul3A_11 : i32
    %mul3A_13 = arith.constant 80 : i32
    %mul3A_14 = arith.muli %arg1, %mul3A_13 : i32
    %add3A_15 = arith.constant 1280 : i32
    %add3A_16 = arith.addi %add3A_15, %mul3A_14 : i32
    %select_n3A = arith.select %eq3A_10, %mul3A_12, %add3A_16 : i32
    %eq3A_17 = arith.constant 0 : i32
    %eq3A_18 = arith.cmpi eq, %arg0, %eq3A_17 : i32
    %select_n3A_19 = arith.constant 80 : i32
    %select_n3A_20 = arith.constant 80 : i32
    %select_n3A_21 = arith.select %eq3A_18, %select_n3A_20, %select_n3A_19 : i32
    %dma_start3A = arith.constant 0 : i32
    %dma_start3A_22 = arith.constant 0 : i32
    %dma_start3A_23 = tpu.memref_slice %arg3[%select_n3A, %dma_start3A, %dma_start3A_22] : memref<2560x3x128xi32, #tpu.memory_space<hbm>> -> memref<1x3x128xi32, #tpu.memory_space<hbm>>
    %dma_start3A_24 = tpu.memref_squeeze %dma_start3A_23 : memref<1x3x128xi32, #tpu.memory_space<hbm>> -> memref<3x128xi32, #tpu.memory_space<hbm>>
    %dma_start3A_25 = arith.constant 0 : i32
    %dma_start3A_26 = arith.constant 0 : i32
    %dma_start3A_27 = tpu.memref_slice %arg3[%select_n3A, %dma_start3A_25, %dma_start3A_26] : memref<2560x3x128xi32, #tpu.memory_space<hbm>> -> memref<1x3x128xi32, #tpu.memory_space<hbm>>
    %dma_start3A_28 = tpu.memref_squeeze %dma_start3A_27 : memref<1x3x128xi32, #tpu.memory_space<hbm>> -> memref<3x128xi32, #tpu.memory_space<hbm>>
    tpu.enqueue_dma source(%dma_start3A_28 : memref<3x128xi32, #tpu.memory_space<hbm>>) target(%arg5 : memref<3x128xi32, #tpu.memory_space<vmem>>) target_semaphore(%arg12 : memref<!tpu.dma_semaphore, #tpu.memory_space<semaphore_mem>>)
    %dma_wait3A = arith.constant 0 : i32
    %dma_wait3A_29 = arith.constant 0 : i32
    %dma_wait3A_30 = tpu.memref_slice %arg3[%select_n3A, %dma_wait3A, %dma_wait3A_29] : memref<2560x3x128xi32, #tpu.memory_space<hbm>> -> memref<1x3x128xi32, #tpu.memory_space<hbm>>
    %dma_wait3A_31 = tpu.memref_squeeze %dma_wait3A_30 : memref<1x3x128xi32, #tpu.memory_space<hbm>> -> memref<3x128xi32, #tpu.memory_space<hbm>>
    %dma_wait3A_32 = arith.constant 0 : i32
    %dma_wait3A_33 = arith.constant 0 : i32
    %dma_wait3A_34 = tpu.memref_slice %arg3[%select_n3A, %dma_wait3A_32, %dma_wait3A_33] : memref<2560x3x128xi32, #tpu.memory_space<hbm>> -> memref<1x3x128xi32, #tpu.memory_space<hbm>>
    %dma_wait3A_35 = tpu.memref_squeeze %dma_wait3A_34 : memref<1x3x128xi32, #tpu.memory_space<hbm>> -> memref<3x128xi32, #tpu.memory_space<hbm>>
    tpu.wait_dma2 semaphore(%arg12 : memref<!tpu.dma_semaphore, #tpu.memory_space<semaphore_mem>>) src(%dma_wait3A_35 : memref<3x128xi32, #tpu.memory_space<hbm>>) dst(%arg5 : memref<3x128xi32, #tpu.memory_space<vmem>>)
    %dma_start3A_36 = arith.constant 0 : i32
    %dma_start3A_37 = arith.constant 0 : i32
    %dma_start3A_38 = tpu.memref_slice %arg5[%dma_start3A_36, %dma_start3A_37] : memref<3x128xi32, #tpu.memory_space<vmem>> -> memref<1x128xi32, #tpu.memory_space<vmem>>
    %dma_start3A_39 = tpu.memref_squeeze %dma_start3A_38 : memref<1x128xi32, #tpu.memory_space<vmem>> -> memref<128xi32, #tpu.memory_space<vmem>>
    %dma_start3A_40 = arith.constant 0 : i32
    %dma_start3A_41 = arith.constant 0 : i32
    %dma_start3A_42 = tpu.memref_slice %arg2[%dma_start3A_40, %dma_start3A_41] : memref<10240x128xf32, #tpu.memory_space<hbm>> -> memref<10240x128xf32, #tpu.memory_space<hbm>>
    tpu.enqueue_indirect_dma source(%dma_start3A_42 : memref<10240x128xf32, #tpu.memory_space<hbm>>) target(%arg7 : memref<128x128xf32, #tpu.memory_space<vmem>>) offsets(%dma_start3A_39 : memref<128xi32, #tpu.memory_space<vmem>>) semaphore(%arg10 : memref<!tpu.dma_semaphore, #tpu.memory_space<semaphore_mem>>)
    %add3A_43 = arith.constant 1 : i32
    %add3A_44 = arith.addi %select_n3A, %add3A_43 : i32
    %dma_start3A_45 = arith.constant 0 : i32
    %dma_start3A_46 = arith.constant 0 : i32
    %dma_start3A_47 = tpu.memref_slice %arg3[%add3A_44, %dma_start3A_45, %dma_start3A_46] : memref<2560x3x128xi32, #tpu.memory_space<hbm>> -> memref<1x3x128xi32, #tpu.memory_space<hbm>>
    %dma_start3A_48 = tpu.memref_squeeze %dma_start3A_47 : memref<1x3x128xi32, #tpu.memory_space<hbm>> -> memref<3x128xi32, #tpu.memory_space<hbm>>
    %dma_start3A_49 = arith.constant 0 : i32
    %dma_start3A_50 = arith.constant 0 : i32
    %dma_start3A_51 = tpu.memref_slice %arg3[%add3A_44, %dma_start3A_49, %dma_start3A_50] : memref<2560x3x128xi32, #tpu.memory_space<hbm>> -> memref<1x3x128xi32, #tpu.memory_space<hbm>>
    %dma_start3A_52 = tpu.memref_squeeze %dma_start3A_51 : memref<1x3x128xi32, #tpu.memory_space<hbm>> -> memref<3x128xi32, #tpu.memory_space<hbm>>
    tpu.enqueue_dma source(%dma_start3A_52 : memref<3x128xi32, #tpu.memory_space<hbm>>) target(%arg6 : memref<3x128xi32, #tpu.memory_space<vmem>>) target_semaphore(%arg13 : memref<!tpu.dma_semaphore, #tpu.memory_space<semaphore_mem>>)
    %barrier3A = arith.constant 0 : index
    tpu.barrier barrier_id(%barrier3A)
    "tpu.trace_start"() <{level = 10 : i32, message = "edge_loop"}> : () -> ()
    %sub3A = arith.constant 0 : i32
    %sub3A_53 = arith.subi %select_n3A_21, %sub3A : i32
    %sub3A_54 = arith.constant 2 : i32
    %sub3A_55 = arith.constant 1 : i32
    %sub3A_56 = arith.subi %sub3A_54, %sub3A_55 : i32
    %add3A_57 = arith.addi %sub3A_53, %sub3A_56 : i32
    %div3A = arith.constant 2 : i32
    %div3A_58 = arith.divsi %add3A_57, %div3A : i32
    %while3A = arith.constant 2 : i32
    %while3A_59 = arith.constant 0 : i32
    %while3A_60 = arith.constant 0 : i32
    %while3A_61 = arith.subi %div3A_58, %while3A_60 : i32
    %while3A_62 = arith.addi %while3A_60, %while3A_61 : i32
    %while3A_63 = arith.constant 1 : i32
    %while3A_64 = arith.divsi %while3A_61, %while3A_63 : i32
    %while3A_65 = arith.muli %while3A_64, %while3A_63 : i32
    %while3A_66 = arith.addi %while3A_60, %while3A_65 : i32
    %while3A_67 = arith.constant 1 : i32
    scf.for %while3A_74 = %while3A_60 to %while3A_66 step %while3A_67  : i32 {
      %mul3A_75 = arith.muli %while3A_74, %while3A : i32
      %add3A_76 = arith.addi %while3A_59, %mul3A_75 : i32
      %add3A_77 = arith.constant 0 : i32
      %add3A_78 = arith.addi %add3A_76, %add3A_77 : i32
      %dma_wait3A_79 = arith.constant 0 : i32
      %dma_wait3A_80 = arith.constant 0 : i32
      %dma_wait3A_81 = tpu.memref_slice %arg5[%dma_wait3A_79, %dma_wait3A_80] : memref<3x128xi32, #tpu.memory_space<vmem>> -> memref<1x128xi32, #tpu.memory_space<vmem>>
      %dma_wait3A_82 = tpu.memref_squeeze %dma_wait3A_81 : memref<1x128xi32, #tpu.memory_space<vmem>> -> memref<128xi32, #tpu.memory_space<vmem>>
      %dma_wait3A_83 = arith.constant 0 : i32
      %dma_wait3A_84 = arith.constant 0 : i32
      %dma_wait3A_85 = tpu.memref_slice %arg2[%dma_wait3A_83, %dma_wait3A_84] : memref<10240x128xf32, #tpu.memory_space<hbm>> -> memref<10240x128xf32, #tpu.memory_space<hbm>>
      tpu.wait_indirect_dma semaphore(%arg10 : memref<!tpu.dma_semaphore, #tpu.memory_space<semaphore_mem>>) src(%dma_wait3A_85 : memref<10240x128xf32, #tpu.memory_space<hbm>>) dst(%arg7 : memref<128x128xf32, #tpu.memory_space<vmem>>)
      %add3A_86 = arith.constant 1 : i32
      %add3A_87 = arith.addi %add3A_78, %add3A_86 : i32
      %lt3A = arith.cmpi slt, %add3A_87, %select_n3A_21 : i32
      %convert_element_type3A = arith.extui %lt3A : i1 to i32
      %cond3A = arith.constant 0 : i32
      %cond3A_88 = arith.cmpi ne, %convert_element_type3A, %cond3A : i32
      scf.if %cond3A_88 {
        %add3A_127 = arith.addi %select_n3A, %add3A_78 : i32
        %add3A_128 = arith.constant 1 : i32
        %add3A_129 = arith.addi %add3A_127, %add3A_128 : i32
        %dma_wait3A_130 = arith.constant 0 : i32
        %dma_wait3A_131 = arith.constant 0 : i32
        %dma_wait3A_132 = tpu.memref_slice %arg3[%add3A_129, %dma_wait3A_130, %dma_wait3A_131] : memref<2560x3x128xi32, #tpu.memory_space<hbm>> -> memref<1x3x128xi32, #tpu.memory_space<hbm>>
        %dma_wait3A_133 = tpu.memref_squeeze %dma_wait3A_132 : memref<1x3x128xi32, #tpu.memory_space<hbm>> -> memref<3x128xi32, #tpu.memory_space<hbm>>
        %dma_wait3A_134 = arith.constant 0 : i32
        %dma_wait3A_135 = arith.constant 0 : i32
        %dma_wait3A_136 = tpu.memref_slice %arg3[%add3A_129, %dma_wait3A_134, %dma_wait3A_135] : memref<2560x3x128xi32, #tpu.memory_space<hbm>> -> memref<1x3x128xi32, #tpu.memory_space<hbm>>
        %dma_wait3A_137 = tpu.memref_squeeze %dma_wait3A_136 : memref<1x3x128xi32, #tpu.memory_space<hbm>> -> memref<3x128xi32, #tpu.memory_space<hbm>>
        tpu.wait_dma2 semaphore(%arg13 : memref<!tpu.dma_semaphore, #tpu.memory_space<semaphore_mem>>) src(%dma_wait3A_137 : memref<3x128xi32, #tpu.memory_space<hbm>>) dst(%arg6 : memref<3x128xi32, #tpu.memory_space<vmem>>)
        %dma_start3A_138 = arith.constant 0 : i32
        %dma_start3A_139 = arith.constant 0 : i32
        %dma_start3A_140 = tpu.memref_slice %arg6[%dma_start3A_138, %dma_start3A_139] : memref<3x128xi32, #tpu.memory_space<vmem>> -> memref<1x128xi32, #tpu.memory_space<vmem>>
        %dma_start3A_141 = tpu.memref_squeeze %dma_start3A_140 : memref<1x128xi32, #tpu.memory_space<vmem>> -> memref<128xi32, #tpu.memory_space<vmem>>
        %dma_start3A_142 = arith.constant 0 : i32
        %dma_start3A_143 = arith.constant 0 : i32
        %dma_start3A_144 = tpu.memref_slice %arg2[%dma_start3A_142, %dma_start3A_143] : memref<10240x128xf32, #tpu.memory_space<hbm>> -> memref<10240x128xf32, #tpu.memory_space<hbm>>
        tpu.enqueue_indirect_dma source(%dma_start3A_144 : memref<10240x128xf32, #tpu.memory_space<hbm>>) target(%arg8 : memref<128x128xf32, #tpu.memory_space<vmem>>) offsets(%dma_start3A_141 : memref<128xi32, #tpu.memory_space<vmem>>) semaphore(%arg11 : memref<!tpu.dma_semaphore, #tpu.memory_space<semaphore_mem>>)
      } else {
      }
      %scan3A_89 = arith.constant 0 : i32
      %scan3A_90 = arith.constant 128 : i32
      %scan3A_91 = arith.addi %scan3A_89, %scan3A_90 : i32
      %scan3A_92 = arith.constant 1 : i32
      scf.for %scan3A_127 = %scan3A_89 to %scan3A_91 step %scan3A_92  : i32 {
        %mul3A_128 = arith.constant 1 : i32
        %mul3A_129 = arith.muli %scan3A_127, %mul3A_128 : i32
        %add3A_130 = arith.constant 0 : i32
        %add3A_131 = arith.addi %add3A_130, %mul3A_129 : i32
        %broadcast_in_dim3A = vector.broadcast %add3A_131 : i32 to vector<16xi32>
        %broadcast_in_dim3A_132 = arith.constant 2 : i32
        %broadcast_in_dim3A_133 = vector.broadcast %broadcast_in_dim3A_132 : i32 to vector<16xi32>
        %gather3A = tpu.vector_load_idx %arg5[%broadcast_in_dim3A_133, %broadcast_in_dim3A] : memref<3x128xi32, #tpu.memory_space<vmem>>[vector<16xi32>, vector<16xi32>], vector<16xi32>,
        %bitcast3A = vector.bitcast %gather3A : vector<16xi32> to vector<16xf32>
        %get3A = arith.index_cast %add3A_131 : i32 to index
        %get3A_134 = arith.constant 0 : index
        %get3A_135 = tpu.vector_load %arg7[%get3A, %get3A_134] {strides = array<i32>} : memref<128x128xf32, #tpu.memory_space<vmem>>, vector<16xf32>,
        %mul3A_136 = arith.mulf %get3A_135, %bitcast3A : vector<16xf32>
        %swap3A = arith.index_cast %add3A_131 : i32 to index
        %swap3A_137 = arith.constant 0 : index
        %swap3A_138 = tpu.vector_load %arg7[%swap3A, %swap3A_137] {strides = array<i32>} : memref<128x128xf32, #tpu.memory_space<vmem>>, vector<16xf32>,
        tpu.vector_store %arg7[%swap3A, %swap3A_137], %mul3A_136 {strides = array<i32>} : memref<128x128xf32, #tpu.memory_space<vmem>>, vector<16xf32>,
        %get3A_139 = arith.index_cast %add3A_131 : i32 to index
        %get3A_140 = arith.constant 16 : index
        %get3A_141 = tpu.vector_load %arg7[%get3A_139, %get3A_140] {strides = array<i32>} : memref<128x128xf32, #tpu.memory_space<vmem>>, vector<16xf32>,
        %mul3A_142 = arith.mulf %get3A_141, %bitcast3A : vector<16xf32>
        %swap3A_143 = arith.index_cast %add3A_131 : i32 to index
        %swap3A_144 = arith.constant 16 : index
        %swap3A_145 = tpu.vector_load %arg7[%swap3A_143, %swap3A_144] {strides = array<i32>} : memref<128x128xf32, #tpu.memory_space<vmem>>, vector<16xf32>,
        tpu.vector_store %arg7[%swap3A_143, %swap3A_144], %mul3A_142 {strides = array<i32>} : memref<128x128xf32, #tpu.memory_space<vmem>>, vector<16xf32>,
        %get3A_146 = arith.index_cast %add3A_131 : i32 to index
        %get3A_147 = arith.constant 32 : index
        %get3A_148 = tpu.vector_load %arg7[%get3A_146, %get3A_147] {strides = array<i32>} : memref<128x128xf32, #tpu.memory_space<vmem>>, vector<16xf32>,
        %mul3A_149 = arith.mulf %get3A_148, %bitcast3A : vector<16xf32>
        %swap3A_150 = arith.index_cast %add3A_131 : i32 to index
        %swap3A_151 = arith.constant 32 : index
        %swap3A_152 = tpu.vector_load %arg7[%swap3A_150, %swap3A_151] {strides = array<i32>} : memref<128x128xf32, #tpu.memory_space<vmem>>, vector<16xf32>,
        tpu.vector_store %arg7[%swap3A_150, %swap3A_151], %mul3A_149 {strides = array<i32>} : memref<128x128xf32, #tpu.memory_space<vmem>>, vector<16xf32>,
        %get3A_153 = arith.index_cast %add3A_131 : i32 to index
        %get3A_154 = arith.constant 48 : index
        %get3A_155 = tpu.vector_load %arg7[%get3A_153, %get3A_154] {strides = array<i32>} : memref<128x128xf32, #tpu.memory_space<vmem>>, vector<16xf32>,
        %mul3A_156 = arith.mulf %get3A_155, %bitcast3A : vector<16xf32>
        %swap3A_157 = arith.index_cast %add3A_131 : i32 to index
        %swap3A_158 = arith.constant 48 : index
        %swap3A_159 = tpu.vector_load %arg7[%swap3A_157, %swap3A_158] {strides = array<i32>} : memref<128x128xf32, #tpu.memory_space<vmem>>, vector<16xf32>,
        tpu.vector_store %arg7[%swap3A_157, %swap3A_158], %mul3A_156 {strides = array<i32>} : memref<128x128xf32, #tpu.memory_space<vmem>>, vector<16xf32>,
        %get3A_160 = arith.index_cast %add3A_131 : i32 to index
        %get3A_161 = arith.constant 64 : index
        %get3A_162 = tpu.vector_load %arg7[%get3A_160, %get3A_161] {strides = array<i32>} : memref<128x128xf32, #tpu.memory_space<vmem>>, vector<16xf32>,
        %mul3A_163 = arith.mulf %get3A_162, %bitcast3A : vector<16xf32>
        %swap3A_164 = arith.index_cast %add3A_131 : i32 to index
        %swap3A_165 = arith.constant 64 : index
        %swap3A_166 = tpu.vector_load %arg7[%swap3A_164, %swap3A_165] {strides = array<i32>} : memref<128x128xf32, #tpu.memory_space<vmem>>, vector<16xf32>,
        tpu.vector_store %arg7[%swap3A_164, %swap3A_165], %mul3A_163 {strides = array<i32>} : memref<128x128xf32, #tpu.memory_space<vmem>>, vector<16xf32>,
        %get3A_167 = arith.index_cast %add3A_131 : i32 to index
        %get3A_168 = arith.constant 80 : index
        %get3A_169 = tpu.vector_load %arg7[%get3A_167, %get3A_168] {strides = array<i32>} : memref<128x128xf32, #tpu.memory_space<vmem>>, vector<16xf32>,
        %mul3A_170 = arith.mulf %get3A_169, %bitcast3A : vector<16xf32>
        %swap3A_171 = arith.index_cast %add3A_131 : i32 to index
        %swap3A_172 = arith.constant 80 : index
        %swap3A_173 = tpu.vector_load %arg7[%swap3A_171, %swap3A_172] {strides = array<i32>} : memref<128x128xf32, #tpu.memory_space<vmem>>, vector<16xf32>,
        tpu.vector_store %arg7[%swap3A_171, %swap3A_172], %mul3A_170 {strides = array<i32>} : memref<128x128xf32, #tpu.memory_space<vmem>>, vector<16xf32>,
        %get3A_174 = arith.index_cast %add3A_131 : i32 to index
        %get3A_175 = arith.constant 96 : index
        %get3A_176 = tpu.vector_load %arg7[%get3A_174, %get3A_175] {strides = array<i32>} : memref<128x128xf32, #tpu.memory_space<vmem>>, vector<16xf32>,
        %mul3A_177 = arith.mulf %get3A_176, %bitcast3A : vector<16xf32>
        %swap3A_178 = arith.index_cast %add3A_131 : i32 to index
        %swap3A_179 = arith.constant 96 : index
        %swap3A_180 = tpu.vector_load %arg7[%swap3A_178, %swap3A_179] {strides = array<i32>} : memref<128x128xf32, #tpu.memory_space<vmem>>, vector<16xf32>,
        tpu.vector_store %arg7[%swap3A_178, %swap3A_179], %mul3A_177 {strides = array<i32>} : memref<128x128xf32, #tpu.memory_space<vmem>>, vector<16xf32>,
        %get3A_181 = arith.index_cast %add3A_131 : i32 to index
        %get3A_182 = arith.constant 112 : index
        %get3A_183 = tpu.vector_load %arg7[%get3A_181, %get3A_182] {strides = array<i32>} : memref<128x128xf32, #tpu.memory_space<vmem>>, vector<16xf32>,
        %mul3A_184 = arith.mulf %get3A_183, %bitcast3A : vector<16xf32>
        %swap3A_185 = arith.index_cast %add3A_131 : i32 to index
        %swap3A_186 = arith.constant 112 : index
        %swap3A_187 = tpu.vector_load %arg7[%swap3A_185, %swap3A_186] {strides = array<i32>} : memref<128x128xf32, #tpu.memory_space<vmem>>, vector<16xf32>,
        tpu.vector_store %arg7[%swap3A_185, %swap3A_186], %mul3A_184 {strides = array<i32>} : memref<128x128xf32, #tpu.memory_space<vmem>>, vector<16xf32>,
      }
      %scan3A_93 = arith.constant 128 : i32
      %run_scoped3A = arith.constant 1 : i32
      "tpu.region"() ({
        %run_scoped3A_127 = tpu.sem_alloc : memref<!tpu.dma_semaphore, #tpu.memory_space<semaphore_mem>>
        %dma_start3A_128 = arith.constant 0 : i32
        %dma_start3A_129 = tpu.memref_slice %arg5[%run_scoped3A, %dma_start3A_128] : memref<3x128xi32, #tpu.memory_space<vmem>> -> memref<1x128xi32, #tpu.memory_space<vmem>>
        %dma_start3A_130 = tpu.memref_squeeze %dma_start3A_129 : memref<1x128xi32, #tpu.memory_space<vmem>> -> memref<128xi32, #tpu.memory_space<vmem>>
        %dma_start3A_131 = arith.constant 0 : i32
        %dma_start3A_132 = arith.constant 0 : i32
        %dma_start3A_133 = tpu.memref_slice %arg9[%dma_start3A_131, %dma_start3A_132] : memref<10240x128xf32, #tpu.memory_space<vmem_shared>> -> memref<10240x128xf32, #tpu.memory_space<vmem_shared>>
        tpu.enqueue_indirect_dma source(%arg7 : memref<128x128xf32, #tpu.memory_space<vmem>>) target(%dma_start3A_133 : memref<10240x128xf32, #tpu.memory_space<vmem_shared>>) offsets(%dma_start3A_130 : memref<128xi32, #tpu.memory_space<vmem>>) semaphore(%run_scoped3A_127 : memref<!tpu.dma_semaphore, #tpu.memory_space<semaphore_mem>>) {add = true}
        %dma_wait3A_134 = arith.constant 0 : i32
        %dma_wait3A_135 = tpu.memref_slice %arg5[%run_scoped3A, %dma_wait3A_134] : memref<3x128xi32, #tpu.memory_space<vmem>> -> memref<1x128xi32, #tpu.memory_space<vmem>>
        %dma_wait3A_136 = tpu.memref_squeeze %dma_wait3A_135 : memref<1x128xi32, #tpu.memory_space<vmem>> -> memref<128xi32, #tpu.memory_space<vmem>>
        %dma_wait3A_137 = arith.constant 0 : i32
        %dma_wait3A_138 = arith.constant 0 : i32
        %dma_wait3A_139 = tpu.memref_slice %arg9[%dma_wait3A_137, %dma_wait3A_138] : memref<10240x128xf32, #tpu.memory_space<vmem_shared>> -> memref<10240x128xf32, #tpu.memory_space<vmem_shared>>
        tpu.wait_indirect_dma semaphore(%run_scoped3A_127 : memref<!tpu.dma_semaphore, #tpu.memory_space<semaphore_mem>>) src(%arg7 : memref<128x128xf32, #tpu.memory_space<vmem>>) dst(%dma_wait3A_139 : memref<10240x128xf32, #tpu.memory_space<vmem_shared>>)
        tpu.yield
      }) : () -> ()
      %add3A_94 = arith.constant 2 : i32
      %add3A_95 = arith.addi %add3A_78, %add3A_94 : i32
      %lt3A_96 = arith.cmpi slt, %add3A_95, %select_n3A_21 : i32
      %convert_element_type3A_97 = arith.extui %lt3A_96 : i1 to i32
      %cond3A_98 = arith.constant 0 : i32
      %cond3A_99 = arith.cmpi ne, %convert_element_type3A_97, %cond3A_98 : i32
      scf.if %cond3A_99 {
        %add3A_127 = arith.addi %select_n3A, %add3A_78 : i32
        %add3A_128 = arith.constant 2 : i32
        %add3A_129 = arith.addi %add3A_127, %add3A_128 : i32
        %dma_start3A_130 = arith.constant 0 : i32
        %dma_start3A_131 = arith.constant 0 : i32
        %dma_start3A_132 = tpu.memref_slice %arg3[%add3A_129, %dma_start3A_130, %dma_start3A_131] : memref<2560x3x128xi32, #tpu.memory_space<hbm>> -> memref<1x3x128xi32, #tpu.memory_space<hbm>>
        %dma_start3A_133 = tpu.memref_squeeze %dma_start3A_132 : memref<1x3x128xi32, #tpu.memory_space<hbm>> -> memref<3x128xi32, #tpu.memory_space<hbm>>
        %dma_start3A_134 = arith.constant 0 : i32
        %dma_start3A_135 = arith.constant 0 : i32
        %dma_start3A_136 = tpu.memref_slice %arg3[%add3A_129, %dma_start3A_134, %dma_start3A_135] : memref<2560x3x128xi32, #tpu.memory_space<hbm>> -> memref<1x3x128xi32, #tpu.memory_space<hbm>>
        %dma_start3A_137 = tpu.memref_squeeze %dma_start3A_136 : memref<1x3x128xi32, #tpu.memory_space<hbm>> -> memref<3x128xi32, #tpu.memory_space<hbm>>
        tpu.enqueue_dma source(%dma_start3A_137 : memref<3x128xi32, #tpu.memory_space<hbm>>) target(%arg5 : memref<3x128xi32, #tpu.memory_space<vmem>>) target_semaphore(%arg12 : memref<!tpu.dma_semaphore, #tpu.memory_space<semaphore_mem>>)
      } else {
      }
      %add3A_100 = arith.constant 1 : i32
      %add3A_101 = arith.addi %add3A_76, %add3A_100 : i32
      %dma_wait3A_102 = arith.constant 0 : i32
      %dma_wait3A_103 = arith.constant 0 : i32
      %dma_wait3A_104 = tpu.memref_slice %arg6[%dma_wait3A_102, %dma_wait3A_103] : memref<3x128xi32, #tpu.memory_space<vmem>> -> memref<1x128xi32, #tpu.memory_space<vmem>>
      %dma_wait3A_105 = tpu.memref_squeeze %dma_wait3A_104 : memref<1x128xi32, #tpu.memory_space<vmem>> -> memref<128xi32, #tpu.memory_space<vmem>>
      %dma_wait3A_106 = arith.constant 0 : i32
      %dma_wait3A_107 = arith.constant 0 : i32
      %dma_wait3A_108 = tpu.memref_slice %arg2[%dma_wait3A_106, %dma_wait3A_107] : memref<10240x128xf32, #tpu.memory_space<hbm>> -> memref<10240x128xf32, #tpu.memory_space<hbm>>
      tpu.wait_indirect_dma semaphore(%arg11 : memref<!tpu.dma_semaphore, #tpu.memory_space<semaphore_mem>>) src(%dma_wait3A_108 : memref<10240x128xf32, #tpu.memory_space<hbm>>) dst(%arg8 : memref<128x128xf32, #tpu.memory_space<vmem>>)
      %add3A_109 = arith.constant 1 : i32
      %add3A_110 = arith.addi %add3A_101, %add3A_109 : i32
      %lt3A_111 = arith.cmpi slt, %add3A_110, %select_n3A_21 : i32
      %convert_element_type3A_112 = arith.extui %lt3A_111 : i1 to i32
      %cond3A_113 = arith.constant 0 : i32
      %cond3A_114 = arith.cmpi ne, %convert_element_type3A_112, %cond3A_113 : i32
      scf.if %cond3A_114 {
        %add3A_127 = arith.addi %select_n3A, %add3A_101 : i32
        %add3A_128 = arith.constant 1 : i32
        %add3A_129 = arith.addi %add3A_127, %add3A_128 : i32
        %dma_wait3A_130 = arith.constant 0 : i32
        %dma_wait3A_131 = arith.constant 0 : i32
        %dma_wait3A_132 = tpu.memref_slice %arg3[%add3A_129, %dma_wait3A_130, %dma_wait3A_131] : memref<2560x3x128xi32, #tpu.memory_space<hbm>> -> memref<1x3x128xi32, #tpu.memory_space<hbm>>
        %dma_wait3A_133 = tpu.memref_squeeze %dma_wait3A_132 : memref<1x3x128xi32, #tpu.memory_space<hbm>> -> memref<3x128xi32, #tpu.memory_space<hbm>>
        %dma_wait3A_134 = arith.constant 0 : i32
        %dma_wait3A_135 = arith.constant 0 : i32
        %dma_wait3A_136 = tpu.memref_slice %arg3[%add3A_129, %dma_wait3A_134, %dma_wait3A_135] : memref<2560x3x128xi32, #tpu.memory_space<hbm>> -> memref<1x3x128xi32, #tpu.memory_space<hbm>>
        %dma_wait3A_137 = tpu.memref_squeeze %dma_wait3A_136 : memref<1x3x128xi32, #tpu.memory_space<hbm>> -> memref<3x128xi32, #tpu.memory_space<hbm>>
        tpu.wait_dma2 semaphore(%arg12 : memref<!tpu.dma_semaphore, #tpu.memory_space<semaphore_mem>>) src(%dma_wait3A_137 : memref<3x128xi32, #tpu.memory_space<hbm>>) dst(%arg5 : memref<3x128xi32, #tpu.memory_space<vmem>>)
        %dma_start3A_138 = arith.constant 0 : i32
        %dma_start3A_139 = arith.constant 0 : i32
        %dma_start3A_140 = tpu.memref_slice %arg5[%dma_start3A_138, %dma_start3A_139] : memref<3x128xi32, #tpu.memory_space<vmem>> -> memref<1x128xi32, #tpu.memory_space<vmem>>
        %dma_start3A_141 = tpu.memref_squeeze %dma_start3A_140 : memref<1x128xi32, #tpu.memory_space<vmem>> -> memref<128xi32, #tpu.memory_space<vmem>>
        %dma_start3A_142 = arith.constant 0 : i32
        %dma_start3A_143 = arith.constant 0 : i32
        %dma_start3A_144 = tpu.memref_slice %arg2[%dma_start3A_142, %dma_start3A_143] : memref<10240x128xf32, #tpu.memory_space<hbm>> -> memref<10240x128xf32, #tpu.memory_space<hbm>>
        tpu.enqueue_indirect_dma source(%dma_start3A_144 : memref<10240x128xf32, #tpu.memory_space<hbm>>) target(%arg7 : memref<128x128xf32, #tpu.memory_space<vmem>>) offsets(%dma_start3A_141 : memref<128xi32, #tpu.memory_space<vmem>>) semaphore(%arg10 : memref<!tpu.dma_semaphore, #tpu.memory_space<semaphore_mem>>)
      } else {
      }
      %scan3A_115 = arith.constant 0 : i32
      %scan3A_116 = arith.constant 128 : i32
      %scan3A_117 = arith.addi %scan3A_115, %scan3A_116 : i32
      %scan3A_118 = arith.constant 1 : i32
      scf.for %scan3A_127 = %scan3A_115 to %scan3A_117 step %scan3A_118  : i32 {
        %mul3A_128 = arith.constant 1 : i32
        %mul3A_129 = arith.muli %scan3A_127, %mul3A_128 : i32
        %add3A_130 = arith.constant 0 : i32
        %add3A_131 = arith.addi %add3A_130, %mul3A_129 : i32
        %broadcast_in_dim3A = vector.broadcast %add3A_131 : i32 to vector<16xi32>
        %broadcast_in_dim3A_132 = arith.constant 2 : i32
        %broadcast_in_dim3A_133 = vector.broadcast %broadcast_in_dim3A_132 : i32 to vector<16xi32>
        %gather3A = tpu.vector_load_idx %arg6[%broadcast_in_dim3A_133, %broadcast_in_dim3A] : memref<3x128xi32, #tpu.memory_space<vmem>>[vector<16xi32>, vector<16xi32>], vector<16xi32>,
        %bitcast3A = vector.bitcast %gather3A : vector<16xi32> to vector<16xf32>
        %get3A = arith.index_cast %add3A_131 : i32 to index
        %get3A_134 = arith.constant 0 : index
        %get3A_135 = tpu.vector_load %arg8[%get3A, %get3A_134] {strides = array<i32>} : memref<128x128xf32, #tpu.memory_space<vmem>>, vector<16xf32>,
        %mul3A_136 = arith.mulf %get3A_135, %bitcast3A : vector<16xf32>
        %swap3A = arith.index_cast %add3A_131 : i32 to index
        %swap3A_137 = arith.constant 0 : index
        %swap3A_138 = tpu.vector_load %arg8[%swap3A, %swap3A_137] {strides = array<i32>} : memref<128x128xf32, #tpu.memory_space<vmem>>, vector<16xf32>,
        tpu.vector_store %arg8[%swap3A, %swap3A_137], %mul3A_136 {strides = array<i32>} : memref<128x128xf32, #tpu.memory_space<vmem>>, vector<16xf32>,
        %get3A_139 = arith.index_cast %add3A_131 : i32 to index
        %get3A_140 = arith.constant 16 : index
        %get3A_141 = tpu.vector_load %arg8[%get3A_139, %get3A_140] {strides = array<i32>} : memref<128x128xf32, #tpu.memory_space<vmem>>, vector<16xf32>,
        %mul3A_142 = arith.mulf %get3A_141, %bitcast3A : vector<16xf32>
        %swap3A_143 = arith.index_cast %add3A_131 : i32 to index
        %swap3A_144 = arith.constant 16 : index
        %swap3A_145 = tpu.vector_load %arg8[%swap3A_143, %swap3A_144] {strides = array<i32>} : memref<128x128xf32, #tpu.memory_space<vmem>>, vector<16xf32>,
        tpu.vector_store %arg8[%swap3A_143, %swap3A_144], %mul3A_142 {strides = array<i32>} : memref<128x128xf32, #tpu.memory_space<vmem>>, vector<16xf32>,
        %get3A_146 = arith.index_cast %add3A_131 : i32 to index
        %get3A_147 = arith.constant 32 : index
        %get3A_148 = tpu.vector_load %arg8[%get3A_146, %get3A_147] {strides = array<i32>} : memref<128x128xf32, #tpu.memory_space<vmem>>, vector<16xf32>,
        %mul3A_149 = arith.mulf %get3A_148, %bitcast3A : vector<16xf32>
        %swap3A_150 = arith.index_cast %add3A_131 : i32 to index
        %swap3A_151 = arith.constant 32 : index
        %swap3A_152 = tpu.vector_load %arg8[%swap3A_150, %swap3A_151] {strides = array<i32>} : memref<128x128xf32, #tpu.memory_space<vmem>>, vector<16xf32>,
        tpu.vector_store %arg8[%swap3A_150, %swap3A_151], %mul3A_149 {strides = array<i32>} : memref<128x128xf32, #tpu.memory_space<vmem>>, vector<16xf32>,
        %get3A_153 = arith.index_cast %add3A_131 : i32 to index
        %get3A_154 = arith.constant 48 : index
        %get3A_155 = tpu.vector_load %arg8[%get3A_153, %get3A_154] {strides = array<i32>} : memref<128x128xf32, #tpu.memory_space<vmem>>, vector<16xf32>,
        %mul3A_156 = arith.mulf %get3A_155, %bitcast3A : vector<16xf32>
        %swap3A_157 = arith.index_cast %add3A_131 : i32 to index
        %swap3A_158 = arith.constant 48 : index
        %swap3A_159 = tpu.vector_load %arg8[%swap3A_157, %swap3A_158] {strides = array<i32>} : memref<128x128xf32, #tpu.memory_space<vmem>>, vector<16xf32>,
        tpu.vector_store %arg8[%swap3A_157, %swap3A_158], %mul3A_156 {strides = array<i32>} : memref<128x128xf32, #tpu.memory_space<vmem>>, vector<16xf32>,
        %get3A_160 = arith.index_cast %add3A_131 : i32 to index
        %get3A_161 = arith.constant 64 : index
        %get3A_162 = tpu.vector_load %arg8[%get3A_160, %get3A_161] {strides = array<i32>} : memref<128x128xf32, #tpu.memory_space<vmem>>, vector<16xf32>,
        %mul3A_163 = arith.mulf %get3A_162, %bitcast3A : vector<16xf32>
        %swap3A_164 = arith.index_cast %add3A_131 : i32 to index
        %swap3A_165 = arith.constant 64 : index
        %swap3A_166 = tpu.vector_load %arg8[%swap3A_164, %swap3A_165] {strides = array<i32>} : memref<128x128xf32, #tpu.memory_space<vmem>>, vector<16xf32>,
        tpu.vector_store %arg8[%swap3A_164, %swap3A_165], %mul3A_163 {strides = array<i32>} : memref<128x128xf32, #tpu.memory_space<vmem>>, vector<16xf32>,
        %get3A_167 = arith.index_cast %add3A_131 : i32 to index
        %get3A_168 = arith.constant 80 : index
        %get3A_169 = tpu.vector_load %arg8[%get3A_167, %get3A_168] {strides = array<i32>} : memref<128x128xf32, #tpu.memory_space<vmem>>, vector<16xf32>,
        %mul3A_170 = arith.mulf %get3A_169, %bitcast3A : vector<16xf32>
        %swap3A_171 = arith.index_cast %add3A_131 : i32 to index
        %swap3A_172 = arith.constant 80 : index
        %swap3A_173 = tpu.vector_load %arg8[%swap3A_171, %swap3A_172] {strides = array<i32>} : memref<128x128xf32, #tpu.memory_space<vmem>>, vector<16xf32>,
        tpu.vector_store %arg8[%swap3A_171, %swap3A_172], %mul3A_170 {strides = array<i32>} : memref<128x128xf32, #tpu.memory_space<vmem>>, vector<16xf32>,
        %get3A_174 = arith.index_cast %add3A_131 : i32 to index
        %get3A_175 = arith.constant 96 : index
        %get3A_176 = tpu.vector_load %arg8[%get3A_174, %get3A_175] {strides = array<i32>} : memref<128x128xf32, #tpu.memory_space<vmem>>, vector<16xf32>,
        %mul3A_177 = arith.mulf %get3A_176, %bitcast3A : vector<16xf32>
        %swap3A_178 = arith.index_cast %add3A_131 : i32 to index
        %swap3A_179 = arith.constant 96 : index
        %swap3A_180 = tpu.vector_load %arg8[%swap3A_178, %swap3A_179] {strides = array<i32>} : memref<128x128xf32, #tpu.memory_space<vmem>>, vector<16xf32>,
        tpu.vector_store %arg8[%swap3A_178, %swap3A_179], %mul3A_177 {strides = array<i32>} : memref<128x128xf32, #tpu.memory_space<vmem>>, vector<16xf32>,
        %get3A_181 = arith.index_cast %add3A_131 : i32 to index
        %get3A_182 = arith.constant 112 : index
        %get3A_183 = tpu.vector_load %arg8[%get3A_181, %get3A_182] {strides = array<i32>} : memref<128x128xf32, #tpu.memory_space<vmem>>, vector<16xf32>,
        %mul3A_184 = arith.mulf %get3A_183, %bitcast3A : vector<16xf32>
        %swap3A_185 = arith.index_cast %add3A_131 : i32 to index
        %swap3A_186 = arith.constant 112 : index
        %swap3A_187 = tpu.vector_load %arg8[%swap3A_185, %swap3A_186] {strides = array<i32>} : memref<128x128xf32, #tpu.memory_space<vmem>>, vector<16xf32>,
        tpu.vector_store %arg8[%swap3A_185, %swap3A_186], %mul3A_184 {strides = array<i32>} : memref<128x128xf32, #tpu.memory_space<vmem>>, vector<16xf32>,
      }
      %scan3A_119 = arith.constant 128 : i32
      %run_scoped3A_120 = arith.constant 1 : i32
      "tpu.region"() ({
        %run_scoped3A_127 = tpu.sem_alloc : memref<!tpu.dma_semaphore, #tpu.memory_space<semaphore_mem>>
        %dma_start3A_128 = arith.constant 0 : i32
        %dma_start3A_129 = tpu.memref_slice %arg6[%run_scoped3A_120, %dma_start3A_128] : memref<3x128xi32, #tpu.memory_space<vmem>> -> memref<1x128xi32, #tpu.memory_space<vmem>>
        %dma_start3A_130 = tpu.memref_squeeze %dma_start3A_129 : memref<1x128xi32, #tpu.memory_space<vmem>> -> memref<128xi32, #tpu.memory_space<vmem>>
        %dma_start3A_131 = arith.constant 0 : i32
        %dma_start3A_132 = arith.constant 0 : i32
        %dma_start3A_133 = tpu.memref_slice %arg9[%dma_start3A_131, %dma_start3A_132] : memref<10240x128xf32, #tpu.memory_space<vmem_shared>> -> memref<10240x128xf32, #tpu.memory_space<vmem_shared>>
        tpu.enqueue_indirect_dma source(%arg8 : memref<128x128xf32, #tpu.memory_space<vmem>>) target(%dma_start3A_133 : memref<10240x128xf32, #tpu.memory_space<vmem_shared>>) offsets(%dma_start3A_130 : memref<128xi32, #tpu.memory_space<vmem>>) semaphore(%run_scoped3A_127 : memref<!tpu.dma_semaphore, #tpu.memory_space<semaphore_mem>>) {add = true}
        %dma_wait3A_134 = arith.constant 0 : i32
        %dma_wait3A_135 = tpu.memref_slice %arg6[%run_scoped3A_120, %dma_wait3A_134] : memref<3x128xi32, #tpu.memory_space<vmem>> -> memref<1x128xi32, #tpu.memory_space<vmem>>
        %dma_wait3A_136 = tpu.memref_squeeze %dma_wait3A_135 : memref<1x128xi32, #tpu.memory_space<vmem>> -> memref<128xi32, #tpu.memory_space<vmem>>
        %dma_wait3A_137 = arith.constant 0 : i32
        %dma_wait3A_138 = arith.constant 0 : i32
        %dma_wait3A_139 = tpu.memref_slice %arg9[%dma_wait3A_137, %dma_wait3A_138] : memref<10240x128xf32, #tpu.memory_space<vmem_shared>> -> memref<10240x128xf32, #tpu.memory_space<vmem_shared>>
        tpu.wait_indirect_dma semaphore(%run_scoped3A_127 : memref<!tpu.dma_semaphore, #tpu.memory_space<semaphore_mem>>) src(%arg8 : memref<128x128xf32, #tpu.memory_space<vmem>>) dst(%dma_wait3A_139 : memref<10240x128xf32, #tpu.memory_space<vmem_shared>>)
        tpu.yield
      }) : () -> ()
      %add3A_121 = arith.constant 2 : i32
      %add3A_122 = arith.addi %add3A_101, %add3A_121 : i32
      %lt3A_123 = arith.cmpi slt, %add3A_122, %select_n3A_21 : i32
      %convert_element_type3A_124 = arith.extui %lt3A_123 : i1 to i32
      %cond3A_125 = arith.constant 0 : i32
      %cond3A_126 = arith.cmpi ne, %convert_element_type3A_124, %cond3A_125 : i32
      scf.if %cond3A_126 {
        %add3A_127 = arith.addi %select_n3A, %add3A_101 : i32
        %add3A_128 = arith.constant 2 : i32
        %add3A_129 = arith.addi %add3A_127, %add3A_128 : i32
        %dma_start3A_130 = arith.constant 0 : i32
        %dma_start3A_131 = arith.constant 0 : i32
        %dma_start3A_132 = tpu.memref_slice %arg3[%add3A_129, %dma_start3A_130, %dma_start3A_131] : memref<2560x3x128xi32, #tpu.memory_space<hbm>> -> memref<1x3x128xi32, #tpu.memory_space<hbm>>
        %dma_start3A_133 = tpu.memref_squeeze %dma_start3A_132 : memref<1x3x128xi32, #tpu.memory_space<hbm>> -> memref<3x128xi32, #tpu.memory_space<hbm>>
        %dma_start3A_134 = arith.constant 0 : i32
        %dma_start3A_135 = arith.constant 0 : i32
        %dma_start3A_136 = tpu.memref_slice %arg3[%add3A_129, %dma_start3A_134, %dma_start3A_135] : memref<2560x3x128xi32, #tpu.memory_space<hbm>> -> memref<1x3x128xi32, #tpu.memory_space<hbm>>
        %dma_start3A_137 = tpu.memref_squeeze %dma_start3A_136 : memref<1x3x128xi32, #tpu.memory_space<hbm>> -> memref<3x128xi32, #tpu.memory_space<hbm>>
        tpu.enqueue_dma source(%dma_start3A_137 : memref<3x128xi32, #tpu.memory_space<hbm>>) target(%arg6 : memref<3x128xi32, #tpu.memory_space<vmem>>) target_semaphore(%arg13 : memref<!tpu.dma_semaphore, #tpu.memory_space<semaphore_mem>>)
      } else {
      }
    }
    %while3A_68 = arith.constant 1 : i32
    scf.for %while3A_74 = %while3A_66 to %while3A_62 step %while3A_68  : i32 {
      %mul3A_75 = arith.muli %while3A_74, %while3A : i32
      %add3A_76 = arith.addi %while3A_59, %mul3A_75 : i32
      %add3A_77 = arith.constant 0 : i32
      %add3A_78 = arith.addi %add3A_76, %add3A_77 : i32
      %dma_wait3A_79 = arith.constant 0 : i32
      %dma_wait3A_80 = arith.constant 0 : i32
      %dma_wait3A_81 = tpu.memref_slice %arg5[%dma_wait3A_79, %dma_wait3A_80] : memref<3x128xi32, #tpu.memory_space<vmem>> -> memref<1x128xi32, #tpu.memory_space<vmem>>
      %dma_wait3A_82 = tpu.memref_squeeze %dma_wait3A_81 : memref<1x128xi32, #tpu.memory_space<vmem>> -> memref<128xi32, #tpu.memory_space<vmem>>
      %dma_wait3A_83 = arith.constant 0 : i32
      %dma_wait3A_84 = arith.constant 0 : i32
      %dma_wait3A_85 = tpu.memref_slice %arg2[%dma_wait3A_83, %dma_wait3A_84] : memref<10240x128xf32, #tpu.memory_space<hbm>> -> memref<10240x128xf32, #tpu.memory_space<hbm>>
      tpu.wait_indirect_dma semaphore(%arg10 : memref<!tpu.dma_semaphore, #tpu.memory_space<semaphore_mem>>) src(%dma_wait3A_85 : memref<10240x128xf32, #tpu.memory_space<hbm>>) dst(%arg7 : memref<128x128xf32, #tpu.memory_space<vmem>>)
      %add3A_86 = arith.constant 1 : i32
      %add3A_87 = arith.addi %add3A_78, %add3A_86 : i32
      %lt3A = arith.cmpi slt, %add3A_87, %select_n3A_21 : i32
      %convert_element_type3A = arith.extui %lt3A : i1 to i32
      %cond3A = arith.constant 0 : i32
      %cond3A_88 = arith.cmpi ne, %convert_element_type3A, %cond3A : i32
      scf.if %cond3A_88 {
        %add3A_127 = arith.addi %select_n3A, %add3A_78 : i32
        %add3A_128 = arith.constant 1 : i32
        %add3A_129 = arith.addi %add3A_127, %add3A_128 : i32
        %dma_wait3A_130 = arith.constant 0 : i32
        %dma_wait3A_131 = arith.constant 0 : i32
        %dma_wait3A_132 = tpu.memref_slice %arg3[%add3A_129, %dma_wait3A_130, %dma_wait3A_131] : memref<2560x3x128xi32, #tpu.memory_space<hbm>> -> memref<1x3x128xi32, #tpu.memory_space<hbm>>
        %dma_wait3A_133 = tpu.memref_squeeze %dma_wait3A_132 : memref<1x3x128xi32, #tpu.memory_space<hbm>> -> memref<3x128xi32, #tpu.memory_space<hbm>>
        %dma_wait3A_134 = arith.constant 0 : i32
        %dma_wait3A_135 = arith.constant 0 : i32
        %dma_wait3A_136 = tpu.memref_slice %arg3[%add3A_129, %dma_wait3A_134, %dma_wait3A_135] : memref<2560x3x128xi32, #tpu.memory_space<hbm>> -> memref<1x3x128xi32, #tpu.memory_space<hbm>>
        %dma_wait3A_137 = tpu.memref_squeeze %dma_wait3A_136 : memref<1x3x128xi32, #tpu.memory_space<hbm>> -> memref<3x128xi32, #tpu.memory_space<hbm>>
        tpu.wait_dma2 semaphore(%arg13 : memref<!tpu.dma_semaphore, #tpu.memory_space<semaphore_mem>>) src(%dma_wait3A_137 : memref<3x128xi32, #tpu.memory_space<hbm>>) dst(%arg6 : memref<3x128xi32, #tpu.memory_space<vmem>>)
        %dma_start3A_138 = arith.constant 0 : i32
        %dma_start3A_139 = arith.constant 0 : i32
        %dma_start3A_140 = tpu.memref_slice %arg6[%dma_start3A_138, %dma_start3A_139] : memref<3x128xi32, #tpu.memory_space<vmem>> -> memref<1x128xi32, #tpu.memory_space<vmem>>
        %dma_start3A_141 = tpu.memref_squeeze %dma_start3A_140 : memref<1x128xi32, #tpu.memory_space<vmem>> -> memref<128xi32, #tpu.memory_space<vmem>>
        %dma_start3A_142 = arith.constant 0 : i32
        %dma_start3A_143 = arith.constant 0 : i32
        %dma_start3A_144 = tpu.memref_slice %arg2[%dma_start3A_142, %dma_start3A_143] : memref<10240x128xf32, #tpu.memory_space<hbm>> -> memref<10240x128xf32, #tpu.memory_space<hbm>>
        tpu.enqueue_indirect_dma source(%dma_start3A_144 : memref<10240x128xf32, #tpu.memory_space<hbm>>) target(%arg8 : memref<128x128xf32, #tpu.memory_space<vmem>>) offsets(%dma_start3A_141 : memref<128xi32, #tpu.memory_space<vmem>>) semaphore(%arg11 : memref<!tpu.dma_semaphore, #tpu.memory_space<semaphore_mem>>)
      } else {
      }
      %scan3A_89 = arith.constant 0 : i32
      %scan3A_90 = arith.constant 128 : i32
      %scan3A_91 = arith.addi %scan3A_89, %scan3A_90 : i32
      %scan3A_92 = arith.constant 1 : i32
      scf.for %scan3A_127 = %scan3A_89 to %scan3A_91 step %scan3A_92  : i32 {
        %mul3A_128 = arith.constant 1 : i32
        %mul3A_129 = arith.muli %scan3A_127, %mul3A_128 : i32
        %add3A_130 = arith.constant 0 : i32
        %add3A_131 = arith.addi %add3A_130, %mul3A_129 : i32
        %broadcast_in_dim3A = vector.broadcast %add3A_131 : i32 to vector<16xi32>
        %broadcast_in_dim3A_132 = arith.constant 2 : i32
        %broadcast_in_dim3A_133 = vector.broadcast %broadcast_in_dim3A_132 : i32 to vector<16xi32>
        %gather3A = tpu.vector_load_idx %arg5[%broadcast_in_dim3A_133, %broadcast_in_dim3A] : memref<3x128xi32, #tpu.memory_space<vmem>>[vector<16xi32>, vector<16xi32>], vector<16xi32>,
        %bitcast3A = vector.bitcast %gather3A : vector<16xi32> to vector<16xf32>
        %get3A = arith.index_cast %add3A_131 : i32 to index
        %get3A_134 = arith.constant 0 : index
        %get3A_135 = tpu.vector_load %arg7[%get3A, %get3A_134] {strides = array<i32>} : memref<128x128xf32, #tpu.memory_space<vmem>>, vector<16xf32>,
        %mul3A_136 = arith.mulf %get3A_135, %bitcast3A : vector<16xf32>
        %swap3A = arith.index_cast %add3A_131 : i32 to index
        %swap3A_137 = arith.constant 0 : index
        %swap3A_138 = tpu.vector_load %arg7[%swap3A, %swap3A_137] {strides = array<i32>} : memref<128x128xf32, #tpu.memory_space<vmem>>, vector<16xf32>,
        tpu.vector_store %arg7[%swap3A, %swap3A_137], %mul3A_136 {strides = array<i32>} : memref<128x128xf32, #tpu.memory_space<vmem>>, vector<16xf32>,
        %get3A_139 = arith.index_cast %add3A_131 : i32 to index
        %get3A_140 = arith.constant 16 : index
        %get3A_141 = tpu.vector_load %arg7[%get3A_139, %get3A_140] {strides = array<i32>} : memref<128x128xf32, #tpu.memory_space<vmem>>, vector<16xf32>,
        %mul3A_142 = arith.mulf %get3A_141, %bitcast3A : vector<16xf32>
        %swap3A_143 = arith.index_cast %add3A_131 : i32 to index
        %swap3A_144 = arith.constant 16 : index
        %swap3A_145 = tpu.vector_load %arg7[%swap3A_143, %swap3A_144] {strides = array<i32>} : memref<128x128xf32, #tpu.memory_space<vmem>>, vector<16xf32>,
        tpu.vector_store %arg7[%swap3A_143, %swap3A_144], %mul3A_142 {strides = array<i32>} : memref<128x128xf32, #tpu.memory_space<vmem>>, vector<16xf32>,
        %get3A_146 = arith.index_cast %add3A_131 : i32 to index
        %get3A_147 = arith.constant 32 : index
        %get3A_148 = tpu.vector_load %arg7[%get3A_146, %get3A_147] {strides = array<i32>} : memref<128x128xf32, #tpu.memory_space<vmem>>, vector<16xf32>,
        %mul3A_149 = arith.mulf %get3A_148, %bitcast3A : vector<16xf32>
        %swap3A_150 = arith.index_cast %add3A_131 : i32 to index
        %swap3A_151 = arith.constant 32 : index
        %swap3A_152 = tpu.vector_load %arg7[%swap3A_150, %swap3A_151] {strides = array<i32>} : memref<128x128xf32, #tpu.memory_space<vmem>>, vector<16xf32>,
        tpu.vector_store %arg7[%swap3A_150, %swap3A_151], %mul3A_149 {strides = array<i32>} : memref<128x128xf32, #tpu.memory_space<vmem>>, vector<16xf32>,
        %get3A_153 = arith.index_cast %add3A_131 : i32 to index
        %get3A_154 = arith.constant 48 : index
        %get3A_155 = tpu.vector_load %arg7[%get3A_153, %get3A_154] {strides = array<i32>} : memref<128x128xf32, #tpu.memory_space<vmem>>, vector<16xf32>,
        %mul3A_156 = arith.mulf %get3A_155, %bitcast3A : vector<16xf32>
        %swap3A_157 = arith.index_cast %add3A_131 : i32 to index
        %swap3A_158 = arith.constant 48 : index
        %swap3A_159 = tpu.vector_load %arg7[%swap3A_157, %swap3A_158] {strides = array<i32>} : memref<128x128xf32, #tpu.memory_space<vmem>>, vector<16xf32>,
        tpu.vector_store %arg7[%swap3A_157, %swap3A_158], %mul3A_156 {strides = array<i32>} : memref<128x128xf32, #tpu.memory_space<vmem>>, vector<16xf32>,
        %get3A_160 = arith.index_cast %add3A_131 : i32 to index
        %get3A_161 = arith.constant 64 : index
        %get3A_162 = tpu.vector_load %arg7[%get3A_160, %get3A_161] {strides = array<i32>} : memref<128x128xf32, #tpu.memory_space<vmem>>, vector<16xf32>,
        %mul3A_163 = arith.mulf %get3A_162, %bitcast3A : vector<16xf32>
        %swap3A_164 = arith.index_cast %add3A_131 : i32 to index
        %swap3A_165 = arith.constant 64 : index
        %swap3A_166 = tpu.vector_load %arg7[%swap3A_164, %swap3A_165] {strides = array<i32>} : memref<128x128xf32, #tpu.memory_space<vmem>>, vector<16xf32>,
        tpu.vector_store %arg7[%swap3A_164, %swap3A_165], %mul3A_163 {strides = array<i32>} : memref<128x128xf32, #tpu.memory_space<vmem>>, vector<16xf32>,
        %get3A_167 = arith.index_cast %add3A_131 : i32 to index
        %get3A_168 = arith.constant 80 : index
        %get3A_169 = tpu.vector_load %arg7[%get3A_167, %get3A_168] {strides = array<i32>} : memref<128x128xf32, #tpu.memory_space<vmem>>, vector<16xf32>,
        %mul3A_170 = arith.mulf %get3A_169, %bitcast3A : vector<16xf32>
        %swap3A_171 = arith.index_cast %add3A_131 : i32 to index
        %swap3A_172 = arith.constant 80 : index
        %swap3A_173 = tpu.vector_load %arg7[%swap3A_171, %swap3A_172] {strides = array<i32>} : memref<128x128xf32, #tpu.memory_space<vmem>>, vector<16xf32>,
        tpu.vector_store %arg7[%swap3A_171, %swap3A_172], %mul3A_170 {strides = array<i32>} : memref<128x128xf32, #tpu.memory_space<vmem>>, vector<16xf32>,
        %get3A_174 = arith.index_cast %add3A_131 : i32 to index
        %get3A_175 = arith.constant 96 : index
        %get3A_176 = tpu.vector_load %arg7[%get3A_174, %get3A_175] {strides = array<i32>} : memref<128x128xf32, #tpu.memory_space<vmem>>, vector<16xf32>,
        %mul3A_177 = arith.mulf %get3A_176, %bitcast3A : vector<16xf32>
        %swap3A_178 = arith.index_cast %add3A_131 : i32 to index
        %swap3A_179 = arith.constant 96 : index
        %swap3A_180 = tpu.vector_load %arg7[%swap3A_178, %swap3A_179] {strides = array<i32>} : memref<128x128xf32, #tpu.memory_space<vmem>>, vector<16xf32>,
        tpu.vector_store %arg7[%swap3A_178, %swap3A_179], %mul3A_177 {strides = array<i32>} : memref<128x128xf32, #tpu.memory_space<vmem>>, vector<16xf32>,
        %get3A_181 = arith.index_cast %add3A_131 : i32 to index
        %get3A_182 = arith.constant 112 : index
        %get3A_183 = tpu.vector_load %arg7[%get3A_181, %get3A_182] {strides = array<i32>} : memref<128x128xf32, #tpu.memory_space<vmem>>, vector<16xf32>,
        %mul3A_184 = arith.mulf %get3A_183, %bitcast3A : vector<16xf32>
        %swap3A_185 = arith.index_cast %add3A_131 : i32 to index
        %swap3A_186 = arith.constant 112 : index
        %swap3A_187 = tpu.vector_load %arg7[%swap3A_185, %swap3A_186] {strides = array<i32>} : memref<128x128xf32, #tpu.memory_space<vmem>>, vector<16xf32>,
        tpu.vector_store %arg7[%swap3A_185, %swap3A_186], %mul3A_184 {strides = array<i32>} : memref<128x128xf32, #tpu.memory_space<vmem>>, vector<16xf32>,
      }
      %scan3A_93 = arith.constant 128 : i32
      %run_scoped3A = arith.constant 1 : i32
      "tpu.region"() ({
        %run_scoped3A_127 = tpu.sem_alloc : memref<!tpu.dma_semaphore, #tpu.memory_space<semaphore_mem>>
        %dma_start3A_128 = arith.constant 0 : i32
        %dma_start3A_129 = tpu.memref_slice %arg5[%run_scoped3A, %dma_start3A_128] : memref<3x128xi32, #tpu.memory_space<vmem>> -> memref<1x128xi32, #tpu.memory_space<vmem>>
        %dma_start3A_130 = tpu.memref_squeeze %dma_start3A_129 : memref<1x128xi32, #tpu.memory_space<vmem>> -> memref<128xi32, #tpu.memory_space<vmem>>
        %dma_start3A_131 = arith.constant 0 : i32
        %dma_start3A_132 = arith.constant 0 : i32
        %dma_start3A_133 = tpu.memref_slice %arg9[%dma_start3A_131, %dma_start3A_132] : memref<10240x128xf32, #tpu.memory_space<vmem_shared>> -> memref<10240x128xf32, #tpu.memory_space<vmem_shared>>
        tpu.enqueue_indirect_dma source(%arg7 : memref<128x128xf32, #tpu.memory_space<vmem>>) target(%dma_start3A_133 : memref<10240x128xf32, #tpu.memory_space<vmem_shared>>) offsets(%dma_start3A_130 : memref<128xi32, #tpu.memory_space<vmem>>) semaphore(%run_scoped3A_127 : memref<!tpu.dma_semaphore, #tpu.memory_space<semaphore_mem>>) {add = true}
        %dma_wait3A_134 = arith.constant 0 : i32
        %dma_wait3A_135 = tpu.memref_slice %arg5[%run_scoped3A, %dma_wait3A_134] : memref<3x128xi32, #tpu.memory_space<vmem>> -> memref<1x128xi32, #tpu.memory_space<vmem>>
        %dma_wait3A_136 = tpu.memref_squeeze %dma_wait3A_135 : memref<1x128xi32, #tpu.memory_space<vmem>> -> memref<128xi32, #tpu.memory_space<vmem>>
        %dma_wait3A_137 = arith.constant 0 : i32
        %dma_wait3A_138 = arith.constant 0 : i32
        %dma_wait3A_139 = tpu.memref_slice %arg9[%dma_wait3A_137, %dma_wait3A_138] : memref<10240x128xf32, #tpu.memory_space<vmem_shared>> -> memref<10240x128xf32, #tpu.memory_space<vmem_shared>>
        tpu.wait_indirect_dma semaphore(%run_scoped3A_127 : memref<!tpu.dma_semaphore, #tpu.memory_space<semaphore_mem>>) src(%arg7 : memref<128x128xf32, #tpu.memory_space<vmem>>) dst(%dma_wait3A_139 : memref<10240x128xf32, #tpu.memory_space<vmem_shared>>)
        tpu.yield
      }) : () -> ()
      %add3A_94 = arith.constant 2 : i32
      %add3A_95 = arith.addi %add3A_78, %add3A_94 : i32
      %lt3A_96 = arith.cmpi slt, %add3A_95, %select_n3A_21 : i32
      %convert_element_type3A_97 = arith.extui %lt3A_96 : i1 to i32
      %cond3A_98 = arith.constant 0 : i32
      %cond3A_99 = arith.cmpi ne, %convert_element_type3A_97, %cond3A_98 : i32
      scf.if %cond3A_99 {
        %add3A_127 = arith.addi %select_n3A, %add3A_78 : i32
        %add3A_128 = arith.constant 2 : i32
        %add3A_129 = arith.addi %add3A_127, %add3A_128 : i32
        %dma_start3A_130 = arith.constant 0 : i32
        %dma_start3A_131 = arith.constant 0 : i32
        %dma_start3A_132 = tpu.memref_slice %arg3[%add3A_129, %dma_start3A_130, %dma_start3A_131] : memref<2560x3x128xi32, #tpu.memory_space<hbm>> -> memref<1x3x128xi32, #tpu.memory_space<hbm>>
        %dma_start3A_133 = tpu.memref_squeeze %dma_start3A_132 : memref<1x3x128xi32, #tpu.memory_space<hbm>> -> memref<3x128xi32, #tpu.memory_space<hbm>>
        %dma_start3A_134 = arith.constant 0 : i32
        %dma_start3A_135 = arith.constant 0 : i32
        %dma_start3A_136 = tpu.memref_slice %arg3[%add3A_129, %dma_start3A_134, %dma_start3A_135] : memref<2560x3x128xi32, #tpu.memory_space<hbm>> -> memref<1x3x128xi32, #tpu.memory_space<hbm>>
        %dma_start3A_137 = tpu.memref_squeeze %dma_start3A_136 : memref<1x3x128xi32, #tpu.memory_space<hbm>> -> memref<3x128xi32, #tpu.memory_space<hbm>>
        tpu.enqueue_dma source(%dma_start3A_137 : memref<3x128xi32, #tpu.memory_space<hbm>>) target(%arg5 : memref<3x128xi32, #tpu.memory_space<vmem>>) target_semaphore(%arg12 : memref<!tpu.dma_semaphore, #tpu.memory_space<semaphore_mem>>)
      } else {
      }
      %add3A_100 = arith.constant 1 : i32
      %add3A_101 = arith.addi %add3A_76, %add3A_100 : i32
      %dma_wait3A_102 = arith.constant 0 : i32
      %dma_wait3A_103 = arith.constant 0 : i32
      %dma_wait3A_104 = tpu.memref_slice %arg6[%dma_wait3A_102, %dma_wait3A_103] : memref<3x128xi32, #tpu.memory_space<vmem>> -> memref<1x128xi32, #tpu.memory_space<vmem>>
      %dma_wait3A_105 = tpu.memref_squeeze %dma_wait3A_104 : memref<1x128xi32, #tpu.memory_space<vmem>> -> memref<128xi32, #tpu.memory_space<vmem>>
      %dma_wait3A_106 = arith.constant 0 : i32
      %dma_wait3A_107 = arith.constant 0 : i32
      %dma_wait3A_108 = tpu.memref_slice %arg2[%dma_wait3A_106, %dma_wait3A_107] : memref<10240x128xf32, #tpu.memory_space<hbm>> -> memref<10240x128xf32, #tpu.memory_space<hbm>>
      tpu.wait_indirect_dma semaphore(%arg11 : memref<!tpu.dma_semaphore, #tpu.memory_space<semaphore_mem>>) src(%dma_wait3A_108 : memref<10240x128xf32, #tpu.memory_space<hbm>>) dst(%arg8 : memref<128x128xf32, #tpu.memory_space<vmem>>)
      %add3A_109 = arith.constant 1 : i32
      %add3A_110 = arith.addi %add3A_101, %add3A_109 : i32
      %lt3A_111 = arith.cmpi slt, %add3A_110, %select_n3A_21 : i32
      %convert_element_type3A_112 = arith.extui %lt3A_111 : i1 to i32
      %cond3A_113 = arith.constant 0 : i32
      %cond3A_114 = arith.cmpi ne, %convert_element_type3A_112, %cond3A_113 : i32
      scf.if %cond3A_114 {
        %add3A_127 = arith.addi %select_n3A, %add3A_101 : i32
        %add3A_128 = arith.constant 1 : i32
        %add3A_129 = arith.addi %add3A_127, %add3A_128 : i32
        %dma_wait3A_130 = arith.constant 0 : i32
        %dma_wait3A_131 = arith.constant 0 : i32
        %dma_wait3A_132 = tpu.memref_slice %arg3[%add3A_129, %dma_wait3A_130, %dma_wait3A_131] : memref<2560x3x128xi32, #tpu.memory_space<hbm>> -> memref<1x3x128xi32, #tpu.memory_space<hbm>>
        %dma_wait3A_133 = tpu.memref_squeeze %dma_wait3A_132 : memref<1x3x128xi32, #tpu.memory_space<hbm>> -> memref<3x128xi32, #tpu.memory_space<hbm>>
        %dma_wait3A_134 = arith.constant 0 : i32
        %dma_wait3A_135 = arith.constant 0 : i32
        %dma_wait3A_136 = tpu.memref_slice %arg3[%add3A_129, %dma_wait3A_134, %dma_wait3A_135] : memref<2560x3x128xi32, #tpu.memory_space<hbm>> -> memref<1x3x128xi32, #tpu.memory_space<hbm>>
        %dma_wait3A_137 = tpu.memref_squeeze %dma_wait3A_136 : memref<1x3x128xi32, #tpu.memory_space<hbm>> -> memref<3x128xi32, #tpu.memory_space<hbm>>
        tpu.wait_dma2 semaphore(%arg12 : memref<!tpu.dma_semaphore, #tpu.memory_space<semaphore_mem>>) src(%dma_wait3A_137 : memref<3x128xi32, #tpu.memory_space<hbm>>) dst(%arg5 : memref<3x128xi32, #tpu.memory_space<vmem>>)
        %dma_start3A_138 = arith.constant 0 : i32
        %dma_start3A_139 = arith.constant 0 : i32
        %dma_start3A_140 = tpu.memref_slice %arg5[%dma_start3A_138, %dma_start3A_139] : memref<3x128xi32, #tpu.memory_space<vmem>> -> memref<1x128xi32, #tpu.memory_space<vmem>>
        %dma_start3A_141 = tpu.memref_squeeze %dma_start3A_140 : memref<1x128xi32, #tpu.memory_space<vmem>> -> memref<128xi32, #tpu.memory_space<vmem>>
        %dma_start3A_142 = arith.constant 0 : i32
        %dma_start3A_143 = arith.constant 0 : i32
        %dma_start3A_144 = tpu.memref_slice %arg2[%dma_start3A_142, %dma_start3A_143] : memref<10240x128xf32, #tpu.memory_space<hbm>> -> memref<10240x128xf32, #tpu.memory_space<hbm>>
        tpu.enqueue_indirect_dma source(%dma_start3A_144 : memref<10240x128xf32, #tpu.memory_space<hbm>>) target(%arg7 : memref<128x128xf32, #tpu.memory_space<vmem>>) offsets(%dma_start3A_141 : memref<128xi32, #tpu.memory_space<vmem>>) semaphore(%arg10 : memref<!tpu.dma_semaphore, #tpu.memory_space<semaphore_mem>>)
      } else {
      }
      %scan3A_115 = arith.constant 0 : i32
      %scan3A_116 = arith.constant 128 : i32
      %scan3A_117 = arith.addi %scan3A_115, %scan3A_116 : i32
      %scan3A_118 = arith.constant 1 : i32
      scf.for %scan3A_127 = %scan3A_115 to %scan3A_117 step %scan3A_118  : i32 {
        %mul3A_128 = arith.constant 1 : i32
        %mul3A_129 = arith.muli %scan3A_127, %mul3A_128 : i32
        %add3A_130 = arith.constant 0 : i32
        %add3A_131 = arith.addi %add3A_130, %mul3A_129 : i32
        %broadcast_in_dim3A = vector.broadcast %add3A_131 : i32 to vector<16xi32>
        %broadcast_in_dim3A_132 = arith.constant 2 : i32
        %broadcast_in_dim3A_133 = vector.broadcast %broadcast_in_dim3A_132 : i32 to vector<16xi32>
        %gather3A = tpu.vector_load_idx %arg6[%broadcast_in_dim3A_133, %broadcast_in_dim3A] : memref<3x128xi32, #tpu.memory_space<vmem>>[vector<16xi32>, vector<16xi32>], vector<16xi32>,
        %bitcast3A = vector.bitcast %gather3A : vector<16xi32> to vector<16xf32>
        %get3A = arith.index_cast %add3A_131 : i32 to index
        %get3A_134 = arith.constant 0 : index
        %get3A_135 = tpu.vector_load %arg8[%get3A, %get3A_134] {strides = array<i32>} : memref<128x128xf32, #tpu.memory_space<vmem>>, vector<16xf32>,
        %mul3A_136 = arith.mulf %get3A_135, %bitcast3A : vector<16xf32>
        %swap3A = arith.index_cast %add3A_131 : i32 to index
        %swap3A_137 = arith.constant 0 : index
        %swap3A_138 = tpu.vector_load %arg8[%swap3A, %swap3A_137] {strides = array<i32>} : memref<128x128xf32, #tpu.memory_space<vmem>>, vector<16xf32>,
        tpu.vector_store %arg8[%swap3A, %swap3A_137], %mul3A_136 {strides = array<i32>} : memref<128x128xf32, #tpu.memory_space<vmem>>, vector<16xf32>,
        %get3A_139 = arith.index_cast %add3A_131 : i32 to index
        %get3A_140 = arith.constant 16 : index
        %get3A_141 = tpu.vector_load %arg8[%get3A_139, %get3A_140] {strides = array<i32>} : memref<128x128xf32, #tpu.memory_space<vmem>>, vector<16xf32>,
        %mul3A_142 = arith.mulf %get3A_141, %bitcast3A : vector<16xf32>
        %swap3A_143 = arith.index_cast %add3A_131 : i32 to index
        %swap3A_144 = arith.constant 16 : index
        %swap3A_145 = tpu.vector_load %arg8[%swap3A_143, %swap3A_144] {strides = array<i32>} : memref<128x128xf32, #tpu.memory_space<vmem>>, vector<16xf32>,
        tpu.vector_store %arg8[%swap3A_143, %swap3A_144], %mul3A_142 {strides = array<i32>} : memref<128x128xf32, #tpu.memory_space<vmem>>, vector<16xf32>,
        %get3A_146 = arith.index_cast %add3A_131 : i32 to index
        %get3A_147 = arith.constant 32 : index
        %get3A_148 = tpu.vector_load %arg8[%get3A_146, %get3A_147] {strides = array<i32>} : memref<128x128xf32, #tpu.memory_space<vmem>>, vector<16xf32>,
        %mul3A_149 = arith.mulf %get3A_148, %bitcast3A : vector<16xf32>
        %swap3A_150 = arith.index_cast %add3A_131 : i32 to index
        %swap3A_151 = arith.constant 32 : index
        %swap3A_152 = tpu.vector_load %arg8[%swap3A_150, %swap3A_151] {strides = array<i32>} : memref<128x128xf32, #tpu.memory_space<vmem>>, vector<16xf32>,
        tpu.vector_store %arg8[%swap3A_150, %swap3A_151], %mul3A_149 {strides = array<i32>} : memref<128x128xf32, #tpu.memory_space<vmem>>, vector<16xf32>,
        %get3A_153 = arith.index_cast %add3A_131 : i32 to index
        %get3A_154 = arith.constant 48 : index
        %get3A_155 = tpu.vector_load %arg8[%get3A_153, %get3A_154] {strides = array<i32>} : memref<128x128xf32, #tpu.memory_space<vmem>>, vector<16xf32>,
        %mul3A_156 = arith.mulf %get3A_155, %bitcast3A : vector<16xf32>
        %swap3A_157 = arith.index_cast %add3A_131 : i32 to index
        %swap3A_158 = arith.constant 48 : index
        %swap3A_159 = tpu.vector_load %arg8[%swap3A_157, %swap3A_158] {strides = array<i32>} : memref<128x128xf32, #tpu.memory_space<vmem>>, vector<16xf32>,
        tpu.vector_store %arg8[%swap3A_157, %swap3A_158], %mul3A_156 {strides = array<i32>} : memref<128x128xf32, #tpu.memory_space<vmem>>, vector<16xf32>,
        %get3A_160 = arith.index_cast %add3A_131 : i32 to index
        %get3A_161 = arith.constant 64 : index
        %get3A_162 = tpu.vector_load %arg8[%get3A_160, %get3A_161] {strides = array<i32>} : memref<128x128xf32, #tpu.memory_space<vmem>>, vector<16xf32>,
        %mul3A_163 = arith.mulf %get3A_162, %bitcast3A : vector<16xf32>
        %swap3A_164 = arith.index_cast %add3A_131 : i32 to index
        %swap3A_165 = arith.constant 64 : index
        %swap3A_166 = tpu.vector_load %arg8[%swap3A_164, %swap3A_165] {strides = array<i32>} : memref<128x128xf32, #tpu.memory_space<vmem>>, vector<16xf32>,
        tpu.vector_store %arg8[%swap3A_164, %swap3A_165], %mul3A_163 {strides = array<i32>} : memref<128x128xf32, #tpu.memory_space<vmem>>, vector<16xf32>,
        %get3A_167 = arith.index_cast %add3A_131 : i32 to index
        %get3A_168 = arith.constant 80 : index
        %get3A_169 = tpu.vector_load %arg8[%get3A_167, %get3A_168] {strides = array<i32>} : memref<128x128xf32, #tpu.memory_space<vmem>>, vector<16xf32>,
        %mul3A_170 = arith.mulf %get3A_169, %bitcast3A : vector<16xf32>
        %swap3A_171 = arith.index_cast %add3A_131 : i32 to index
        %swap3A_172 = arith.constant 80 : index
        %swap3A_173 = tpu.vector_load %arg8[%swap3A_171, %swap3A_172] {strides = array<i32>} : memref<128x128xf32, #tpu.memory_space<vmem>>, vector<16xf32>,
        tpu.vector_store %arg8[%swap3A_171, %swap3A_172], %mul3A_170 {strides = array<i32>} : memref<128x128xf32, #tpu.memory_space<vmem>>, vector<16xf32>,
        %get3A_174 = arith.index_cast %add3A_131 : i32 to index
        %get3A_175 = arith.constant 96 : index
        %get3A_176 = tpu.vector_load %arg8[%get3A_174, %get3A_175] {strides = array<i32>} : memref<128x128xf32, #tpu.memory_space<vmem>>, vector<16xf32>,
        %mul3A_177 = arith.mulf %get3A_176, %bitcast3A : vector<16xf32>
        %swap3A_178 = arith.index_cast %add3A_131 : i32 to index
        %swap3A_179 = arith.constant 96 : index
        %swap3A_180 = tpu.vector_load %arg8[%swap3A_178, %swap3A_179] {strides = array<i32>} : memref<128x128xf32, #tpu.memory_space<vmem>>, vector<16xf32>,
        tpu.vector_store %arg8[%swap3A_178, %swap3A_179], %mul3A_177 {strides = array<i32>} : memref<128x128xf32, #tpu.memory_space<vmem>>, vector<16xf32>,
        %get3A_181 = arith.index_cast %add3A_131 : i32 to index
        %get3A_182 = arith.constant 112 : index
        %get3A_183 = tpu.vector_load %arg8[%get3A_181, %get3A_182] {strides = array<i32>} : memref<128x128xf32, #tpu.memory_space<vmem>>, vector<16xf32>,
        %mul3A_184 = arith.mulf %get3A_183, %bitcast3A : vector<16xf32>
        %swap3A_185 = arith.index_cast %add3A_131 : i32 to index
        %swap3A_186 = arith.constant 112 : index
        %swap3A_187 = tpu.vector_load %arg8[%swap3A_185, %swap3A_186] {strides = array<i32>} : memref<128x128xf32, #tpu.memory_space<vmem>>, vector<16xf32>,
        tpu.vector_store %arg8[%swap3A_185, %swap3A_186], %mul3A_184 {strides = array<i32>} : memref<128x128xf32, #tpu.memory_space<vmem>>, vector<16xf32>,
      }
      %scan3A_119 = arith.constant 128 : i32
      %run_scoped3A_120 = arith.constant 1 : i32
      "tpu.region"() ({
        %run_scoped3A_127 = tpu.sem_alloc : memref<!tpu.dma_semaphore, #tpu.memory_space<semaphore_mem>>
        %dma_start3A_128 = arith.constant 0 : i32
        %dma_start3A_129 = tpu.memref_slice %arg6[%run_scoped3A_120, %dma_start3A_128] : memref<3x128xi32, #tpu.memory_space<vmem>> -> memref<1x128xi32, #tpu.memory_space<vmem>>
        %dma_start3A_130 = tpu.memref_squeeze %dma_start3A_129 : memref<1x128xi32, #tpu.memory_space<vmem>> -> memref<128xi32, #tpu.memory_space<vmem>>
        %dma_start3A_131 = arith.constant 0 : i32
        %dma_start3A_132 = arith.constant 0 : i32
        %dma_start3A_133 = tpu.memref_slice %arg9[%dma_start3A_131, %dma_start3A_132] : memref<10240x128xf32, #tpu.memory_space<vmem_shared>> -> memref<10240x128xf32, #tpu.memory_space<vmem_shared>>
        tpu.enqueue_indirect_dma source(%arg8 : memref<128x128xf32, #tpu.memory_space<vmem>>) target(%dma_start3A_133 : memref<10240x128xf32, #tpu.memory_space<vmem_shared>>) offsets(%dma_start3A_130 : memref<128xi32, #tpu.memory_space<vmem>>) semaphore(%run_scoped3A_127 : memref<!tpu.dma_semaphore, #tpu.memory_space<semaphore_mem>>) {add = true}
        %dma_wait3A_134 = arith.constant 0 : i32
        %dma_wait3A_135 = tpu.memref_slice %arg6[%run_scoped3A_120, %dma_wait3A_134] : memref<3x128xi32, #tpu.memory_space<vmem>> -> memref<1x128xi32, #tpu.memory_space<vmem>>
        %dma_wait3A_136 = tpu.memref_squeeze %dma_wait3A_135 : memref<1x128xi32, #tpu.memory_space<vmem>> -> memref<128xi32, #tpu.memory_space<vmem>>
        %dma_wait3A_137 = arith.constant 0 : i32
        %dma_wait3A_138 = arith.constant 0 : i32
        %dma_wait3A_139 = tpu.memref_slice %arg9[%dma_wait3A_137, %dma_wait3A_138] : memref<10240x128xf32, #tpu.memory_space<vmem_shared>> -> memref<10240x128xf32, #tpu.memory_space<vmem_shared>>
        tpu.wait_indirect_dma semaphore(%run_scoped3A_127 : memref<!tpu.dma_semaphore, #tpu.memory_space<semaphore_mem>>) src(%arg8 : memref<128x128xf32, #tpu.memory_space<vmem>>) dst(%dma_wait3A_139 : memref<10240x128xf32, #tpu.memory_space<vmem_shared>>)
        tpu.yield
      }) : () -> ()
      %add3A_121 = arith.constant 2 : i32
      %add3A_122 = arith.addi %add3A_101, %add3A_121 : i32
      %lt3A_123 = arith.cmpi slt, %add3A_122, %select_n3A_21 : i32
      %convert_element_type3A_124 = arith.extui %lt3A_123 : i1 to i32
      %cond3A_125 = arith.constant 0 : i32
      %cond3A_126 = arith.cmpi ne, %convert_element_type3A_124, %cond3A_125 : i32
      scf.if %cond3A_126 {
        %add3A_127 = arith.addi %select_n3A, %add3A_101 : i32
        %add3A_128 = arith.constant 2 : i32
        %add3A_129 = arith.addi %add3A_127, %add3A_128 : i32
        %dma_start3A_130 = arith.constant 0 : i32
        %dma_start3A_131 = arith.constant 0 : i32
        %dma_start3A_132 = tpu.memref_slice %arg3[%add3A_129, %dma_start3A_130, %dma_start3A_131] : memref<2560x3x128xi32, #tpu.memory_space<hbm>> -> memref<1x3x128xi32, #tpu.memory_space<hbm>>
        %dma_start3A_133 = tpu.memref_squeeze %dma_start3A_132 : memref<1x3x128xi32, #tpu.memory_space<hbm>> -> memref<3x128xi32, #tpu.memory_space<hbm>>
        %dma_start3A_134 = arith.constant 0 : i32
        %dma_start3A_135 = arith.constant 0 : i32
        %dma_start3A_136 = tpu.memref_slice %arg3[%add3A_129, %dma_start3A_134, %dma_start3A_135] : memref<2560x3x128xi32, #tpu.memory_space<hbm>> -> memref<1x3x128xi32, #tpu.memory_space<hbm>>
        %dma_start3A_137 = tpu.memref_squeeze %dma_start3A_136 : memref<1x3x128xi32, #tpu.memory_space<hbm>> -> memref<3x128xi32, #tpu.memory_space<hbm>>
        tpu.enqueue_dma source(%dma_start3A_137 : memref<3x128xi32, #tpu.memory_space<hbm>>) target(%arg6 : memref<3x128xi32, #tpu.memory_space<vmem>>) target_semaphore(%arg13 : memref<!tpu.dma_semaphore, #tpu.memory_space<semaphore_mem>>)
      } else {
      }
    }
    "tpu.trace_stop"() : () -> ()
    "tpu.trace_start"() <{level = 10 : i32, message = "tail_barrier"}> : () -> ()
    %barrier3A_69 = arith.constant 0 : index
    tpu.barrier barrier_id(%barrier3A_69)
    "tpu.trace_stop"() : () -> ()
    "tpu.trace_start"() <{level = 10 : i32, message = "copy_out"}> : () -> ()
    %mul3A_70 = arith.constant 640 : i32
    %mul3A_71 = arith.muli %arg1, %mul3A_70 : i32
    %mul3A_72 = arith.constant 640 : i32
    %mul3A_73 = arith.muli %arg1, %mul3A_72 : i32
    "tpu.region"() ({
      %run_scoped3A = tpu.sem_alloc : memref<!tpu.dma_semaphore, #tpu.memory_space<semaphore_mem>>
      %dma_start3A_74 = arith.constant 0 : i32
      %dma_start3A_75 = tpu.memref_slice %arg4[%arg0, %mul3A_73, %dma_start3A_74] : memref<2x10240x128xf32, #tpu.memory_space<hbm>> -> memref<1x640x128xf32, #tpu.memory_space<hbm>>
      %dma_start3A_76 = tpu.memref_squeeze %dma_start3A_75 : memref<1x640x128xf32, #tpu.memory_space<hbm>> -> memref<640x128xf32, #tpu.memory_space<hbm>>
      %dma_start3A_77 = arith.constant 0 : i32
      %dma_start3A_78 = tpu.memref_slice %arg9[%mul3A_71, %dma_start3A_77] : memref<10240x128xf32, #tpu.memory_space<vmem_shared>> -> memref<640x128xf32, #tpu.memory_space<vmem_shared>>
      tpu.enqueue_dma source(%dma_start3A_78 : memref<640x128xf32, #tpu.memory_space<vmem_shared>>) target(%dma_start3A_76 : memref<640x128xf32, #tpu.memory_space<hbm>>) target_semaphore(%run_scoped3A : memref<!tpu.dma_semaphore, #tpu.memory_space<semaphore_mem>>)
      %dma_wait3A_79 = arith.constant 0 : i32
      %dma_wait3A_80 = tpu.memref_slice %arg4[%arg0, %mul3A_73, %dma_wait3A_79] : memref<2x10240x128xf32, #tpu.memory_space<hbm>> -> memref<1x640x128xf32, #tpu.memory_space<hbm>>
      %dma_wait3A_81 = tpu.memref_squeeze %dma_wait3A_80 : memref<1x640x128xf32, #tpu.memory_space<hbm>> -> memref<640x128xf32, #tpu.memory_space<hbm>>
      %dma_wait3A_82 = arith.constant 0 : i32
      %dma_wait3A_83 = tpu.memref_slice %arg9[%mul3A_71, %dma_wait3A_82] : memref<10240x128xf32, #tpu.memory_space<vmem_shared>> -> memref<640x128xf32, #tpu.memory_space<vmem_shared>>
      tpu.wait_dma2 semaphore(%run_scoped3A : memref<!tpu.dma_semaphore, #tpu.memory_space<semaphore_mem>>) src(%dma_wait3A_83 : memref<640x128xf32, #tpu.memory_space<vmem_shared>>) dst(%dma_wait3A_81 : memref<640x128xf32, #tpu.memory_space<hbm>>)
      tpu.yield
    }) : () -> ()
    "tpu.trace_stop"() : () -> ()
    return
  }
}

module attributes {stable_mosaic.version = 14 : i64} {
  func.func @_mm_body(%arg0: i32, %arg1: memref<1024x128xf32, #tpu.memory_space<vmem>>, %arg2: memref<128x128xf32, #tpu.memory_space<vmem>>, %arg3: memref<1024x128xf32, #tpu.memory_space<vmem>>) attributes {dimension_semantics = [#tpu.dimension_semantics<arbitrary>], iteration_bounds = array<i64: 10>, scalar_prefetch = 0 : i64, scratch_operands = 0 : i64, tpu.core_type = #tpu.core_type<tc>, window_params = [{transform_indices = @transform_0, window_bounds = array<i64: 1024, 128>}, {pipeline_mode = #tpu.pipeline_mode<synchronous>, transform_indices = @transform_1, window_bounds = array<i64: 128, 128>}, {transform_indices = @transform_2, window_bounds = array<i64: 1024, 128>}]} {
    %get3A = arith.constant 0 : index
    %get3A_0 = arith.constant 0 : index
    %get3A_1 = vector.load %arg1[%get3A, %get3A_0] : memref<1024x128xf32, #tpu.memory_space<vmem>>, vector<1024x128xf32>
    %get3A_2 = arith.constant 0 : index
    %get3A_3 = arith.constant 0 : index
    %get3A_4 = vector.load %arg2[%get3A_2, %get3A_3] : memref<128x128xf32, #tpu.memory_space<vmem>>, vector<128x128xf32>
    %dot_general3A = arith.constant dense<0.000000e+00> : vector<1024x128xf32>
    %dot_general3A_5 = tpu.matmul %get3A_1, %get3A_4, %dot_general3A {dimension_numbers = #tpu.dot_dimension_numbers<[1], [0], [0], [1], [0, 0, 1, 1], [], []>, transpose_lhs_hint = false} : vector<1024x128xf32>, vector<128x128xf32>, vector<1024x128xf32> -> vector<1024x128xf32>
    %swap3A = arith.constant 0 : index
    %swap3A_6 = arith.constant 0 : index
    %swap3A_7 = vector.load %arg3[%swap3A, %swap3A_6] : memref<1024x128xf32, #tpu.memory_space<vmem>>, vector<1024x128xf32>
    tpu.vector_store %arg3[%swap3A, %swap3A_6], %dot_general3A_5 {strides = array<i32>} : memref<1024x128xf32, #tpu.memory_space<vmem>>, vector<1024x128xf32>,
    return
  }
  func.func @transform_0(%arg0: i32) -> (i32, i32) {
    %c0_i32 = arith.constant 0 : i32
    %c0_i32_0 = arith.constant 0 : i32
    return %arg0, %c0_i32 : i32, i32
  }
  func.func @transform_1(%arg0: i32) -> (i32, i32) {
    %c0_i32 = arith.constant 0 : i32
    %c0_i32_0 = arith.constant 0 : i32
    %c0_i32_1 = arith.constant 0 : i32
    return %c0_i32, %c0_i32_0 : i32, i32
  }
  func.func @transform_2(%arg0: i32) -> (i32, i32) {
    %c0_i32 = arith.constant 0 : i32
    %c0_i32_0 = arith.constant 0 : i32
    return %arg0, %c0_i32 : i32, i32
  }
}

module attributes {stable_mosaic.version = 14 : i64} {
  func.func @_fuse_body_nores(%arg0: i32, %arg1: memref<1024x128xf32, #tpu.memory_space<vmem>>, %arg2: memref<1024x128xf32, #tpu.memory_space<vmem>>, %arg3: memref<1x128xf32, #tpu.memory_space<vmem>>, %arg4: memref<128x128xf32, #tpu.memory_space<vmem>>, %arg5: memref<1024x128xf32, #tpu.memory_space<vmem>>, %arg6: memref<1024x128xf32, #tpu.memory_space<vmem>>) attributes {dimension_semantics = [#tpu.dimension_semantics<arbitrary>], iteration_bounds = array<i64: 10>, scalar_prefetch = 0 : i64, scratch_operands = 0 : i64, tpu.core_type = #tpu.core_type<tc>, window_params = [{transform_indices = @transform_0, window_bounds = array<i64: 1024, 128>}, {transform_indices = @transform_1, window_bounds = array<i64: 1024, 128>}, {pipeline_mode = #tpu.pipeline_mode<synchronous>, transform_indices = @transform_2, window_bounds = array<i64: 1, 128>}, {pipeline_mode = #tpu.pipeline_mode<synchronous>, transform_indices = @transform_3, window_bounds = array<i64: 128, 128>}, {transform_indices = @transform_4, window_bounds = array<i64: 1024, 128>}, {transform_indices = @transform_5, window_bounds = array<i64: 1024, 128>}]} {
    %get3A = arith.constant 0 : index
    %get3A_0 = arith.constant 0 : index
    %get3A_1 = vector.load %arg1[%get3A, %get3A_0] : memref<1024x128xf32, #tpu.memory_space<vmem>>, vector<1024x128xf32>
    %get3A_2 = arith.constant 0 : index
    %get3A_3 = arith.constant 0 : index
    %get3A_4 = vector.load %arg2[%get3A_2, %get3A_3] : memref<1024x128xf32, #tpu.memory_space<vmem>>, vector<1024x128xf32>
    %add3A = arith.addf %get3A_1, %get3A_4 : vector<1024x128xf32>
    %get3A_5 = arith.constant 0 : index
    %get3A_6 = arith.constant 0 : index
    %get3A_7 = vector.load %arg3[%get3A_5, %get3A_6] : memref<1x128xf32, #tpu.memory_space<vmem>>, vector<1x128xf32>
    %add3A_8 = vector.broadcast %get3A_7 : vector<1x128xf32> to vector<1024x128xf32>
    %add3A_9 = arith.addf %add3A, %add3A_8 : vector<1024x128xf32>
    %swap3A = arith.constant 0 : index
    %swap3A_10 = arith.constant 0 : index
    %swap3A_11 = vector.load %arg5[%swap3A, %swap3A_10] : memref<1024x128xf32, #tpu.memory_space<vmem>>, vector<1024x128xf32>
    tpu.vector_store %arg5[%swap3A, %swap3A_10], %add3A_9 {strides = array<i32>} : memref<1024x128xf32, #tpu.memory_space<vmem>>, vector<1024x128xf32>,
    %get3A_12 = arith.constant 0 : index
    %get3A_13 = arith.constant 0 : index
    %get3A_14 = vector.load %arg4[%get3A_12, %get3A_13] : memref<128x128xf32, #tpu.memory_space<vmem>>, vector<128x128xf32>
    %dot_general3A = arith.constant dense<0.000000e+00> : vector<1024x128xf32>
    %dot_general3A_15 = tpu.matmul %add3A_9, %get3A_14, %dot_general3A {dimension_numbers = #tpu.dot_dimension_numbers<[1], [0], [0], [1], [0, 0, 1, 1], [], []>, transpose_lhs_hint = false} : vector<1024x128xf32>, vector<128x128xf32>, vector<1024x128xf32> -> vector<1024x128xf32>
    %swap3A_16 = arith.constant 0 : index
    %swap3A_17 = arith.constant 0 : index
    %swap3A_18 = vector.load %arg6[%swap3A_16, %swap3A_17] : memref<1024x128xf32, #tpu.memory_space<vmem>>, vector<1024x128xf32>
    tpu.vector_store %arg6[%swap3A_16, %swap3A_17], %dot_general3A_15 {strides = array<i32>} : memref<1024x128xf32, #tpu.memory_space<vmem>>, vector<1024x128xf32>,
    return
  }
  func.func @transform_0(%arg0: i32) -> (i32, i32) {
    %c0_i32 = arith.constant 0 : i32
    %c0_i32_0 = arith.constant 0 : i32
    return %arg0, %c0_i32 : i32, i32
  }
  func.func @transform_1(%arg0: i32) -> (i32, i32) {
    %c0_i32 = arith.constant 0 : i32
    %c0_i32_0 = arith.constant 0 : i32
    return %arg0, %c0_i32 : i32, i32
  }
  func.func @transform_2(%arg0: i32) -> (i32, i32) {
    %c0_i32 = arith.constant 0 : i32
    %c0_i32_0 = arith.constant 0 : i32
    %c0_i32_1 = arith.constant 0 : i32
    return %c0_i32, %c0_i32_0 : i32, i32
  }
  func.func @transform_3(%arg0: i32) -> (i32, i32) {
    %c0_i32 = arith.constant 0 : i32
    %c0_i32_0 = arith.constant 0 : i32
    %c0_i32_1 = arith.constant 0 : i32
    return %c0_i32, %c0_i32_0 : i32, i32
  }
  func.func @transform_4(%arg0: i32) -> (i32, i32) {
    %c0_i32 = arith.constant 0 : i32
    %c0_i32_0 = arith.constant 0 : i32
    return %arg0, %c0_i32 : i32, i32
  }
  func.func @transform_5(%arg0: i32) -> (i32, i32) {
    %c0_i32 = arith.constant 0 : i32
    %c0_i32_0 = arith.constant 0 : i32
    return %arg0, %c0_i32 : i32, i32
  }
}

module attributes {stable_mosaic.version = 14 : i64} {
  func.func @_fuse_body(%arg0: i32, %arg1: memref<1024x128xf32, #tpu.memory_space<vmem>>, %arg2: memref<1024x128xf32, #tpu.memory_space<vmem>>, %arg3: memref<1x128xf32, #tpu.memory_space<vmem>>, %arg4: memref<1024x128xf32, #tpu.memory_space<vmem>>, %arg5: memref<128x128xf32, #tpu.memory_space<vmem>>, %arg6: memref<1024x128xf32, #tpu.memory_space<vmem>>, %arg7: memref<1024x128xf32, #tpu.memory_space<vmem>>) attributes {dimension_semantics = [#tpu.dimension_semantics<arbitrary>], iteration_bounds = array<i64: 10>, scalar_prefetch = 0 : i64, scratch_operands = 0 : i64, tpu.core_type = #tpu.core_type<tc>, window_params = [{transform_indices = @transform_0, window_bounds = array<i64: 1024, 128>}, {transform_indices = @transform_1, window_bounds = array<i64: 1024, 128>}, {pipeline_mode = #tpu.pipeline_mode<synchronous>, transform_indices = @transform_2, window_bounds = array<i64: 1, 128>}, {transform_indices = @transform_3, window_bounds = array<i64: 1024, 128>}, {pipeline_mode = #tpu.pipeline_mode<synchronous>, transform_indices = @transform_4, window_bounds = array<i64: 128, 128>}, {transform_indices = @transform_5, window_bounds = array<i64: 1024, 128>}, {transform_indices = @transform_6, window_bounds = array<i64: 1024, 128>}]} {
    %get3A = arith.constant 0 : index
    %get3A_0 = arith.constant 0 : index
    %get3A_1 = vector.load %arg1[%get3A, %get3A_0] : memref<1024x128xf32, #tpu.memory_space<vmem>>, vector<1024x128xf32>
    %get3A_2 = arith.constant 0 : index
    %get3A_3 = arith.constant 0 : index
    %get3A_4 = vector.load %arg2[%get3A_2, %get3A_3] : memref<1024x128xf32, #tpu.memory_space<vmem>>, vector<1024x128xf32>
    %add3A = arith.addf %get3A_1, %get3A_4 : vector<1024x128xf32>
    %get3A_5 = arith.constant 0 : index
    %get3A_6 = arith.constant 0 : index
    %get3A_7 = vector.load %arg3[%get3A_5, %get3A_6] : memref<1x128xf32, #tpu.memory_space<vmem>>, vector<1x128xf32>
    %add3A_8 = vector.broadcast %get3A_7 : vector<1x128xf32> to vector<1024x128xf32>
    %add3A_9 = arith.addf %add3A, %add3A_8 : vector<1024x128xf32>
    %get3A_10 = arith.constant 0 : index
    %get3A_11 = arith.constant 0 : index
    %get3A_12 = vector.load %arg4[%get3A_10, %get3A_11] : memref<1024x128xf32, #tpu.memory_space<vmem>>, vector<1024x128xf32>
    %add3A_13 = arith.addf %add3A_9, %get3A_12 : vector<1024x128xf32>
    %swap3A = arith.constant 0 : index
    %swap3A_14 = arith.constant 0 : index
    %swap3A_15 = vector.load %arg6[%swap3A, %swap3A_14] : memref<1024x128xf32, #tpu.memory_space<vmem>>, vector<1024x128xf32>
    tpu.vector_store %arg6[%swap3A, %swap3A_14], %add3A_13 {strides = array<i32>} : memref<1024x128xf32, #tpu.memory_space<vmem>>, vector<1024x128xf32>,
    %get3A_16 = arith.constant 0 : index
    %get3A_17 = arith.constant 0 : index
    %get3A_18 = vector.load %arg5[%get3A_16, %get3A_17] : memref<128x128xf32, #tpu.memory_space<vmem>>, vector<128x128xf32>
    %dot_general3A = arith.constant dense<0.000000e+00> : vector<1024x128xf32>
    %dot_general3A_19 = tpu.matmul %add3A_13, %get3A_18, %dot_general3A {dimension_numbers = #tpu.dot_dimension_numbers<[1], [0], [0], [1], [0, 0, 1, 1], [], []>, transpose_lhs_hint = false} : vector<1024x128xf32>, vector<128x128xf32>, vector<1024x128xf32> -> vector<1024x128xf32>
    %swap3A_20 = arith.constant 0 : index
    %swap3A_21 = arith.constant 0 : index
    %swap3A_22 = vector.load %arg7[%swap3A_20, %swap3A_21] : memref<1024x128xf32, #tpu.memory_space<vmem>>, vector<1024x128xf32>
    tpu.vector_store %arg7[%swap3A_20, %swap3A_21], %dot_general3A_19 {strides = array<i32>} : memref<1024x128xf32, #tpu.memory_space<vmem>>, vector<1024x128xf32>,
    return
  }
  func.func @transform_0(%arg0: i32) -> (i32, i32) {
    %c0_i32 = arith.constant 0 : i32
    %c0_i32_0 = arith.constant 0 : i32
    return %arg0, %c0_i32 : i32, i32
  }
  func.func @transform_1(%arg0: i32) -> (i32, i32) {
    %c0_i32 = arith.constant 0 : i32
    %c0_i32_0 = arith.constant 0 : i32
    return %arg0, %c0_i32 : i32, i32
  }
  func.func @transform_2(%arg0: i32) -> (i32, i32) {
    %c0_i32 = arith.constant 0 : i32
    %c0_i32_0 = arith.constant 0 : i32
    %c0_i32_1 = arith.constant 0 : i32
    return %c0_i32, %c0_i32_0 : i32, i32
  }
  func.func @transform_3(%arg0: i32) -> (i32, i32) {
    %c0_i32 = arith.constant 0 : i32
    %c0_i32_0 = arith.constant 0 : i32
    return %arg0, %c0_i32 : i32, i32
  }
  func.func @transform_4(%arg0: i32) -> (i32, i32) {
    %c0_i32 = arith.constant 0 : i32
    %c0_i32_0 = arith.constant 0 : i32
    %c0_i32_1 = arith.constant 0 : i32
    return %c0_i32, %c0_i32_0 : i32, i32
  }
  func.func @transform_5(%arg0: i32) -> (i32, i32) {
    %c0_i32 = arith.constant 0 : i32
    %c0_i32_0 = arith.constant 0 : i32
    return %arg0, %c0_i32 : i32, i32
  }
  func.func @transform_6(%arg0: i32) -> (i32, i32) {
    %c0_i32 = arith.constant 0 : i32
    %c0_i32_0 = arith.constant 0 : i32
    return %arg0, %c0_i32 : i32, i32
  }
}

module attributes {stable_mosaic.version = 14 : i64} {
  func.func @_final_body(%arg0: i32, %arg1: memref<1024x128xf32, #tpu.memory_space<vmem>>, %arg2: memref<1024x128xf32, #tpu.memory_space<vmem>>, %arg3: memref<1x128xf32, #tpu.memory_space<vmem>>, %arg4: memref<1024x128xf32, #tpu.memory_space<vmem>>, %arg5: memref<1024x128xf32, #tpu.memory_space<vmem>>) attributes {dimension_semantics = [#tpu.dimension_semantics<arbitrary>], iteration_bounds = array<i64: 10>, scalar_prefetch = 0 : i64, scratch_operands = 0 : i64, tpu.core_type = #tpu.core_type<tc>, window_params = [{transform_indices = @transform_0, window_bounds = array<i64: 1024, 128>}, {transform_indices = @transform_1, window_bounds = array<i64: 1024, 128>}, {pipeline_mode = #tpu.pipeline_mode<synchronous>, transform_indices = @transform_2, window_bounds = array<i64: 1, 128>}, {transform_indices = @transform_3, window_bounds = array<i64: 1024, 128>}, {transform_indices = @transform_4, window_bounds = array<i64: 1024, 128>}]} {
    %get3A = arith.constant 0 : index
    %get3A_0 = arith.constant 0 : index
    %get3A_1 = vector.load %arg1[%get3A, %get3A_0] : memref<1024x128xf32, #tpu.memory_space<vmem>>, vector<1024x128xf32>
    %get3A_2 = arith.constant 0 : index
    %get3A_3 = arith.constant 0 : index
    %get3A_4 = vector.load %arg2[%get3A_2, %get3A_3] : memref<1024x128xf32, #tpu.memory_space<vmem>>, vector<1024x128xf32>
    %add3A = arith.addf %get3A_1, %get3A_4 : vector<1024x128xf32>
    %get3A_5 = arith.constant 0 : index
    %get3A_6 = arith.constant 0 : index
    %get3A_7 = vector.load %arg3[%get3A_5, %get3A_6] : memref<1x128xf32, #tpu.memory_space<vmem>>, vector<1x128xf32>
    %add3A_8 = vector.broadcast %get3A_7 : vector<1x128xf32> to vector<1024x128xf32>
    %add3A_9 = arith.addf %add3A, %add3A_8 : vector<1024x128xf32>
    %get3A_10 = arith.constant 0 : index
    %get3A_11 = arith.constant 0 : index
    %get3A_12 = vector.load %arg4[%get3A_10, %get3A_11] : memref<1024x128xf32, #tpu.memory_space<vmem>>, vector<1024x128xf32>
    %add3A_13 = arith.addf %add3A_9, %get3A_12 : vector<1024x128xf32>
    %swap3A = arith.constant 0 : index
    %swap3A_14 = arith.constant 0 : index
    %swap3A_15 = vector.load %arg5[%swap3A, %swap3A_14] : memref<1024x128xf32, #tpu.memory_space<vmem>>, vector<1024x128xf32>
    tpu.vector_store %arg5[%swap3A, %swap3A_14], %add3A_13 {strides = array<i32>} : memref<1024x128xf32, #tpu.memory_space<vmem>>, vector<1024x128xf32>,
    return
  }
  func.func @transform_0(%arg0: i32) -> (i32, i32) {
    %c0_i32 = arith.constant 0 : i32
    %c0_i32_0 = arith.constant 0 : i32
    return %arg0, %c0_i32 : i32, i32
  }
  func.func @transform_1(%arg0: i32) -> (i32, i32) {
    %c0_i32 = arith.constant 0 : i32
    %c0_i32_0 = arith.constant 0 : i32
    return %arg0, %c0_i32 : i32, i32
  }
  func.func @transform_2(%arg0: i32) -> (i32, i32) {
    %c0_i32 = arith.constant 0 : i32
    %c0_i32_0 = arith.constant 0 : i32
    %c0_i32_1 = arith.constant 0 : i32
    return %c0_i32, %c0_i32_0 : i32, i32
  }
  func.func @transform_3(%arg0: i32) -> (i32, i32) {
    %c0_i32 = arith.constant 0 : i32
    %c0_i32_0 = arith.constant 0 : i32
    return %arg0, %c0_i32 : i32, i32
  }
  func.func @transform_4(%arg0: i32) -> (i32, i32) {
    %c0_i32 = arith.constant 0 : i32
    %c0_i32_0 = arith.constant 0 : i32
    return %arg0, %c0_i32 : i32, i32
  }
}

module attributes {stable_mosaic.version = 14 : i64} {
  func.func @_bilinear_body(%arg0: i32, %arg1: memref<512x128xf32, #tpu.memory_space<vmem>>, %arg2: memref<512x128xf32, #tpu.memory_space<vmem>>, %arg3: memref<128x8192xbf16, #tpu.memory_space<vmem>>, %arg4: memref<8192x64xbf16, #tpu.memory_space<vmem>>, %arg5: memref<64xf32, #tpu.memory_space<vmem>>, %arg6: memref<64x64xf32, #tpu.memory_space<vmem>>, %arg7: memref<64xf32, #tpu.memory_space<vmem>>, %arg8: memref<64x1xf32, #tpu.memory_space<vmem>>, %arg9: memref<1xf32, #tpu.memory_space<vmem>>, %arg10: memref<512x1xf32, #tpu.memory_space<vmem>>) attributes {dimension_semantics = [#tpu.dimension_semantics<arbitrary>], iteration_bounds = array<i64: 128>, scalar_prefetch = 0 : i64, scratch_operands = 0 : i64, tpu.core_type = #tpu.core_type<tc>, window_params = [{transform_indices = @transform_0, window_bounds = array<i64: 512, 128>}, {transform_indices = @transform_1, window_bounds = array<i64: 512, 128>}, {pipeline_mode = #tpu.pipeline_mode<synchronous>, transform_indices = @transform_2, window_bounds = array<i64: 128, 8192>}, {pipeline_mode = #tpu.pipeline_mode<synchronous>, transform_indices = @transform_3, window_bounds = array<i64: 8192, 64>}, {pipeline_mode = #tpu.pipeline_mode<synchronous>, transform_indices = @transform_4, window_bounds = array<i64: 64>}, {pipeline_mode = #tpu.pipeline_mode<synchronous>, transform_indices = @transform_5, window_bounds = array<i64: 64, 64>}, {pipeline_mode = #tpu.pipeline_mode<synchronous>, transform_indices = @transform_6, window_bounds = array<i64: 64>}, {pipeline_mode = #tpu.pipeline_mode<synchronous>, transform_indices = @transform_7, window_bounds = array<i64: 64, 1>}, {pipeline_mode = #tpu.pipeline_mode<synchronous>, transform_indices = @transform_8, window_bounds = array<i64: 1>}, {transform_indices = @transform_9, window_bounds = array<i64: 512, 1>}]} {
    %get3A = arith.constant 0 : index
    %get3A_0 = arith.constant 0 : index
    %get3A_1 = vector.load %arg1[%get3A, %get3A_0] : memref<512x128xf32, #tpu.memory_space<vmem>>, vector<512x128xf32>
    %get3A_2 = arith.constant 0 : index
    %get3A_3 = arith.constant 0 : index
    %get3A_4 = vector.load %arg2[%get3A_2, %get3A_3] : memref<512x128xf32, #tpu.memory_space<vmem>>, vector<512x128xf32>
    %convert_element_type3A = arith.truncf %get3A_4 : vector<512x128xf32> to vector<512x128xbf16>
    %convert_element_type3A_5 = arith.truncf %get3A_1 : vector<512x128xf32> to vector<512x128xbf16>
    %get3A_6 = arith.constant 0 : index
    %get3A_7 = arith.constant 0 : index
    %get3A_8 = vector.load %arg3[%get3A_6, %get3A_7] : memref<128x8192xbf16, #tpu.memory_space<vmem>>, vector<128x8192xbf16>
    %dot_general3A = arith.constant dense<0.000000e+00> : vector<512x8192xf32>
    %dot_general3A_9 = tpu.matmul %convert_element_type3A_5, %get3A_8, %dot_general3A {dimension_numbers = #tpu.dot_dimension_numbers<[1], [0], [0], [1], [0, 0, 1, 1], [], []>, transpose_lhs_hint = false} : vector<512x128xbf16>, vector<128x8192xbf16>, vector<512x8192xf32> -> vector<512x8192xf32>
    %concatenate3A = tpu.concatenate %convert_element_type3A, %convert_element_type3A, %convert_element_type3A, %convert_element_type3A, %convert_element_type3A, %convert_element_type3A, %convert_element_type3A, %convert_element_type3A, %convert_element_type3A, %convert_element_type3A, %convert_element_type3A, %convert_element_type3A, %convert_element_type3A, %convert_element_type3A, %convert_element_type3A, %convert_element_type3A, %convert_element_type3A, %convert_element_type3A, %convert_element_type3A, %convert_element_type3A, %convert_element_type3A, %convert_element_type3A, %convert_element_type3A, %convert_element_type3A, %convert_element_type3A, %convert_element_type3A, %convert_element_type3A, %convert_element_type3A, %convert_element_type3A, %convert_element_type3A, %convert_element_type3A, %convert_element_type3A, %convert_element_type3A, %convert_element_type3A, %convert_element_type3A, %convert_element_type3A, %convert_element_type3A, %convert_element_type3A, %convert_element_type3A, %convert_element_type3A, %convert_element_type3A, %convert_element_type3A, %convert_element_type3A, %convert_element_type3A, %convert_element_type3A, %convert_element_type3A, %convert_element_type3A, %convert_element_type3A, %convert_element_type3A, %convert_element_type3A, %convert_element_type3A, %convert_element_type3A, %convert_element_type3A, %convert_element_type3A, %convert_element_type3A, %convert_element_type3A, %convert_element_type3A, %convert_element_type3A, %convert_element_type3A, %convert_element_type3A, %convert_element_type3A, %convert_element_type3A, %convert_element_type3A, %convert_element_type3A in 1 : vector<512x128xbf16>, vector<512x128xbf16>, vector<512x128xbf16>, vector<512x128xbf16>, vector<512x128xbf16>, vector<512x128xbf16>, vector<512x128xbf16>, vector<512x128xbf16>, vector<512x128xbf16>, vector<512x128xbf16>, vector<512x128xbf16>, vector<512x128xbf16>, vector<512x128xbf16>, vector<512x128xbf16>, vector<512x128xbf16>, vector<512x128xbf16>, vector<512x128xbf16>, vector<512x128xbf16>, vector<512x128xbf16>, vector<512x128xbf16>, vector<512x128xbf16>, vector<512x128xbf16>, vector<512x128xbf16>, vector<512x128xbf16>, vector<512x128xbf16>, vector<512x128xbf16>, vector<512x128xbf16>, vector<512x128xbf16>, vector<512x128xbf16>, vector<512x128xbf16>, vector<512x128xbf16>, vector<512x128xbf16>, vector<512x128xbf16>, vector<512x128xbf16>, vector<512x128xbf16>, vector<512x128xbf16>, vector<512x128xbf16>, vector<512x128xbf16>, vector<512x128xbf16>, vector<512x128xbf16>, vector<512x128xbf16>, vector<512x128xbf16>, vector<512x128xbf16>, vector<512x128xbf16>, vector<512x128xbf16>, vector<512x128xbf16>, vector<512x128xbf16>, vector<512x128xbf16>, vector<512x128xbf16>, vector<512x128xbf16>, vector<512x128xbf16>, vector<512x128xbf16>, vector<512x128xbf16>, vector<512x128xbf16>, vector<512x128xbf16>, vector<512x128xbf16>, vector<512x128xbf16>, vector<512x128xbf16>, vector<512x128xbf16>, vector<512x128xbf16>, vector<512x128xbf16>, vector<512x128xbf16>, vector<512x128xbf16>, vector<512x128xbf16> -> vector<512x8192xbf16>
    %convert_element_type3A_10 = arith.truncf %dot_general3A_9 : vector<512x8192xf32> to vector<512x8192xbf16>
    %mul3A = arith.mulf %convert_element_type3A_10, %concatenate3A : vector<512x8192xbf16>
    %get3A_11 = arith.constant 0 : index
    %get3A_12 = arith.constant 0 : index
    %get3A_13 = vector.load %arg4[%get3A_11, %get3A_12] : memref<8192x64xbf16, #tpu.memory_space<vmem>>, vector<8192x64xbf16>
    %dot_general3A_14 = arith.constant dense<0.000000e+00> : vector<512x64xf32>
    %dot_general3A_15 = tpu.matmul %mul3A, %get3A_13, %dot_general3A_14 {dimension_numbers = #tpu.dot_dimension_numbers<[1], [0], [0], [1], [0, 0, 1, 1], [], []>, transpose_lhs_hint = false} : vector<512x8192xbf16>, vector<8192x64xbf16>, vector<512x64xf32> -> vector<512x64xf32>
    %get3A_16 = arith.constant 0 : index
    %get3A_17 = vector.load %arg5[%get3A_16] : memref<64xf32, #tpu.memory_space<vmem>>, vector<64xf32>
    %broadcast_in_dim3A = vector.shape_cast %get3A_17 : vector<64xf32> to vector<1x64xf32>
    %add3A = vector.broadcast %broadcast_in_dim3A : vector<1x64xf32> to vector<512x64xf32>
    %add3A_18 = arith.addf %dot_general3A_15, %add3A : vector<512x64xf32>
    %gt3A = arith.constant 0.000000e+00 : f32
    %gt3A_19 = vector.broadcast %gt3A : f32 to vector<512x64xf32>
    %gt3A_20 = arith.cmpf ogt, %add3A_18, %gt3A_19 : vector<512x64xf32>
    %min3A = arith.constant 0.000000e+00 : f32
    %min3A_21 = vector.broadcast %min3A : f32 to vector<512x64xf32>
    %min3A_22 = arith.minimumf %add3A_18, %min3A_21 : vector<512x64xf32>
    %exp3A = math.exp %min3A_22 : vector<512x64xf32>
    %sub3A = arith.constant 1.000000e+00 : f32
    %sub3A_23 = vector.broadcast %sub3A : f32 to vector<512x64xf32>
    %sub3A_24 = arith.subf %exp3A, %sub3A_23 : vector<512x64xf32>
    %select_n3A = arith.select %gt3A_20, %add3A_18, %sub3A_24 : vector<512x64xi1>, vector<512x64xf32>
    %get3A_25 = arith.constant 0 : index
    %get3A_26 = arith.constant 0 : index
    %get3A_27 = vector.load %arg6[%get3A_25, %get3A_26] : memref<64x64xf32, #tpu.memory_space<vmem>>, vector<64x64xf32>
    %dot_general3A_28 = arith.constant dense<0.000000e+00> : vector<512x64xf32>
    %dot_general3A_29 = tpu.matmul %select_n3A, %get3A_27, %dot_general3A_28 {dimension_numbers = #tpu.dot_dimension_numbers<[1], [0], [0], [1], [0, 0, 1, 1], [], []>, transpose_lhs_hint = false} : vector<512x64xf32>, vector<64x64xf32>, vector<512x64xf32> -> vector<512x64xf32>
    %get3A_30 = arith.constant 0 : index
    %get3A_31 = vector.load %arg7[%get3A_30] : memref<64xf32, #tpu.memory_space<vmem>>, vector<64xf32>
    %broadcast_in_dim3A_32 = vector.shape_cast %get3A_31 : vector<64xf32> to vector<1x64xf32>
    %add3A_33 = vector.broadcast %broadcast_in_dim3A_32 : vector<1x64xf32> to vector<512x64xf32>
    %add3A_34 = arith.addf %dot_general3A_29, %add3A_33 : vector<512x64xf32>
    %gt3A_35 = arith.constant 0.000000e+00 : f32
    %gt3A_36 = vector.broadcast %gt3A_35 : f32 to vector<512x64xf32>
    %gt3A_37 = arith.cmpf ogt, %add3A_34, %gt3A_36 : vector<512x64xf32>
    %min3A_38 = arith.constant 0.000000e+00 : f32
    %min3A_39 = vector.broadcast %min3A_38 : f32 to vector<512x64xf32>
    %min3A_40 = arith.minimumf %add3A_34, %min3A_39 : vector<512x64xf32>
    %exp3A_41 = math.exp %min3A_40 : vector<512x64xf32>
    %sub3A_42 = arith.constant 1.000000e+00 : f32
    %sub3A_43 = vector.broadcast %sub3A_42 : f32 to vector<512x64xf32>
    %sub3A_44 = arith.subf %exp3A_41, %sub3A_43 : vector<512x64xf32>
    %select_n3A_45 = arith.select %gt3A_37, %add3A_34, %sub3A_44 : vector<512x64xi1>, vector<512x64xf32>
    %get3A_46 = arith.constant 0 : index
    %get3A_47 = arith.constant 0 : index
    %get3A_48 = vector.load %arg8[%get3A_46, %get3A_47] : memref<64x1xf32, #tpu.memory_space<vmem>>, vector<64x1xf32>
    %dot_general3A_49 = arith.constant dense<0.000000e+00> : vector<512x1xf32>
    %dot_general3A_50 = tpu.matmul %select_n3A_45, %get3A_48, %dot_general3A_49 {dimension_numbers = #tpu.dot_dimension_numbers<[1], [0], [0], [1], [0, 0, 1, 1], [], []>, transpose_lhs_hint = false} : vector<512x64xf32>, vector<64x1xf32>, vector<512x1xf32> -> vector<512x1xf32>
    %get3A_51 = arith.constant 0 : index
    %get3A_52 = vector.load %arg9[%get3A_51] : memref<1xf32, #tpu.memory_space<vmem>>, vector<1xf32>
    %broadcast_in_dim3A_53 = vector.shape_cast %get3A_52 : vector<1xf32> to vector<1x1xf32>
    %add3A_54 = vector.broadcast %broadcast_in_dim3A_53 : vector<1x1xf32> to vector<512x1xf32>
    %add3A_55 = arith.addf %dot_general3A_50, %add3A_54 : vector<512x1xf32>
    %swap3A = arith.constant 0 : index
    %swap3A_56 = arith.constant 0 : index
    %swap3A_57 = vector.load %arg10[%swap3A, %swap3A_56] : memref<512x1xf32, #tpu.memory_space<vmem>>, vector<512x1xf32>
    tpu.vector_store %arg10[%swap3A, %swap3A_56], %add3A_55 {strides = array<i32>} : memref<512x1xf32, #tpu.memory_space<vmem>>, vector<512x1xf32>,
    return
  }
  func.func @transform_0(%arg0: i32) -> (i32, i32) {
    %c0_i32 = arith.constant 0 : i32
    %c0_i32_0 = arith.constant 0 : i32
    return %arg0, %c0_i32 : i32, i32
  }
  func.func @transform_1(%arg0: i32) -> (i32, i32) {
    %add3A = arith.constant 128 : i32
    %add3A_0 = arith.addi %arg0, %add3A : i32
    %c0_i32 = arith.constant 0 : i32
    %c0_i32_1 = arith.constant 0 : i32
    return %add3A_0, %c0_i32 : i32, i32
  }
  func.func @transform_2(%arg0: i32) -> (i32, i32) {
    %c0_i32 = arith.constant 0 : i32
    %c0_i32_0 = arith.constant 0 : i32
    %c0_i32_1 = arith.constant 0 : i32
    return %c0_i32, %c0_i32_0 : i32, i32
  }
  func.func @transform_3(%arg0: i32) -> (i32, i32) {
    %c0_i32 = arith.constant 0 : i32
    %c0_i32_0 = arith.constant 0 : i32
    %c0_i32_1 = arith.constant 0 : i32
    return %c0_i32, %c0_i32_0 : i32, i32
  }
  func.func @transform_4(%arg0: i32) -> i32 {
    %c0_i32 = arith.constant 0 : i32
    %c0_i32_0 = arith.constant 0 : i32
    return %c0_i32 : i32
  }
  func.func @transform_5(%arg0: i32) -> (i32, i32) {
    %c0_i32 = arith.constant 0 : i32
    %c0_i32_0 = arith.constant 0 : i32
    %c0_i32_1 = arith.constant 0 : i32
    return %c0_i32, %c0_i32_0 : i32, i32
  }
  func.func @transform_6(%arg0: i32) -> i32 {
    %c0_i32 = arith.constant 0 : i32
    %c0_i32_0 = arith.constant 0 : i32
    return %c0_i32 : i32
  }
  func.func @transform_7(%arg0: i32) -> (i32, i32) {
    %c0_i32 = arith.constant 0 : i32
    %c0_i32_0 = arith.constant 0 : i32
    %c0_i32_1 = arith.constant 0 : i32
    return %c0_i32, %c0_i32_0 : i32, i32
  }
  func.func @transform_8(%arg0: i32) -> i32 {
    %c0_i32 = arith.constant 0 : i32
    %c0_i32_0 = arith.constant 0 : i32
    return %c0_i32 : i32
  }
  func.func @transform_9(%arg0: i32) -> (i32, i32) {
    %c0_i32 = arith.constant 0 : i32
    %c0_i32_0 = arith.constant 0 : i32
    return %arg0, %c0_i32 : i32, i32
  }
}

</mosaic_0001>

<sc_bundles>
// kernel: kernel.11.cloned.1.call-start
scs
__scs_entry_jumppad:
0x0: {  	(pc) =	sbr.rel $0x88, $3  }
0x1: {  	(tag) =	ssettag $0x0;
	lr =	simm.s32 $0x1  }
0x2: {  	[smem:$0x3F91] =	sst lr;
	_ =	strace $0xD0000000  }
0x3: {  	_ = 	snop  }
0x4: {  	_ = 	snop  }
0x5: {  	_ = 	snop  }
0x6: {  	_ = 	snop  }
0x7: {  	_ = 	snop  }
__scs_overlays_trampoline_lowered:
0x8: {  	[smem:$0x3FA0] =	sst s0  }
0x9: {  	[smem:$0x3FA1] =	sst s1  }
0xa: {  	[smem:$0x3FA2] =	sst s2  }
0xb: {  	[smem:$0x3FA3] =	sst s3  }
0xc: {  	[smem:$0x3FA4] =	sst s4  }
0xd: {  	[smem:$0x3FA5] =	sst s5  }
0xe: {  	[smem:$0x3FA6] =	sst s6  }
0xf: {  	[smem:$0x3FA7] =	sst s7  }
0x10: {  	[smem:$0x3FA8] =	sst s8  }
0x11: {  	[smem:$0x3FA9] =	sst s9;
	s0 =	simm.s32 @!p0 $0x0  }
0x12: {  	s1 =	sld [smem:$0x3F8F];
	s0 =	simm.s32 @p0 $0x1  }
0x13: {  	[smem:$0x3FAA] =	sst s0;
	s0 =	simm.s32 @!p1 $0x0  }
0x14: {  	s2 =	sld [smem:$0x3F8E];
	s0 =	simm.s32 @p1 $0x1  }
0x15: {  	[smem:$0x3FAB] =	sst s0;
	s0 =	simm.s32 @!p2 $0x0  }
0x16: {  	s3 =	sld [smem:$0x3FDB];
	s0 =	simm.s32 @p2 $0x1  }
0x17: {  	s4 =	simm.s32 $0x1BF5;
	[smem:$0x3FAD] =	sst s0  }
0x18: {  	s0 =	sld [smem:$0x3F90];
	_ =	swait.ge [sflag:s4], $0x0  }
0x19: {  	s7 =	sld [smem:$0x3F91]  }
0x1a: {  	s8 =	sadd.s32 $0xFFFFE003, lr  }
0x1b: {  	s9 =	sadd.s32 $0xFFFFFEF7, lr;
	s5 =	simm.s32 $0xFFFFFFFF;
	p2 =	slt.u32 s8, $0xFFFFF086  }
0x1c: {  	p1 =	slt.u32 s9, $0xF7A;
	s5 =	simm.s32 @!p2 $0x0  }
0x1d: {  	s5 =	simm.s32 @p1 $0x1;
	p0 =	seq.s32 s7, s2  }
0x1e: {  	s7 =	smul.u32 @!p0 $0xF7A, s2;
	p2 =	seq.s32 @!p0 s5, $0x0  }
0x1f: {  	s9 =	smul.u32 $0xF7A, s1;
	s8 =	simm.s32 @!p0 $0x1BF5;
	p2 =	por !p2, p0  }
0x20: {  	[sflag:s8] =	ssyncset.s32 @!p0 $0xFFFFF086;
	s6 =	sadd.s32 @!p0 s3, s7;
	s7 =	simm.s32 @!p0 $0x108  }
0x21: {  	s3 =	sadd.s32 s3, s9;
	s6 =	sadd.s32 @!p0 $0x88, s6;
	s7 =	simm.s32 @p2 $0x1082  }
0x22: {  	[simem:s7], [sflag:s8] =	dma.local @!p0 [hbm:s6], $0xF7A  }
0x23: {  	s9 =	sor.u32 $0xD0000000, s2;
	s6 =	simm.s32 $0x108;
	_ =	swait.ge @!p0 [sflag:s8], $0x0  }
0x24: {  	s3 =	sadd.s32 $0x88, s3;
	s6 =	simm.s32 @!p1 $0x1082;
	[sflag:s4] =	ssyncset.s32 $0xFFFFF086  }
0x25: {  	[simem:s6], [sflag:s4] =	dma.local [hbm:s3], $0xF7A  }
0x26: {  	[smem:$0x3F91] =	sst s1;
	(tag) =	ssettag s2;
	_ =	strace s9  }
0x27: {  	s1 =	sld [smem:$0x3FA1]  }
0x28: {  	s2 =	sld [smem:$0x3FA2]  }
0x29: {  	s4 =	sld [smem:$0x3FA4]  }
0x2a: {  	p0 =	seq.s32 s5, $0x0;
	s5 =	sld [smem:$0x3FA5]  }
0x2b: {  	s6 =	sld [smem:$0x3FA6]  }
0x2c: {  	s7 =	sld [smem:$0x3FA7]  }
0x2d: {  	s3 =	simm.s32 $0x108;
	s8 =	sld [smem:$0x3FA8]  }
0x2e: {  	s3 =	simm.s32 @!p0 $0x1082;
	s9 =	sld [smem:$0x3FA9]  }
0x2f: {  	lr =	sadd.s32 s0, s3;
	s0 =	sld [smem:$0x3FA0]  }
0x30: {  	s3 =	sld [smem:$0x3FA3]  }
0x31: {  	[smem:$0x3FAC] =	sst s10  }
0x32: {  	s10 =	sld [smem:$0x3FAA];
	_ =	sdelay $0x3  }
0x33: {  	p0 =	seq.s32 s10, $0x1;
	s10 =	sld [smem:$0x3FAC];
	_ =	sdelay $0x3  }
0x34: {  	[smem:$0x3FAC] =	sst s10  }
0x35: {  	s10 =	sld [smem:$0x3FAB];
	_ =	sdelay $0x3  }
0x36: {  	p1 =	seq.s32 s10, $0x1;
	s10 =	sld [smem:$0x3FAC];
	_ =	sdelay $0x3  }
0x37: {  	[smem:$0x3FAC] =	sst s10  }
0x38: {  	s10 =	sld [smem:$0x3FAD]  }
0x39: {  	_ = 	snop;
	(pc) =	sbr.ind lr, $3  }
0x3a: {  	_ = 	snop  }
0x3b: {  	_ = 	snop  }
0x3c: {  	p2 =	seq.s32 s10, $0x1;
	s10 =	sld [smem:$0x3FAC]  }
0x3d: {  	_ =	shalt  }
0x3e: {  	_ =	shalt  }
0x3f: {  	_ =	shalt  }
0x40: {  	_ =	shalt  }
0x41: {  	_ =	shalt  }
0x42: {  	_ =	shalt  }
0x43: {  	_ =	shalt  }
0x44: {  	_ =	shalt  }
0x45: {  	_ =	shalt  }
0x46: {  	_ =	shalt  }
0x47: {  	_ =	shalt  }
0x48: {  	_ =	shalt  }
0x49: {  	_ =	shalt  }
0x4a: {  	_ =	shalt  }
0x4b: {  	_ =	shalt  }
0x4c: {  	_ =	shalt  }
0x4d: {  	_ =	shalt  }
0x4e: {  	_ =	shalt  }
0x4f: {  	_ =	shalt  }
0x50: {  	_ =	shalt  }
0x51: {  	_ =	shalt  }
0x52: {  	_ =	shalt  }
0x53: {  	_ =	shalt  }
0x54: {  	_ =	shalt  }
0x55: {  	_ =	shalt  }
0x56: {  	_ =	shalt  }
0x57: {  	_ =	shalt  }
0x58: {  	_ =	shalt  }
0x59: {  	_ =	shalt  }
0x5a: {  	_ =	shalt  }
0x5b: {  	_ =	shalt  }
0x5c: {  	_ =	shalt  }
0x5d: {  	_ =	shalt  }
0x5e: {  	_ =	shalt  }
0x5f: {  	_ =	shalt  }
0x60: {  	_ =	shalt  }
0x61: {  	_ =	shalt  }
0x62: {  	_ =	shalt  }
0x63: {  	_ =	shalt  }
0x64: {  	_ =	shalt  }
0x65: {  	_ =	shalt  }
0x66: {  	_ =	shalt  }
0x67: {  	_ =	shalt  }
0x68: {  	_ =	shalt  }
0x69: {  	_ =	shalt  }
0x6a: {  	_ =	shalt  }
0x6b: {  	_ =	shalt  }
0x6c: {  	_ =	shalt  }
0x6d: {  	_ =	shalt  }
0x6e: {  	_ =	shalt  }
0x6f: {  	_ =	shalt  }
0x70: {  	_ =	shalt  }
0x71: {  	_ =	shalt  }
0x72: {  	_ =	shalt  }
0x73: {  	_ =	shalt  }
0x74: {  	_ =	shalt  }
0x75: {  	_ =	shalt  }
0x76: {  	_ =	shalt  }
0x77: {  	_ =	shalt  }
0x78: {  	_ =	shalt  }
0x79: {  	_ =	shalt  }
0x7a: {  	_ =	shalt  }
0x7b: {  	_ =	shalt  }
0x7c: {  	_ =	shalt  }
0x7d: {  	_ =	shalt  }
0x7e: {  	_ =	shalt  }
0x7f: {  	_ =	shalt  }
0x80: {  	_ =	shalt  }
0x81: {  	_ =	shalt  }
0x82: {  	_ =	shalt  }
0x83: {  	_ =	shalt  }
0x84: {  	_ =	shalt  }
0x85: {  	_ =	shalt  }
0x86: {  	_ =	shalt  }
0x87: {  	_ =	shalt  }
.Lfunc_end0:
.L_simem_size_0:
called_computation_lowered:
.L_overlay_start_0:
0x88: {  	s2 =	sld [smem:$0x3FD9]  }
0x89: {  	s3 =	sld [smem:$0x3FFE];
	_ =	sdelay $0x1  }
0x8a: {  	s1 =	srdreg.scid  }
0x8b: {  	s0 =	sand.u32 $0x1, s1  }
0x8c: {  	s16 =	sshll.u32 s0, $0xA;
	s2 =	sadd.s32 s3, s2  }
0x8d: {  	s2 =	sadd.s32 s2, s16  }
0x8e: {  	[smem:$0x3FB8] =	sst s2  }
0x8f: {  	_ = 	snop  }
0x90: {  	(tm) =	ssettm $0x1  }
0x91: {  	s17 =	sld [smem:$0x3FFB];
	_ =	sdelay $0x3  }
0x92: {  	_ =	strace s17  }
0x93: {  	s2 =	sld [smem:$0x3FFC];
	_ =	sdelay $0x3  }
0x94: {  	_ =	strace s2  }
0x95: {  	s2 =	sld [smem:$0x3FFD];
	_ =	sdelay $0x3  }
0x96: {  	_ =	strace s2  }
0x97: {  	_ =	strace $0x8FFFFFFF  }
0x98: {  	s18 =	sld [smem:$0x3FDB];
	_ =	sdelay $0x1  }
0x99: {  	s19 =	simm.s32 $_scs_section_size  }
0x9a: {  	s4 =	simm.s32 $_size__tile_overlayer_lowered;
	s5 =	simm.s32 $_tile_overlayer_lowered  }
0x9b: {  	s22 =	simm.s32 $0x1BFF;
	s21 =	sshll.u32 s5, $0x1;
	s2 =	sadd.s32 s19, s18  }
0x9c: {  	s6 =	simm.s32 $0x0;
	s20 =	sshll.u32 s4, $0x1;
	s4 =	sadd.s32 s21, s2  }
0x9d: {  	[timem:s6], [sflag:s22] =	dma.local [hbm:s4], s20  }
0x9e: {  	_ =	swait.ge [sflag:s22], s20  }
0x9f: {  	s3 =	ssub.s32 $0x0, s20;
	[sflag:s22] =	ssyncset.done $0x0  }
0xa0: {  	[sflag:s22] =	ssyncadd.s32 s3;
	_ =	sdelay $0x1  }
0xa1: {  	s23 =	simm.s32 $0x1B8B  }
0xa2: {  	_ =	swait.ge [sflag:s23], $0x1  }
0xa3: {  	[sflag:s23] =	ssyncset.done $0x0  }
0xa4: {  	s25 =	simm.s32 $0x1B8E;
	s24 =	sld [smem:$0x3FFE];
	[sflag:s23] =	ssyncadd.s32 $0xFFFFFFFF  }
0xa5: {  	s26 =	simm.s32 $execute0_lowered;
	[smem:$0x3FD2] =	sst s25  }
0xa6: {  	s4 =	sshll.u32 s26, $0x1;
	_ =	strace $0x80000046;
	[dreg:$0x1] =	wrdreg $0xFFFFFFFF  }
0xa7: {  	s28 =	simm.s32 $_size_execute0_lowered;
	s2 =	sadd.s32 s2, s4;
	[dreg:$0x0] =	wrdreg $0x0  }
0xa8: {  	s4 =	sshll.u32 s28, $0x1;
	[dreg:$0x2] =	wrdreg s2  }
0xa9: {  	[dreg:$0x3] =	wrdreg s4  }
0xaa: {  	[dreg:$0x4] =	wrdreg $0xC0  }
0xab: {  	_ =	task [dreg:s6], $0x5FFFF  }
0xac: {  	[dreg:$0x1] =	wrdreg $0xFFFFFFFF  }
0xad: {  	[dreg:$0x0] =	wrdreg $0x60  }
0xae: {  	[dreg:$0x2] =	wrdreg s24  }
0xaf: {  	[dreg:$0x3] =	wrdreg $0x84000  }
0xb0: {  	[dreg:$0x4] =	wrdreg $0x9  }
0xb1: {  	_ =	task.clear_ibuf [dreg:s6], $0x5FFFF;
	_ =	strace $0x90000046  }
0xb2: {  	s29 =	simm.s32 $0x9;
	_ =	strace $0x8000004C  }
0xb3: {  	_ =	swait.ge [sflag:s29], $0x1  }
0xb4: {  	[sflag:s29] =	ssyncadd.s32 $0xFFFFFFFF  }
0xb5: {  	_ =	strace $0x9000004C  }
0xb6: {  	_ =	sfence  }
0xb7: {  	s30 =	sld [smem:$0x0];
	_ =	sdelay $0x2  }
0xb8: {  	s31 =	sshll.u32 s1, $0xD;
	s1 =	sshrl.u32 s1, $0x2  }
0xb9: {  	s3 =	sand.u32 $0x4000, s31;
	s1 =	sadd.s32 s1, s30  }
0xba: {  	s0 =	sor.u32 s3, s0;
	s1 =	sshll.u32 s1, $0x11  }
0xbb: {  	s0 =	sor.u32 s1, s0  }
0xbc: {  	s0 =	sadd.s32 $0x8F2B, s0  }
0xbd: {  	[sflag:s0] =	ssyncadd.remote.s32 $0x1  }
0xbe: {  	_ =	sfence.sel $0xFFFF  }
0xbf: {  	[dreg:$0x0] =	wrdreg $0xFFFFFFFF;
	(pc) =	sbr.abs _section_cstart, $3  }
0xc0: {  	[dreg:$0x1] =	wrdreg $0xFFFFFFFF  }
0xc1: {  	_ =	task.clear_ibuf [dreg:s6], $0x2FFFF;
	_ =	strace $0x9FFFFFFF  }
0xc2: {  	(tm) =	ssettm $0x7FFFFFFF  }
0xc3: {  	_ =	shalt  }
tec
execute0_lowered:
.L_overlay_start_1:
0x0: {  	(tag) =	ssettag $0x1  }
0x1: {  	s0 =	rddreg [dreg:$0x0]  }
0x2: {  	s2 =	rddreg [dreg:$0x1];
	s9 =	stileid.u32;
	s3 =	simm.s32 $0x0  }
0x3: {  	s1 =	srdreg.scid;
	s17 =	simm.s32 $0x400;
	s18 =	simm.s32 $0x5  }
0x4: {  	s19 =	simm.s32 $0x3;
	s20 =	simm.s32 $0x80;
	s21 =	simm.s32 $0x200  }
0x5: {  	s22 =	simm.s32 $0x1;
	s23 =	simm.s32 $0x4;
	s24 =	simm.s32 $0x4400  }
0x6: {  	s25 =	simm.s32 $0x280;
	s28 =	simm.s32 $0x0;
	s5 =	smul.u32 $0x50, s9  }
0x7: {  	[smem:$0x7FF] =	sst s3;
	s1 =	sand.u32 $0x1, s1;
	s7 =	smul.u32 $0x14000, s9  }
0x8: {  	s26 =	smul.u32 $0x50000, s9;
	s9 =	sadd.s32 $0x2BE80, s0;
	p0 =	seq.s32 s1, $0x0  }
0x9: {  	s6 =	smul.u32 $0x140000, s1;
	_ =	strace $0x80000047;
	s1 =	ssub.s32 $0x2, s1  }
0xa: {  	s4 =	sadd.s32 $0x500, s5;
	s29 =	sshrl.u32 s1, $0x1;
	s30 =	sshrl.u32 s26, $0x2  }
0xb: {  	s26 =	simm.s32 $0x0;
	s4 =	smov.u32 @p0 s5;
	s5 =	sadd.s32 $0x3E00, s0  }
0xc: {  	s6 =	sadd.s32 s7, s6;
	s1 =	ssub.s32 s1, s29;
	s8 =	sshll.u32 s4, $0x6  }
.Ltmp0:
0xd: {  	s6 =	sshrl.u32 s6, $0x3;
	s10 =	sor.u32 $0x1, s4;
	(pc) =	sbr.rel .LBB2_1-.Ltmp0, $4  }
0xe: {  	s12 =	smax.u32 s1, $0x1;
	s8 =	sadd.s32 s8, s0;
	s11 =	sadd.s32 s6, s0  }
0xf: {  	s6 =	sadd.s32 s30, s2;
	s31 =	sadd.s32 $0x2BE00, s8;
	s8 =	sadd.s32 $0x2BE40, s8  }
0x10: {  	s11 =	sadd.s32 $0x53E00, s11;
	s13 =	sadd.s32 $0x4000, s6;
	s14 =	sadd.s32 $0x8000, s6  }
0x11: {  	v0 =	vimm.f32 $0.0e+00;
	s15 =	sadd.s32 $0xC000, s6;
	s16 =	sadd.s32 $0x10000, s6;
	[dreg:$0x3] =	wrdreg s31  }
.LBB2_10:
0x12: {  	_ =	strace $0x90000049  }
0x13: {  	_ =	strace $0x8000004A  }
0x14: {  	s0 =	stileid.u32;
	s1 =	sshrl.u32 s6, $0x3;
	[bflag:$0x0] =	sbarrier.arrive $0xFFFF  }
0x15: {  	s26 =	sadd.s32 $0x1, s26;
	s0 =	sshll.u32 s0, $0x6;
	_ =	strace $0x9000004A  }
0x16: {  	p0 =	sne.s32 s26, s12;
	s0 =	sor.u32 $0x1C05, s0;
	_ =	strace $0x8000004B  }
0x17: {  	[hbm:s11], [sflag:s0] =	dma.local [spmem:s1], $0x2800  }
.Ltmp1:
0x18: {  	_ = 	snop;
	(pc) =	sbr.rel @!p0 .LBB2_11-.Ltmp1, $4  }
0x19: {  	_ =	swait.ge [sflag:s18], $0x2800  }
0x1a: {  	[sflag:s18] =	ssyncset.done $0x0  }
0x1b: {  	[sflag:s18] =	ssyncadd.s32 $0xFFFFD800  }
0x1c: {  	_ =	strace $0x9000004B  }
.LBB2_1:
0x1d: {  	_ =	strace $0x80000048;
	s0 =	simm.s32 $0x0;
	s1 =	simm.s32 $0x200  }
.LBB2_2:
0x1e: {  	p0 =	seq.s32 s1, $0xFE00;
	[tilespmem:s0+$0x470] =	vst v0  }
0x1f: {  	[tilespmem:s0+$0x400] =	vst v0  }
0x20: {  	[tilespmem:s0+$0x410] =	vst v0  }
.Ltmp2:
0x21: {  	[tilespmem:s0+$0x420] =	vst v0;
	(pc) =	sbr.rel @!p0 .LBB2_2-.Ltmp2, $4  }
0x22: {  	[tilespmem:s0+$0x430] =	vst v0  }
0x23: {  	[tilespmem:s0+$0x440] =	vst v0  }
0x24: {  	[tilespmem:s0+$0x450] =	vst v0  }
0x25: {  	[tilespmem:s0+$0x460] =	vst v0;
	s0 =	sshra.s32 s1, $0x2;
	s1 =	sadd.s32 $0x200, s1  }
0x26: {  	[tilespmem:s0+$0x470] =	vst v0  }
0x27: {  	[tilespmem:s0+$0x400] =	vst v0  }
0x28: {  	[tilespmem:s0+$0x410] =	vst v0  }
0x29: {  	[tilespmem:s0+$0x420] =	vst v0  }
0x2a: {  	[tilespmem:s0+$0x430] =	vst v0  }
0x2b: {  	[tilespmem:s0+$0x440] =	vst v0  }
0x2c: {  	[tilespmem:s0+$0x450] =	vst v0  }
0x2d: {  	[tilespmem:s0+$0x460] =	vst v0  }
0x2e: {  	[spmem:s6] =	stream.linear.scatter [tilespmem:s17], [sflag:$0x5], $0x4000, $0x200038;
	[tilespmem:$0x1C400] =	vst v63  }
0x2f: {  	_ =	swait.ge [sflag:s18], $0x4000  }
0x30: {  	[sflag:s18] =	ssyncset.done $0x0  }
0x31: {  	[sflag:s18] =	ssyncadd.s32 $0xFFFFC000  }
0x32: {  	[spmem:s13] =	stream.linear.scatter [tilespmem:s17], [sflag:$0x5], $0x4000, $0x200038;
	[tilespmem:$0x1C400] =	vst v63  }
0x33: {  	_ =	swait.ge [sflag:s18], $0x4000  }
0x34: {  	[sflag:s18] =	ssyncset.done $0x0  }
0x35: {  	[sflag:s18] =	ssyncadd.s32 $0xFFFFC000  }
0x36: {  	[spmem:s14] =	stream.linear.scatter [tilespmem:s17], [sflag:$0x5], $0x4000, $0x200038;
	[tilespmem:$0x1C400] =	vst v63  }
0x37: {  	_ =	swait.ge [sflag:s18], $0x4000  }
0x38: {  	[sflag:s18] =	ssyncset.done $0x0  }
0x39: {  	[sflag:s18] =	ssyncadd.s32 $0xFFFFC000  }
0x3a: {  	[spmem:s15] =	stream.linear.scatter [tilespmem:s17], [sflag:$0x5], $0x4000, $0x200038;
	[tilespmem:$0x1C400] =	vst v63  }
0x3b: {  	_ =	swait.ge [sflag:s18], $0x4000  }
0x3c: {  	[sflag:s18] =	ssyncset.done $0x0  }
0x3d: {  	[sflag:s18] =	ssyncadd.s32 $0xFFFFC000  }
0x3e: {  	[spmem:s16] =	stream.linear.scatter [tilespmem:s17], [sflag:$0x5], $0x4000, $0x200038;
	[tilespmem:$0x1C400] =	vst v63  }
0x3f: {  	_ =	swait.ge [sflag:s18], $0x4000  }
0x40: {  	[sflag:s18] =	ssyncset.done $0x0  }
0x41: {  	[sflag:s18] =	ssyncadd.s32 $0xFFFFC000  }
0x42: {  	_ =	strace $0x90000048  }
0x43: {  	s31 =	rddreg [dreg:$0x3]  }
0x44: {  	[tilespmem:s28], [sflag:$0x3] =	stream.linear.gather [hbm4b:s31+s28], $0x180, $0x38;
	[tilespmem:$0x1C400] =	vst v63  }
0x45: {  	_ =	swait.ge [sflag:s19], $0x180  }
0x46: {  	[sflag:s19] =	ssyncset.done $0x0  }
0x47: {  	[sflag:s19] =	ssyncadd.s32 $0xFFFFFE80  }
0x48: {  	[tilespmem:s17], [sflag:$0x1] =	stream.indirect.gather [hbm4b:s5+s20], $0x80, s28, s20, $0xb8;
	[tilespmem:$0x1C400] =	vst v63  }
0x49: {  	_ = 	snop  }
0x4a: {  	[tilespmem:s21], [sflag:$0x4] =	stream.linear.gather [hbm4b:s8+s28], $0x180, $0x38;
	[tilespmem:$0x1C400] =	vst v63  }
0x4b: {  	[bflag:$0x0] =	sbarrier.arrive $0xFFFF  }
0x4c: {  	s29 =	simm.s32 $0x0;
	_ =	strace $0x80000049  }
.LBB2_4:
0x4d: {  	_ =	swait.ge [sflag:s22], $0x4000  }
0x4e: {  	v1 =	vmov s28;
	[sflag:s22] =	ssyncset.done $0x0  }
0x4f: {  	v1 =	vand.u32 $0x7F, v1;
	[sflag:s22] =	ssyncadd.s32 $0xFFFFC000  }
0x50: {  	v1 =	vor.u32 $0x100, v1;
	_ =	swait.ge [sflag:s23], $0x180  }
0x51: {  	v1 =	vbroadcast v1, $0x0;
	[sflag:s23] =	ssyncset.done $0x0  }
0x52: {  	s30 =	simm.s32 $0x440;
	[sflag:s23] =	ssyncadd.s32 $0xFFFFFE80  }
0x53: {  	[tilespmem:s24], [sflag:$0x2] =	stream.indirect.gather [hbm4b:s5+s20], $0x80, s21, s20, $0x2000b8;
	[tilespmem:$0x1C400] =	vst v63  }
0x54: {  	v5 =	vld [tilespmem:s30+$0x30]  }
0x55: {  	v8 =	vld [tilespmem:s30+$0x10]  }
0x56: {  	v6 =	vld [tilespmem:s30+$0xFFFFFFC0]  }
0x57: {  	v2 =	vld.idx.msk [tilespmem:v1+s3+$0x0], $0xffff  }
0x58: {  	v11 =	vld [tilespmem:s30+$0xFFFFFFE0]  }
0x59: {  	v3 =	vld [tilespmem:s30+$0x20]  }
0x5a: {  	v4 =	vld [tilespmem:s30+$0xFFFFFFD0]  }
0x5b: {  	v1 =	vld [tilespmem:s30+$0xFFFFFFF0]  }
0x5c: {  	v9 =	vmul.f32 v2, v5;
	v5 =	vld [tilespmem:s30+$0x0]  }
0x5d: {  	s1 =	simm.s32 $0x1;
	v7 =	vmul.f32 v2, v6  }
0x5e: {  	s0 =	simm.s32 $0x2;
	s31 =	simm.s32 $0x440;
	v10 =	vmov s1;
	v6 =	vmul.f32 v2, v11;
	v8 =	vmul.f32 v2, v8  }
.LBB2_5:
0x5f: {  	p0 =	sne.s32 s0, $0x7F  }
0x60: {  	v10 =	vand.u32 $0x7F, v10;
	v4 =	vmul.f32 v2, v4;
	v3 =	vmul.f32 v2, v3;
	[tilespmem:s30+$0x30] =	vst v9;
	s31 =	sadd.s32 $0x80, s31;
	s1 =	smov.u32 s0;
	s0 =	sadd.s32 $0x1, s0  }
0x61: {  	v9 =	vor.u32 $0x100, v10;
	[tilespmem:s30+$0xFFFFFFC0] =	vst v7;
	v7 =	vmul.f32 v2, v1;
	v2 =	vmul.f32 v2, v5  }
0x62: {  	v5 =	vbroadcast v9, $0x0;
	[tilespmem:s30+$0x10] =	vst v8  }
0x63: {  	[tilespmem:s30+$0xFFFFFFE0] =	vst v6  }
0x64: {  	v1 =	vld [tilespmem:s31+$0xFFFFFFF0];
	[tilespmem:s30+$0xFFFFFFF0] =	vst v7  }
0x65: {  	v6 =	vld [tilespmem:s31+$0x30];
	[tilespmem:s30+$0x0] =	vst v2  }
0x66: {  	v8 =	vld [tilespmem:s31+$0x10];
	[tilespmem:s30+$0x20] =	vst v3  }
0x67: {  	v7 =	vld [tilespmem:s31+$0xFFFFFFC0];
	[tilespmem:s30+$0xFFFFFFD0] =	vst v4;
	s30 =	smov.u32 s31  }
0x68: {  	v2 =	vld.idx.msk [tilespmem:v5+s3+$0x0], $0xffff  }
0x69: {  	v11 =	vld [tilespmem:s31+$0xFFFFFFE0]  }
0x6a: {  	v3 =	vld [tilespmem:s31+$0x20]  }
.Ltmp3:
0x6b: {  	v4 =	vld [tilespmem:s31+$0xFFFFFFD0];
	(pc) =	sbr.rel @p0 .LBB2_5-.Ltmp3, $3  }
0x6c: {  	v5 =	vld [tilespmem:s31+$0x0];
	_ =	sdelay $0x1  }
0x6d: {  	v7 =	vmul.f32 v2, v7;
	v9 =	vmul.f32 v2, v6  }
0x6e: {  	v10 =	vmov s1;
	v8 =	vmul.f32 v2, v8;
	v6 =	vmul.f32 v2, v11  }
0x6f: {  	[tilespmem:s30+$0xFFFFFFC0] =	vst v7;
	v7 =	vand.u32 $0x7F, v10  }
0x70: {  	[tilespmem:s30+$0x30] =	vst v9;
	v7 =	vor.u32 $0x100, v7  }
0x71: {  	v1 =	vmul.f32 v2, v1;
	[tilespmem:s30+$0xFFFFFFE0] =	vst v6;
	v6 =	vbroadcast v7, $0x0  }
0x72: {  	s0 =	sadd.s32 $0x80, s31;
	[tilespmem:s30+$0x10] =	vst v8;
	v5 =	vmul.f32 v2, v5  }
0x73: {  	v3 =	vmul.f32 v2, v3;
	v7 =	vld [tilespmem:s0+$0xFFFFFFF0];
	[tilespmem:s30+$0xFFFFFFF0] =	vst v1  }
0x74: {  	v2 =	vmul.f32 v2, v4;
	v1 =	vld [tilespmem:s0+$0x30];
	[tilespmem:s30+$0x0] =	vst v5  }
0x75: {  	v4 =	vld [tilespmem:s0+$0x10];
	[tilespmem:s30+$0x20] =	vst v3  }
0x76: {  	v3 =	vld [tilespmem:s0+$0xFFFFFFC0];
	[tilespmem:s30+$0xFFFFFFD0] =	vst v2  }
0x77: {  	v2 =	vld.idx.msk [tilespmem:v6+s3+$0x0], $0xffff;
	_ =	sdelay $0x2  }
0x78: {  	v5 =	vld [tilespmem:s0+$0xFFFFFFE0];
	_ =	sdelay $0x1  }
0x79: {  	v6 =	vld [tilespmem:s0+$0x0];
	v1 =	vmul.f32 v2, v1  }
0x7a: {  	v8 =	vld [tilespmem:s0+$0x20];
	v3 =	vmul.f32 v2, v3  }
0x7b: {  	v9 =	vld [tilespmem:s0+$0xFFFFFFD0];
	v4 =	vmul.f32 v2, v4;
	[tilespmem:s0+$0x30] =	vst v1  }
0x7c: {  	v1 =	vmul.f32 v2, v5;
	[tilespmem:s0+$0xFFFFFFC0] =	vst v3  }
0x7d: {  	v3 =	vmul.f32 v2, v7;
	[tilespmem:s0+$0x10] =	vst v4  }
0x7e: {  	v4 =	vmul.f32 v2, v6;
	[tilespmem:s0+$0xFFFFFFE0] =	vst v1  }
0x7f: {  	v1 =	vmul.f32 v2, v8;
	[tilespmem:s0+$0xFFFFFFF0] =	vst v3  }
0x80: {  	v2 =	vmul.f32 v2, v9;
	[tilespmem:s0+$0x0] =	vst v4  }
0x81: {  	[tilespmem:s0+$0x20] =	vst v1  }
0x82: {  	[tilespmem:s0+$0xFFFFFFD0] =	vst v2  }
0x83: {  	[spmem:s2] =	stream.indirect.scatter.add.f32 [tilespmem:s17], [sflag:$0x5], $0x80, s20, s20, $0x2000b8;
	[tilespmem:$0x1C400] =	vst v63  }
0x84: {  	_ =	swait.ge [sflag:s18], $0x4000  }
0x85: {  	p0 =	seq.s32 s29, $0x27;
	[sflag:s18] =	ssyncset.done $0x0  }
0x86: {  	s30 =	sshll.u32 s29, $0x1;
	s0 =	simm.s32 @p0 $0x2;
	[sflag:s18] =	ssyncadd.s32 $0xFFFFC000  }
0x87: {  	s1 =	sadd.s32 @!p0 s4, s30;
	_ =	swait.ge @p0 [sflag:s0], $0x4000  }
0x88: {  	s1 =	sshll.u32 @!p0 s1, $0x6;
	[sflag:s0] =	ssyncset.done @p0 $0x0  }
0x89: {  	[sflag:s0] =	ssyncadd.s32 @p0 $0xFFFFC000;
	s0 =	sadd.s32 @!p0 s1, s9;
	s1 =	simm.s32 @!p0 $0x0  }
0x8a: {  	[tilespmem:s1], [sflag:$0x3] =	stream.linear.gather @!p0 [hbm4b:s0+s1], $0x180, $0x200038;
	[tilespmem:$0x1C400] =	vst v63  }
0x8b: {  	s0 =	simm.s32 @!p0 $0x2  }
0x8c: {  	_ =	swait.ge @!p0 [sflag:s0], $0x4000  }
0x8d: {  	s31 =	simm.s32 $0x0;
	[sflag:s0] =	ssyncset.done @!p0 $0x0  }
0x8e: {  	v1 =	vmov s31;
	[sflag:s0] =	ssyncadd.s32 @!p0 $0xFFFFC000;
	s0 =	simm.s32 @!p0 $0x3  }
0x8f: {  	v1 =	vand.u32 $0x7F, v1;
	_ =	swait.ge @!p0 [sflag:s0], $0x180  }
0x90: {  	v1 =	vor.u32 $0x100, v1;
	[sflag:s0] =	ssyncset.done @!p0 $0x0  }
0x91: {  	s31 =	simm.s32 @!p0 $0x400;
	v1 =	vbroadcast v1, $0x0;
	[sflag:s0] =	ssyncadd.s32 @!p0 $0xFFFFFE80;
	s0 =	simm.s32 @!p0 $0x80  }
0x92: {  	[tilespmem:s31], [sflag:$0x1] =	stream.indirect.gather @!p0 [hbm4b:s5+s0], $0x80, s1, s0, $0x2000b8;
	[tilespmem:$0x1C400] =	vst v63  }
0x93: {  	s31 =	simm.s32 $0x4440  }
0x94: {  	v5 =	vld [tilespmem:s31+$0x30]  }
0x95: {  	v8 =	vld [tilespmem:s31+$0x10]  }
0x96: {  	v6 =	vld [tilespmem:s31+$0xFFFFFFC0]  }
0x97: {  	v2 =	vld.idx.msk [tilespmem:v1+s21+$0x0], $0xffff  }
0x98: {  	v11 =	vld [tilespmem:s31+$0xFFFFFFE0]  }
0x99: {  	v1 =	vld [tilespmem:s31+$0xFFFFFFF0]  }
0x9a: {  	v3 =	vld [tilespmem:s31+$0x20]  }
0x9b: {  	v4 =	vld [tilespmem:s31+$0xFFFFFFD0]  }
0x9c: {  	v9 =	vmul.f32 v2, v5;
	v5 =	vld [tilespmem:s31+$0x0]  }
0x9d: {  	s7 =	simm.s32 $0x1;
	v7 =	vmul.f32 v2, v6  }
0x9e: {  	v10 =	vmov s7;
	s1 =	simm.s32 $0x2;
	s0 =	simm.s32 $0x4440;
	v6 =	vmul.f32 v2, v11;
	v8 =	vmul.f32 v2, v8  }
.LBB2_7:
0x9f: {  	p1 =	sne.s32 s1, $0x7F  }
0xa0: {  	v10 =	vand.u32 $0x7F, v10;
	v4 =	vmul.f32 v2, v4;
	v3 =	vmul.f32 v2, v3;
	[tilespmem:s31+$0x30] =	vst v9;
	s0 =	sadd.s32 $0x80, s0;
	s7 =	smov.u32 s1;
	s1 =	sadd.s32 $0x1, s1  }
0xa1: {  	v9 =	vor.u32 $0x100, v10;
	[tilespmem:s31+$0xFFFFFFC0] =	vst v7;
	v7 =	vmul.f32 v2, v1;
	v2 =	vmul.f32 v2, v5  }
0xa2: {  	v5 =	vbroadcast v9, $0x0;
	[tilespmem:s31+$0x10] =	vst v8  }
0xa3: {  	[tilespmem:s31+$0xFFFFFFE0] =	vst v6  }
0xa4: {  	v1 =	vld [tilespmem:s0+$0xFFFFFFF0];
	[tilespmem:s31+$0xFFFFFFF0] =	vst v7  }
0xa5: {  	v6 =	vld [tilespmem:s0+$0x30];
	[tilespmem:s31+$0x0] =	vst v2  }
0xa6: {  	v8 =	vld [tilespmem:s0+$0x10];
	[tilespmem:s31+$0x20] =	vst v3  }
0xa7: {  	v7 =	vld [tilespmem:s0+$0xFFFFFFC0];
	[tilespmem:s31+$0xFFFFFFD0] =	vst v4;
	s31 =	smov.u32 s0  }
0xa8: {  	v2 =	vld.idx.msk [tilespmem:v5+s21+$0x0], $0xffff  }
0xa9: {  	v11 =	vld [tilespmem:s0+$0xFFFFFFE0]  }
0xaa: {  	v3 =	vld [tilespmem:s0+$0x20]  }
.Ltmp4:
0xab: {  	v4 =	vld [tilespmem:s0+$0xFFFFFFD0];
	(pc) =	sbr.rel @p1 .LBB2_7-.Ltmp4, $3  }
0xac: {  	v5 =	vld [tilespmem:s0+$0x0];
	_ =	sdelay $0x1  }
0xad: {  	v7 =	vmul.f32 v2, v7;
	v9 =	vmul.f32 v2, v6  }
0xae: {  	v10 =	vmov s7;
	v8 =	vmul.f32 v2, v8;
	v6 =	vmul.f32 v2, v11  }
0xaf: {  	[tilespmem:s31+$0x30] =	vst v9;
	v57 =	vand.u32 $0x7F, v10  }
0xb0: {  	[tilespmem:s31+$0xFFFFFFC0] =	vst v7;
	v7 =	vor.u32 $0x100, v57  }
0xb1: {  	v1 =	vmul.f32 v2, v1;
	[tilespmem:s31+$0x10] =	vst v8;
	v58 =	vbroadcast v7, $0x0  }
0xb2: {  	s0 =	sadd.s32 $0x80, s0;
	[tilespmem:s31+$0xFFFFFFE0] =	vst v6;
	v5 =	vmul.f32 v2, v5  }
0xb3: {  	v3 =	vmul.f32 v2, v3;
	v59 =	vld [tilespmem:s0+$0xFFFFFFF0];
	[tilespmem:s31+$0xFFFFFFF0] =	vst v1  }
0xb4: {  	v2 =	vmul.f32 v2, v4;
	v1 =	vld [tilespmem:s0+$0x30];
	[tilespmem:s31+$0x0] =	vst v5  }
0xb5: {  	v60 =	vld [tilespmem:s0+$0x10];
	[tilespmem:s31+$0x20] =	vst v3  }
0xb6: {  	v3 =	vld [tilespmem:s0+$0xFFFFFFC0];
	[tilespmem:s31+$0xFFFFFFD0] =	vst v2  }
0xb7: {  	v2 =	vld.idx.msk [tilespmem:v58+s21+$0x0], $0xffff;
	_ =	sdelay $0x2  }
0xb8: {  	v61 =	vld [tilespmem:s0+$0x0]  }
0xb9: {  	v5 =	vld [tilespmem:s0+$0xFFFFFFE0]  }
0xba: {  	v1 =	vmul.f32 v2, v1  }
0xbb: {  	v8 =	vld [tilespmem:s0+$0x20];
	v3 =	vmul.f32 v2, v3  }
0xbc: {  	v62 =	vld [tilespmem:s0+$0xFFFFFFD0];
	v4 =	vmul.f32 v2, v60;
	[tilespmem:s0+$0x30] =	vst v1  }
0xbd: {  	v63 =	vmul.f32 v2, v61;
	[tilespmem:s0+$0xFFFFFFC0] =	vst v3  }
0xbe: {  	v1 =	vmul.f32 v2, v5;
	[tilespmem:s0+$0x10] =	vst v4  }
0xbf: {  	v3 =	vmul.f32 v2, v59;
	[tilespmem:s0+$0x0] =	vst v63  }
0xc0: {  	[tilespmem:s0+$0xFFFFFFE0] =	vst v1;
	v1 =	vmul.f32 v2, v8  }
0xc1: {  	[tilespmem:s0+$0xFFFFFFF0] =	vst v3;
	v2 =	vmul.f32 v2, v62  }
0xc2: {  	[tilespmem:s0+$0x20] =	vst v1  }
.Ltmp5:
0xc3: {  	[tilespmem:s0+$0xFFFFFFD0] =	vst v2;
	(pc) =	sbr.rel @p0 .LBB2_10-.Ltmp5, $4  }
0xc4: {  	[spmem:s2] =	stream.indirect.scatter.add.f32 [tilespmem:s24], [sflag:$0x5], $0x80, s25, s20, $0x2000b8;
	[tilespmem:$0x1C400] =	vst v63  }
0xc5: {  	_ =	swait.ge [sflag:s18], $0x4000  }
0xc6: {  	[sflag:s18] =	ssyncset.done $0x0  }
0xc7: {  	[sflag:s18] =	ssyncadd.s32 $0xFFFFC000  }
.Ltmp6:
0xc8: {  	(pc) =	sbr.rel .LBB2_4-.Ltmp6, $4  }
0xc9: {  	s0 =	sadd.s32 s30, s10  }
0xca: {  	s0 =	sshll.u32 s0, $0x6  }
0xcb: {  	s29 =	sadd.s32 $0x1, s29;
	s0 =	sadd.s32 s0, s9  }
0xcc: {  	[tilespmem:s21], [sflag:$0x4] =	stream.linear.gather [hbm4b:s0+s3], $0x180, $0x200038;
	[tilespmem:$0x1C400] =	vst v63  }
.LBB2_11:
0xcd: {  	_ =	sfence.sel $0x180000  }
0xce: {  	[bflag:$0x0] =	sbarrier.arrive $0xFFFF  }
0xcf: {  	_ =	strace $0x90000047  }
0xd0: {  	s0 =	stileid.u32;
	[bflag:$0x2] =	sbarrier.arrive $0xFFFF  }
0xd1: {  	p0 =	sne.s32 s0, $0x0;
	s0 =	rddreg [dreg:$0x2]  }
0xd2: {  	s0 =	sadd.s32 @!p0 $0x100000, s0  }
0xd3: {  	[sflag:s0] =	ssyncadd.tile.s32 @!p0 $0x1;
	_ =	shalt  }
.Lfunc_end2:
_tile_overlayer_lowered:
.L_overlay_start_2:
0xd4: {  	(tag) =	ssettag $0x2  }
0xd5: {  	s0 =	rddreg [dreg:$0x0];
	s2 =	stileid.u32  }
0xd6: {  	s1 =	rddreg [dreg:$0x1];
	p0 =	sne.s32 s2, $0x0  }
0xd7: {  	s3 =	rddreg [dreg:$0x2];
	[bflag:$0x3] =	sbarrier.arrive $0xFFFF;
	s2 =	simm.s32 @!p0 $0x1C05  }
0xd8: {  	[timem:s3], [sflag:s2] =	dma.local @!p0 [hbm:s0], s1  }
0xd9: {  	s0 =	simm.s32 @!p0 $0x5  }
0xda: {  	_ =	swait.ge @!p0 [sflag:s0], s1  }
0xdb: {  	s1 =	ssub.s32 @!p0 $0x0, s1;
	[sflag:s0] =	ssyncset.done @!p0 $0x0  }
0xdc: {  	[sflag:s0] =	ssyncadd.s32 @!p0 s1  }
0xdd: {  	[bflag:$0x3] =	sbarrier.arrive $0xFFFF  }
0xde: {  	_ =	shalt  }

// kernel: kernel.14.cloned.1.call-start
scs
__scs_entry_jumppad:
0x0: {  	(pc) =	sbr.rel $0x88, $3  }
0x1: {  	(tag) =	ssettag $0x0;
	lr =	simm.s32 $0x1  }
0x2: {  	[smem:$0x3F91] =	sst lr;
	_ =	strace $0xD0000000  }
0x3: {  	_ = 	snop  }
0x4: {  	_ = 	snop  }
0x5: {  	_ = 	snop  }
0x6: {  	_ = 	snop  }
0x7: {  	_ = 	snop  }
__scs_overlays_trampoline_lowered:
0x8: {  	[smem:$0x3FA0] =	sst s0  }
0x9: {  	[smem:$0x3FA1] =	sst s1  }
0xa: {  	[smem:$0x3FA2] =	sst s2  }
0xb: {  	[smem:$0x3FA3] =	sst s3  }
0xc: {  	[smem:$0x3FA4] =	sst s4  }
0xd: {  	[smem:$0x3FA5] =	sst s5  }
0xe: {  	[smem:$0x3FA6] =	sst s6  }
0xf: {  	[smem:$0x3FA7] =	sst s7  }
0x10: {  	[smem:$0x3FA8] =	sst s8  }
0x11: {  	[smem:$0x3FA9] =	sst s9;
	s0 =	simm.s32 @!p0 $0x0  }
0x12: {  	s1 =	sld [smem:$0x3F8F];
	s0 =	simm.s32 @p0 $0x1  }
0x13: {  	[smem:$0x3FAA] =	sst s0;
	s0 =	simm.s32 @!p1 $0x0  }
0x14: {  	s2 =	sld [smem:$0x3F8E];
	s0 =	simm.s32 @p1 $0x1  }
0x15: {  	[smem:$0x3FAB] =	sst s0;
	s0 =	simm.s32 @!p2 $0x0  }
0x16: {  	s3 =	sld [smem:$0x3FDB];
	s0 =	simm.s32 @p2 $0x1  }
0x17: {  	s4 =	simm.s32 $0x1BF5;
	[smem:$0x3FAD] =	sst s0  }
0x18: {  	s0 =	sld [smem:$0x3F90];
	_ =	swait.ge [sflag:s4], $0x0  }
0x19: {  	s7 =	sld [smem:$0x3F91]  }
0x1a: {  	s8 =	sadd.s32 $0xFFFFE003, lr  }
0x1b: {  	s9 =	sadd.s32 $0xFFFFFEF7, lr;
	s5 =	simm.s32 $0xFFFFFFFF;
	p2 =	slt.u32 s8, $0xFFFFF086  }
0x1c: {  	p1 =	slt.u32 s9, $0xF7A;
	s5 =	simm.s32 @!p2 $0x0  }
0x1d: {  	s5 =	simm.s32 @p1 $0x1;
	p0 =	seq.s32 s7, s2  }
0x1e: {  	s7 =	smul.u32 @!p0 $0xF7A, s2;
	p2 =	seq.s32 @!p0 s5, $0x0  }
0x1f: {  	s9 =	smul.u32 $0xF7A, s1;
	s8 =	simm.s32 @!p0 $0x1BF5;
	p2 =	por !p2, p0  }
0x20: {  	[sflag:s8] =	ssyncset.s32 @!p0 $0xFFFFF086;
	s6 =	sadd.s32 @!p0 s3, s7;
	s7 =	simm.s32 @!p0 $0x108  }
0x21: {  	s3 =	sadd.s32 s3, s9;
	s6 =	sadd.s32 @!p0 $0x88, s6;
	s7 =	simm.s32 @p2 $0x1082  }
0x22: {  	[simem:s7], [sflag:s8] =	dma.local @!p0 [hbm:s6], $0xF7A  }
0x23: {  	s9 =	sor.u32 $0xD0000000, s2;
	s6 =	simm.s32 $0x108;
	_ =	swait.ge @!p0 [sflag:s8], $0x0  }
0x24: {  	s3 =	sadd.s32 $0x88, s3;
	s6 =	simm.s32 @!p1 $0x1082;
	[sflag:s4] =	ssyncset.s32 $0xFFFFF086  }
0x25: {  	[simem:s6], [sflag:s4] =	dma.local [hbm:s3], $0xF7A  }
0x26: {  	[smem:$0x3F91] =	sst s1;
	(tag) =	ssettag s2;
	_ =	strace s9  }
0x27: {  	s1 =	sld [smem:$0x3FA1]  }
0x28: {  	s2 =	sld [smem:$0x3FA2]  }
0x29: {  	s4 =	sld [smem:$0x3FA4]  }
0x2a: {  	p0 =	seq.s32 s5, $0x0;
	s5 =	sld [smem:$0x3FA5]  }
0x2b: {  	s6 =	sld [smem:$0x3FA6]  }
0x2c: {  	s7 =	sld [smem:$0x3FA7]  }
0x2d: {  	s3 =	simm.s32 $0x108;
	s8 =	sld [smem:$0x3FA8]  }
0x2e: {  	s3 =	simm.s32 @!p0 $0x1082;
	s9 =	sld [smem:$0x3FA9]  }
0x2f: {  	lr =	sadd.s32 s0, s3;
	s0 =	sld [smem:$0x3FA0]  }
0x30: {  	s3 =	sld [smem:$0x3FA3]  }
0x31: {  	[smem:$0x3FAC] =	sst s10  }
0x32: {  	s10 =	sld [smem:$0x3FAA];
	_ =	sdelay $0x3  }
0x33: {  	p0 =	seq.s32 s10, $0x1;
	s10 =	sld [smem:$0x3FAC];
	_ =	sdelay $0x3  }
0x34: {  	[smem:$0x3FAC] =	sst s10  }
0x35: {  	s10 =	sld [smem:$0x3FAB];
	_ =	sdelay $0x3  }
0x36: {  	p1 =	seq.s32 s10, $0x1;
	s10 =	sld [smem:$0x3FAC];
	_ =	sdelay $0x3  }
0x37: {  	[smem:$0x3FAC] =	sst s10  }
0x38: {  	s10 =	sld [smem:$0x3FAD]  }
0x39: {  	_ = 	snop;
	(pc) =	sbr.ind lr, $3  }
0x3a: {  	_ = 	snop  }
0x3b: {  	_ = 	snop  }
0x3c: {  	p2 =	seq.s32 s10, $0x1;
	s10 =	sld [smem:$0x3FAC]  }
0x3d: {  	_ =	shalt  }
0x3e: {  	_ =	shalt  }
0x3f: {  	_ =	shalt  }
0x40: {  	_ =	shalt  }
0x41: {  	_ =	shalt  }
0x42: {  	_ =	shalt  }
0x43: {  	_ =	shalt  }
0x44: {  	_ =	shalt  }
0x45: {  	_ =	shalt  }
0x46: {  	_ =	shalt  }
0x47: {  	_ =	shalt  }
0x48: {  	_ =	shalt  }
0x49: {  	_ =	shalt  }
0x4a: {  	_ =	shalt  }
0x4b: {  	_ =	shalt  }
0x4c: {  	_ =	shalt  }
0x4d: {  	_ =	shalt  }
0x4e: {  	_ =	shalt  }
0x4f: {  	_ =	shalt  }
0x50: {  	_ =	shalt  }
0x51: {  	_ =	shalt  }
0x52: {  	_ =	shalt  }
0x53: {  	_ =	shalt  }
0x54: {  	_ =	shalt  }
0x55: {  	_ =	shalt  }
0x56: {  	_ =	shalt  }
0x57: {  	_ =	shalt  }
0x58: {  	_ =	shalt  }
0x59: {  	_ =	shalt  }
0x5a: {  	_ =	shalt  }
0x5b: {  	_ =	shalt  }
0x5c: {  	_ =	shalt  }
0x5d: {  	_ =	shalt  }
0x5e: {  	_ =	shalt  }
0x5f: {  	_ =	shalt  }
0x60: {  	_ =	shalt  }
0x61: {  	_ =	shalt  }
0x62: {  	_ =	shalt  }
0x63: {  	_ =	shalt  }
0x64: {  	_ =	shalt  }
0x65: {  	_ =	shalt  }
0x66: {  	_ =	shalt  }
0x67: {  	_ =	shalt  }
0x68: {  	_ =	shalt  }
0x69: {  	_ =	shalt  }
0x6a: {  	_ =	shalt  }
0x6b: {  	_ =	shalt  }
0x6c: {  	_ =	shalt  }
0x6d: {  	_ =	shalt  }
0x6e: {  	_ =	shalt  }
0x6f: {  	_ =	shalt  }
0x70: {  	_ =	shalt  }
0x71: {  	_ =	shalt  }
0x72: {  	_ =	shalt  }
0x73: {  	_ =	shalt  }
0x74: {  	_ =	shalt  }
0x75: {  	_ =	shalt  }
0x76: {  	_ =	shalt  }
0x77: {  	_ =	shalt  }
0x78: {  	_ =	shalt  }
0x79: {  	_ =	shalt  }
0x7a: {  	_ =	shalt  }
0x7b: {  	_ =	shalt  }
0x7c: {  	_ =	shalt  }
0x7d: {  	_ =	shalt  }
0x7e: {  	_ =	shalt  }
0x7f: {  	_ =	shalt  }
0x80: {  	_ =	shalt  }
0x81: {  	_ =	shalt  }
0x82: {  	_ =	shalt  }
0x83: {  	_ =	shalt  }
0x84: {  	_ =	shalt  }
0x85: {  	_ =	shalt  }
0x86: {  	_ =	shalt  }
0x87: {  	_ =	shalt  }
.Lfunc_end0:
.L_simem_size_0:
called_computation.1_lowered:
.L_overlay_start_0:
0x88: {  	s2 =	sld [smem:$0x3FD9]  }
0x89: {  	s3 =	sld [smem:$0x3FFE];
	_ =	sdelay $0x1  }
0x8a: {  	s1 =	srdreg.scid  }
0x8b: {  	s0 =	sand.u32 $0x1, s1  }
0x8c: {  	s16 =	sshll.u32 s0, $0xA;
	s2 =	sadd.s32 s3, s2  }
0x8d: {  	s2 =	sadd.s32 s2, s16  }
0x8e: {  	[smem:$0x3FB8] =	sst s2  }
0x8f: {  	_ = 	snop  }
0x90: {  	(tm) =	ssettm $0x1  }
0x91: {  	s17 =	sld [smem:$0x3FFB];
	_ =	sdelay $0x3  }
0x92: {  	_ =	strace s17  }
0x93: {  	s2 =	sld [smem:$0x3FFC];
	_ =	sdelay $0x3  }
0x94: {  	_ =	strace s2  }
0x95: {  	s2 =	sld [smem:$0x3FFD];
	_ =	sdelay $0x3  }
0x96: {  	_ =	strace s2  }
0x97: {  	_ =	strace $0x8FFFFFFF  }
0x98: {  	s18 =	sld [smem:$0x3FDB];
	_ =	sdelay $0x1  }
0x99: {  	s19 =	simm.s32 $_scs_section_size  }
0x9a: {  	s4 =	simm.s32 $_size__tile_overlayer_lowered;
	s5 =	simm.s32 $_tile_overlayer_lowered  }
0x9b: {  	s22 =	simm.s32 $0x1BFF;
	s21 =	sshll.u32 s5, $0x1;
	s2 =	sadd.s32 s19, s18  }
0x9c: {  	s6 =	simm.s32 $0x0;
	s20 =	sshll.u32 s4, $0x1;
	s4 =	sadd.s32 s21, s2  }
0x9d: {  	[timem:s6], [sflag:s22] =	dma.local [hbm:s4], s20  }
0x9e: {  	_ =	swait.ge [sflag:s22], s20  }
0x9f: {  	s3 =	ssub.s32 $0x0, s20;
	[sflag:s22] =	ssyncset.done $0x0  }
0xa0: {  	[sflag:s22] =	ssyncadd.s32 s3;
	_ =	sdelay $0x1  }
0xa1: {  	s23 =	simm.s32 $0x1B8B  }
0xa2: {  	_ =	swait.ge [sflag:s23], $0x1  }
0xa3: {  	[sflag:s23] =	ssyncset.done $0x0  }
0xa4: {  	s25 =	simm.s32 $0x1B8E;
	s24 =	sld [smem:$0x3FFE];
	[sflag:s23] =	ssyncadd.s32 $0xFFFFFFFF  }
0xa5: {  	s26 =	simm.s32 $execute0_lowered;
	[smem:$0x3FD2] =	sst s25  }
0xa6: {  	s4 =	sshll.u32 s26, $0x1;
	_ =	strace $0x8000004D;
	[dreg:$0x1] =	wrdreg $0xFFFFFFFF  }
0xa7: {  	s28 =	simm.s32 $_size_execute0_lowered;
	s2 =	sadd.s32 s2, s4;
	[dreg:$0x0] =	wrdreg $0x0  }
0xa8: {  	s4 =	sshll.u32 s28, $0x1;
	[dreg:$0x2] =	wrdreg s2  }
0xa9: {  	[dreg:$0x3] =	wrdreg s4  }
0xaa: {  	[dreg:$0x4] =	wrdreg $0xC0  }
0xab: {  	_ =	task [dreg:s6], $0x5FFFF  }
0xac: {  	[dreg:$0x1] =	wrdreg $0xFFFFFFFF  }
0xad: {  	[dreg:$0x0] =	wrdreg $0x60  }
0xae: {  	[dreg:$0x2] =	wrdreg s24  }
0xaf: {  	[dreg:$0x3] =	wrdreg $0x84000  }
0xb0: {  	[dreg:$0x4] =	wrdreg $0x9  }
0xb1: {  	_ =	task.clear_ibuf [dreg:s6], $0x5FFFF;
	_ =	strace $0x9000004D  }
0xb2: {  	s29 =	simm.s32 $0x9;
	_ =	strace $0x80000053  }
0xb3: {  	_ =	swait.ge [sflag:s29], $0x1  }
0xb4: {  	[sflag:s29] =	ssyncadd.s32 $0xFFFFFFFF  }
0xb5: {  	_ =	strace $0x90000053  }
0xb6: {  	_ =	sfence  }
0xb7: {  	s30 =	sld [smem:$0x0];
	_ =	sdelay $0x2  }
0xb8: {  	s31 =	sshll.u32 s1, $0xD;
	s1 =	sshrl.u32 s1, $0x2  }
0xb9: {  	s3 =	sand.u32 $0x4000, s31;
	s1 =	sadd.s32 s1, s30  }
0xba: {  	s0 =	sor.u32 s3, s0;
	s1 =	sshll.u32 s1, $0x11  }
0xbb: {  	s0 =	sor.u32 s1, s0  }
0xbc: {  	s0 =	sadd.s32 $0x8F2B, s0  }
0xbd: {  	[sflag:s0] =	ssyncadd.remote.s32 $0x1  }
0xbe: {  	_ =	sfence.sel $0xFFFF  }
0xbf: {  	[dreg:$0x0] =	wrdreg $0xFFFFFFFF;
	(pc) =	sbr.abs _section_cstart, $3  }
0xc0: {  	[dreg:$0x1] =	wrdreg $0xFFFFFFFF  }
0xc1: {  	_ =	task.clear_ibuf [dreg:s6], $0x2FFFF;
	_ =	strace $0x9FFFFFFF  }
0xc2: {  	(tm) =	ssettm $0x7FFFFFFF  }
0xc3: {  	_ =	shalt  }
tec
execute0_lowered:
.L_overlay_start_1:
0x0: {  	(tag) =	ssettag $0x1  }
0x1: {  	s0 =	rddreg [dreg:$0x0]  }
0x2: {  	s2 =	rddreg [dreg:$0x1];
	s9 =	stileid.u32;
	s3 =	simm.s32 $0x0  }
0x3: {  	s1 =	srdreg.scid;
	s17 =	simm.s32 $0x400;
	s18 =	simm.s32 $0x5  }
0x4: {  	s19 =	simm.s32 $0x3;
	s20 =	simm.s32 $0x80;
	s21 =	simm.s32 $0x200  }
0x5: {  	s22 =	simm.s32 $0x1;
	s23 =	simm.s32 $0x4;
	s24 =	simm.s32 $0x4400  }
0x6: {  	s25 =	simm.s32 $0x280;
	s28 =	simm.s32 $0x0;
	s5 =	smul.u32 $0x50, s9  }
0x7: {  	[smem:$0x7FF] =	sst s3;
	s1 =	sand.u32 $0x1, s1;
	s7 =	smul.u32 $0x14000, s9  }
0x8: {  	s26 =	smul.u32 $0x50000, s9;
	s9 =	sadd.s32 $0x2BE80, s0;
	p0 =	seq.s32 s1, $0x0  }
0x9: {  	s6 =	smul.u32 $0x140000, s1;
	_ =	strace $0x8000004E;
	s1 =	ssub.s32 $0x2, s1  }
0xa: {  	s4 =	sadd.s32 $0x500, s5;
	s29 =	sshrl.u32 s1, $0x1;
	s30 =	sshrl.u32 s26, $0x2  }
0xb: {  	s26 =	simm.s32 $0x0;
	s4 =	smov.u32 @p0 s5;
	s5 =	sadd.s32 $0x3E00, s0  }
0xc: {  	s6 =	sadd.s32 s7, s6;
	s1 =	ssub.s32 s1, s29;
	s8 =	sshll.u32 s4, $0x6  }
.Ltmp0:
0xd: {  	s6 =	sshrl.u32 s6, $0x3;
	s10 =	sor.u32 $0x1, s4;
	(pc) =	sbr.rel .LBB2_1-.Ltmp0, $4  }
0xe: {  	s12 =	smax.u32 s1, $0x1;
	s8 =	sadd.s32 s8, s0;
	s11 =	sadd.s32 s6, s0  }
0xf: {  	s6 =	sadd.s32 s30, s2;
	s31 =	sadd.s32 $0x2BE00, s8;
	s8 =	sadd.s32 $0x2BE40, s8  }
0x10: {  	s11 =	sadd.s32 $0x7BE00, s11;
	s13 =	sadd.s32 $0x4000, s6;
	s14 =	sadd.s32 $0x8000, s6  }
0x11: {  	v0 =	vimm.f32 $0.0e+00;
	s15 =	sadd.s32 $0xC000, s6;
	s16 =	sadd.s32 $0x10000, s6;
	[dreg:$0x3] =	wrdreg s31  }
.LBB2_10:
0x12: {  	_ =	strace $0x90000050  }
0x13: {  	_ =	strace $0x80000051  }
0x14: {  	s0 =	stileid.u32;
	s1 =	sshrl.u32 s6, $0x3;
	[bflag:$0x0] =	sbarrier.arrive $0xFFFF  }
0x15: {  	s26 =	sadd.s32 $0x1, s26;
	s0 =	sshll.u32 s0, $0x6;
	_ =	strace $0x90000051  }
0x16: {  	p0 =	sne.s32 s26, s12;
	s0 =	sor.u32 $0x1C05, s0;
	_ =	strace $0x80000052  }
0x17: {  	[hbm:s11], [sflag:s0] =	dma.local [spmem:s1], $0x2800  }
.Ltmp1:
0x18: {  	_ = 	snop;
	(pc) =	sbr.rel @!p0 .LBB2_11-.Ltmp1, $4  }
0x19: {  	_ =	swait.ge [sflag:s18], $0x2800  }
0x1a: {  	[sflag:s18] =	ssyncset.done $0x0  }
0x1b: {  	[sflag:s18] =	ssyncadd.s32 $0xFFFFD800  }
0x1c: {  	_ =	strace $0x90000052  }
.LBB2_1:
0x1d: {  	_ =	strace $0x8000004F;
	s0 =	simm.s32 $0x0;
	s1 =	simm.s32 $0x200  }
.LBB2_2:
0x1e: {  	p0 =	seq.s32 s1, $0xFE00;
	[tilespmem:s0+$0x470] =	vst v0  }
0x1f: {  	[tilespmem:s0+$0x400] =	vst v0  }
0x20: {  	[tilespmem:s0+$0x410] =	vst v0  }
.Ltmp2:
0x21: {  	[tilespmem:s0+$0x420] =	vst v0;
	(pc) =	sbr.rel @!p0 .LBB2_2-.Ltmp2, $4  }
0x22: {  	[tilespmem:s0+$0x430] =	vst v0  }
0x23: {  	[tilespmem:s0+$0x440] =	vst v0  }
0x24: {  	[tilespmem:s0+$0x450] =	vst v0  }
0x25: {  	[tilespmem:s0+$0x460] =	vst v0;
	s0 =	sshra.s32 s1, $0x2;
	s1 =	sadd.s32 $0x200, s1  }
0x26: {  	[tilespmem:s0+$0x470] =	vst v0  }
0x27: {  	[tilespmem:s0+$0x400] =	vst v0  }
0x28: {  	[tilespmem:s0+$0x410] =	vst v0  }
0x29: {  	[tilespmem:s0+$0x420] =	vst v0  }
0x2a: {  	[tilespmem:s0+$0x430] =	vst v0  }
0x2b: {  	[tilespmem:s0+$0x440] =	vst v0  }
0x2c: {  	[tilespmem:s0+$0x450] =	vst v0  }
0x2d: {  	[tilespmem:s0+$0x460] =	vst v0  }
0x2e: {  	[spmem:s6] =	stream.linear.scatter [tilespmem:s17], [sflag:$0x5], $0x4000, $0x200038;
	[tilespmem:$0x1C400] =	vst v63  }
0x2f: {  	_ =	swait.ge [sflag:s18], $0x4000  }
0x30: {  	[sflag:s18] =	ssyncset.done $0x0  }
0x31: {  	[sflag:s18] =	ssyncadd.s32 $0xFFFFC000  }
0x32: {  	[spmem:s13] =	stream.linear.scatter [tilespmem:s17], [sflag:$0x5], $0x4000, $0x200038;
	[tilespmem:$0x1C400] =	vst v63  }
0x33: {  	_ =	swait.ge [sflag:s18], $0x4000  }
0x34: {  	[sflag:s18] =	ssyncset.done $0x0  }
0x35: {  	[sflag:s18] =	ssyncadd.s32 $0xFFFFC000  }
0x36: {  	[spmem:s14] =	stream.linear.scatter [tilespmem:s17], [sflag:$0x5], $0x4000, $0x200038;
	[tilespmem:$0x1C400] =	vst v63  }
0x37: {  	_ =	swait.ge [sflag:s18], $0x4000  }
0x38: {  	[sflag:s18] =	ssyncset.done $0x0  }
0x39: {  	[sflag:s18] =	ssyncadd.s32 $0xFFFFC000  }
0x3a: {  	[spmem:s15] =	stream.linear.scatter [tilespmem:s17], [sflag:$0x5], $0x4000, $0x200038;
	[tilespmem:$0x1C400] =	vst v63  }
0x3b: {  	_ =	swait.ge [sflag:s18], $0x4000  }
0x3c: {  	[sflag:s18] =	ssyncset.done $0x0  }
0x3d: {  	[sflag:s18] =	ssyncadd.s32 $0xFFFFC000  }
0x3e: {  	[spmem:s16] =	stream.linear.scatter [tilespmem:s17], [sflag:$0x5], $0x4000, $0x200038;
	[tilespmem:$0x1C400] =	vst v63  }
0x3f: {  	_ =	swait.ge [sflag:s18], $0x4000  }
0x40: {  	[sflag:s18] =	ssyncset.done $0x0  }
0x41: {  	[sflag:s18] =	ssyncadd.s32 $0xFFFFC000  }
0x42: {  	_ =	strace $0x9000004F  }
0x43: {  	s31 =	rddreg [dreg:$0x3]  }
0x44: {  	[tilespmem:s28], [sflag:$0x3] =	stream.linear.gather [hbm4b:s31+s28], $0x180, $0x38;
	[tilespmem:$0x1C400] =	vst v63  }
0x45: {  	_ =	swait.ge [sflag:s19], $0x180  }
0x46: {  	[sflag:s19] =	ssyncset.done $0x0  }
0x47: {  	[sflag:s19] =	ssyncadd.s32 $0xFFFFFE80  }
0x48: {  	[tilespmem:s17], [sflag:$0x1] =	stream.indirect.gather [hbm4b:s5+s20], $0x80, s28, s20, $0xb8;
	[tilespmem:$0x1C400] =	vst v63  }
0x49: {  	_ = 	snop  }
0x4a: {  	[tilespmem:s21], [sflag:$0x4] =	stream.linear.gather [hbm4b:s8+s28], $0x180, $0x38;
	[tilespmem:$0x1C400] =	vst v63  }
0x4b: {  	[bflag:$0x0] =	sbarrier.arrive $0xFFFF  }
0x4c: {  	s29 =	simm.s32 $0x0;
	_ =	strace $0x80000050  }
.LBB2_4:
0x4d: {  	_ =	swait.ge [sflag:s22], $0x4000  }
0x4e: {  	v1 =	vmov s28;
	[sflag:s22] =	ssyncset.done $0x0  }
0x4f: {  	v1 =	vand.u32 $0x7F, v1;
	[sflag:s22] =	ssyncadd.s32 $0xFFFFC000  }
0x50: {  	v1 =	vor.u32 $0x100, v1;
	_ =	swait.ge [sflag:s23], $0x180  }
0x51: {  	v1 =	vbroadcast v1, $0x0;
	[sflag:s23] =	ssyncset.done $0x0  }
0x52: {  	s30 =	simm.s32 $0x440;
	[sflag:s23] =	ssyncadd.s32 $0xFFFFFE80  }
0x53: {  	[tilespmem:s24], [sflag:$0x2] =	stream.indirect.gather [hbm4b:s5+s20], $0x80, s21, s20, $0x2000b8;
	[tilespmem:$0x1C400] =	vst v63  }
0x54: {  	v5 =	vld [tilespmem:s30+$0x30]  }
0x55: {  	v8 =	vld [tilespmem:s30+$0x10]  }
0x56: {  	v6 =	vld [tilespmem:s30+$0xFFFFFFC0]  }
0x57: {  	v2 =	vld.idx.msk [tilespmem:v1+s3+$0x0], $0xffff  }
0x58: {  	v11 =	vld [tilespmem:s30+$0xFFFFFFE0]  }
0x59: {  	v3 =	vld [tilespmem:s30+$0x20]  }
0x5a: {  	v4 =	vld [tilespmem:s30+$0xFFFFFFD0]  }
0x5b: {  	v1 =	vld [tilespmem:s30+$0xFFFFFFF0]  }
0x5c: {  	v9 =	vmul.f32 v2, v5;
	v5 =	vld [tilespmem:s30+$0x0]  }
0x5d: {  	s1 =	simm.s32 $0x1;
	v7 =	vmul.f32 v2, v6  }
0x5e: {  	s0 =	simm.s32 $0x2;
	s31 =	simm.s32 $0x440;
	v10 =	vmov s1;
	v6 =	vmul.f32 v2, v11;
	v8 =	vmul.f32 v2, v8  }
.LBB2_5:
0x5f: {  	p0 =	sne.s32 s0, $0x7F  }
0x60: {  	v10 =	vand.u32 $0x7F, v10;
	v4 =	vmul.f32 v2, v4;
	v3 =	vmul.f32 v2, v3;
	[tilespmem:s30+$0x30] =	vst v9;
	s31 =	sadd.s32 $0x80, s31;
	s1 =	smov.u32 s0;
	s0 =	sadd.s32 $0x1, s0  }
0x61: {  	v9 =	vor.u32 $0x100, v10;
	[tilespmem:s30+$0xFFFFFFC0] =	vst v7;
	v7 =	vmul.f32 v2, v1;
	v2 =	vmul.f32 v2, v5  }
0x62: {  	v5 =	vbroadcast v9, $0x0;
	[tilespmem:s30+$0x10] =	vst v8  }
0x63: {  	[tilespmem:s30+$0xFFFFFFE0] =	vst v6  }
0x64: {  	v1 =	vld [tilespmem:s31+$0xFFFFFFF0];
	[tilespmem:s30+$0xFFFFFFF0] =	vst v7  }
0x65: {  	v6 =	vld [tilespmem:s31+$0x30];
	[tilespmem:s30+$0x0] =	vst v2  }
0x66: {  	v8 =	vld [tilespmem:s31+$0x10];
	[tilespmem:s30+$0x20] =	vst v3  }
0x67: {  	v7 =	vld [tilespmem:s31+$0xFFFFFFC0];
	[tilespmem:s30+$0xFFFFFFD0] =	vst v4;
	s30 =	smov.u32 s31  }
0x68: {  	v2 =	vld.idx.msk [tilespmem:v5+s3+$0x0], $0xffff  }
0x69: {  	v11 =	vld [tilespmem:s31+$0xFFFFFFE0]  }
0x6a: {  	v3 =	vld [tilespmem:s31+$0x20]  }
.Ltmp3:
0x6b: {  	v4 =	vld [tilespmem:s31+$0xFFFFFFD0];
	(pc) =	sbr.rel @p0 .LBB2_5-.Ltmp3, $3  }
0x6c: {  	v5 =	vld [tilespmem:s31+$0x0];
	_ =	sdelay $0x1  }
0x6d: {  	v7 =	vmul.f32 v2, v7;
	v9 =	vmul.f32 v2, v6  }
0x6e: {  	v10 =	vmov s1;
	v8 =	vmul.f32 v2, v8;
	v6 =	vmul.f32 v2, v11  }
0x6f: {  	[tilespmem:s30+$0xFFFFFFC0] =	vst v7;
	v7 =	vand.u32 $0x7F, v10  }
0x70: {  	[tilespmem:s30+$0x30] =	vst v9;
	v7 =	vor.u32 $0x100, v7  }
0x71: {  	v1 =	vmul.f32 v2, v1;
	[tilespmem:s30+$0xFFFFFFE0] =	vst v6;
	v6 =	vbroadcast v7, $0x0  }
0x72: {  	s0 =	sadd.s32 $0x80, s31;
	[tilespmem:s30+$0x10] =	vst v8;
	v5 =	vmul.f32 v2, v5  }
0x73: {  	v3 =	vmul.f32 v2, v3;
	v7 =	vld [tilespmem:s0+$0xFFFFFFF0];
	[tilespmem:s30+$0xFFFFFFF0] =	vst v1  }
0x74: {  	v2 =	vmul.f32 v2, v4;
	v1 =	vld [tilespmem:s0+$0x30];
	[tilespmem:s30+$0x0] =	vst v5  }
0x75: {  	v4 =	vld [tilespmem:s0+$0x10];
	[tilespmem:s30+$0x20] =	vst v3  }
0x76: {  	v3 =	vld [tilespmem:s0+$0xFFFFFFC0];
	[tilespmem:s30+$0xFFFFFFD0] =	vst v2  }
0x77: {  	v2 =	vld.idx.msk [tilespmem:v6+s3+$0x0], $0xffff;
	_ =	sdelay $0x2  }
0x78: {  	v5 =	vld [tilespmem:s0+$0xFFFFFFE0];
	_ =	sdelay $0x1  }
0x79: {  	v6 =	vld [tilespmem:s0+$0x0];
	v1 =	vmul.f32 v2, v1  }
0x7a: {  	v8 =	vld [tilespmem:s0+$0x20];
	v3 =	vmul.f32 v2, v3  }
0x7b: {  	v9 =	vld [tilespmem:s0+$0xFFFFFFD0];
	v4 =	vmul.f32 v2, v4;
	[tilespmem:s0+$0x30] =	vst v1  }
0x7c: {  	v1 =	vmul.f32 v2, v5;
	[tilespmem:s0+$0xFFFFFFC0] =	vst v3  }
0x7d: {  	v3 =	vmul.f32 v2, v7;
	[tilespmem:s0+$0x10] =	vst v4  }
0x7e: {  	v4 =	vmul.f32 v2, v6;
	[tilespmem:s0+$0xFFFFFFE0] =	vst v1  }
0x7f: {  	v1 =	vmul.f32 v2, v8;
	[tilespmem:s0+$0xFFFFFFF0] =	vst v3  }
0x80: {  	v2 =	vmul.f32 v2, v9;
	[tilespmem:s0+$0x0] =	vst v4  }
0x81: {  	[tilespmem:s0+$0x20] =	vst v1  }
0x82: {  	[tilespmem:s0+$0xFFFFFFD0] =	vst v2  }
0x83: {  	[spmem:s2] =	stream.indirect.scatter.add.f32 [tilespmem:s17], [sflag:$0x5], $0x80, s20, s20, $0x2000b8;
	[tilespmem:$0x1C400] =	vst v63  }
0x84: {  	_ =	swait.ge [sflag:s18], $0x4000  }
0x85: {  	p0 =	seq.s32 s29, $0x27;
	[sflag:s18] =	ssyncset.done $0x0  }
0x86: {  	s30 =	sshll.u32 s29, $0x1;
	s0 =	simm.s32 @p0 $0x2;
	[sflag:s18] =	ssyncadd.s32 $0xFFFFC000  }
0x87: {  	s1 =	sadd.s32 @!p0 s4, s30;
	_ =	swait.ge @p0 [sflag:s0], $0x4000  }
0x88: {  	s1 =	sshll.u32 @!p0 s1, $0x6;
	[sflag:s0] =	ssyncset.done @p0 $0x0  }
0x89: {  	[sflag:s0] =	ssyncadd.s32 @p0 $0xFFFFC000;
	s0 =	sadd.s32 @!p0 s1, s9;
	s1 =	simm.s32 @!p0 $0x0  }
0x8a: {  	[tilespmem:s1], [sflag:$0x3] =	stream.linear.gather @!p0 [hbm4b:s0+s1], $0x180, $0x200038;
	[tilespmem:$0x1C400] =	vst v63  }
0x8b: {  	s0 =	simm.s32 @!p0 $0x2  }
0x8c: {  	_ =	swait.ge @!p0 [sflag:s0], $0x4000  }
0x8d: {  	s31 =	simm.s32 $0x0;
	[sflag:s0] =	ssyncset.done @!p0 $0x0  }
0x8e: {  	v1 =	vmov s31;
	[sflag:s0] =	ssyncadd.s32 @!p0 $0xFFFFC000;
	s0 =	simm.s32 @!p0 $0x3  }
0x8f: {  	v1 =	vand.u32 $0x7F, v1;
	_ =	swait.ge @!p0 [sflag:s0], $0x180  }
0x90: {  	v1 =	vor.u32 $0x100, v1;
	[sflag:s0] =	ssyncset.done @!p0 $0x0  }
0x91: {  	s31 =	simm.s32 @!p0 $0x400;
	v1 =	vbroadcast v1, $0x0;
	[sflag:s0] =	ssyncadd.s32 @!p0 $0xFFFFFE80;
	s0 =	simm.s32 @!p0 $0x80  }
0x92: {  	[tilespmem:s31], [sflag:$0x1] =	stream.indirect.gather @!p0 [hbm4b:s5+s0], $0x80, s1, s0, $0x2000b8;
	[tilespmem:$0x1C400] =	vst v63  }
0x93: {  	s31 =	simm.s32 $0x4440  }
0x94: {  	v5 =	vld [tilespmem:s31+$0x30]  }
0x95: {  	v8 =	vld [tilespmem:s31+$0x10]  }
0x96: {  	v6 =	vld [tilespmem:s31+$0xFFFFFFC0]  }
0x97: {  	v2 =	vld.idx.msk [tilespmem:v1+s21+$0x0], $0xffff  }
0x98: {  	v11 =	vld [tilespmem:s31+$0xFFFFFFE0]  }
0x99: {  	v1 =	vld [tilespmem:s31+$0xFFFFFFF0]  }
0x9a: {  	v3 =	vld [tilespmem:s31+$0x20]  }
0x9b: {  	v4 =	vld [tilespmem:s31+$0xFFFFFFD0]  }
0x9c: {  	v9 =	vmul.f32 v2, v5;
	v5 =	vld [tilespmem:s31+$0x0]  }
0x9d: {  	s7 =	simm.s32 $0x1;
	v7 =	vmul.f32 v2, v6  }
0x9e: {  	v10 =	vmov s7;
	s1 =	simm.s32 $0x2;
	s0 =	simm.s32 $0x4440;
	v6 =	vmul.f32 v2, v11;
	v8 =	vmul.f32 v2, v8  }
.LBB2_7:
0x9f: {  	p1 =	sne.s32 s1, $0x7F  }
0xa0: {  	v10 =	vand.u32 $0x7F, v10;
	v4 =	vmul.f32 v2, v4;
	v3 =	vmul.f32 v2, v3;
	[tilespmem:s31+$0x30] =	vst v9;
	s0 =	sadd.s32 $0x80, s0;
	s7 =	smov.u32 s1;
	s1 =	sadd.s32 $0x1, s1  }
0xa1: {  	v9 =	vor.u32 $0x100, v10;
	[tilespmem:s31+$0xFFFFFFC0] =	vst v7;
	v7 =	vmul.f32 v2, v1;
	v2 =	vmul.f32 v2, v5  }
0xa2: {  	v5 =	vbroadcast v9, $0x0;
	[tilespmem:s31+$0x10] =	vst v8  }
0xa3: {  	[tilespmem:s31+$0xFFFFFFE0] =	vst v6  }
0xa4: {  	v1 =	vld [tilespmem:s0+$0xFFFFFFF0];
	[tilespmem:s31+$0xFFFFFFF0] =	vst v7  }
0xa5: {  	v6 =	vld [tilespmem:s0+$0x30];
	[tilespmem:s31+$0x0] =	vst v2  }
0xa6: {  	v8 =	vld [tilespmem:s0+$0x10];
	[tilespmem:s31+$0x20] =	vst v3  }
0xa7: {  	v7 =	vld [tilespmem:s0+$0xFFFFFFC0];
	[tilespmem:s31+$0xFFFFFFD0] =	vst v4;
	s31 =	smov.u32 s0  }
0xa8: {  	v2 =	vld.idx.msk [tilespmem:v5+s21+$0x0], $0xffff  }
0xa9: {  	v11 =	vld [tilespmem:s0+$0xFFFFFFE0]  }
0xaa: {  	v3 =	vld [tilespmem:s0+$0x20]  }
.Ltmp4:
0xab: {  	v4 =	vld [tilespmem:s0+$0xFFFFFFD0];
	(pc) =	sbr.rel @p1 .LBB2_7-.Ltmp4, $3  }
0xac: {  	v5 =	vld [tilespmem:s0+$0x0];
	_ =	sdelay $0x1  }
0xad: {  	v7 =	vmul.f32 v2, v7;
	v9 =	vmul.f32 v2, v6  }
0xae: {  	v10 =	vmov s7;
	v8 =	vmul.f32 v2, v8;
	v6 =	vmul.f32 v2, v11  }
0xaf: {  	[tilespmem:s31+$0x30] =	vst v9;
	v57 =	vand.u32 $0x7F, v10  }
0xb0: {  	[tilespmem:s31+$0xFFFFFFC0] =	vst v7;
	v7 =	vor.u32 $0x100, v57  }
0xb1: {  	v1 =	vmul.f32 v2, v1;
	[tilespmem:s31+$0x10] =	vst v8;
	v58 =	vbroadcast v7, $0x0  }
0xb2: {  	s0 =	sadd.s32 $0x80, s0;
	[tilespmem:s31+$0xFFFFFFE0] =	vst v6;
	v5 =	vmul.f32 v2, v5  }
0xb3: {  	v3 =	vmul.f32 v2, v3;
	v59 =	vld [tilespmem:s0+$0xFFFFFFF0];
	[tilespmem:s31+$0xFFFFFFF0] =	vst v1  }
0xb4: {  	v2 =	vmul.f32 v2, v4;
	v1 =	vld [tilespmem:s0+$0x30];
	[tilespmem:s31+$0x0] =	vst v5  }
0xb5: {  	v60 =	vld [tilespmem:s0+$0x10];
	[tilespmem:s31+$0x20] =	vst v3  }
0xb6: {  	v3 =	vld [tilespmem:s0+$0xFFFFFFC0];
	[tilespmem:s31+$0xFFFFFFD0] =	vst v2  }
0xb7: {  	v2 =	vld.idx.msk [tilespmem:v58+s21+$0x0], $0xffff;
	_ =	sdelay $0x2  }
0xb8: {  	v61 =	vld [tilespmem:s0+$0x0]  }
0xb9: {  	v5 =	vld [tilespmem:s0+$0xFFFFFFE0]  }
0xba: {  	v1 =	vmul.f32 v2, v1  }
0xbb: {  	v8 =	vld [tilespmem:s0+$0x20];
	v3 =	vmul.f32 v2, v3  }
0xbc: {  	v62 =	vld [tilespmem:s0+$0xFFFFFFD0];
	v4 =	vmul.f32 v2, v60;
	[tilespmem:s0+$0x30] =	vst v1  }
0xbd: {  	v63 =	vmul.f32 v2, v61;
	[tilespmem:s0+$0xFFFFFFC0] =	vst v3  }
0xbe: {  	v1 =	vmul.f32 v2, v5;
	[tilespmem:s0+$0x10] =	vst v4  }
0xbf: {  	v3 =	vmul.f32 v2, v59;
	[tilespmem:s0+$0x0] =	vst v63  }
0xc0: {  	[tilespmem:s0+$0xFFFFFFE0] =	vst v1;
	v1 =	vmul.f32 v2, v8  }
0xc1: {  	[tilespmem:s0+$0xFFFFFFF0] =	vst v3;
	v2 =	vmul.f32 v2, v62  }
0xc2: {  	[tilespmem:s0+$0x20] =	vst v1  }
.Ltmp5:
0xc3: {  	[tilespmem:s0+$0xFFFFFFD0] =	vst v2;
	(pc) =	sbr.rel @p0 .LBB2_10-.Ltmp5, $4  }
0xc4: {  	[spmem:s2] =	stream.indirect.scatter.add.f32 [tilespmem:s24], [sflag:$0x5], $0x80, s25, s20, $0x2000b8;
	[tilespmem:$0x1C400] =	vst v63  }
0xc5: {  	_ =	swait.ge [sflag:s18], $0x4000  }
0xc6: {  	[sflag:s18] =	ssyncset.done $0x0  }
0xc7: {  	[sflag:s18] =	ssyncadd.s32 $0xFFFFC000  }
.Ltmp6:
0xc8: {  	(pc) =	sbr.rel .LBB2_4-.Ltmp6, $4  }
0xc9: {  	s0 =	sadd.s32 s30, s10  }
0xca: {  	s0 =	sshll.u32 s0, $0x6  }
0xcb: {  	s29 =	sadd.s32 $0x1, s29;
	s0 =	sadd.s32 s0, s9  }
0xcc: {  	[tilespmem:s21], [sflag:$0x4] =	stream.linear.gather [hbm4b:s0+s3], $0x180, $0x200038;
	[tilespmem:$0x1C400] =	vst v63  }
.LBB2_11:
0xcd: {  	_ =	sfence.sel $0x180000  }
0xce: {  	[bflag:$0x0] =	sbarrier.arrive $0xFFFF  }
0xcf: {  	_ =	strace $0x9000004E  }
0xd0: {  	s0 =	stileid.u32;
	[bflag:$0x2] =	sbarrier.arrive $0xFFFF  }
0xd1: {  	p0 =	sne.s32 s0, $0x0;
	s0 =	rddreg [dreg:$0x2]  }
0xd2: {  	s0 =	sadd.s32 @!p0 $0x100000, s0  }
0xd3: {  	[sflag:s0] =	ssyncadd.tile.s32 @!p0 $0x1;
	_ =	shalt  }
.Lfunc_end2:
_tile_overlayer_lowered:
.L_overlay_start_2:
0xd4: {  	(tag) =	ssettag $0x2  }
0xd5: {  	s0 =	rddreg [dreg:$0x0];
	s2 =	stileid.u32  }
0xd6: {  	s1 =	rddreg [dreg:$0x1];
	p0 =	sne.s32 s2, $0x0  }
0xd7: {  	s3 =	rddreg [dreg:$0x2];
	[bflag:$0x3] =	sbarrier.arrive $0xFFFF;
	s2 =	simm.s32 @!p0 $0x1C05  }
0xd8: {  	[timem:s3], [sflag:s2] =	dma.local @!p0 [hbm:s0], s1  }
0xd9: {  	s0 =	simm.s32 @!p0 $0x5  }
0xda: {  	_ =	swait.ge @!p0 [sflag:s0], s1  }
0xdb: {  	s1 =	ssub.s32 @!p0 $0x0, s1;
	[sflag:s0] =	ssyncset.done @!p0 $0x0  }
0xdc: {  	[sflag:s0] =	ssyncadd.s32 @!p0 s1  }
0xdd: {  	[bflag:$0x3] =	sbarrier.arrive $0xFFFF  }
0xde: {  	_ =	shalt  }

// kernel: kernel.17.cloned.1.call-start
scs
__scs_entry_jumppad:
0x0: {  	(pc) =	sbr.rel $0x88, $3  }
0x1: {  	(tag) =	ssettag $0x0;
	lr =	simm.s32 $0x1  }
0x2: {  	[smem:$0x3F91] =	sst lr;
	_ =	strace $0xD0000000  }
0x3: {  	_ = 	snop  }
0x4: {  	_ = 	snop  }
0x5: {  	_ = 	snop  }
0x6: {  	_ = 	snop  }
0x7: {  	_ = 	snop  }
__scs_overlays_trampoline_lowered:
0x8: {  	[smem:$0x3FA0] =	sst s0  }
0x9: {  	[smem:$0x3FA1] =	sst s1  }
0xa: {  	[smem:$0x3FA2] =	sst s2  }
0xb: {  	[smem:$0x3FA3] =	sst s3  }
0xc: {  	[smem:$0x3FA4] =	sst s4  }
0xd: {  	[smem:$0x3FA5] =	sst s5  }
0xe: {  	[smem:$0x3FA6] =	sst s6  }
0xf: {  	[smem:$0x3FA7] =	sst s7  }
0x10: {  	[smem:$0x3FA8] =	sst s8  }
0x11: {  	[smem:$0x3FA9] =	sst s9;
	s0 =	simm.s32 @!p0 $0x0  }
0x12: {  	s1 =	sld [smem:$0x3F8F];
	s0 =	simm.s32 @p0 $0x1  }
0x13: {  	[smem:$0x3FAA] =	sst s0;
	s0 =	simm.s32 @!p1 $0x0  }
0x14: {  	s2 =	sld [smem:$0x3F8E];
	s0 =	simm.s32 @p1 $0x1  }
0x15: {  	[smem:$0x3FAB] =	sst s0;
	s0 =	simm.s32 @!p2 $0x0  }
0x16: {  	s3 =	sld [smem:$0x3FDB];
	s0 =	simm.s32 @p2 $0x1  }
0x17: {  	s4 =	simm.s32 $0x1BF5;
	[smem:$0x3FAD] =	sst s0  }
0x18: {  	s0 =	sld [smem:$0x3F90];
	_ =	swait.ge [sflag:s4], $0x0  }
0x19: {  	s7 =	sld [smem:$0x3F91]  }
0x1a: {  	s8 =	sadd.s32 $0xFFFFE003, lr  }
0x1b: {  	s9 =	sadd.s32 $0xFFFFFEF7, lr;
	s5 =	simm.s32 $0xFFFFFFFF;
	p2 =	slt.u32 s8, $0xFFFFF086  }
0x1c: {  	p1 =	slt.u32 s9, $0xF7A;
	s5 =	simm.s32 @!p2 $0x0  }
0x1d: {  	s5 =	simm.s32 @p1 $0x1;
	p0 =	seq.s32 s7, s2  }
0x1e: {  	s7 =	smul.u32 @!p0 $0xF7A, s2;
	p2 =	seq.s32 @!p0 s5, $0x0  }
0x1f: {  	s9 =	smul.u32 $0xF7A, s1;
	s8 =	simm.s32 @!p0 $0x1BF5;
	p2 =	por !p2, p0  }
0x20: {  	[sflag:s8] =	ssyncset.s32 @!p0 $0xFFFFF086;
	s6 =	sadd.s32 @!p0 s3, s7;
	s7 =	simm.s32 @!p0 $0x108  }
0x21: {  	s3 =	sadd.s32 s3, s9;
	s6 =	sadd.s32 @!p0 $0x88, s6;
	s7 =	simm.s32 @p2 $0x1082  }
0x22: {  	[simem:s7], [sflag:s8] =	dma.local @!p0 [hbm:s6], $0xF7A  }
0x23: {  	s9 =	sor.u32 $0xD0000000, s2;
	s6 =	simm.s32 $0x108;
	_ =	swait.ge @!p0 [sflag:s8], $0x0  }
0x24: {  	s3 =	sadd.s32 $0x88, s3;
	s6 =	simm.s32 @!p1 $0x1082;
	[sflag:s4] =	ssyncset.s32 $0xFFFFF086  }
0x25: {  	[simem:s6], [sflag:s4] =	dma.local [hbm:s3], $0xF7A  }
0x26: {  	[smem:$0x3F91] =	sst s1;
	(tag) =	ssettag s2;
	_ =	strace s9  }
0x27: {  	s1 =	sld [smem:$0x3FA1]  }
0x28: {  	s2 =	sld [smem:$0x3FA2]  }
0x29: {  	s4 =	sld [smem:$0x3FA4]  }
0x2a: {  	p0 =	seq.s32 s5, $0x0;
	s5 =	sld [smem:$0x3FA5]  }
0x2b: {  	s6 =	sld [smem:$0x3FA6]  }
0x2c: {  	s7 =	sld [smem:$0x3FA7]  }
0x2d: {  	s3 =	simm.s32 $0x108;
	s8 =	sld [smem:$0x3FA8]  }
0x2e: {  	s3 =	simm.s32 @!p0 $0x1082;
	s9 =	sld [smem:$0x3FA9]  }
0x2f: {  	lr =	sadd.s32 s0, s3;
	s0 =	sld [smem:$0x3FA0]  }
0x30: {  	s3 =	sld [smem:$0x3FA3]  }
0x31: {  	[smem:$0x3FAC] =	sst s10  }
0x32: {  	s10 =	sld [smem:$0x3FAA];
	_ =	sdelay $0x3  }
0x33: {  	p0 =	seq.s32 s10, $0x1;
	s10 =	sld [smem:$0x3FAC];
	_ =	sdelay $0x3  }
0x34: {  	[smem:$0x3FAC] =	sst s10  }
0x35: {  	s10 =	sld [smem:$0x3FAB];
	_ =	sdelay $0x3  }
0x36: {  	p1 =	seq.s32 s10, $0x1;
	s10 =	sld [smem:$0x3FAC];
	_ =	sdelay $0x3  }
0x37: {  	[smem:$0x3FAC] =	sst s10  }
0x38: {  	s10 =	sld [smem:$0x3FAD]  }
0x39: {  	_ = 	snop;
	(pc) =	sbr.ind lr, $3  }
0x3a: {  	_ = 	snop  }
0x3b: {  	_ = 	snop  }
0x3c: {  	p2 =	seq.s32 s10, $0x1;
	s10 =	sld [smem:$0x3FAC]  }
0x3d: {  	_ =	shalt  }
0x3e: {  	_ =	shalt  }
0x3f: {  	_ =	shalt  }
0x40: {  	_ =	shalt  }
0x41: {  	_ =	shalt  }
0x42: {  	_ =	shalt  }
0x43: {  	_ =	shalt  }
0x44: {  	_ =	shalt  }
0x45: {  	_ =	shalt  }
0x46: {  	_ =	shalt  }
0x47: {  	_ =	shalt  }
0x48: {  	_ =	shalt  }
0x49: {  	_ =	shalt  }
0x4a: {  	_ =	shalt  }
0x4b: {  	_ =	shalt  }
0x4c: {  	_ =	shalt  }
0x4d: {  	_ =	shalt  }
0x4e: {  	_ =	shalt  }
0x4f: {  	_ =	shalt  }
0x50: {  	_ =	shalt  }
0x51: {  	_ =	shalt  }
0x52: {  	_ =	shalt  }
0x53: {  	_ =	shalt  }
0x54: {  	_ =	shalt  }
0x55: {  	_ =	shalt  }
0x56: {  	_ =	shalt  }
0x57: {  	_ =	shalt  }
0x58: {  	_ =	shalt  }
0x59: {  	_ =	shalt  }
0x5a: {  	_ =	shalt  }
0x5b: {  	_ =	shalt  }
0x5c: {  	_ =	shalt  }
0x5d: {  	_ =	shalt  }
0x5e: {  	_ =	shalt  }
0x5f: {  	_ =	shalt  }
0x60: {  	_ =	shalt  }
0x61: {  	_ =	shalt  }
0x62: {  	_ =	shalt  }
0x63: {  	_ =	shalt  }
0x64: {  	_ =	shalt  }
0x65: {  	_ =	shalt  }
0x66: {  	_ =	shalt  }
0x67: {  	_ =	shalt  }
0x68: {  	_ =	shalt  }
0x69: {  	_ =	shalt  }
0x6a: {  	_ =	shalt  }
0x6b: {  	_ =	shalt  }
0x6c: {  	_ =	shalt  }
0x6d: {  	_ =	shalt  }
0x6e: {  	_ =	shalt  }
0x6f: {  	_ =	shalt  }
0x70: {  	_ =	shalt  }
0x71: {  	_ =	shalt  }
0x72: {  	_ =	shalt  }
0x73: {  	_ =	shalt  }
0x74: {  	_ =	shalt  }
0x75: {  	_ =	shalt  }
0x76: {  	_ =	shalt  }
0x77: {  	_ =	shalt  }
0x78: {  	_ =	shalt  }
0x79: {  	_ =	shalt  }
0x7a: {  	_ =	shalt  }
0x7b: {  	_ =	shalt  }
0x7c: {  	_ =	shalt  }
0x7d: {  	_ =	shalt  }
0x7e: {  	_ =	shalt  }
0x7f: {  	_ =	shalt  }
0x80: {  	_ =	shalt  }
0x81: {  	_ =	shalt  }
0x82: {  	_ =	shalt  }
0x83: {  	_ =	shalt  }
0x84: {  	_ =	shalt  }
0x85: {  	_ =	shalt  }
0x86: {  	_ =	shalt  }
0x87: {  	_ =	shalt  }
.Lfunc_end0:
.L_simem_size_0:
called_computation.2_lowered:
.L_overlay_start_0:
0x88: {  	s2 =	sld [smem:$0x3FD9]  }
0x89: {  	s3 =	sld [smem:$0x3FFE];
	_ =	sdelay $0x1  }
0x8a: {  	s1 =	srdreg.scid  }
0x8b: {  	s0 =	sand.u32 $0x1, s1  }
0x8c: {  	s16 =	sshll.u32 s0, $0xA;
	s2 =	sadd.s32 s3, s2  }
0x8d: {  	s2 =	sadd.s32 s2, s16  }
0x8e: {  	[smem:$0x3FB8] =	sst s2  }
0x8f: {  	_ = 	snop  }
0x90: {  	(tm) =	ssettm $0x1  }
0x91: {  	s17 =	sld [smem:$0x3FFB];
	_ =	sdelay $0x3  }
0x92: {  	_ =	strace s17  }
0x93: {  	s2 =	sld [smem:$0x3FFC];
	_ =	sdelay $0x3  }
0x94: {  	_ =	strace s2  }
0x95: {  	s2 =	sld [smem:$0x3FFD];
	_ =	sdelay $0x3  }
0x96: {  	_ =	strace s2  }
0x97: {  	_ =	strace $0x8FFFFFFF  }
0x98: {  	s18 =	sld [smem:$0x3FDB];
	_ =	sdelay $0x1  }
0x99: {  	s19 =	simm.s32 $_scs_section_size  }
0x9a: {  	s4 =	simm.s32 $_size__tile_overlayer_lowered;
	s5 =	simm.s32 $_tile_overlayer_lowered  }
0x9b: {  	s22 =	simm.s32 $0x1BFF;
	s21 =	sshll.u32 s5, $0x1;
	s2 =	sadd.s32 s19, s18  }
0x9c: {  	s6 =	simm.s32 $0x0;
	s20 =	sshll.u32 s4, $0x1;
	s4 =	sadd.s32 s21, s2  }
0x9d: {  	[timem:s6], [sflag:s22] =	dma.local [hbm:s4], s20  }
0x9e: {  	_ =	swait.ge [sflag:s22], s20  }
0x9f: {  	s3 =	ssub.s32 $0x0, s20;
	[sflag:s22] =	ssyncset.done $0x0  }
0xa0: {  	[sflag:s22] =	ssyncadd.s32 s3;
	_ =	sdelay $0x1  }
0xa1: {  	s23 =	simm.s32 $0x1B8B  }
0xa2: {  	_ =	swait.ge [sflag:s23], $0x1  }
0xa3: {  	[sflag:s23] =	ssyncset.done $0x0  }
0xa4: {  	s25 =	simm.s32 $0x1B8E;
	s24 =	sld [smem:$0x3FFE];
	[sflag:s23] =	ssyncadd.s32 $0xFFFFFFFF  }
0xa5: {  	s26 =	simm.s32 $execute0_lowered;
	[smem:$0x3FD2] =	sst s25  }
0xa6: {  	s4 =	sshll.u32 s26, $0x1;
	_ =	strace $0x80000054;
	[dreg:$0x1] =	wrdreg $0xFFFFFFFF  }
0xa7: {  	s28 =	simm.s32 $_size_execute0_lowered;
	s2 =	sadd.s32 s2, s4;
	[dreg:$0x0] =	wrdreg $0x0  }
0xa8: {  	s4 =	sshll.u32 s28, $0x1;
	[dreg:$0x2] =	wrdreg s2  }
0xa9: {  	[dreg:$0x3] =	wrdreg s4  }
0xaa: {  	[dreg:$0x4] =	wrdreg $0xC0  }
0xab: {  	_ =	task [dreg:s6], $0x5FFFF  }
0xac: {  	[dreg:$0x1] =	wrdreg $0xFFFFFFFF  }
0xad: {  	[dreg:$0x0] =	wrdreg $0x60  }
0xae: {  	[dreg:$0x2] =	wrdreg s24  }
0xaf: {  	[dreg:$0x3] =	wrdreg $0x84000  }
0xb0: {  	[dreg:$0x4] =	wrdreg $0x9  }
0xb1: {  	_ =	task.clear_ibuf [dreg:s6], $0x5FFFF;
	_ =	strace $0x90000054  }
0xb2: {  	s29 =	simm.s32 $0x9;
	_ =	strace $0x8000005A  }
0xb3: {  	_ =	swait.ge [sflag:s29], $0x1  }
0xb4: {  	[sflag:s29] =	ssyncadd.s32 $0xFFFFFFFF  }
0xb5: {  	_ =	strace $0x9000005A  }
0xb6: {  	_ =	sfence  }
0xb7: {  	s30 =	sld [smem:$0x0];
	_ =	sdelay $0x2  }
0xb8: {  	s31 =	sshll.u32 s1, $0xD;
	s1 =	sshrl.u32 s1, $0x2  }
0xb9: {  	s3 =	sand.u32 $0x4000, s31;
	s1 =	sadd.s32 s1, s30  }
0xba: {  	s0 =	sor.u32 s3, s0;
	s1 =	sshll.u32 s1, $0x11  }
0xbb: {  	s0 =	sor.u32 s1, s0  }
0xbc: {  	s0 =	sadd.s32 $0x8F2B, s0  }
0xbd: {  	[sflag:s0] =	ssyncadd.remote.s32 $0x1  }
0xbe: {  	_ =	sfence.sel $0xFFFF  }
0xbf: {  	[dreg:$0x0] =	wrdreg $0xFFFFFFFF;
	(pc) =	sbr.abs _section_cstart, $3  }
0xc0: {  	[dreg:$0x1] =	wrdreg $0xFFFFFFFF  }
0xc1: {  	_ =	task.clear_ibuf [dreg:s6], $0x2FFFF;
	_ =	strace $0x9FFFFFFF  }
0xc2: {  	(tm) =	ssettm $0x7FFFFFFF  }
0xc3: {  	_ =	shalt  }
tec
execute0_lowered:
.L_overlay_start_1:
0x0: {  	(tag) =	ssettag $0x1  }
0x1: {  	s0 =	rddreg [dreg:$0x0]  }
0x2: {  	s2 =	rddreg [dreg:$0x1];
	s9 =	stileid.u32;
	s3 =	simm.s32 $0x0  }
0x3: {  	s1 =	srdreg.scid;
	s17 =	simm.s32 $0x400;
	s18 =	simm.s32 $0x5  }
0x4: {  	s19 =	simm.s32 $0x3;
	s20 =	simm.s32 $0x80;
	s21 =	simm.s32 $0x200  }
0x5: {  	s22 =	simm.s32 $0x1;
	s23 =	simm.s32 $0x4;
	s24 =	simm.s32 $0x4400  }
0x6: {  	s25 =	simm.s32 $0x280;
	s28 =	simm.s32 $0x0;
	s5 =	smul.u32 $0x50, s9  }
0x7: {  	[smem:$0x7FF] =	sst s3;
	s1 =	sand.u32 $0x1, s1;
	s7 =	smul.u32 $0x14000, s9  }
0x8: {  	s26 =	smul.u32 $0x50000, s9;
	s9 =	sadd.s32 $0x2BE80, s0;
	p0 =	seq.s32 s1, $0x0  }
0x9: {  	s6 =	smul.u32 $0x140000, s1;
	_ =	strace $0x80000055;
	s1 =	ssub.s32 $0x2, s1  }
0xa: {  	s4 =	sadd.s32 $0x500, s5;
	s29 =	sshrl.u32 s1, $0x1;
	s30 =	sshrl.u32 s26, $0x2  }
0xb: {  	s26 =	simm.s32 $0x0;
	s4 =	smov.u32 @p0 s5;
	s5 =	sadd.s32 $0x3E00, s0  }
0xc: {  	s6 =	sadd.s32 s7, s6;
	s1 =	ssub.s32 s1, s29;
	s8 =	sshll.u32 s4, $0x6  }
.Ltmp0:
0xd: {  	s6 =	sshrl.u32 s6, $0x3;
	s10 =	sor.u32 $0x1, s4;
	(pc) =	sbr.rel .LBB2_1-.Ltmp0, $4  }
0xe: {  	s12 =	smax.u32 s1, $0x1;
	s8 =	sadd.s32 s8, s0;
	s11 =	sadd.s32 s6, s0  }
0xf: {  	s6 =	sadd.s32 s30, s2;
	s31 =	sadd.s32 $0x2BE00, s8;
	s8 =	sadd.s32 $0x2BE40, s8  }
0x10: {  	s11 =	sadd.s32 $0x53E00, s11;
	s13 =	sadd.s32 $0x4000, s6;
	s14 =	sadd.s32 $0x8000, s6  }
0x11: {  	v0 =	vimm.f32 $0.0e+00;
	s15 =	sadd.s32 $0xC000, s6;
	s16 =	sadd.s32 $0x10000, s6;
	[dreg:$0x3] =	wrdreg s31  }
.LBB2_10:
0x12: {  	_ =	strace $0x90000057  }
0x13: {  	_ =	strace $0x80000058  }
0x14: {  	s0 =	stileid.u32;
	s1 =	sshrl.u32 s6, $0x3;
	[bflag:$0x0] =	sbarrier.arrive $0xFFFF  }
0x15: {  	s26 =	sadd.s32 $0x1, s26;
	s0 =	sshll.u32 s0, $0x6;
	_ =	strace $0x90000058  }
0x16: {  	p0 =	sne.s32 s26, s12;
	s0 =	sor.u32 $0x1C05, s0;
	_ =	strace $0x80000059  }
0x17: {  	[hbm:s11], [sflag:s0] =	dma.local [spmem:s1], $0x2800  }
.Ltmp1:
0x18: {  	_ = 	snop;
	(pc) =	sbr.rel @!p0 .LBB2_11-.Ltmp1, $4  }
0x19: {  	_ =	swait.ge [sflag:s18], $0x2800  }
0x1a: {  	[sflag:s18] =	ssyncset.done $0x0  }
0x1b: {  	[sflag:s18] =	ssyncadd.s32 $0xFFFFD800  }
0x1c: {  	_ =	strace $0x90000059  }
.LBB2_1:
0x1d: {  	_ =	strace $0x80000056;
	s0 =	simm.s32 $0x0;
	s1 =	simm.s32 $0x200  }
.LBB2_2:
0x1e: {  	p0 =	seq.s32 s1, $0xFE00;
	[tilespmem:s0+$0x470] =	vst v0  }
0x1f: {  	[tilespmem:s0+$0x400] =	vst v0  }
0x20: {  	[tilespmem:s0+$0x410] =	vst v0  }
.Ltmp2:
0x21: {  	[tilespmem:s0+$0x420] =	vst v0;
	(pc) =	sbr.rel @!p0 .LBB2_2-.Ltmp2, $4  }
0x22: {  	[tilespmem:s0+$0x430] =	vst v0  }
0x23: {  	[tilespmem:s0+$0x440] =	vst v0  }
0x24: {  	[tilespmem:s0+$0x450] =	vst v0  }
0x25: {  	[tilespmem:s0+$0x460] =	vst v0;
	s0 =	sshra.s32 s1, $0x2;
	s1 =	sadd.s32 $0x200, s1  }
0x26: {  	[tilespmem:s0+$0x470] =	vst v0  }
0x27: {  	[tilespmem:s0+$0x400] =	vst v0  }
0x28: {  	[tilespmem:s0+$0x410] =	vst v0  }
0x29: {  	[tilespmem:s0+$0x420] =	vst v0  }
0x2a: {  	[tilespmem:s0+$0x430] =	vst v0  }
0x2b: {  	[tilespmem:s0+$0x440] =	vst v0  }
0x2c: {  	[tilespmem:s0+$0x450] =	vst v0  }
0x2d: {  	[tilespmem:s0+$0x460] =	vst v0  }
0x2e: {  	[spmem:s6] =	stream.linear.scatter [tilespmem:s17], [sflag:$0x5], $0x4000, $0x200038;
	[tilespmem:$0x1C400] =	vst v63  }
0x2f: {  	_ =	swait.ge [sflag:s18], $0x4000  }
0x30: {  	[sflag:s18] =	ssyncset.done $0x0  }
0x31: {  	[sflag:s18] =	ssyncadd.s32 $0xFFFFC000  }
0x32: {  	[spmem:s13] =	stream.linear.scatter [tilespmem:s17], [sflag:$0x5], $0x4000, $0x200038;
	[tilespmem:$0x1C400] =	vst v63  }
0x33: {  	_ =	swait.ge [sflag:s18], $0x4000  }
0x34: {  	[sflag:s18] =	ssyncset.done $0x0  }
0x35: {  	[sflag:s18] =	ssyncadd.s32 $0xFFFFC000  }
0x36: {  	[spmem:s14] =	stream.linear.scatter [tilespmem:s17], [sflag:$0x5], $0x4000, $0x200038;
	[tilespmem:$0x1C400] =	vst v63  }
0x37: {  	_ =	swait.ge [sflag:s18], $0x4000  }
0x38: {  	[sflag:s18] =	ssyncset.done $0x0  }
0x39: {  	[sflag:s18] =	ssyncadd.s32 $0xFFFFC000  }
0x3a: {  	[spmem:s15] =	stream.linear.scatter [tilespmem:s17], [sflag:$0x5], $0x4000, $0x200038;
	[tilespmem:$0x1C400] =	vst v63  }
0x3b: {  	_ =	swait.ge [sflag:s18], $0x4000  }
0x3c: {  	[sflag:s18] =	ssyncset.done $0x0  }
0x3d: {  	[sflag:s18] =	ssyncadd.s32 $0xFFFFC000  }
0x3e: {  	[spmem:s16] =	stream.linear.scatter [tilespmem:s17], [sflag:$0x5], $0x4000, $0x200038;
	[tilespmem:$0x1C400] =	vst v63  }
0x3f: {  	_ =	swait.ge [sflag:s18], $0x4000  }
0x40: {  	[sflag:s18] =	ssyncset.done $0x0  }
0x41: {  	[sflag:s18] =	ssyncadd.s32 $0xFFFFC000  }
0x42: {  	_ =	strace $0x90000056  }
0x43: {  	s31 =	rddreg [dreg:$0x3]  }
0x44: {  	[tilespmem:s28], [sflag:$0x3] =	stream.linear.gather [hbm4b:s31+s28], $0x180, $0x38;
	[tilespmem:$0x1C400] =	vst v63  }
0x45: {  	_ =	swait.ge [sflag:s19], $0x180  }
0x46: {  	[sflag:s19] =	ssyncset.done $0x0  }
0x47: {  	[sflag:s19] =	ssyncadd.s32 $0xFFFFFE80  }
0x48: {  	[tilespmem:s17], [sflag:$0x1] =	stream.indirect.gather [hbm4b:s5+s20], $0x80, s28, s20, $0xb8;
	[tilespmem:$0x1C400] =	vst v63  }
0x49: {  	_ = 	snop  }
0x4a: {  	[tilespmem:s21], [sflag:$0x4] =	stream.linear.gather [hbm4b:s8+s28], $0x180, $0x38;
	[tilespmem:$0x1C400] =	vst v63  }
0x4b: {  	[bflag:$0x0] =	sbarrier.arrive $0xFFFF  }
0x4c: {  	s29 =	simm.s32 $0x0;
	_ =	strace $0x80000057  }
.LBB2_4:
0x4d: {  	_ =	swait.ge [sflag:s22], $0x4000  }
0x4e: {  	v1 =	vmov s28;
	[sflag:s22] =	ssyncset.done $0x0  }
0x4f: {  	v1 =	vand.u32 $0x7F, v1;
	[sflag:s22] =	ssyncadd.s32 $0xFFFFC000  }
0x50: {  	v1 =	vor.u32 $0x100, v1;
	_ =	swait.ge [sflag:s23], $0x180  }
0x51: {  	v1 =	vbroadcast v1, $0x0;
	[sflag:s23] =	ssyncset.done $0x0  }
0x52: {  	s30 =	simm.s32 $0x440;
	[sflag:s23] =	ssyncadd.s32 $0xFFFFFE80  }
0x53: {  	[tilespmem:s24], [sflag:$0x2] =	stream.indirect.gather [hbm4b:s5+s20], $0x80, s21, s20, $0x2000b8;
	[tilespmem:$0x1C400] =	vst v63  }
0x54: {  	v5 =	vld [tilespmem:s30+$0x30]  }
0x55: {  	v8 =	vld [tilespmem:s30+$0x10]  }
0x56: {  	v6 =	vld [tilespmem:s30+$0xFFFFFFC0]  }
0x57: {  	v2 =	vld.idx.msk [tilespmem:v1+s3+$0x0], $0xffff  }
0x58: {  	v11 =	vld [tilespmem:s30+$0xFFFFFFE0]  }
0x59: {  	v3 =	vld [tilespmem:s30+$0x20]  }
0x5a: {  	v4 =	vld [tilespmem:s30+$0xFFFFFFD0]  }
0x5b: {  	v1 =	vld [tilespmem:s30+$0xFFFFFFF0]  }
0x5c: {  	v9 =	vmul.f32 v2, v5;
	v5 =	vld [tilespmem:s30+$0x0]  }
0x5d: {  	s1 =	simm.s32 $0x1;
	v7 =	vmul.f32 v2, v6  }
0x5e: {  	s0 =	simm.s32 $0x2;
	s31 =	simm.s32 $0x440;
	v10 =	vmov s1;
	v6 =	vmul.f32 v2, v11;
	v8 =	vmul.f32 v2, v8  }
.LBB2_5:
0x5f: {  	p0 =	sne.s32 s0, $0x7F  }
0x60: {  	v10 =	vand.u32 $0x7F, v10;
	v4 =	vmul.f32 v2, v4;
	v3 =	vmul.f32 v2, v3;
	[tilespmem:s30+$0x30] =	vst v9;
	s31 =	sadd.s32 $0x80, s31;
	s1 =	smov.u32 s0;
	s0 =	sadd.s32 $0x1, s0  }
0x61: {  	v9 =	vor.u32 $0x100, v10;
	[tilespmem:s30+$0xFFFFFFC0] =	vst v7;
	v7 =	vmul.f32 v2, v1;
	v2 =	vmul.f32 v2, v5  }
0x62: {  	v5 =	vbroadcast v9, $0x0;
	[tilespmem:s30+$0x10] =	vst v8  }
0x63: {  	[tilespmem:s30+$0xFFFFFFE0] =	vst v6  }
0x64: {  	v1 =	vld [tilespmem:s31+$0xFFFFFFF0];
	[tilespmem:s30+$0xFFFFFFF0] =	vst v7  }
0x65: {  	v6 =	vld [tilespmem:s31+$0x30];
	[tilespmem:s30+$0x0] =	vst v2  }
0x66: {  	v8 =	vld [tilespmem:s31+$0x10];
	[tilespmem:s30+$0x20] =	vst v3  }
0x67: {  	v7 =	vld [tilespmem:s31+$0xFFFFFFC0];
	[tilespmem:s30+$0xFFFFFFD0] =	vst v4;
	s30 =	smov.u32 s31  }
0x68: {  	v2 =	vld.idx.msk [tilespmem:v5+s3+$0x0], $0xffff  }
0x69: {  	v11 =	vld [tilespmem:s31+$0xFFFFFFE0]  }
0x6a: {  	v3 =	vld [tilespmem:s31+$0x20]  }
.Ltmp3:
0x6b: {  	v4 =	vld [tilespmem:s31+$0xFFFFFFD0];
	(pc) =	sbr.rel @p0 .LBB2_5-.Ltmp3, $3  }
0x6c: {  	v5 =	vld [tilespmem:s31+$0x0];
	_ =	sdelay $0x1  }
0x6d: {  	v7 =	vmul.f32 v2, v7;
	v9 =	vmul.f32 v2, v6  }
0x6e: {  	v10 =	vmov s1;
	v8 =	vmul.f32 v2, v8;
	v6 =	vmul.f32 v2, v11  }
0x6f: {  	[tilespmem:s30+$0xFFFFFFC0] =	vst v7;
	v7 =	vand.u32 $0x7F, v10  }
0x70: {  	[tilespmem:s30+$0x30] =	vst v9;
	v7 =	vor.u32 $0x100, v7  }
0x71: {  	v1 =	vmul.f32 v2, v1;
	[tilespmem:s30+$0xFFFFFFE0] =	vst v6;
	v6 =	vbroadcast v7, $0x0  }
0x72: {  	s0 =	sadd.s32 $0x80, s31;
	[tilespmem:s30+$0x10] =	vst v8;
	v5 =	vmul.f32 v2, v5  }
0x73: {  	v3 =	vmul.f32 v2, v3;
	v7 =	vld [tilespmem:s0+$0xFFFFFFF0];
	[tilespmem:s30+$0xFFFFFFF0] =	vst v1  }
0x74: {  	v2 =	vmul.f32 v2, v4;
	v1 =	vld [tilespmem:s0+$0x30];
	[tilespmem:s30+$0x0] =	vst v5  }
0x75: {  	v4 =	vld [tilespmem:s0+$0x10];
	[tilespmem:s30+$0x20] =	vst v3  }
0x76: {  	v3 =	vld [tilespmem:s0+$0xFFFFFFC0];
	[tilespmem:s30+$0xFFFFFFD0] =	vst v2  }
0x77: {  	v2 =	vld.idx.msk [tilespmem:v6+s3+$0x0], $0xffff;
	_ =	sdelay $0x2  }
0x78: {  	v5 =	vld [tilespmem:s0+$0xFFFFFFE0];
	_ =	sdelay $0x1  }
0x79: {  	v6 =	vld [tilespmem:s0+$0x0];
	v1 =	vmul.f32 v2, v1  }
0x7a: {  	v8 =	vld [tilespmem:s0+$0x20];
	v3 =	vmul.f32 v2, v3  }
0x7b: {  	v9 =	vld [tilespmem:s0+$0xFFFFFFD0];
	v4 =	vmul.f32 v2, v4;
	[tilespmem:s0+$0x30] =	vst v1  }
0x7c: {  	v1 =	vmul.f32 v2, v5;
	[tilespmem:s0+$0xFFFFFFC0] =	vst v3  }
0x7d: {  	v3 =	vmul.f32 v2, v7;
	[tilespmem:s0+$0x10] =	vst v4  }
0x7e: {  	v4 =	vmul.f32 v2, v6;
	[tilespmem:s0+$0xFFFFFFE0] =	vst v1  }
0x7f: {  	v1 =	vmul.f32 v2, v8;
	[tilespmem:s0+$0xFFFFFFF0] =	vst v3  }
0x80: {  	v2 =	vmul.f32 v2, v9;
	[tilespmem:s0+$0x0] =	vst v4  }
0x81: {  	[tilespmem:s0+$0x20] =	vst v1  }
0x82: {  	[tilespmem:s0+$0xFFFFFFD0] =	vst v2  }
0x83: {  	[spmem:s2] =	stream.indirect.scatter.add.f32 [tilespmem:s17], [sflag:$0x5], $0x80, s20, s20, $0x2000b8;
	[tilespmem:$0x1C400] =	vst v63  }
0x84: {  	_ =	swait.ge [sflag:s18], $0x4000  }
0x85: {  	p0 =	seq.s32 s29, $0x27;
	[sflag:s18] =	ssyncset.done $0x0  }
0x86: {  	s30 =	sshll.u32 s29, $0x1;
	s0 =	simm.s32 @p0 $0x2;
	[sflag:s18] =	ssyncadd.s32 $0xFFFFC000  }
0x87: {  	s1 =	sadd.s32 @!p0 s4, s30;
	_ =	swait.ge @p0 [sflag:s0], $0x4000  }
0x88: {  	s1 =	sshll.u32 @!p0 s1, $0x6;
	[sflag:s0] =	ssyncset.done @p0 $0x0  }
0x89: {  	[sflag:s0] =	ssyncadd.s32 @p0 $0xFFFFC000;
	s0 =	sadd.s32 @!p0 s1, s9;
	s1 =	simm.s32 @!p0 $0x0  }
0x8a: {  	[tilespmem:s1], [sflag:$0x3] =	stream.linear.gather @!p0 [hbm4b:s0+s1], $0x180, $0x200038;
	[tilespmem:$0x1C400] =	vst v63  }
0x8b: {  	s0 =	simm.s32 @!p0 $0x2  }
0x8c: {  	_ =	swait.ge @!p0 [sflag:s0], $0x4000  }
0x8d: {  	s31 =	simm.s32 $0x0;
	[sflag:s0] =	ssyncset.done @!p0 $0x0  }
0x8e: {  	v1 =	vmov s31;
	[sflag:s0] =	ssyncadd.s32 @!p0 $0xFFFFC000;
	s0 =	simm.s32 @!p0 $0x3  }
0x8f: {  	v1 =	vand.u32 $0x7F, v1;
	_ =	swait.ge @!p0 [sflag:s0], $0x180  }
0x90: {  	v1 =	vor.u32 $0x100, v1;
	[sflag:s0] =	ssyncset.done @!p0 $0x0  }
0x91: {  	s31 =	simm.s32 @!p0 $0x400;
	v1 =	vbroadcast v1, $0x0;
	[sflag:s0] =	ssyncadd.s32 @!p0 $0xFFFFFE80;
	s0 =	simm.s32 @!p0 $0x80  }
0x92: {  	[tilespmem:s31], [sflag:$0x1] =	stream.indirect.gather @!p0 [hbm4b:s5+s0], $0x80, s1, s0, $0x2000b8;
	[tilespmem:$0x1C400] =	vst v63  }
0x93: {  	s31 =	simm.s32 $0x4440  }
0x94: {  	v5 =	vld [tilespmem:s31+$0x30]  }
0x95: {  	v8 =	vld [tilespmem:s31+$0x10]  }
0x96: {  	v6 =	vld [tilespmem:s31+$0xFFFFFFC0]  }
0x97: {  	v2 =	vld.idx.msk [tilespmem:v1+s21+$0x0], $0xffff  }
0x98: {  	v11 =	vld [tilespmem:s31+$0xFFFFFFE0]  }
0x99: {  	v1 =	vld [tilespmem:s31+$0xFFFFFFF0]  }
0x9a: {  	v3 =	vld [tilespmem:s31+$0x20]  }
0x9b: {  	v4 =	vld [tilespmem:s31+$0xFFFFFFD0]  }
0x9c: {  	v9 =	vmul.f32 v2, v5;
	v5 =	vld [tilespmem:s31+$0x0]  }
0x9d: {  	s7 =	simm.s32 $0x1;
	v7 =	vmul.f32 v2, v6  }
0x9e: {  	v10 =	vmov s7;
	s1 =	simm.s32 $0x2;
	s0 =	simm.s32 $0x4440;
	v6 =	vmul.f32 v2, v11;
	v8 =	vmul.f32 v2, v8  }
.LBB2_7:
0x9f: {  	p1 =	sne.s32 s1, $0x7F  }
0xa0: {  	v10 =	vand.u32 $0x7F, v10;
	v4 =	vmul.f32 v2, v4;
	v3 =	vmul.f32 v2, v3;
	[tilespmem:s31+$0x30] =	vst v9;
	s0 =	sadd.s32 $0x80, s0;
	s7 =	smov.u32 s1;
	s1 =	sadd.s32 $0x1, s1  }
0xa1: {  	v9 =	vor.u32 $0x100, v10;
	[tilespmem:s31+$0xFFFFFFC0] =	vst v7;
	v7 =	vmul.f32 v2, v1;
	v2 =	vmul.f32 v2, v5  }
0xa2: {  	v5 =	vbroadcast v9, $0x0;
	[tilespmem:s31+$0x10] =	vst v8  }
0xa3: {  	[tilespmem:s31+$0xFFFFFFE0] =	vst v6  }
0xa4: {  	v1 =	vld [tilespmem:s0+$0xFFFFFFF0];
	[tilespmem:s31+$0xFFFFFFF0] =	vst v7  }
0xa5: {  	v6 =	vld [tilespmem:s0+$0x30];
	[tilespmem:s31+$0x0] =	vst v2  }
0xa6: {  	v8 =	vld [tilespmem:s0+$0x10];
	[tilespmem:s31+$0x20] =	vst v3  }
0xa7: {  	v7 =	vld [tilespmem:s0+$0xFFFFFFC0];
	[tilespmem:s31+$0xFFFFFFD0] =	vst v4;
	s31 =	smov.u32 s0  }
0xa8: {  	v2 =	vld.idx.msk [tilespmem:v5+s21+$0x0], $0xffff  }
0xa9: {  	v11 =	vld [tilespmem:s0+$0xFFFFFFE0]  }
0xaa: {  	v3 =	vld [tilespmem:s0+$0x20]  }
.Ltmp4:
0xab: {  	v4 =	vld [tilespmem:s0+$0xFFFFFFD0];
	(pc) =	sbr.rel @p1 .LBB2_7-.Ltmp4, $3  }
0xac: {  	v5 =	vld [tilespmem:s0+$0x0];
	_ =	sdelay $0x1  }
0xad: {  	v7 =	vmul.f32 v2, v7;
	v9 =	vmul.f32 v2, v6  }
0xae: {  	v10 =	vmov s7;
	v8 =	vmul.f32 v2, v8;
	v6 =	vmul.f32 v2, v11  }
0xaf: {  	[tilespmem:s31+$0x30] =	vst v9;
	v57 =	vand.u32 $0x7F, v10  }
0xb0: {  	[tilespmem:s31+$0xFFFFFFC0] =	vst v7;
	v7 =	vor.u32 $0x100, v57  }
0xb1: {  	v1 =	vmul.f32 v2, v1;
	[tilespmem:s31+$0x10] =	vst v8;
	v58 =	vbroadcast v7, $0x0  }
0xb2: {  	s0 =	sadd.s32 $0x80, s0;
	[tilespmem:s31+$0xFFFFFFE0] =	vst v6;
	v5 =	vmul.f32 v2, v5  }
0xb3: {  	v3 =	vmul.f32 v2, v3;
	v59 =	vld [tilespmem:s0+$0xFFFFFFF0];
	[tilespmem:s31+$0xFFFFFFF0] =	vst v1  }
0xb4: {  	v2 =	vmul.f32 v2, v4;
	v1 =	vld [tilespmem:s0+$0x30];
	[tilespmem:s31+$0x0] =	vst v5  }
0xb5: {  	v60 =	vld [tilespmem:s0+$0x10];
	[tilespmem:s31+$0x20] =	vst v3  }
0xb6: {  	v3 =	vld [tilespmem:s0+$0xFFFFFFC0];
	[tilespmem:s31+$0xFFFFFFD0] =	vst v2  }
0xb7: {  	v2 =	vld.idx.msk [tilespmem:v58+s21+$0x0], $0xffff;
	_ =	sdelay $0x2  }
0xb8: {  	v61 =	vld [tilespmem:s0+$0x0]  }
0xb9: {  	v5 =	vld [tilespmem:s0+$0xFFFFFFE0]  }
0xba: {  	v1 =	vmul.f32 v2, v1  }
0xbb: {  	v8 =	vld [tilespmem:s0+$0x20];
	v3 =	vmul.f32 v2, v3  }
0xbc: {  	v62 =	vld [tilespmem:s0+$0xFFFFFFD0];
	v4 =	vmul.f32 v2, v60;
	[tilespmem:s0+$0x30] =	vst v1  }
0xbd: {  	v63 =	vmul.f32 v2, v61;
	[tilespmem:s0+$0xFFFFFFC0] =	vst v3  }
0xbe: {  	v1 =	vmul.f32 v2, v5;
	[tilespmem:s0+$0x10] =	vst v4  }
0xbf: {  	v3 =	vmul.f32 v2, v59;
	[tilespmem:s0+$0x0] =	vst v63  }
0xc0: {  	[tilespmem:s0+$0xFFFFFFE0] =	vst v1;
	v1 =	vmul.f32 v2, v8  }
0xc1: {  	[tilespmem:s0+$0xFFFFFFF0] =	vst v3;
	v2 =	vmul.f32 v2, v62  }
0xc2: {  	[tilespmem:s0+$0x20] =	vst v1  }
.Ltmp5:
0xc3: {  	[tilespmem:s0+$0xFFFFFFD0] =	vst v2;
	(pc) =	sbr.rel @p0 .LBB2_10-.Ltmp5, $4  }
0xc4: {  	[spmem:s2] =	stream.indirect.scatter.add.f32 [tilespmem:s24], [sflag:$0x5], $0x80, s25, s20, $0x2000b8;
	[tilespmem:$0x1C400] =	vst v63  }
0xc5: {  	_ =	swait.ge [sflag:s18], $0x4000  }
0xc6: {  	[sflag:s18] =	ssyncset.done $0x0  }
0xc7: {  	[sflag:s18] =	ssyncadd.s32 $0xFFFFC000  }
.Ltmp6:
0xc8: {  	(pc) =	sbr.rel .LBB2_4-.Ltmp6, $4  }
0xc9: {  	s0 =	sadd.s32 s30, s10  }
0xca: {  	s0 =	sshll.u32 s0, $0x6  }
0xcb: {  	s29 =	sadd.s32 $0x1, s29;
	s0 =	sadd.s32 s0, s9  }
0xcc: {  	[tilespmem:s21], [sflag:$0x4] =	stream.linear.gather [hbm4b:s0+s3], $0x180, $0x200038;
	[tilespmem:$0x1C400] =	vst v63  }
.LBB2_11:
0xcd: {  	_ =	sfence.sel $0x180000  }
0xce: {  	[bflag:$0x0] =	sbarrier.arrive $0xFFFF  }
0xcf: {  	_ =	strace $0x90000055  }
0xd0: {  	s0 =	stileid.u32;
	[bflag:$0x2] =	sbarrier.arrive $0xFFFF  }
0xd1: {  	p0 =	sne.s32 s0, $0x0;
	s0 =	rddreg [dreg:$0x2]  }
0xd2: {  	s0 =	sadd.s32 @!p0 $0x100000, s0  }
0xd3: {  	[sflag:s0] =	ssyncadd.tile.s32 @!p0 $0x1;
	_ =	shalt  }
.Lfunc_end2:
_tile_overlayer_lowered:
.L_overlay_start_2:
0xd4: {  	(tag) =	ssettag $0x2  }
0xd5: {  	s0 =	rddreg [dreg:$0x0];
	s2 =	stileid.u32  }
0xd6: {  	s1 =	rddreg [dreg:$0x1];
	p0 =	sne.s32 s2, $0x0  }
0xd7: {  	s3 =	rddreg [dreg:$0x2];
	[bflag:$0x3] =	sbarrier.arrive $0xFFFF;
	s2 =	simm.s32 @!p0 $0x1C05  }
0xd8: {  	[timem:s3], [sflag:s2] =	dma.local @!p0 [hbm:s0], s1  }
0xd9: {  	s0 =	simm.s32 @!p0 $0x5  }
0xda: {  	_ =	swait.ge @!p0 [sflag:s0], s1  }
0xdb: {  	s1 =	ssub.s32 @!p0 $0x0, s1;
	[sflag:s0] =	ssyncset.done @!p0 $0x0  }
0xdc: {  	[sflag:s0] =	ssyncadd.s32 @!p0 s1  }
0xdd: {  	[bflag:$0x3] =	sbarrier.arrive $0xFFFF  }
0xde: {  	_ =	shalt  }

// kernel: kernel.20.cloned.1.call-start
scs
__scs_entry_jumppad:
0x0: {  	(pc) =	sbr.rel $0x88, $3  }
0x1: {  	(tag) =	ssettag $0x0;
	lr =	simm.s32 $0x1  }
0x2: {  	[smem:$0x3F91] =	sst lr;
	_ =	strace $0xD0000000  }
0x3: {  	_ = 	snop  }
0x4: {  	_ = 	snop  }
0x5: {  	_ = 	snop  }
0x6: {  	_ = 	snop  }
0x7: {  	_ = 	snop  }
__scs_overlays_trampoline_lowered:
0x8: {  	[smem:$0x3FA0] =	sst s0  }
0x9: {  	[smem:$0x3FA1] =	sst s1  }
0xa: {  	[smem:$0x3FA2] =	sst s2  }
0xb: {  	[smem:$0x3FA3] =	sst s3  }
0xc: {  	[smem:$0x3FA4] =	sst s4  }
0xd: {  	[smem:$0x3FA5] =	sst s5  }
0xe: {  	[smem:$0x3FA6] =	sst s6  }
0xf: {  	[smem:$0x3FA7] =	sst s7  }
0x10: {  	[smem:$0x3FA8] =	sst s8  }
0x11: {  	[smem:$0x3FA9] =	sst s9;
	s0 =	simm.s32 @!p0 $0x0  }
0x12: {  	s1 =	sld [smem:$0x3F8F];
	s0 =	simm.s32 @p0 $0x1  }
0x13: {  	[smem:$0x3FAA] =	sst s0;
	s0 =	simm.s32 @!p1 $0x0  }
0x14: {  	s2 =	sld [smem:$0x3F8E];
	s0 =	simm.s32 @p1 $0x1  }
0x15: {  	[smem:$0x3FAB] =	sst s0;
	s0 =	simm.s32 @!p2 $0x0  }
0x16: {  	s3 =	sld [smem:$0x3FDB];
	s0 =	simm.s32 @p2 $0x1  }
0x17: {  	s4 =	simm.s32 $0x1BF5;
	[smem:$0x3FAD] =	sst s0  }
0x18: {  	s0 =	sld [smem:$0x3F90];
	_ =	swait.ge [sflag:s4], $0x0  }
0x19: {  	s7 =	sld [smem:$0x3F91]  }
0x1a: {  	s8 =	sadd.s32 $0xFFFFE003, lr  }
0x1b: {  	s9 =	sadd.s32 $0xFFFFFEF7, lr;
	s5 =	simm.s32 $0xFFFFFFFF;
	p2 =	slt.u32 s8, $0xFFFFF086  }
0x1c: {  	p1 =	slt.u32 s9, $0xF7A;
	s5 =	simm.s32 @!p2 $0x0  }
0x1d: {  	s5 =	simm.s32 @p1 $0x1;
	p0 =	seq.s32 s7, s2  }
0x1e: {  	s7 =	smul.u32 @!p0 $0xF7A, s2;
	p2 =	seq.s32 @!p0 s5, $0x0  }
0x1f: {  	s9 =	smul.u32 $0xF7A, s1;
	s8 =	simm.s32 @!p0 $0x1BF5;
	p2 =	por !p2, p0  }
0x20: {  	[sflag:s8] =	ssyncset.s32 @!p0 $0xFFFFF086;
	s6 =	sadd.s32 @!p0 s3, s7;
	s7 =	simm.s32 @!p0 $0x108  }
0x21: {  	s3 =	sadd.s32 s3, s9;
	s6 =	sadd.s32 @!p0 $0x88, s6;
	s7 =	simm.s32 @p2 $0x1082  }
0x22: {  	[simem:s7], [sflag:s8] =	dma.local @!p0 [hbm:s6], $0xF7A  }
0x23: {  	s9 =	sor.u32 $0xD0000000, s2;
	s6 =	simm.s32 $0x108;
	_ =	swait.ge @!p0 [sflag:s8], $0x0  }
0x24: {  	s3 =	sadd.s32 $0x88, s3;
	s6 =	simm.s32 @!p1 $0x1082;
	[sflag:s4] =	ssyncset.s32 $0xFFFFF086  }
0x25: {  	[simem:s6], [sflag:s4] =	dma.local [hbm:s3], $0xF7A  }
0x26: {  	[smem:$0x3F91] =	sst s1;
	(tag) =	ssettag s2;
	_ =	strace s9  }
0x27: {  	s1 =	sld [smem:$0x3FA1]  }
0x28: {  	s2 =	sld [smem:$0x3FA2]  }
0x29: {  	s4 =	sld [smem:$0x3FA4]  }
0x2a: {  	p0 =	seq.s32 s5, $0x0;
	s5 =	sld [smem:$0x3FA5]  }
0x2b: {  	s6 =	sld [smem:$0x3FA6]  }
0x2c: {  	s7 =	sld [smem:$0x3FA7]  }
0x2d: {  	s3 =	simm.s32 $0x108;
	s8 =	sld [smem:$0x3FA8]  }
0x2e: {  	s3 =	simm.s32 @!p0 $0x1082;
	s9 =	sld [smem:$0x3FA9]  }
0x2f: {  	lr =	sadd.s32 s0, s3;
	s0 =	sld [smem:$0x3FA0]  }
0x30: {  	s3 =	sld [smem:$0x3FA3]  }
0x31: {  	[smem:$0x3FAC] =	sst s10  }
0x32: {  	s10 =	sld [smem:$0x3FAA];
	_ =	sdelay $0x3  }
0x33: {  	p0 =	seq.s32 s10, $0x1;
	s10 =	sld [smem:$0x3FAC];
	_ =	sdelay $0x3  }
0x34: {  	[smem:$0x3FAC] =	sst s10  }
0x35: {  	s10 =	sld [smem:$0x3FAB];
	_ =	sdelay $0x3  }
0x36: {  	p1 =	seq.s32 s10, $0x1;
	s10 =	sld [smem:$0x3FAC];
	_ =	sdelay $0x3  }
0x37: {  	[smem:$0x3FAC] =	sst s10  }
0x38: {  	s10 =	sld [smem:$0x3FAD]  }
0x39: {  	_ = 	snop;
	(pc) =	sbr.ind lr, $3  }
0x3a: {  	_ = 	snop  }
0x3b: {  	_ = 	snop  }
0x3c: {  	p2 =	seq.s32 s10, $0x1;
	s10 =	sld [smem:$0x3FAC]  }
0x3d: {  	_ =	shalt  }
0x3e: {  	_ =	shalt  }
0x3f: {  	_ =	shalt  }
0x40: {  	_ =	shalt  }
0x41: {  	_ =	shalt  }
0x42: {  	_ =	shalt  }
0x43: {  	_ =	shalt  }
0x44: {  	_ =	shalt  }
0x45: {  	_ =	shalt  }
0x46: {  	_ =	shalt  }
0x47: {  	_ =	shalt  }
0x48: {  	_ =	shalt  }
0x49: {  	_ =	shalt  }
0x4a: {  	_ =	shalt  }
0x4b: {  	_ =	shalt  }
0x4c: {  	_ =	shalt  }
0x4d: {  	_ =	shalt  }
0x4e: {  	_ =	shalt  }
0x4f: {  	_ =	shalt  }
0x50: {  	_ =	shalt  }
0x51: {  	_ =	shalt  }
0x52: {  	_ =	shalt  }
0x53: {  	_ =	shalt  }
0x54: {  	_ =	shalt  }
0x55: {  	_ =	shalt  }
0x56: {  	_ =	shalt  }
0x57: {  	_ =	shalt  }
0x58: {  	_ =	shalt  }
0x59: {  	_ =	shalt  }
0x5a: {  	_ =	shalt  }
0x5b: {  	_ =	shalt  }
0x5c: {  	_ =	shalt  }
0x5d: {  	_ =	shalt  }
0x5e: {  	_ =	shalt  }
0x5f: {  	_ =	shalt  }
0x60: {  	_ =	shalt  }
0x61: {  	_ =	shalt  }
0x62: {  	_ =	shalt  }
0x63: {  	_ =	shalt  }
0x64: {  	_ =	shalt  }
0x65: {  	_ =	shalt  }
0x66: {  	_ =	shalt  }
0x67: {  	_ =	shalt  }
0x68: {  	_ =	shalt  }
0x69: {  	_ =	shalt  }
0x6a: {  	_ =	shalt  }
0x6b: {  	_ =	shalt  }
0x6c: {  	_ =	shalt  }
0x6d: {  	_ =	shalt  }
0x6e: {  	_ =	shalt  }
0x6f: {  	_ =	shalt  }
0x70: {  	_ =	shalt  }
0x71: {  	_ =	shalt  }
0x72: {  	_ =	shalt  }
0x73: {  	_ =	shalt  }
0x74: {  	_ =	shalt  }
0x75: {  	_ =	shalt  }
0x76: {  	_ =	shalt  }
0x77: {  	_ =	shalt  }
0x78: {  	_ =	shalt  }
0x79: {  	_ =	shalt  }
0x7a: {  	_ =	shalt  }
0x7b: {  	_ =	shalt  }
0x7c: {  	_ =	shalt  }
0x7d: {  	_ =	shalt  }
0x7e: {  	_ =	shalt  }
0x7f: {  	_ =	shalt  }
0x80: {  	_ =	shalt  }
0x81: {  	_ =	shalt  }
0x82: {  	_ =	shalt  }
0x83: {  	_ =	shalt  }
0x84: {  	_ =	shalt  }
0x85: {  	_ =	shalt  }
0x86: {  	_ =	shalt  }
0x87: {  	_ =	shalt  }
.Lfunc_end0:
.L_simem_size_0:
called_computation.3_lowered:
.L_overlay_start_0:
0x88: {  	s2 =	sld [smem:$0x3FD9]  }
0x89: {  	s3 =	sld [smem:$0x3FFE];
	_ =	sdelay $0x1  }
0x8a: {  	s1 =	srdreg.scid  }
0x8b: {  	s0 =	sand.u32 $0x1, s1  }
0x8c: {  	s16 =	sshll.u32 s0, $0xA;
	s2 =	sadd.s32 s3, s2  }
0x8d: {  	s2 =	sadd.s32 s2, s16  }
0x8e: {  	[smem:$0x3FB8] =	sst s2  }
0x8f: {  	_ = 	snop  }
0x90: {  	(tm) =	ssettm $0x1  }
0x91: {  	s17 =	sld [smem:$0x3FFB];
	_ =	sdelay $0x3  }
0x92: {  	_ =	strace s17  }
0x93: {  	s2 =	sld [smem:$0x3FFC];
	_ =	sdelay $0x3  }
0x94: {  	_ =	strace s2  }
0x95: {  	s2 =	sld [smem:$0x3FFD];
	_ =	sdelay $0x3  }
0x96: {  	_ =	strace s2  }
0x97: {  	_ =	strace $0x8FFFFFFF  }
0x98: {  	s18 =	sld [smem:$0x3FDB];
	_ =	sdelay $0x1  }
0x99: {  	s19 =	simm.s32 $_scs_section_size  }
0x9a: {  	s4 =	simm.s32 $_size__tile_overlayer_lowered;
	s5 =	simm.s32 $_tile_overlayer_lowered  }
0x9b: {  	s22 =	simm.s32 $0x1BFF;
	s21 =	sshll.u32 s5, $0x1;
	s2 =	sadd.s32 s19, s18  }
0x9c: {  	s6 =	simm.s32 $0x0;
	s20 =	sshll.u32 s4, $0x1;
	s4 =	sadd.s32 s21, s2  }
0x9d: {  	[timem:s6], [sflag:s22] =	dma.local [hbm:s4], s20  }
0x9e: {  	_ =	swait.ge [sflag:s22], s20  }
0x9f: {  	s3 =	ssub.s32 $0x0, s20;
	[sflag:s22] =	ssyncset.done $0x0  }
0xa0: {  	[sflag:s22] =	ssyncadd.s32 s3;
	_ =	sdelay $0x1  }
0xa1: {  	s23 =	simm.s32 $0x1B8B  }
0xa2: {  	_ =	swait.ge [sflag:s23], $0x1  }
0xa3: {  	[sflag:s23] =	ssyncset.done $0x0  }
0xa4: {  	s25 =	simm.s32 $0x1B8E;
	s24 =	sld [smem:$0x3FFE];
	[sflag:s23] =	ssyncadd.s32 $0xFFFFFFFF  }
0xa5: {  	s26 =	simm.s32 $execute0_lowered;
	[smem:$0x3FD2] =	sst s25  }
0xa6: {  	s4 =	sshll.u32 s26, $0x1;
	_ =	strace $0x8000005B;
	[dreg:$0x1] =	wrdreg $0xFFFFFFFF  }
0xa7: {  	s28 =	simm.s32 $_size_execute0_lowered;
	s2 =	sadd.s32 s2, s4;
	[dreg:$0x0] =	wrdreg $0x0  }
0xa8: {  	s4 =	sshll.u32 s28, $0x1;
	[dreg:$0x2] =	wrdreg s2  }
0xa9: {  	[dreg:$0x3] =	wrdreg s4  }
0xaa: {  	[dreg:$0x4] =	wrdreg $0xC0  }
0xab: {  	_ =	task [dreg:s6], $0x5FFFF  }
0xac: {  	[dreg:$0x1] =	wrdreg $0xFFFFFFFF  }
0xad: {  	[dreg:$0x0] =	wrdreg $0x60  }
0xae: {  	[dreg:$0x2] =	wrdreg s24  }
0xaf: {  	[dreg:$0x3] =	wrdreg $0x9  }
0xb0: {  	_ =	task.clear_ibuf [dreg:s6], $0x4FFFF;
	_ =	strace $0x9000005B  }
0xb1: {  	s29 =	simm.s32 $0x9;
	_ =	strace $0x8000005D  }
0xb2: {  	_ =	swait.ge [sflag:s29], $0x1  }
0xb3: {  	[sflag:s29] =	ssyncadd.s32 $0xFFFFFFFF  }
0xb4: {  	_ =	strace $0x9000005D  }
0xb5: {  	_ =	sfence  }
0xb6: {  	s30 =	sld [smem:$0x0];
	_ =	sdelay $0x2  }
0xb7: {  	s31 =	sshll.u32 s1, $0xD;
	s1 =	sshrl.u32 s1, $0x2  }
0xb8: {  	s3 =	sand.u32 $0x4000, s31;
	s1 =	sadd.s32 s1, s30  }
0xb9: {  	s0 =	sor.u32 s3, s0;
	s1 =	sshll.u32 s1, $0x11  }
0xba: {  	s0 =	sor.u32 s1, s0  }
0xbb: {  	s0 =	sadd.s32 $0x8F2B, s0  }
0xbc: {  	[sflag:s0] =	ssyncadd.remote.s32 $0x1  }
0xbd: {  	_ =	sfence.sel $0xFFFF  }
0xbe: {  	[dreg:$0x0] =	wrdreg $0xFFFFFFFF;
	(pc) =	sbr.abs _section_cstart, $3  }
0xbf: {  	[dreg:$0x1] =	wrdreg $0xFFFFFFFF  }
0xc0: {  	_ =	task.clear_ibuf [dreg:s6], $0x2FFFF;
	_ =	strace $0x9FFFFFFF  }
0xc1: {  	(tm) =	ssettm $0x7FFFFFFF  }
tec
execute0_lowered:
.L_overlay_start_1:
0x0: {  	(tag) =	ssettag $0x1  }
0x1: {  	s4 =	rddreg [dreg:$0x0]  }
0x2: {  	s0 =	rddreg [dreg:$0x1];
	s3 =	srdreg.scid  }
0x3: {  	s2 =	simm.s32 $0x0;
	s1 =	stileid.u32;
	s5 =	sand.u32 $0x1, s3  }
0x4: {  	[smem:$0x7FF] =	sst s2;
	s6 =	sshll.u32 s1, $0xD;
	s3 =	sadd.s32 $0x3E00, s4  }
0x5: {  	s30 =	sshll.u32 s1, $0x11;
	s7 =	sshll.u32 s5, $0xC;
	_ =	strace $0x8000005C  }
0x6: {  	s8 =	ssub.s32 $0x2, s5;
	s5 =	sshll.u32 s5, $0x10;
	s6 =	sor.u32 s7, s6  }
0x7: {  	s7 =	sadd.s32 s30, s4;
	s9 =	sshrl.u32 s8, $0x1;
	s6 =	sshrl.u32 s6, $0x3  }
0x8: {  	s31 =	ssub.s32 s8, s9;
	s5 =	sadd.s32 s5, s7;
	s7 =	simm.s32 $0x1  }
0x9: {  	s8 =	simm.s32 $0x80;
	s9 =	simm.s32 $0x0;
	s6 =	sadd.s32 s6, s4  }
0xa: {  	s4 =	smax.u32 s31, $0x1;
	s5 =	sadd.s32 $0xA7E00, s5;
	s6 =	sadd.s32 $0xA3E00, s6  }
.LBB2_1:
0xb: {  	s10 =	sadd.s32 $0x0, s6  }
0xc: {  	[tilespmem:s2], [sflag:$0x1] =	stream.linear.gather [hbm4b:s10+s2], $0x80, $0x38;
	[tilespmem:$0x4080] =	vst v63  }
0xd: {  	_ =	swait.ge [sflag:s7], $0x80  }
0xe: {  	[sflag:s7] =	ssyncset.done $0x0  }
0xf: {  	[sflag:s7] =	ssyncadd.s32 $0xFFFFFF80  }
0x10: {  	[tilespmem:s8], [sflag:$0x1] =	stream.indirect.gather [hbm4b:s3+s8], $0x80, s2, s8, $0xb8;
	[tilespmem:$0x4080] =	vst v63  }
0x11: {  	_ =	swait.ge [sflag:s7], $0x4000  }
0x12: {  	[sflag:s7] =	ssyncset.done $0x0  }
0x13: {  	[sflag:s7] =	ssyncadd.s32 $0xFFFFC000  }
0x14: {  	[hbm4b:s5+s2] =	stream.linear.scatter [tilespmem:s8], [sflag:$0x1], $0x4000, $0x38;
	[tilespmem:$0x4080] =	vst v63  }
0x15: {  	s11 =	simm.s32 $0x10;
	_ =	swait.ge [sflag:s7], $0x4000  }
0x16: {  	s12 =	simm.s32 $0x20;
	s10 =	sadd.s32 $0x800, s5;
	[sflag:s7] =	ssyncset.done $0x0  }
.LBB2_2:
0x17: {  	s13 =	sadd.s32 s11, s6  }
0x18: {  	[sflag:s7] =	ssyncadd.s32 $0xFFFFC000;
	s11 =	smov.u32 s12;
	s14 =	sadd.s32 $0x10, s12  }
0x19: {  	[tilespmem:s2], [sflag:$0x1] =	stream.linear.gather [hbm4b:s13+s2], $0x80, $0x38;
	[tilespmem:$0x4080] =	vst v63  }
0x1a: {  	p0 =	sne.s32 s12, $0x1F0;
	_ =	swait.ge [sflag:s7], $0x80  }
0x1b: {  	[sflag:s7] =	ssyncset.done $0x0  }
0x1c: {  	[sflag:s7] =	ssyncadd.s32 $0xFFFFFF80  }
0x1d: {  	[tilespmem:s8], [sflag:$0x1] =	stream.indirect.gather [hbm4b:s3+s8], $0x80, s2, s8, $0xb8;
	[tilespmem:$0x4080] =	vst v63  }
0x1e: {  	_ =	swait.ge [sflag:s7], $0x4000  }
.Ltmp0:
0x1f: {  	[sflag:s7] =	ssyncset.done $0x0;
	(pc) =	sbr.rel @p0 .LBB2_2-.Ltmp0, $4  }
0x20: {  	[sflag:s7] =	ssyncadd.s32 $0xFFFFC000  }
0x21: {  	[hbm4b:s10+s2] =	stream.linear.scatter [tilespmem:s8], [sflag:$0x1], $0x4000, $0x38;
	[tilespmem:$0x4080] =	vst v63  }
0x22: {  	_ =	swait.ge [sflag:s7], $0x4000  }
0x23: {  	s12 =	smov.u32 s14;
	s10 =	sadd.s32 $0x800, s10;
	[sflag:s7] =	ssyncset.done $0x0  }
0x24: {  	s11 =	sadd.s32 s11, s6;
	[sflag:s7] =	ssyncadd.s32 $0xFFFFC000  }
0x25: {  	[tilespmem:s2], [sflag:$0x1] =	stream.linear.gather [hbm4b:s11+s2], $0x80, $0x38;
	[tilespmem:$0x4080] =	vst v63  }
0x26: {  	_ =	swait.ge [sflag:s7], $0x80  }
0x27: {  	[sflag:s7] =	ssyncset.done $0x0  }
0x28: {  	[sflag:s7] =	ssyncadd.s32 $0xFFFFFF80  }
0x29: {  	[tilespmem:s8], [sflag:$0x1] =	stream.indirect.gather [hbm4b:s3+s8], $0x80, s2, s8, $0xb8;
	[tilespmem:$0x4080] =	vst v63  }
0x2a: {  	s9 =	sadd.s32 $0x1, s9;
	_ =	swait.ge [sflag:s7], $0x4000  }
0x2b: {  	p0 =	sne.s32 s9, s4;
	[sflag:s7] =	ssyncset.done $0x0  }
.Ltmp1:
0x2c: {  	[sflag:s7] =	ssyncadd.s32 $0xFFFFC000;
	(pc) =	sbr.rel @p0 .LBB2_1-.Ltmp1, $4  }
0x2d: {  	[hbm4b:s10+s2] =	stream.linear.scatter [tilespmem:s8], [sflag:$0x1], $0x4000, $0x38;
	[tilespmem:$0x4080] =	vst v63  }
0x2e: {  	_ =	swait.ge [sflag:s7], $0x4000  }
0x2f: {  	[sflag:s7] =	ssyncset.done $0x0  }
0x30: {  	[sflag:s7] =	ssyncadd.s32 $0xFFFFC000  }
0x31: {  	_ =	sfence.sel $0x180000  }
0x32: {  	[bflag:$0x0] =	sbarrier.arrive $0xFFFF  }
0x33: {  	p0 =	sne.s32 s1, $0x0;
	_ =	strace $0x9000005C  }
0x34: {  	s0 =	sadd.s32 @!p0 $0x100000, s0;
	[bflag:$0x2] =	sbarrier.arrive $0xFFFF  }
0x35: {  	[sflag:s0] =	ssyncadd.tile.s32 @!p0 $0x1;
	_ =	shalt  }
.Lfunc_end2:
_tile_overlayer_lowered:
.L_overlay_start_2:
0x36: {  	(tag) =	ssettag $0x2  }
0x37: {  	s0 =	rddreg [dreg:$0x0];
	s2 =	stileid.u32  }
0x38: {  	s1 =	rddreg [dreg:$0x1];
	p0 =	sne.s32 s2, $0x0  }
0x39: {  	s3 =	rddreg [dreg:$0x2];
	[bflag:$0x3] =	sbarrier.arrive $0xFFFF;
	s2 =	simm.s32 @!p0 $0x1C01  }
0x3a: {  	[timem:s3], [sflag:s2] =	dma.local @!p0 [hbm:s0], s1  }
0x3b: {  	s0 =	simm.s32 @!p0 $0x1  }
0x3c: {  	_ =	swait.ge @!p0 [sflag:s0], s1  }
0x3d: {  	s1 =	ssub.s32 @!p0 $0x0, s1;
	[sflag:s0] =	ssyncset.done @!p0 $0x0  }
0x3e: {  	[sflag:s0] =	ssyncadd.s32 @!p0 s1  }
0x3f: {  	[bflag:$0x3] =	sbarrier.arrive $0xFFFF  }
0x40: {  	_ =	shalt  }

</sc_bundles>
